<compile_context>
chip_gen: v7x
topology: tpu7x:2x2x1
jax: 0.10.2.dev20260603
libtpu: 0.0.44.dev20260713+nightly
codegen_flags: <defaults>
</compile_context>

<pallas_src>
import dataclasses
import functools

import jax
import jax.numpy as jnp
from jax import lax
from jax.experimental import pallas as pl
from jax.experimental.pallas import tpu as pltpu
from jax.experimental.pallas import tpu_sc as plsc

_N = 10000
_E = 320000
_C = 128
_H = 8
_CH = 16
_ED = 16

_NC = 2
_NS = 16
_EPS = _E // _NS
_CHUNK = 80
_NCHUNK = _EPS // _CHUNK
_HALF = 5120
_CPR = 5128
_DUMP = _HALF
_RPZ = _HALF // _NS


def _node_transform(x, Wl, bl, Wr, br):

    def body(x_ref, wl_ref, bl_ref, wr_ref, br_ref, xl_ref, xr_ref):
        xv = x_ref[...]
        xl_ref[...] = (
            jnp.dot(xv, wl_ref[...], preferred_element_type=jnp.float32)
            + bl_ref[...]
        )
        xr_ref[...] = (
            jnp.dot(xv, wr_ref[...], preferred_element_type=jnp.float32)
            + br_ref[...]
        )

    return pl.pallas_call(
        body,
        out_shape=(
            jax.ShapeDtypeStruct((_N, _C), jnp.float32),
            jax.ShapeDtypeStruct((_N, _C), jnp.float32),
        ),
    )(x, Wl, bl.reshape(1, _C), Wr, br.reshape(1, _C))


def _edge_transform(ea, We):
    blk = 8000

    def body(ea_ref, we_ref, xe_ref):
        xe_ref[...] = jnp.dot(
            ea_ref[...], we_ref[...], preferred_element_type=jnp.float32
        )

    return pl.pallas_call(
        body,
        grid=(_E // blk,),
        in_specs=[
            pl.BlockSpec((blk, _ED), lambda i: (i, 0)),
            pl.BlockSpec((_ED, _C), lambda i: (0, 0)),
        ],
        out_specs=pl.BlockSpec((blk, _C), lambda i: (i, 0)),
        out_shape=jax.ShapeDtypeStruct((_E, _C), jnp.float32),
    )(ea, We)


def _build_sc_edge_pass():
    mesh = plsc.VectorSubcoreMesh(core_axis_name="c", subcore_axis_name="s")
    cp = pltpu.CompilerParams()
    if "needs_layout_passes" in pltpu.CompilerParams.__dataclass_fields__:
        cp = dataclasses.replace(cp, needs_layout_passes=False)

    ivec = functools.partial(pltpu.VMEM, (_CHUNK,))
    rows = functools.partial(pltpu.VMEM, (_CHUNK, _C))
    exrow = functools.partial(pltpu.VMEM, (_CHUNK * _CH,))

    @functools.partial(
        pl.kernel,
        out_type=(
            jax.ShapeDtypeStruct((_NC * _CPR, _C), jnp.float32),
            jax.ShapeDtypeStruct((_NC * _CPR, _C), jnp.float32),
            jax.ShapeDtypeStruct((_E * _CH,), jnp.float32),
        ),
        mesh=mesh,
        compiler_params=cp,
        scratch_types=[
            ivec(jnp.int32), ivec(jnp.int32),
            ivec(jnp.int32), ivec(jnp.int32),
            ivec(jnp.int32), ivec(jnp.int32),
            rows(jnp.float32), rows(jnp.float32),
            rows(jnp.float32), rows(jnp.float32),
            rows(jnp.float32), rows(jnp.float32),
            exrow(jnp.float32), exrow(jnp.float32),
            pltpu.VMEM((_H, _CH), jnp.float32),
            pltpu.VMEM((32, _C), jnp.float32),
            pltpu.VMEM_SHARED((_CPR, _C), jnp.float32),
        ] + [pltpu.SemaphoreType.DMA] * 10,
    )
    def k(xl_hbm, xr_hbm, xe_hbm, src_hbm, dst_hbm, att_hbm,
          num_hbm, den_hbm, ex_hbm,
          sidx0, sidx1, didx0, didx1, lidx0, lidx1,
          xlv0, xlv1, xrv0, xrv1, ctr0, ctr1, exv0, exv1,
          attv, zv, acc,
          si0, si1, sg0, sg1, ss0, ss1, sx0, sx1, se0, se1):
        SIDX = (sidx0, sidx1)
        DIDX = (didx0, didx1)
        LIDX = (lidx0, lidx1)
        XLV = (xlv0, xlv1)
        XRV = (xrv0, xrv1)
        CTR = (ctr0, ctr1)
        EXV = (exv0, exv1)
        SI = (si0, si1)
        SG = (sg0, sg1)
        SS = (ss0, ss1)
        SX = (sx0, sx1)
        SE = (se0, se1)

        cid = lax.axis_index("c")
        sid = lax.axis_index("s")
        row0 = sid * _RPZ
        base_node = cid * _HALF

        @pl.loop(0, 32)
        def _(r):
            for j in range(_C // _CH):
                zv[r, pl.ds(j * _CH, _CH)] = jnp.zeros((_CH,), jnp.float32)

        def zero_acc():
            @pl.loop(0, _RPZ // 32)
            def _(t):
                pltpu.sync_copy(zv, acc.at[pl.ds(row0 + t * 32, 32)])

        def ebase(i):
            return sid * _EPS + i * _CHUNK

        def make_lidx(p):
            for j in range(_CHUNK // _CH):
                sl = pl.ds(j * _CH, _CH)
                lv = DIDX[p][sl] - base_node
                ok = (lv >= 0) & (lv < _HALF)
                LIDX[p][sl] = jnp.where(ok, lv, _DUMP)

        def start_idx(i, p, with_src):
            if with_src:
                pltpu.async_copy(src_hbm.at[pl.ds(ebase(i), _CHUNK)],
                                 SIDX[p], SI[p])
            pltpu.async_copy(dst_hbm.at[pl.ds(ebase(i), _CHUNK)],
                             DIDX[p], SI[p])

        def wait_idx(i, p, with_src):
            if with_src:
                pltpu.make_async_copy(src_hbm.at[pl.ds(ebase(i), _CHUNK)],
                                      SIDX[p], SI[p]).wait()
            pltpu.make_async_copy(dst_hbm.at[pl.ds(ebase(i), _CHUNK)],
                                  DIDX[p], SI[p]).wait()

        pltpu.sync_copy(att_hbm, attv)
        zero_acc()
        plsc.subcore_barrier()
        atts = [attv[h, :] for h in range(_H)]
        lanes = lax.iota(jnp.int32, _CH)

        def p1_fire_g(i, p):
            hxl = pltpu.async_copy(xl_hbm.at[SIDX[p]], XLV[p], SG[p])
            hxr = pltpu.async_copy(xr_hbm.at[DIDX[p]], XRV[p], SG[p])
            return hxl, hxr

        def p1_fire_xe(i, p):
            pltpu.async_copy(xe_hbm.at[pl.ds(ebase(i), _CHUNK)], CTR[p], SX[p])

        def p1_wait_xe(i, p):
            pltpu.make_async_copy(xe_hbm.at[pl.ds(ebase(i), _CHUNK)],
                                  CTR[p], SX[p]).wait()

        def p1_fire_ex(i, p):
            pltpu.async_copy(EXV[p],
                             ex_hbm.at[pl.ds(ebase(i) * _CH, _CHUNK * _CH)],
                             SE[p])

        def p1_wait_ex(i, p):
            pltpu.make_async_copy(EXV[p],
                                  ex_hbm.at[pl.ds(ebase(i) * _CH,
                                                  _CHUNK * _CH)],
                                  SE[p]).wait()

        def p1_compute(p):
            @pl.loop(0, _CHUNK)
            def _(e):
                den = jnp.zeros((_CH,), jnp.float32)
                for h in range(_H):
                    sl = pl.ds(h * _CH, _CH)
                    ml = XLV[p][e, sl]
                    z = ml + XRV[p][e, sl] + CTR[p][e, sl]
                    m = jnp.where(z >= 0.0, z, z * 0.2)
                    a = jnp.sum(m * atts[h])
                    ex = jnp.exp(jnp.full((_CH,), a, jnp.float32))
                    CTR[p][e, sl] = ex * ml
                    den = jnp.where(lanes == h, ex, den)
                EXV[p][pl.ds(e * _CH, _CH)] = den

        start_idx(0, 0, True)
        wait_idx(0, 0, True)
        hg = p1_fire_g(0, 0)
        p1_fire_xe(0, 0)
        start_idx(1, 1, True)
        hg[0].wait()
        hg[1].wait()

        @pl.loop(0, _NCHUNK // 2)
        def _(j):
            for p in (0, 1):
                i = 2 * j + p
                q = 1 - p

                @pl.when(i >= 1)
                def _():
                    p1_wait_ex(i - 1, q)

                @pl.when(i + 1 < _NCHUNK)
                def _():
                    wait_idx(i + 1, q, True)

                hg = [None]

                @pl.when(i + 1 < _NCHUNK)
                def _():
                    hg[0] = p1_fire_g(i + 1, q)
                    p1_fire_xe(i + 1, q)

                p1_wait_xe(i, p)
                p1_compute(p)
                make_lidx(p)
                hs = pltpu.async_copy(CTR[p], acc.at[LIDX[p]], SS[p],
                                      add=True)
                p1_fire_ex(i, p)

                @pl.when(i + 2 < _NCHUNK)
                def _():
                    start_idx(i + 2, p, True)

                @pl.when(i + 1 < _NCHUNK)
                def _():
                    hg[0][0].wait()
                    hg[0][1].wait()

                hs.wait()

        p1_wait_ex(_NCHUNK - 1, 1)

        plsc.subcore_barrier()
        pltpu.sync_copy(
            acc.at[pl.ds(row0, _RPZ)],
            num_hbm.at[pl.ds(cid * _CPR + row0, _RPZ)],
        )
        zero_acc()
        plsc.subcore_barrier()

        @pl.loop(0, _CHUNK)
        def _(e):
            for p in (0, 1):
                for j in range(1, _C // _CH):
                    CTR[p][e, pl.ds(j * _CH, _CH)] = (
                        jnp.zeros((_CH,), jnp.float32))

        def p2_start_in(i, p):
            start_idx(i, p, False)
            pltpu.async_copy(ex_hbm.at[pl.ds(ebase(i) * _CH, _CHUNK * _CH)],
                             EXV[p], SX[p])

        def p2_wait_in(i, p):
            wait_idx(i, p, False)
            pltpu.make_async_copy(ex_hbm.at[pl.ds(ebase(i) * _CH,
                                                  _CHUNK * _CH)],
                                  EXV[p], SX[p]).wait()

        def p2_prep(i, p):
            p2_wait_in(i, p)
            make_lidx(p)

            @pl.loop(0, _CHUNK)
            def _(e):
                CTR[p][e, pl.ds(0, _CH)] = EXV[p][pl.ds(e * _CH, _CH)]

            return pltpu.async_copy(CTR[p], acc.at[LIDX[p]], SS[p], add=True)

        p2_start_in(0, 0)
        p2_start_in(1, 1)

        @pl.loop(0, _NCHUNK // 2)
        def _(j):
            h0 = p2_prep(2 * j, 0)
            h1 = p2_prep(2 * j + 1, 1)

            @pl.when(2 * j + 2 < _NCHUNK)
            def _():
                p2_start_in(2 * j + 2, 0)

            @pl.when(2 * j + 3 < _NCHUNK)
            def _():
                p2_start_in(2 * j + 3, 1)

            h0.wait()
            h1.wait()

        plsc.subcore_barrier()
        pltpu.sync_copy(
            acc.at[pl.ds(row0, _RPZ)],
            den_hbm.at[pl.ds(cid * _CPR + row0, _RPZ)],
        )

    return k


_sc_edge_pass = _build_sc_edge_pass()


def _combine(accn, accd, bo, g, be, residual):

    def body(*refs):
        if residual is None:
            num_ref, den_ref, bo_ref, g_ref, be_ref, out_ref = refs
        else:
            num_ref, den_ref, bo_ref, g_ref, be_ref, res_ref, out_ref = refs
        num = jnp.concatenate(
            [num_ref[pl.ds(0, _HALF), :],
             num_ref[pl.ds(_CPR, _N - _HALF), :]], axis=0)
        den16 = jnp.concatenate(
            [den_ref[pl.ds(0, _HALF), pl.ds(0, _CH)],
             den_ref[pl.ds(_CPR, _N - _HALF), pl.ds(0, _CH)]], axis=0)
        row = lax.broadcasted_iota(jnp.int32, (_CH, _C), 0)
        col = lax.broadcasted_iota(jnp.int32, (_CH, _C), 1)
        sel = (row == col // _CH).astype(jnp.float32)
        den = jnp.dot(den16, sel, preferred_element_type=jnp.float32)
        outv = num / (den + 1e-16) + bo_ref[...]
        mu = jnp.mean(outv, axis=0, keepdims=True)
        var = jnp.mean((outv - mu) * (outv - mu), axis=0, keepdims=True)
        y = (outv - mu) / jnp.sqrt(var + 1e-5) * g_ref[...] + be_ref[...]
        if residual is not None:
            y = y + res_ref[...]
        out_ref[...] = jnp.maximum(y, 0.0)

    args = [accn, accd, bo.reshape(1, _C), g.reshape(1, _C), be.reshape(1, _C)]
    if residual is not None:
        args.append(residual)
    return pl.pallas_call(
        body,
        out_shape=jax.ShapeDtypeStruct((_N, _C), jnp.float32),
    )(*args)


def _layer(x, xe, src, dst, Wl, bl, Wr, br, att, bo, g, be, residual):
    xl, xr = _node_transform(x, Wl, bl, Wr, br)
    accn, accd, _ = _sc_edge_pass(xl, xr, xe, src, dst, att)
    return _combine(accn, accd, bo, g, be, residual)


def kernel(x, edge_index, edge_attr,
           Wl1, bl1, Wr1, br1, We1, att1, bo1, g1, be1,
           Wl2, bl2, Wr2, br2, We2, att2, bo2, g2, be2):
    src = edge_index[0].astype(jnp.int32)
    dst = edge_index[1].astype(jnp.int32)
    xe1 = _edge_transform(edge_attr, We1)
    xe2 = _edge_transform(edge_attr, We2)
    h = _layer(x, xe1, src, dst, Wl1, bl1, Wr1, br1, att1, bo1, g1, be1, None)
    out = _layer(h, xe2, src, dst, Wl2, bl2, Wr2, br2, att2, bo2, g2, be2, x)
    return out

# --- scband reference (transcript-rebuilt; emitter-appended) ---
"""Pipeline reference for scband-res-gatv2-block-6571299963426 (READ-ONLY COPY).

The authoritative reference and input builder live on the scoring server;
editing this copy changes nothing except your own understanding.
"""

import jax, jax.numpy as jnp
import numpy as np

N = 10000
E = 320000
C = 128
H = 8
CH = C // H
ED = 16


def setup_inputs(seed: int = 0) -> dict:
    key = jax.random.key(seed)
    ks = jax.random.split(key, 24)

    def lin(k, i, o):
        return (jax.random.normal(k, (i, o), dtype=jnp.float32) / np.sqrt(i)).astype(jnp.float32)

    inp = {
        "x": jax.random.normal(ks[0], (N, C), dtype=jnp.float32),
        "edge_index": jax.random.randint(ks[1], (2, E), 0, N),
        "edge_attr": jax.random.normal(ks[2], (E, ED), dtype=jnp.float32),
        # conv1 params
        "Wl1": lin(ks[3], C, C), "bl1": jnp.zeros((C,), jnp.float32),
        "Wr1": lin(ks[4], C, C), "br1": jnp.zeros((C,), jnp.float32),
        "We1": lin(ks[5], ED, C),
        "att1": jax.random.normal(ks[6], (H, CH), dtype=jnp.float32) * 0.1,
        "bo1": jnp.zeros((C,), jnp.float32),
        # bn1
        "g1": jnp.ones((C,), jnp.float32), "be1": jnp.zeros((C,), jnp.float32),
        # conv2 params
        "Wl2": lin(ks[7], C, C), "bl2": jnp.zeros((C,), jnp.float32),
        "Wr2": lin(ks[8], C, C), "br2": jnp.zeros((C,), jnp.float32),
        "We2": lin(ks[9], ED, C),
        "att2": jax.random.normal(ks[10], (H, CH), dtype=jnp.float32) * 0.1,
        "bo2": jnp.zeros((C,), jnp.float32),
        # bn2
        "g2": jnp.ones((C,), jnp.float32), "be2": jnp.zeros((C,), jnp.float32),
    }
    return inp


def _gatv2(x, src, dst, ea, Wl, bl, Wr, br, We, att, bo):
    xl = x @ Wl + bl          # source transform [N, C]
    xr = x @ Wr + br          # target transform [N, C]
    xe = ea @ We              # edge transform   [E, C]
    ml = xl[src].reshape(E, H, CH)
    mr = xr[dst].reshape(E, H, CH)
    me = xe.reshape(E, H, CH)
    m = jax.nn.leaky_relu(ml + mr + me, negative_slope=0.2)
    alpha = jnp.sum(m * att[None, :, :], axis=-1)  # [E, H]
    amax = jax.ops.segment_max(alpha, dst, num_segments=N)
    amax = jnp.where(jnp.isfinite(amax), amax, 0.0)
    ex = jnp.exp(alpha - amax[dst])
    den = jax.ops.segment_sum(ex, dst, num_segments=N)
    a = ex / (den[dst] + 1e-16)
    out = jax.ops.segment_sum(ml * a[..., None], dst, num_segments=N)
    return out.reshape(N, C) + bo


def _bn(x, g, b):
    mu = jnp.mean(x, axis=0)
    var = jnp.var(x, axis=0)
    return (x - mu) / jnp.sqrt(var + 1e-5) * g + b


def reference(x, edge_index, edge_attr,
              Wl1, bl1, Wr1, br1, We1, att1, bo1, g1, be1,
              Wl2, bl2, Wr2, br2, We2, att2, bo2, g2, be2):
    src = edge_index[0]
    dst = edge_index[1]
    residual = x
    h = _gatv2(x, src, dst, edge_attr, Wl1, bl1, Wr1, br1, We1, att1, bo1)
    h = jax.nn.relu(_bn(h, g1, be1))
    h = _gatv2(h, src, dst, edge_attr, Wl2, bl2, Wr2, br2, We2, att2, bo2)
    h = _bn(h, g2, be2)
    return jax.nn.relu(h + residual)

if __name__ == "__main__":
    import jax
    _d = setup_inputs()
    print(jax.jit(kernel)(*tuple(_d.values())))

</pallas_src>

<mosaic_0001>
#map = affine_map<(d0, d1) -> (0, 0)>
#map1 = affine_map<(d0, d1) -> (0)>
module attributes {stable_mosaic.version = 14 : i64} {
  func.func @k(%arg0: i32, %arg1: i32, %arg2: memref<10000x128xf32, #tpu.memory_space<hbm>>, %arg3: memref<10000x128xf32, #tpu.memory_space<hbm>>, %arg4: memref<320000x128xf32, #tpu.memory_space<hbm>>, %arg5: memref<320000xi32, #tpu.memory_space<hbm>>, %arg6: memref<320000xi32, #tpu.memory_space<hbm>>, %arg7: memref<8x16xf32, #tpu.memory_space<hbm>>, %arg8: memref<10256x128xf32, #tpu.memory_space<hbm>>, %arg9: memref<10256x128xf32, #tpu.memory_space<hbm>>, %arg10: memref<5120000xf32, #tpu.memory_space<hbm>>, %arg11: memref<80xi32, #tpu.memory_space<vmem>>, %arg12: memref<80xi32, #tpu.memory_space<vmem>>, %arg13: memref<80xi32, #tpu.memory_space<vmem>>, %arg14: memref<80xi32, #tpu.memory_space<vmem>>, %arg15: memref<80xi32, #tpu.memory_space<vmem>>, %arg16: memref<80xi32, #tpu.memory_space<vmem>>, %arg17: memref<80x128xf32, #tpu.memory_space<vmem>>, %arg18: memref<80x128xf32, #tpu.memory_space<vmem>>, %arg19: memref<80x128xf32, #tpu.memory_space<vmem>>, %arg20: memref<80x128xf32, #tpu.memory_space<vmem>>, %arg21: memref<80x128xf32, #tpu.memory_space<vmem>>, %arg22: memref<80x128xf32, #tpu.memory_space<vmem>>, %arg23: memref<1280xf32, #tpu.memory_space<vmem>>, %arg24: memref<1280xf32, #tpu.memory_space<vmem>>, %arg25: memref<8x16xf32, #tpu.memory_space<vmem>>, %arg26: memref<32x128xf32, #tpu.memory_space<vmem>>, %arg27: memref<5128x128xf32, #tpu.memory_space<vmem_shared>>, %arg28: memref<!tpu.dma_semaphore, #tpu.memory_space<semaphore_mem>>, %arg29: memref<!tpu.dma_semaphore, #tpu.memory_space<semaphore_mem>>, %arg30: memref<!tpu.dma_semaphore, #tpu.memory_space<semaphore_mem>>, %arg31: memref<!tpu.dma_semaphore, #tpu.memory_space<semaphore_mem>>, %arg32: memref<!tpu.dma_semaphore, #tpu.memory_space<semaphore_mem>>, %arg33: memref<!tpu.dma_semaphore, #tpu.memory_space<semaphore_mem>>, %arg34: memref<!tpu.dma_semaphore, #tpu.memory_space<semaphore_mem>>, %arg35: memref<!tpu.dma_semaphore, #tpu.memory_space<semaphore_mem>>, %arg36: memref<!tpu.dma_semaphore, #tpu.memory_space<semaphore_mem>>, %arg37: memref<!tpu.dma_semaphore, #tpu.memory_space<semaphore_mem>>) attributes {dimension_semantics = [#tpu.dimension_semantics<core_parallel>, #tpu.dimension_semantics<subcore_parallel>], iteration_bounds = array<i64: 2, 16>, scalar_prefetch = 0 : i64, scratch_operands = 27 : i64, tpu.core_type = #tpu.core_type<sc_vector_subcore>, window_params = [{transform_indices = #map}, {transform_indices = #map}, {transform_indices = #map}, {transform_indices = #map1}, {transform_indices = #map1}, {transform_indices = #map}, {transform_indices = #map}, {transform_indices = #map}, {transform_indices = #map1}]} {
    %mul3A = arith.constant 320 : i32
    %mul3A_0 = arith.muli %arg1, %mul3A : i32
    %mul3A_1 = arith.constant 5120 : i32
    %mul3A_2 = arith.muli %arg0, %mul3A_1 : i32
    %scan3A = arith.constant 0 : i32
    %scan3A_3 = arith.constant 32 : i32
    %scan3A_4 = arith.addi %scan3A, %scan3A_3 : i32
    %scan3A_5 = arith.constant 1 : i32
    scf.for %scan3A_161 = %scan3A to %scan3A_4 step %scan3A_5  : i32 {
      %mul3A_162 = arith.constant 1 : i32
      %mul3A_163 = arith.muli %scan3A_161, %mul3A_162 : i32
      %add3A_164 = arith.constant 0 : i32
      %add3A_165 = arith.addi %add3A_164, %mul3A_163 : i32
      %broadcast_in_dim3A = arith.constant 0.000000e+00 : f32
      %broadcast_in_dim3A_166 = vector.broadcast %broadcast_in_dim3A : f32 to vector<16xf32>
      %swap3A = arith.index_cast %add3A_165 : i32 to index
      %swap3A_167 = arith.constant 0 : index
      %swap3A_168 = tpu.vector_load %arg26[%swap3A, %swap3A_167] {strides = array<i32>} : memref<32x128xf32, #tpu.memory_space<vmem>>, vector<16xf32>,
      tpu.vector_store %arg26[%swap3A, %swap3A_167], %broadcast_in_dim3A_166 {strides = array<i32>} : memref<32x128xf32, #tpu.memory_space<vmem>>, vector<16xf32>,
      %broadcast_in_dim3A_169 = arith.constant 0.000000e+00 : f32
      %broadcast_in_dim3A_170 = vector.broadcast %broadcast_in_dim3A_169 : f32 to vector<16xf32>
      %swap3A_171 = arith.index_cast %add3A_165 : i32 to index
      %swap3A_172 = arith.constant 16 : index
      %swap3A_173 = tpu.vector_load %arg26[%swap3A_171, %swap3A_172] {strides = array<i32>} : memref<32x128xf32, #tpu.memory_space<vmem>>, vector<16xf32>,
      tpu.vector_store %arg26[%swap3A_171, %swap3A_172], %broadcast_in_dim3A_170 {strides = array<i32>} : memref<32x128xf32, #tpu.memory_space<vmem>>, vector<16xf32>,
      %broadcast_in_dim3A_174 = arith.constant 0.000000e+00 : f32
      %broadcast_in_dim3A_175 = vector.broadcast %broadcast_in_dim3A_174 : f32 to vector<16xf32>
      %swap3A_176 = arith.index_cast %add3A_165 : i32 to index
      %swap3A_177 = arith.constant 32 : index
      %swap3A_178 = tpu.vector_load %arg26[%swap3A_176, %swap3A_177] {strides = array<i32>} : memref<32x128xf32, #tpu.memory_space<vmem>>, vector<16xf32>,
      tpu.vector_store %arg26[%swap3A_176, %swap3A_177], %broadcast_in_dim3A_175 {strides = array<i32>} : memref<32x128xf32, #tpu.memory_space<vmem>>, vector<16xf32>,
      %broadcast_in_dim3A_179 = arith.constant 0.000000e+00 : f32
      %broadcast_in_dim3A_180 = vector.broadcast %broadcast_in_dim3A_179 : f32 to vector<16xf32>
      %swap3A_181 = arith.index_cast %add3A_165 : i32 to index
      %swap3A_182 = arith.constant 48 : index
      %swap3A_183 = tpu.vector_load %arg26[%swap3A_181, %swap3A_182] {strides = array<i32>} : memref<32x128xf32, #tpu.memory_space<vmem>>, vector<16xf32>,
      tpu.vector_store %arg26[%swap3A_181, %swap3A_182], %broadcast_in_dim3A_180 {strides = array<i32>} : memref<32x128xf32, #tpu.memory_space<vmem>>, vector<16xf32>,
      %broadcast_in_dim3A_184 = arith.constant 0.000000e+00 : f32
      %broadcast_in_dim3A_185 = vector.broadcast %broadcast_in_dim3A_184 : f32 to vector<16xf32>
      %swap3A_186 = arith.index_cast %add3A_165 : i32 to index
      %swap3A_187 = arith.constant 64 : index
      %swap3A_188 = tpu.vector_load %arg26[%swap3A_186, %swap3A_187] {strides = array<i32>} : memref<32x128xf32, #tpu.memory_space<vmem>>, vector<16xf32>,
      tpu.vector_store %arg26[%swap3A_186, %swap3A_187], %broadcast_in_dim3A_185 {strides = array<i32>} : memref<32x128xf32, #tpu.memory_space<vmem>>, vector<16xf32>,
      %broadcast_in_dim3A_189 = arith.constant 0.000000e+00 : f32
      %broadcast_in_dim3A_190 = vector.broadcast %broadcast_in_dim3A_189 : f32 to vector<16xf32>
      %swap3A_191 = arith.index_cast %add3A_165 : i32 to index
      %swap3A_192 = arith.constant 80 : index
      %swap3A_193 = tpu.vector_load %arg26[%swap3A_191, %swap3A_192] {strides = array<i32>} : memref<32x128xf32, #tpu.memory_space<vmem>>, vector<16xf32>,
      tpu.vector_store %arg26[%swap3A_191, %swap3A_192], %broadcast_in_dim3A_190 {strides = array<i32>} : memref<32x128xf32, #tpu.memory_space<vmem>>, vector<16xf32>,
      %broadcast_in_dim3A_194 = arith.constant 0.000000e+00 : f32
      %broadcast_in_dim3A_195 = vector.broadcast %broadcast_in_dim3A_194 : f32 to vector<16xf32>
      %swap3A_196 = arith.index_cast %add3A_165 : i32 to index
      %swap3A_197 = arith.constant 96 : index
      %swap3A_198 = tpu.vector_load %arg26[%swap3A_196, %swap3A_197] {strides = array<i32>} : memref<32x128xf32, #tpu.memory_space<vmem>>, vector<16xf32>,
      tpu.vector_store %arg26[%swap3A_196, %swap3A_197], %broadcast_in_dim3A_195 {strides = array<i32>} : memref<32x128xf32, #tpu.memory_space<vmem>>, vector<16xf32>,
      %broadcast_in_dim3A_199 = arith.constant 0.000000e+00 : f32
      %broadcast_in_dim3A_200 = vector.broadcast %broadcast_in_dim3A_199 : f32 to vector<16xf32>
      %swap3A_201 = arith.index_cast %add3A_165 : i32 to index
      %swap3A_202 = arith.constant 112 : index
      %swap3A_203 = tpu.vector_load %arg26[%swap3A_201, %swap3A_202] {strides = array<i32>} : memref<32x128xf32, #tpu.memory_space<vmem>>, vector<16xf32>,
      tpu.vector_store %arg26[%swap3A_201, %swap3A_202], %broadcast_in_dim3A_200 {strides = array<i32>} : memref<32x128xf32, #tpu.memory_space<vmem>>, vector<16xf32>,
    }
    %scan3A_6 = arith.constant 32 : i32
    "tpu.region"() ({
      %run_scoped3A = tpu.sem_alloc : memref<!tpu.dma_semaphore, #tpu.memory_space<semaphore_mem>>
      tpu.enqueue_dma source(%arg7 : memref<8x16xf32, #tpu.memory_space<hbm>>) target(%arg25 : memref<8x16xf32, #tpu.memory_space<vmem>>) target_semaphore(%run_scoped3A : memref<!tpu.dma_semaphore, #tpu.memory_space<semaphore_mem>>)
      tpu.wait_dma2 semaphore(%run_scoped3A : memref<!tpu.dma_semaphore, #tpu.memory_space<semaphore_mem>>) src(%arg7 : memref<8x16xf32, #tpu.memory_space<hbm>>) dst(%arg25 : memref<8x16xf32, #tpu.memory_space<vmem>>)
      tpu.yield
    }) : () -> ()
    %scan3A_7 = arith.constant 0 : i32
    %scan3A_8 = arith.constant 10 : i32
    %scan3A_9 = arith.addi %scan3A_7, %scan3A_8 : i32
    %scan3A_10 = arith.constant 1 : i32
    scf.for %scan3A_161 = %scan3A_7 to %scan3A_9 step %scan3A_10  : i32 {
      %mul3A_162 = arith.constant 1 : i32
      %mul3A_163 = arith.muli %scan3A_161, %mul3A_162 : i32
      %add3A_164 = arith.constant 0 : i32
      %add3A_165 = arith.addi %add3A_164, %mul3A_163 : i32
      %mul3A_166 = arith.constant 32 : i32
      %mul3A_167 = arith.muli %add3A_165, %mul3A_166 : i32
      %add3A_168 = arith.addi %mul3A_0, %mul3A_167 : i32
      "tpu.region"() ({
        %run_scoped3A = tpu.sem_alloc : memref<!tpu.dma_semaphore, #tpu.memory_space<semaphore_mem>>
        %dma_start3A_169 = arith.constant 0 : i32
        %dma_start3A_170 = tpu.memref_slice %arg27[%add3A_168, %dma_start3A_169] : memref<5128x128xf32, #tpu.memory_space<vmem_shared>> -> memref<32x128xf32, #tpu.memory_space<vmem_shared>>
        %dma_start3A_171 = arith.constant 0 : i32
        %dma_start3A_172 = tpu.memref_slice %arg27[%add3A_168, %dma_start3A_171] : memref<5128x128xf32, #tpu.memory_space<vmem_shared>> -> memref<32x128xf32, #tpu.memory_space<vmem_shared>>
        tpu.enqueue_dma source(%arg26 : memref<32x128xf32, #tpu.memory_space<vmem>>) target(%dma_start3A_172 : memref<32x128xf32, #tpu.memory_space<vmem_shared>>) target_semaphore(%run_scoped3A : memref<!tpu.dma_semaphore, #tpu.memory_space<semaphore_mem>>)
        %dma_wait3A_173 = arith.constant 0 : i32
        %dma_wait3A_174 = tpu.memref_slice %arg27[%add3A_168, %dma_wait3A_173] : memref<5128x128xf32, #tpu.memory_space<vmem_shared>> -> memref<32x128xf32, #tpu.memory_space<vmem_shared>>
        %dma_wait3A_175 = arith.constant 0 : i32
        %dma_wait3A_176 = tpu.memref_slice %arg27[%add3A_168, %dma_wait3A_175] : memref<5128x128xf32, #tpu.memory_space<vmem_shared>> -> memref<32x128xf32, #tpu.memory_space<vmem_shared>>
        tpu.wait_dma2 semaphore(%run_scoped3A : memref<!tpu.dma_semaphore, #tpu.memory_space<semaphore_mem>>) src(%arg26 : memref<32x128xf32, #tpu.memory_space<vmem>>) dst(%dma_wait3A_176 : memref<32x128xf32, #tpu.memory_space<vmem_shared>>)
        tpu.yield
      }) : () -> ()
    }
    %scan3A_11 = arith.constant 10 : i32
    %barrier3A = arith.constant 0 : index
    tpu.barrier barrier_id(%barrier3A)
    %get3A = arith.constant 0 : i32
    %get3A_12 = arith.index_cast %get3A : i32 to index
    %get3A_13 = arith.constant 0 : index
    %get3A_14 = tpu.vector_load %arg25[%get3A_12, %get3A_13] {strides = array<i32>} : memref<8x16xf32, #tpu.memory_space<vmem>>, vector<16xf32>,
    %get3A_15 = arith.constant 1 : i32
    %get3A_16 = arith.index_cast %get3A_15 : i32 to index
    %get3A_17 = arith.constant 0 : index
    %get3A_18 = tpu.vector_load %arg25[%get3A_16, %get3A_17] {strides = array<i32>} : memref<8x16xf32, #tpu.memory_space<vmem>>, vector<16xf32>,
    %get3A_19 = arith.constant 2 : i32
    %get3A_20 = arith.index_cast %get3A_19 : i32 to index
    %get3A_21 = arith.constant 0 : index
    %get3A_22 = tpu.vector_load %arg25[%get3A_20, %get3A_21] {strides = array<i32>} : memref<8x16xf32, #tpu.memory_space<vmem>>, vector<16xf32>,
    %get3A_23 = arith.constant 3 : i32
    %get3A_24 = arith.index_cast %get3A_23 : i32 to index
    %get3A_25 = arith.constant 0 : index
    %get3A_26 = tpu.vector_load %arg25[%get3A_24, %get3A_25] {strides = array<i32>} : memref<8x16xf32, #tpu.memory_space<vmem>>, vector<16xf32>,
    %get3A_27 = arith.constant 4 : i32
    %get3A_28 = arith.index_cast %get3A_27 : i32 to index
    %get3A_29 = arith.constant 0 : index
    %get3A_30 = tpu.vector_load %arg25[%get3A_28, %get3A_29] {strides = array<i32>} : memref<8x16xf32, #tpu.memory_space<vmem>>, vector<16xf32>,
    %get3A_31 = arith.constant 5 : i32
    %get3A_32 = arith.index_cast %get3A_31 : i32 to index
    %get3A_33 = arith.constant 0 : index
    %get3A_34 = tpu.vector_load %arg25[%get3A_32, %get3A_33] {strides = array<i32>} : memref<8x16xf32, #tpu.memory_space<vmem>>, vector<16xf32>,
    %get3A_35 = arith.constant 6 : i32
    %get3A_36 = arith.index_cast %get3A_35 : i32 to index
    %get3A_37 = arith.constant 0 : index
    %get3A_38 = tpu.vector_load %arg25[%get3A_36, %get3A_37] {strides = array<i32>} : memref<8x16xf32, #tpu.memory_space<vmem>>, vector<16xf32>,
    %get3A_39 = arith.constant 7 : i32
    %get3A_40 = arith.index_cast %get3A_39 : i32 to index
    %get3A_41 = arith.constant 0 : index
    %get3A_42 = tpu.vector_load %arg25[%get3A_40, %get3A_41] {strides = array<i32>} : memref<8x16xf32, #tpu.memory_space<vmem>>, vector<16xf32>,
    %iota3A = tpu.iota {dimensions = array<i32: 0>} : vector<16xi32>
    %mul3A_43 = arith.constant 20000 : i32
    %mul3A_44 = arith.muli %arg1, %mul3A_43 : i32
    %add3A = arith.constant 0 : i32
    %add3A_45 = arith.addi %mul3A_44, %add3A : i32
    %dma_start3A = tpu.memref_slice %arg5[%add3A_45] : memref<320000xi32, #tpu.memory_space<hbm>> -> memref<80xi32, #tpu.memory_space<hbm>>
    %dma_start3A_46 = tpu.memref_slice %arg5[%add3A_45] : memref<320000xi32, #tpu.memory_space<hbm>> -> memref<80xi32, #tpu.memory_space<hbm>>
    tpu.enqueue_dma source(%dma_start3A_46 : memref<80xi32, #tpu.memory_space<hbm>>) target(%arg11 : memref<80xi32, #tpu.memory_space<vmem>>) target_semaphore(%arg28 : memref<!tpu.dma_semaphore, #tpu.memory_space<semaphore_mem>>)
    %mul3A_47 = arith.constant 20000 : i32
    %mul3A_48 = arith.muli %arg1, %mul3A_47 : i32
    %add3A_49 = arith.constant 0 : i32
    %add3A_50 = arith.addi %mul3A_48, %add3A_49 : i32
    %dma_start3A_51 = tpu.memref_slice %arg6[%add3A_50] : memref<320000xi32, #tpu.memory_space<hbm>> -> memref<80xi32, #tpu.memory_space<hbm>>
    %dma_start3A_52 = tpu.memref_slice %arg6[%add3A_50] : memref<320000xi32, #tpu.memory_space<hbm>> -> memref<80xi32, #tpu.memory_space<hbm>>
    tpu.enqueue_dma source(%dma_start3A_52 : memref<80xi32, #tpu.memory_space<hbm>>) target(%arg13 : memref<80xi32, #tpu.memory_space<vmem>>) target_semaphore(%arg28 : memref<!tpu.dma_semaphore, #tpu.memory_space<semaphore_mem>>)
    %mul3A_53 = arith.constant 20000 : i32
    %mul3A_54 = arith.muli %arg1, %mul3A_53 : i32
    %add3A_55 = arith.constant 0 : i32
    %add3A_56 = arith.addi %mul3A_54, %add3A_55 : i32
    %dma_wait3A = tpu.memref_slice %arg5[%add3A_56] : memref<320000xi32, #tpu.memory_space<hbm>> -> memref<80xi32, #tpu.memory_space<hbm>>
    %dma_wait3A_57 = tpu.memref_slice %arg5[%add3A_56] : memref<320000xi32, #tpu.memory_space<hbm>> -> memref<80xi32, #tpu.memory_space<hbm>>
    tpu.wait_dma2 semaphore(%arg28 : memref<!tpu.dma_semaphore, #tpu.memory_space<semaphore_mem>>) src(%dma_wait3A_57 : memref<80xi32, #tpu.memory_space<hbm>>) dst(%arg11 : memref<80xi32, #tpu.memory_space<vmem>>)
    %mul3A_58 = arith.constant 20000 : i32
    %mul3A_59 = arith.muli %arg1, %mul3A_58 : i32
    %add3A_60 = arith.constant 0 : i32
    %add3A_61 = arith.addi %mul3A_59, %add3A_60 : i32
    %dma_wait3A_62 = tpu.memref_slice %arg6[%add3A_61] : memref<320000xi32, #tpu.memory_space<hbm>> -> memref<80xi32, #tpu.memory_space<hbm>>
    %dma_wait3A_63 = tpu.memref_slice %arg6[%add3A_61] : memref<320000xi32, #tpu.memory_space<hbm>> -> memref<80xi32, #tpu.memory_space<hbm>>
    tpu.wait_dma2 semaphore(%arg28 : memref<!tpu.dma_semaphore, #tpu.memory_space<semaphore_mem>>) src(%dma_wait3A_63 : memref<80xi32, #tpu.memory_space<hbm>>) dst(%arg13 : memref<80xi32, #tpu.memory_space<vmem>>)
    %dma_start3A_64 = arith.constant 0 : i32
    %dma_start3A_65 = arith.constant 0 : i32
    %dma_start3A_66 = tpu.memref_slice %arg2[%dma_start3A_64, %dma_start3A_65] : memref<10000x128xf32, #tpu.memory_space<hbm>> -> memref<10000x128xf32, #tpu.memory_space<hbm>>
    tpu.enqueue_indirect_dma source(%dma_start3A_66 : memref<10000x128xf32, #tpu.memory_space<hbm>>) target(%arg17 : memref<80x128xf32, #tpu.memory_space<vmem>>) offsets(%arg11 : memref<80xi32, #tpu.memory_space<vmem>>) semaphore(%arg30 : memref<!tpu.dma_semaphore, #tpu.memory_space<semaphore_mem>>)
    %dma_start3A_67 = arith.constant 0 : i32
    %dma_start3A_68 = arith.constant 0 : i32
    %dma_start3A_69 = tpu.memref_slice %arg3[%dma_start3A_67, %dma_start3A_68] : memref<10000x128xf32, #tpu.memory_space<hbm>> -> memref<10000x128xf32, #tpu.memory_space<hbm>>
    tpu.enqueue_indirect_dma source(%dma_start3A_69 : memref<10000x128xf32, #tpu.memory_space<hbm>>) target(%arg19 : memref<80x128xf32, #tpu.memory_space<vmem>>) offsets(%arg13 : memref<80xi32, #tpu.memory_space<vmem>>) semaphore(%arg30 : memref<!tpu.dma_semaphore, #tpu.memory_space<semaphore_mem>>)
    %mul3A_70 = arith.constant 20000 : i32
    %mul3A_71 = arith.muli %arg1, %mul3A_70 : i32
    %add3A_72 = arith.constant 0 : i32
    %add3A_73 = arith.addi %mul3A_71, %add3A_72 : i32
    %dma_start3A_74 = arith.constant 0 : i32
    %dma_start3A_75 = tpu.memref_slice %arg4[%add3A_73, %dma_start3A_74] : memref<320000x128xf32, #tpu.memory_space<hbm>> -> memref<80x128xf32, #tpu.memory_space<hbm>>
    %dma_start3A_76 = arith.constant 0 : i32
    %dma_start3A_77 = tpu.memref_slice %arg4[%add3A_73, %dma_start3A_76] : memref<320000x128xf32, #tpu.memory_space<hbm>> -> memref<80x128xf32, #tpu.memory_space<hbm>>
    tpu.enqueue_dma source(%dma_start3A_77 : memref<80x128xf32, #tpu.memory_space<hbm>>) target(%arg21 : memref<80x128xf32, #tpu.memory_space<vmem>>) target_semaphore(%arg34 : memref<!tpu.dma_semaphore, #tpu.memory_space<semaphore_mem>>)
    %mul3A_78 = arith.constant 20000 : i32
    %mul3A_79 = arith.muli %arg1, %mul3A_78 : i32
    %add3A_80 = arith.constant 80 : i32
    %add3A_81 = arith.addi %mul3A_79, %add3A_80 : i32
    %dma_start3A_82 = tpu.memref_slice %arg5[%add3A_81] : memref<320000xi32, #tpu.memory_space<hbm>> -> memref<80xi32, #tpu.memory_space<hbm>>
    %dma_start3A_83 = tpu.memref_slice %arg5[%add3A_81] : memref<320000xi32, #tpu.memory_space<hbm>> -> memref<80xi32, #tpu.memory_space<hbm>>
    tpu.enqueue_dma source(%dma_start3A_83 : memref<80xi32, #tpu.memory_space<hbm>>) target(%arg12 : memref<80xi32, #tpu.memory_space<vmem>>) target_semaphore(%arg29 : memref<!tpu.dma_semaphore, #tpu.memory_space<semaphore_mem>>)
    %mul3A_84 = arith.constant 20000 : i32
    %mul3A_85 = arith.muli %arg1, %mul3A_84 : i32
    %add3A_86 = arith.constant 80 : i32
    %add3A_87 = arith.addi %mul3A_85, %add3A_86 : i32
    %dma_start3A_88 = tpu.memref_slice %arg6[%add3A_87] : memref<320000xi32, #tpu.memory_space<hbm>> -> memref<80xi32, #tpu.memory_space<hbm>>
    %dma_start3A_89 = tpu.memref_slice %arg6[%add3A_87] : memref<320000xi32, #tpu.memory_space<hbm>> -> memref<80xi32, #tpu.memory_space<hbm>>
    tpu.enqueue_dma source(%dma_start3A_89 : memref<80xi32, #tpu.memory_space<hbm>>) target(%arg14 : memref<80xi32, #tpu.memory_space<vmem>>) target_semaphore(%arg29 : memref<!tpu.dma_semaphore, #tpu.memory_space<semaphore_mem>>)
    %dma_wait3A_90 = arith.constant 0 : i32
    %dma_wait3A_91 = arith.constant 0 : i32
    %dma_wait3A_92 = tpu.memref_slice %arg2[%dma_wait3A_90, %dma_wait3A_91] : memref<10000x128xf32, #tpu.memory_space<hbm>> -> memref<10000x128xf32, #tpu.memory_space<hbm>>
    tpu.wait_indirect_dma semaphore(%arg30 : memref<!tpu.dma_semaphore, #tpu.memory_space<semaphore_mem>>) src(%dma_wait3A_92 : memref<10000x128xf32, #tpu.memory_space<hbm>>) dst(%arg17 : memref<80x128xf32, #tpu.memory_space<vmem>>)
    %dma_wait3A_93 = arith.constant 0 : i32
    %dma_wait3A_94 = arith.constant 0 : i32
    %dma_wait3A_95 = tpu.memref_slice %arg3[%dma_wait3A_93, %dma_wait3A_94] : memref<10000x128xf32, #tpu.memory_space<hbm>> -> memref<10000x128xf32, #tpu.memory_space<hbm>>
    tpu.wait_indirect_dma semaphore(%arg30 : memref<!tpu.dma_semaphore, #tpu.memory_space<semaphore_mem>>) src(%dma_wait3A_95 : memref<10000x128xf32, #tpu.memory_space<hbm>>) dst(%arg19 : memref<80x128xf32, #tpu.memory_space<vmem>>)
    %scan3A_96 = arith.constant 0 : i32
    %scan3A_97 = arith.constant 125 : i32
    %scan3A_98 = arith.addi %scan3A_96, %scan3A_97 : i32
    %scan3A_99 = arith.constant 1 : i32
    scf.for %scan3A_161 = %scan3A_96 to %scan3A_98 step %scan3A_99  : i32 {
      %mul3A_162 = arith.constant 1 : i32
      %mul3A_163 = arith.muli %scan3A_161, %mul3A_162 : i32
      %add3A_164 = arith.constant 0 : i32
      %add3A_165 = arith.addi %add3A_164, %mul3A_163 : i32
      %mul3A_166 = arith.constant 2 : i32
      %mul3A_167 = arith.muli %mul3A_166, %add3A_165 : i32
      %add3A_168 = arith.constant 0 : i32
      %add3A_169 = arith.addi %mul3A_167, %add3A_168 : i32
      %ge3A = arith.constant 1 : i32
      %ge3A_170 = arith.cmpi sge, %add3A_169, %ge3A : i32
      %convert_element_type3A = arith.extui %ge3A_170 : i1 to i32
      %cond3A = arith.constant 0 : i32
      %cond3A_171 = arith.cmpi ne, %convert_element_type3A, %cond3A : i32
      scf.if %cond3A_171 {
        %sub3A_448 = arith.constant 1 : i32
        %sub3A_449 = arith.subi %add3A_169, %sub3A_448 : i32
        %mul3A_450 = arith.constant 20000 : i32
        %mul3A_451 = arith.muli %arg1, %mul3A_450 : i32
        %mul3A_452 = arith.constant 80 : i32
        %mul3A_453 = arith.muli %sub3A_449, %mul3A_452 : i32
        %add3A_454 = arith.addi %mul3A_451, %mul3A_453 : i32
        %mul3A_455 = arith.constant 16 : i32
        %mul3A_456 = arith.muli %add3A_454, %mul3A_455 : i32
        %dma_wait3A_457 = tpu.memref_slice %arg10[%mul3A_456] : memref<5120000xf32, #tpu.memory_space<hbm>> -> memref<1280xf32, #tpu.memory_space<hbm>>
        %dma_wait3A_458 = tpu.memref_slice %arg10[%mul3A_456] : memref<5120000xf32, #tpu.memory_space<hbm>> -> memref<1280xf32, #tpu.memory_space<hbm>>
        tpu.wait_dma2 semaphore(%arg37 : memref<!tpu.dma_semaphore, #tpu.memory_space<semaphore_mem>>) src(%arg24 : memref<1280xf32, #tpu.memory_space<vmem>>) dst(%dma_wait3A_458 : memref<1280xf32, #tpu.memory_space<hbm>>)
      } else {
      }
      %add3A_172 = arith.constant 1 : i32
      %add3A_173 = arith.addi %add3A_169, %add3A_172 : i32
      %lt3A = arith.constant 250 : i32
      %lt3A_174 = arith.cmpi slt, %add3A_173, %lt3A : i32
      %convert_element_type3A_175 = arith.extui %lt3A_174 : i1 to i32
      %cond3A_176 = arith.constant 0 : i32
      %cond3A_177 = arith.cmpi ne, %convert_element_type3A_175, %cond3A_176 : i32
      scf.if %cond3A_177 {
        %add3A_448 = arith.constant 1 : i32
        %add3A_449 = arith.addi %add3A_169, %add3A_448 : i32
        %mul3A_450 = arith.constant 20000 : i32
        %mul3A_451 = arith.muli %arg1, %mul3A_450 : i32
        %mul3A_452 = arith.constant 80 : i32
        %mul3A_453 = arith.muli %add3A_449, %mul3A_452 : i32
        %add3A_454 = arith.addi %mul3A_451, %mul3A_453 : i32
        %dma_wait3A_455 = tpu.memref_slice %arg5[%add3A_454] : memref<320000xi32, #tpu.memory_space<hbm>> -> memref<80xi32, #tpu.memory_space<hbm>>
        %dma_wait3A_456 = tpu.memref_slice %arg5[%add3A_454] : memref<320000xi32, #tpu.memory_space<hbm>> -> memref<80xi32, #tpu.memory_space<hbm>>
        tpu.wait_dma2 semaphore(%arg29 : memref<!tpu.dma_semaphore, #tpu.memory_space<semaphore_mem>>) src(%dma_wait3A_456 : memref<80xi32, #tpu.memory_space<hbm>>) dst(%arg12 : memref<80xi32, #tpu.memory_space<vmem>>)
        %mul3A_457 = arith.constant 20000 : i32
        %mul3A_458 = arith.muli %arg1, %mul3A_457 : i32
        %mul3A_459 = arith.constant 80 : i32
        %mul3A_460 = arith.muli %add3A_449, %mul3A_459 : i32
        %add3A_461 = arith.addi %mul3A_458, %mul3A_460 : i32
        %dma_wait3A_462 = tpu.memref_slice %arg6[%add3A_461] : memref<320000xi32, #tpu.memory_space<hbm>> -> memref<80xi32, #tpu.memory_space<hbm>>
        %dma_wait3A_463 = tpu.memref_slice %arg6[%add3A_461] : memref<320000xi32, #tpu.memory_space<hbm>> -> memref<80xi32, #tpu.memory_space<hbm>>
        tpu.wait_dma2 semaphore(%arg29 : memref<!tpu.dma_semaphore, #tpu.memory_space<semaphore_mem>>) src(%dma_wait3A_463 : memref<80xi32, #tpu.memory_space<hbm>>) dst(%arg14 : memref<80xi32, #tpu.memory_space<vmem>>)
      } else {
      }
      %add3A_178 = arith.constant 1 : i32
      %add3A_179 = arith.addi %add3A_169, %add3A_178 : i32
      %lt3A_180 = arith.constant 250 : i32
      %lt3A_181 = arith.cmpi slt, %add3A_179, %lt3A_180 : i32
      %convert_element_type3A_182 = arith.extui %lt3A_181 : i1 to i32
      %cond3A_183 = arith.constant 0 : i32
      %cond3A_184 = arith.cmpi ne, %convert_element_type3A_182, %cond3A_183 : i32
      scf.if %cond3A_184 {
        %add3A_448 = arith.constant 1 : i32
        %add3A_449 = arith.addi %add3A_169, %add3A_448 : i32
        %dma_start3A_450 = arith.constant 0 : i32
        %dma_start3A_451 = arith.constant 0 : i32
        %dma_start3A_452 = tpu.memref_slice %arg2[%dma_start3A_450, %dma_start3A_451] : memref<10000x128xf32, #tpu.memory_space<hbm>> -> memref<10000x128xf32, #tpu.memory_space<hbm>>
        tpu.enqueue_indirect_dma source(%dma_start3A_452 : memref<10000x128xf32, #tpu.memory_space<hbm>>) target(%arg18 : memref<80x128xf32, #tpu.memory_space<vmem>>) offsets(%arg12 : memref<80xi32, #tpu.memory_space<vmem>>) semaphore(%arg31 : memref<!tpu.dma_semaphore, #tpu.memory_space<semaphore_mem>>)
        %dma_start3A_453 = arith.constant 0 : i32
        %dma_start3A_454 = arith.constant 0 : i32
        %dma_start3A_455 = tpu.memref_slice %arg3[%dma_start3A_453, %dma_start3A_454] : memref<10000x128xf32, #tpu.memory_space<hbm>> -> memref<10000x128xf32, #tpu.memory_space<hbm>>
        tpu.enqueue_indirect_dma source(%dma_start3A_455 : memref<10000x128xf32, #tpu.memory_space<hbm>>) target(%arg20 : memref<80x128xf32, #tpu.memory_space<vmem>>) offsets(%arg14 : memref<80xi32, #tpu.memory_space<vmem>>) semaphore(%arg31 : memref<!tpu.dma_semaphore, #tpu.memory_space<semaphore_mem>>)
        %add3A_456 = arith.constant 1 : i32
        %add3A_457 = arith.addi %add3A_169, %add3A_456 : i32
        %mul3A_458 = arith.constant 20000 : i32
        %mul3A_459 = arith.muli %arg1, %mul3A_458 : i32
        %mul3A_460 = arith.constant 80 : i32
        %mul3A_461 = arith.muli %add3A_457, %mul3A_460 : i32
        %add3A_462 = arith.addi %mul3A_459, %mul3A_461 : i32
        %dma_start3A_463 = arith.constant 0 : i32
        %dma_start3A_464 = tpu.memref_slice %arg4[%add3A_462, %dma_start3A_463] : memref<320000x128xf32, #tpu.memory_space<hbm>> -> memref<80x128xf32, #tpu.memory_space<hbm>>
        %dma_start3A_465 = arith.constant 0 : i32
        %dma_start3A_466 = tpu.memref_slice %arg4[%add3A_462, %dma_start3A_465] : memref<320000x128xf32, #tpu.memory_space<hbm>> -> memref<80x128xf32, #tpu.memory_space<hbm>>
        tpu.enqueue_dma source(%dma_start3A_466 : memref<80x128xf32, #tpu.memory_space<hbm>>) target(%arg22 : memref<80x128xf32, #tpu.memory_space<vmem>>) target_semaphore(%arg35 : memref<!tpu.dma_semaphore, #tpu.memory_space<semaphore_mem>>)
      } else {
      }
      %mul3A_185 = arith.constant 20000 : i32
      %mul3A_186 = arith.muli %arg1, %mul3A_185 : i32
      %mul3A_187 = arith.constant 80 : i32
      %mul3A_188 = arith.muli %add3A_169, %mul3A_187 : i32
      %add3A_189 = arith.addi %mul3A_186, %mul3A_188 : i32
      %dma_wait3A_190 = arith.constant 0 : i32
      %dma_wait3A_191 = tpu.memref_slice %arg4[%add3A_189, %dma_wait3A_190] : memref<320000x128xf32, #tpu.memory_space<hbm>> -> memref<80x128xf32, #tpu.memory_space<hbm>>
      %dma_wait3A_192 = arith.constant 0 : i32
      %dma_wait3A_193 = tpu.memref_slice %arg4[%add3A_189, %dma_wait3A_192] : memref<320000x128xf32, #tpu.memory_space<hbm>> -> memref<80x128xf32, #tpu.memory_space<hbm>>
      tpu.wait_dma2 semaphore(%arg34 : memref<!tpu.dma_semaphore, #tpu.memory_space<semaphore_mem>>) src(%dma_wait3A_193 : memref<80x128xf32, #tpu.memory_space<hbm>>) dst(%arg21 : memref<80x128xf32, #tpu.memory_space<vmem>>)
      %scan3A_194 = arith.constant 0 : i32
      %scan3A_195 = arith.constant 80 : i32
      %scan3A_196 = arith.addi %scan3A_194, %scan3A_195 : i32
      %scan3A_197 = arith.constant 1 : i32
      scf.for %scan3A_448 = %scan3A_194 to %scan3A_196 step %scan3A_197  : i32 {
        %mul3A_449 = arith.constant 1 : i32
        %mul3A_450 = arith.muli %scan3A_448, %mul3A_449 : i32
        %add3A_451 = arith.constant 0 : i32
        %add3A_452 = arith.addi %add3A_451, %mul3A_450 : i32
        %broadcast_in_dim3A_453 = arith.constant 0.000000e+00 : f32
        %broadcast_in_dim3A_454 = vector.broadcast %broadcast_in_dim3A_453 : f32 to vector<16xf32>
        %get3A_455 = arith.index_cast %add3A_452 : i32 to index
        %get3A_456 = arith.constant 0 : index
        %get3A_457 = tpu.vector_load %arg17[%get3A_455, %get3A_456] {strides = array<i32>} : memref<80x128xf32, #tpu.memory_space<vmem>>, vector<16xf32>,
        %get3A_458 = arith.index_cast %add3A_452 : i32 to index
        %get3A_459 = arith.constant 0 : index
        %get3A_460 = tpu.vector_load %arg19[%get3A_458, %get3A_459] {strides = array<i32>} : memref<80x128xf32, #tpu.memory_space<vmem>>, vector<16xf32>,
        %add3A_461 = arith.addf %get3A_457, %get3A_460 : vector<16xf32>
        %get3A_462 = arith.index_cast %add3A_452 : i32 to index
        %get3A_463 = arith.constant 0 : index
        %get3A_464 = tpu.vector_load %arg21[%get3A_462, %get3A_463] {strides = array<i32>} : memref<80x128xf32, #tpu.memory_space<vmem>>, vector<16xf32>,
        %add3A_465 = arith.addf %add3A_461, %get3A_464 : vector<16xf32>
        %ge3A_466 = arith.constant 0.000000e+00 : f32
        %ge3A_467 = vector.broadcast %ge3A_466 : f32 to vector<16xf32>
        %ge3A_468 = arith.cmpf oge, %add3A_465, %ge3A_467 : vector<16xf32>
        %mul3A_469 = arith.constant 2.000000e-01 : f32
        %mul3A_470 = vector.broadcast %mul3A_469 : f32 to vector<16xf32>
        %mul3A_471 = arith.mulf %add3A_465, %mul3A_470 : vector<16xf32>
        %select_n3A_472 = arith.select %ge3A_468, %add3A_465, %mul3A_471 : vector<16xi1>, vector<16xf32>
        %mul3A_473 = arith.mulf %select_n3A_472, %get3A_14 : vector<16xf32>
        %reduce_sum3A = arith.constant true
        %reduce_sum3A_474 = vector.broadcast %reduce_sum3A : i1 to vector<16xi1>
        %reduce_sum3A_475 = tpu.scan <sum>, %mul3A_473 masked %reduce_sum3A_474 : vector<16xf32>, vector<16xi1> -> vector<16xf32>
        %reduce_sum3A_476 = vector.extract %reduce_sum3A_475[15] : f32 from vector<16xf32>
        %broadcast_in_dim3A_477 = vector.broadcast %reduce_sum3A_476 : f32 to vector<16xf32>
        %exp3A = math.exp %broadcast_in_dim3A_477 : vector<16xf32>
        %mul3A_478 = arith.mulf %exp3A, %get3A_457 : vector<16xf32>
        %swap3A_479 = arith.index_cast %add3A_452 : i32 to index
        %swap3A_480 = arith.constant 0 : index
        %swap3A_481 = tpu.vector_load %arg21[%swap3A_479, %swap3A_480] {strides = array<i32>} : memref<80x128xf32, #tpu.memory_space<vmem>>, vector<16xf32>,
        tpu.vector_store %arg21[%swap3A_479, %swap3A_480], %mul3A_478 {strides = array<i32>} : memref<80x128xf32, #tpu.memory_space<vmem>>, vector<16xf32>,
        %eq3A = arith.constant 0 : i32
        %eq3A_482 = vector.broadcast %eq3A : i32 to vector<16xi32>
        %eq3A_483 = arith.cmpi eq, %iota3A, %eq3A_482 : vector<16xi32>
        %select_n3A_484 = arith.select %eq3A_483, %exp3A, %broadcast_in_dim3A_454 : vector<16xi1>, vector<16xf32>
        %get3A_485 = arith.index_cast %add3A_452 : i32 to index
        %get3A_486 = arith.constant 16 : index
        %get3A_487 = tpu.vector_load %arg17[%get3A_485, %get3A_486] {strides = array<i32>} : memref<80x128xf32, #tpu.memory_space<vmem>>, vector<16xf32>,
        %get3A_488 = arith.index_cast %add3A_452 : i32 to index
        %get3A_489 = arith.constant 16 : index
        %get3A_490 = tpu.vector_load %arg19[%get3A_488, %get3A_489] {strides = array<i32>} : memref<80x128xf32, #tpu.memory_space<vmem>>, vector<16xf32>,
        %add3A_491 = arith.addf %get3A_487, %get3A_490 : vector<16xf32>
        %get3A_492 = arith.index_cast %add3A_452 : i32 to index
        %get3A_493 = arith.constant 16 : index
        %get3A_494 = tpu.vector_load %arg21[%get3A_492, %get3A_493] {strides = array<i32>} : memref<80x128xf32, #tpu.memory_space<vmem>>, vector<16xf32>,
        %add3A_495 = arith.addf %add3A_491, %get3A_494 : vector<16xf32>
        %ge3A_496 = arith.constant 0.000000e+00 : f32
        %ge3A_497 = vector.broadcast %ge3A_496 : f32 to vector<16xf32>
        %ge3A_498 = arith.cmpf oge, %add3A_495, %ge3A_497 : vector<16xf32>
        %mul3A_499 = arith.constant 2.000000e-01 : f32
        %mul3A_500 = vector.broadcast %mul3A_499 : f32 to vector<16xf32>
        %mul3A_501 = arith.mulf %add3A_495, %mul3A_500 : vector<16xf32>
        %select_n3A_502 = arith.select %ge3A_498, %add3A_495, %mul3A_501 : vector<16xi1>, vector<16xf32>
        %mul3A_503 = arith.mulf %select_n3A_502, %get3A_18 : vector<16xf32>
        %reduce_sum3A_504 = arith.constant true
        %reduce_sum3A_505 = vector.broadcast %reduce_sum3A_504 : i1 to vector<16xi1>
        %reduce_sum3A_506 = tpu.scan <sum>, %mul3A_503 masked %reduce_sum3A_505 : vector<16xf32>, vector<16xi1> -> vector<16xf32>
        %reduce_sum3A_507 = vector.extract %reduce_sum3A_506[15] : f32 from vector<16xf32>
        %broadcast_in_dim3A_508 = vector.broadcast %reduce_sum3A_507 : f32 to vector<16xf32>
        %exp3A_509 = math.exp %broadcast_in_dim3A_508 : vector<16xf32>
        %mul3A_510 = arith.mulf %exp3A_509, %get3A_487 : vector<16xf32>
        %swap3A_511 = arith.index_cast %add3A_452 : i32 to index
        %swap3A_512 = arith.constant 16 : index
        %swap3A_513 = tpu.vector_load %arg21[%swap3A_511, %swap3A_512] {strides = array<i32>} : memref<80x128xf32, #tpu.memory_space<vmem>>, vector<16xf32>,
        tpu.vector_store %arg21[%swap3A_511, %swap3A_512], %mul3A_510 {strides = array<i32>} : memref<80x128xf32, #tpu.memory_space<vmem>>, vector<16xf32>,
        %eq3A_514 = arith.constant 1 : i32
        %eq3A_515 = vector.broadcast %eq3A_514 : i32 to vector<16xi32>
        %eq3A_516 = arith.cmpi eq, %iota3A, %eq3A_515 : vector<16xi32>
        %select_n3A_517 = arith.select %eq3A_516, %exp3A_509, %select_n3A_484 : vector<16xi1>, vector<16xf32>
        %get3A_518 = arith.index_cast %add3A_452 : i32 to index
        %get3A_519 = arith.constant 32 : index
        %get3A_520 = tpu.vector_load %arg17[%get3A_518, %get3A_519] {strides = array<i32>} : memref<80x128xf32, #tpu.memory_space<vmem>>, vector<16xf32>,
        %get3A_521 = arith.index_cast %add3A_452 : i32 to index
        %get3A_522 = arith.constant 32 : index
        %get3A_523 = tpu.vector_load %arg19[%get3A_521, %get3A_522] {strides = array<i32>} : memref<80x128xf32, #tpu.memory_space<vmem>>, vector<16xf32>,
        %add3A_524 = arith.addf %get3A_520, %get3A_523 : vector<16xf32>
        %get3A_525 = arith.index_cast %add3A_452 : i32 to index
        %get3A_526 = arith.constant 32 : index
        %get3A_527 = tpu.vector_load %arg21[%get3A_525, %get3A_526] {strides = array<i32>} : memref<80x128xf32, #tpu.memory_space<vmem>>, vector<16xf32>,
        %add3A_528 = arith.addf %add3A_524, %get3A_527 : vector<16xf32>
        %ge3A_529 = arith.constant 0.000000e+00 : f32
        %ge3A_530 = vector.broadcast %ge3A_529 : f32 to vector<16xf32>
        %ge3A_531 = arith.cmpf oge, %add3A_528, %ge3A_530 : vector<16xf32>
        %mul3A_532 = arith.constant 2.000000e-01 : f32
        %mul3A_533 = vector.broadcast %mul3A_532 : f32 to vector<16xf32>
        %mul3A_534 = arith.mulf %add3A_528, %mul3A_533 : vector<16xf32>
        %select_n3A_535 = arith.select %ge3A_531, %add3A_528, %mul3A_534 : vector<16xi1>, vector<16xf32>
        %mul3A_536 = arith.mulf %select_n3A_535, %get3A_22 : vector<16xf32>
        %reduce_sum3A_537 = arith.constant true
        %reduce_sum3A_538 = vector.broadcast %reduce_sum3A_537 : i1 to vector<16xi1>
        %reduce_sum3A_539 = tpu.scan <sum>, %mul3A_536 masked %reduce_sum3A_538 : vector<16xf32>, vector<16xi1> -> vector<16xf32>
        %reduce_sum3A_540 = vector.extract %reduce_sum3A_539[15] : f32 from vector<16xf32>
        %broadcast_in_dim3A_541 = vector.broadcast %reduce_sum3A_540 : f32 to vector<16xf32>
        %exp3A_542 = math.exp %broadcast_in_dim3A_541 : vector<16xf32>
        %mul3A_543 = arith.mulf %exp3A_542, %get3A_520 : vector<16xf32>
        %swap3A_544 = arith.index_cast %add3A_452 : i32 to index
        %swap3A_545 = arith.constant 32 : index
        %swap3A_546 = tpu.vector_load %arg21[%swap3A_544, %swap3A_545] {strides = array<i32>} : memref<80x128xf32, #tpu.memory_space<vmem>>, vector<16xf32>,
        tpu.vector_store %arg21[%swap3A_544, %swap3A_545], %mul3A_543 {strides = array<i32>} : memref<80x128xf32, #tpu.memory_space<vmem>>, vector<16xf32>,
        %eq3A_547 = arith.constant 2 : i32
        %eq3A_548 = vector.broadcast %eq3A_547 : i32 to vector<16xi32>
        %eq3A_549 = arith.cmpi eq, %iota3A, %eq3A_548 : vector<16xi32>
        %select_n3A_550 = arith.select %eq3A_549, %exp3A_542, %select_n3A_517 : vector<16xi1>, vector<16xf32>
        %get3A_551 = arith.index_cast %add3A_452 : i32 to index
        %get3A_552 = arith.constant 48 : index
        %get3A_553 = tpu.vector_load %arg17[%get3A_551, %get3A_552] {strides = array<i32>} : memref<80x128xf32, #tpu.memory_space<vmem>>, vector<16xf32>,
        %get3A_554 = arith.index_cast %add3A_452 : i32 to index
        %get3A_555 = arith.constant 48 : index
        %get3A_556 = tpu.vector_load %arg19[%get3A_554, %get3A_555] {strides = array<i32>} : memref<80x128xf32, #tpu.memory_space<vmem>>, vector<16xf32>,
        %add3A_557 = arith.addf %get3A_553, %get3A_556 : vector<16xf32>
        %get3A_558 = arith.index_cast %add3A_452 : i32 to index
        %get3A_559 = arith.constant 48 : index
        %get3A_560 = tpu.vector_load %arg21[%get3A_558, %get3A_559] {strides = array<i32>} : memref<80x128xf32, #tpu.memory_space<vmem>>, vector<16xf32>,
        %add3A_561 = arith.addf %add3A_557, %get3A_560 : vector<16xf32>
        %ge3A_562 = arith.constant 0.000000e+00 : f32
        %ge3A_563 = vector.broadcast %ge3A_562 : f32 to vector<16xf32>
        %ge3A_564 = arith.cmpf oge, %add3A_561, %ge3A_563 : vector<16xf32>
        %mul3A_565 = arith.constant 2.000000e-01 : f32
        %mul3A_566 = vector.broadcast %mul3A_565 : f32 to vector<16xf32>
        %mul3A_567 = arith.mulf %add3A_561, %mul3A_566 : vector<16xf32>
        %select_n3A_568 = arith.select %ge3A_564, %add3A_561, %mul3A_567 : vector<16xi1>, vector<16xf32>
        %mul3A_569 = arith.mulf %select_n3A_568, %get3A_26 : vector<16xf32>
        %reduce_sum3A_570 = arith.constant true
        %reduce_sum3A_571 = vector.broadcast %reduce_sum3A_570 : i1 to vector<16xi1>
        %reduce_sum3A_572 = tpu.scan <sum>, %mul3A_569 masked %reduce_sum3A_571 : vector<16xf32>, vector<16xi1> -> vector<16xf32>
        %reduce_sum3A_573 = vector.extract %reduce_sum3A_572[15] : f32 from vector<16xf32>
        %broadcast_in_dim3A_574 = vector.broadcast %reduce_sum3A_573 : f32 to vector<16xf32>
        %exp3A_575 = math.exp %broadcast_in_dim3A_574 : vector<16xf32>
        %mul3A_576 = arith.mulf %exp3A_575, %get3A_553 : vector<16xf32>
        %swap3A_577 = arith.index_cast %add3A_452 : i32 to index
        %swap3A_578 = arith.constant 48 : index
        %swap3A_579 = tpu.vector_load %arg21[%swap3A_577, %swap3A_578] {strides = array<i32>} : memref<80x128xf32, #tpu.memory_space<vmem>>, vector<16xf32>,
        tpu.vector_store %arg21[%swap3A_577, %swap3A_578], %mul3A_576 {strides = array<i32>} : memref<80x128xf32, #tpu.memory_space<vmem>>, vector<16xf32>,
        %eq3A_580 = arith.constant 3 : i32
        %eq3A_581 = vector.broadcast %eq3A_580 : i32 to vector<16xi32>
        %eq3A_582 = arith.cmpi eq, %iota3A, %eq3A_581 : vector<16xi32>
        %select_n3A_583 = arith.select %eq3A_582, %exp3A_575, %select_n3A_550 : vector<16xi1>, vector<16xf32>
        %get3A_584 = arith.index_cast %add3A_452 : i32 to index
        %get3A_585 = arith.constant 64 : index
        %get3A_586 = tpu.vector_load %arg17[%get3A_584, %get3A_585] {strides = array<i32>} : memref<80x128xf32, #tpu.memory_space<vmem>>, vector<16xf32>,
        %get3A_587 = arith.index_cast %add3A_452 : i32 to index
        %get3A_588 = arith.constant 64 : index
        %get3A_589 = tpu.vector_load %arg19[%get3A_587, %get3A_588] {strides = array<i32>} : memref<80x128xf32, #tpu.memory_space<vmem>>, vector<16xf32>,
        %add3A_590 = arith.addf %get3A_586, %get3A_589 : vector<16xf32>
        %get3A_591 = arith.index_cast %add3A_452 : i32 to index
        %get3A_592 = arith.constant 64 : index
        %get3A_593 = tpu.vector_load %arg21[%get3A_591, %get3A_592] {strides = array<i32>} : memref<80x128xf32, #tpu.memory_space<vmem>>, vector<16xf32>,
        %add3A_594 = arith.addf %add3A_590, %get3A_593 : vector<16xf32>
        %ge3A_595 = arith.constant 0.000000e+00 : f32
        %ge3A_596 = vector.broadcast %ge3A_595 : f32 to vector<16xf32>
        %ge3A_597 = arith.cmpf oge, %add3A_594, %ge3A_596 : vector<16xf32>
        %mul3A_598 = arith.constant 2.000000e-01 : f32
        %mul3A_599 = vector.broadcast %mul3A_598 : f32 to vector<16xf32>
        %mul3A_600 = arith.mulf %add3A_594, %mul3A_599 : vector<16xf32>
        %select_n3A_601 = arith.select %ge3A_597, %add3A_594, %mul3A_600 : vector<16xi1>, vector<16xf32>
        %mul3A_602 = arith.mulf %select_n3A_601, %get3A_30 : vector<16xf32>
        %reduce_sum3A_603 = arith.constant true
        %reduce_sum3A_604 = vector.broadcast %reduce_sum3A_603 : i1 to vector<16xi1>
        %reduce_sum3A_605 = tpu.scan <sum>, %mul3A_602 masked %reduce_sum3A_604 : vector<16xf32>, vector<16xi1> -> vector<16xf32>
        %reduce_sum3A_606 = vector.extract %reduce_sum3A_605[15] : f32 from vector<16xf32>
        %broadcast_in_dim3A_607 = vector.broadcast %reduce_sum3A_606 : f32 to vector<16xf32>
        %exp3A_608 = math.exp %broadcast_in_dim3A_607 : vector<16xf32>
        %mul3A_609 = arith.mulf %exp3A_608, %get3A_586 : vector<16xf32>
        %swap3A_610 = arith.index_cast %add3A_452 : i32 to index
        %swap3A_611 = arith.constant 64 : index
        %swap3A_612 = tpu.vector_load %arg21[%swap3A_610, %swap3A_611] {strides = array<i32>} : memref<80x128xf32, #tpu.memory_space<vmem>>, vector<16xf32>,
        tpu.vector_store %arg21[%swap3A_610, %swap3A_611], %mul3A_609 {strides = array<i32>} : memref<80x128xf32, #tpu.memory_space<vmem>>, vector<16xf32>,
        %eq3A_613 = arith.constant 4 : i32
        %eq3A_614 = vector.broadcast %eq3A_613 : i32 to vector<16xi32>
        %eq3A_615 = arith.cmpi eq, %iota3A, %eq3A_614 : vector<16xi32>
        %select_n3A_616 = arith.select %eq3A_615, %exp3A_608, %select_n3A_583 : vector<16xi1>, vector<16xf32>
        %get3A_617 = arith.index_cast %add3A_452 : i32 to index
        %get3A_618 = arith.constant 80 : index
        %get3A_619 = tpu.vector_load %arg17[%get3A_617, %get3A_618] {strides = array<i32>} : memref<80x128xf32, #tpu.memory_space<vmem>>, vector<16xf32>,
        %get3A_620 = arith.index_cast %add3A_452 : i32 to index
        %get3A_621 = arith.constant 80 : index
        %get3A_622 = tpu.vector_load %arg19[%get3A_620, %get3A_621] {strides = array<i32>} : memref<80x128xf32, #tpu.memory_space<vmem>>, vector<16xf32>,
        %add3A_623 = arith.addf %get3A_619, %get3A_622 : vector<16xf32>
        %get3A_624 = arith.index_cast %add3A_452 : i32 to index
        %get3A_625 = arith.constant 80 : index
        %get3A_626 = tpu.vector_load %arg21[%get3A_624, %get3A_625] {strides = array<i32>} : memref<80x128xf32, #tpu.memory_space<vmem>>, vector<16xf32>,
        %add3A_627 = arith.addf %add3A_623, %get3A_626 : vector<16xf32>
        %ge3A_628 = arith.constant 0.000000e+00 : f32
        %ge3A_629 = vector.broadcast %ge3A_628 : f32 to vector<16xf32>
        %ge3A_630 = arith.cmpf oge, %add3A_627, %ge3A_629 : vector<16xf32>
        %mul3A_631 = arith.constant 2.000000e-01 : f32
        %mul3A_632 = vector.broadcast %mul3A_631 : f32 to vector<16xf32>
        %mul3A_633 = arith.mulf %add3A_627, %mul3A_632 : vector<16xf32>
        %select_n3A_634 = arith.select %ge3A_630, %add3A_627, %mul3A_633 : vector<16xi1>, vector<16xf32>
        %mul3A_635 = arith.mulf %select_n3A_634, %get3A_34 : vector<16xf32>
        %reduce_sum3A_636 = arith.constant true
        %reduce_sum3A_637 = vector.broadcast %reduce_sum3A_636 : i1 to vector<16xi1>
        %reduce_sum3A_638 = tpu.scan <sum>, %mul3A_635 masked %reduce_sum3A_637 : vector<16xf32>, vector<16xi1> -> vector<16xf32>
        %reduce_sum3A_639 = vector.extract %reduce_sum3A_638[15] : f32 from vector<16xf32>
        %broadcast_in_dim3A_640 = vector.broadcast %reduce_sum3A_639 : f32 to vector<16xf32>
        %exp3A_641 = math.exp %broadcast_in_dim3A_640 : vector<16xf32>
        %mul3A_642 = arith.mulf %exp3A_641, %get3A_619 : vector<16xf32>
        %swap3A_643 = arith.index_cast %add3A_452 : i32 to index
        %swap3A_644 = arith.constant 80 : index
        %swap3A_645 = tpu.vector_load %arg21[%swap3A_643, %swap3A_644] {strides = array<i32>} : memref<80x128xf32, #tpu.memory_space<vmem>>, vector<16xf32>,
        tpu.vector_store %arg21[%swap3A_643, %swap3A_644], %mul3A_642 {strides = array<i32>} : memref<80x128xf32, #tpu.memory_space<vmem>>, vector<16xf32>,
        %eq3A_646 = arith.constant 5 : i32
        %eq3A_647 = vector.broadcast %eq3A_646 : i32 to vector<16xi32>
        %eq3A_648 = arith.cmpi eq, %iota3A, %eq3A_647 : vector<16xi32>
        %select_n3A_649 = arith.select %eq3A_648, %exp3A_641, %select_n3A_616 : vector<16xi1>, vector<16xf32>
        %get3A_650 = arith.index_cast %add3A_452 : i32 to index
        %get3A_651 = arith.constant 96 : index
        %get3A_652 = tpu.vector_load %arg17[%get3A_650, %get3A_651] {strides = array<i32>} : memref<80x128xf32, #tpu.memory_space<vmem>>, vector<16xf32>,
        %get3A_653 = arith.index_cast %add3A_452 : i32 to index
        %get3A_654 = arith.constant 96 : index
        %get3A_655 = tpu.vector_load %arg19[%get3A_653, %get3A_654] {strides = array<i32>} : memref<80x128xf32, #tpu.memory_space<vmem>>, vector<16xf32>,
        %add3A_656 = arith.addf %get3A_652, %get3A_655 : vector<16xf32>
        %get3A_657 = arith.index_cast %add3A_452 : i32 to index
        %get3A_658 = arith.constant 96 : index
        %get3A_659 = tpu.vector_load %arg21[%get3A_657, %get3A_658] {strides = array<i32>} : memref<80x128xf32, #tpu.memory_space<vmem>>, vector<16xf32>,
        %add3A_660 = arith.addf %add3A_656, %get3A_659 : vector<16xf32>
        %ge3A_661 = arith.constant 0.000000e+00 : f32
        %ge3A_662 = vector.broadcast %ge3A_661 : f32 to vector<16xf32>
        %ge3A_663 = arith.cmpf oge, %add3A_660, %ge3A_662 : vector<16xf32>
        %mul3A_664 = arith.constant 2.000000e-01 : f32
        %mul3A_665 = vector.broadcast %mul3A_664 : f32 to vector<16xf32>
        %mul3A_666 = arith.mulf %add3A_660, %mul3A_665 : vector<16xf32>
        %select_n3A_667 = arith.select %ge3A_663, %add3A_660, %mul3A_666 : vector<16xi1>, vector<16xf32>
        %mul3A_668 = arith.mulf %select_n3A_667, %get3A_38 : vector<16xf32>
        %reduce_sum3A_669 = arith.constant true
        %reduce_sum3A_670 = vector.broadcast %reduce_sum3A_669 : i1 to vector<16xi1>
        %reduce_sum3A_671 = tpu.scan <sum>, %mul3A_668 masked %reduce_sum3A_670 : vector<16xf32>, vector<16xi1> -> vector<16xf32>
        %reduce_sum3A_672 = vector.extract %reduce_sum3A_671[15] : f32 from vector<16xf32>
        %broadcast_in_dim3A_673 = vector.broadcast %reduce_sum3A_672 : f32 to vector<16xf32>
        %exp3A_674 = math.exp %broadcast_in_dim3A_673 : vector<16xf32>
        %mul3A_675 = arith.mulf %exp3A_674, %get3A_652 : vector<16xf32>
        %swap3A_676 = arith.index_cast %add3A_452 : i32 to index
        %swap3A_677 = arith.constant 96 : index
        %swap3A_678 = tpu.vector_load %arg21[%swap3A_676, %swap3A_677] {strides = array<i32>} : memref<80x128xf32, #tpu.memory_space<vmem>>, vector<16xf32>,
        tpu.vector_store %arg21[%swap3A_676, %swap3A_677], %mul3A_675 {strides = array<i32>} : memref<80x128xf32, #tpu.memory_space<vmem>>, vector<16xf32>,
        %eq3A_679 = arith.constant 6 : i32
        %eq3A_680 = vector.broadcast %eq3A_679 : i32 to vector<16xi32>
        %eq3A_681 = arith.cmpi eq, %iota3A, %eq3A_680 : vector<16xi32>
        %select_n3A_682 = arith.select %eq3A_681, %exp3A_674, %select_n3A_649 : vector<16xi1>, vector<16xf32>
        %get3A_683 = arith.index_cast %add3A_452 : i32 to index
        %get3A_684 = arith.constant 112 : index
        %get3A_685 = tpu.vector_load %arg17[%get3A_683, %get3A_684] {strides = array<i32>} : memref<80x128xf32, #tpu.memory_space<vmem>>, vector<16xf32>,
        %get3A_686 = arith.index_cast %add3A_452 : i32 to index
        %get3A_687 = arith.constant 112 : index
        %get3A_688 = tpu.vector_load %arg19[%get3A_686, %get3A_687] {strides = array<i32>} : memref<80x128xf32, #tpu.memory_space<vmem>>, vector<16xf32>,
        %add3A_689 = arith.addf %get3A_685, %get3A_688 : vector<16xf32>
        %get3A_690 = arith.index_cast %add3A_452 : i32 to index
        %get3A_691 = arith.constant 112 : index
        %get3A_692 = tpu.vector_load %arg21[%get3A_690, %get3A_691] {strides = array<i32>} : memref<80x128xf32, #tpu.memory_space<vmem>>, vector<16xf32>,
        %add3A_693 = arith.addf %add3A_689, %get3A_692 : vector<16xf32>
        %ge3A_694 = arith.constant 0.000000e+00 : f32
        %ge3A_695 = vector.broadcast %ge3A_694 : f32 to vector<16xf32>
        %ge3A_696 = arith.cmpf oge, %add3A_693, %ge3A_695 : vector<16xf32>
        %mul3A_697 = arith.constant 2.000000e-01 : f32
        %mul3A_698 = vector.broadcast %mul3A_697 : f32 to vector<16xf32>
        %mul3A_699 = arith.mulf %add3A_693, %mul3A_698 : vector<16xf32>
        %select_n3A_700 = arith.select %ge3A_696, %add3A_693, %mul3A_699 : vector<16xi1>, vector<16xf32>
        %mul3A_701 = arith.mulf %select_n3A_700, %get3A_42 : vector<16xf32>
        %reduce_sum3A_702 = arith.constant true
        %reduce_sum3A_703 = vector.broadcast %reduce_sum3A_702 : i1 to vector<16xi1>
        %reduce_sum3A_704 = tpu.scan <sum>, %mul3A_701 masked %reduce_sum3A_703 : vector<16xf32>, vector<16xi1> -> vector<16xf32>
        %reduce_sum3A_705 = vector.extract %reduce_sum3A_704[15] : f32 from vector<16xf32>
        %broadcast_in_dim3A_706 = vector.broadcast %reduce_sum3A_705 : f32 to vector<16xf32>
        %exp3A_707 = math.exp %broadcast_in_dim3A_706 : vector<16xf32>
        %mul3A_708 = arith.mulf %exp3A_707, %get3A_685 : vector<16xf32>
        %swap3A_709 = arith.index_cast %add3A_452 : i32 to index
        %swap3A_710 = arith.constant 112 : index
        %swap3A_711 = tpu.vector_load %arg21[%swap3A_709, %swap3A_710] {strides = array<i32>} : memref<80x128xf32, #tpu.memory_space<vmem>>, vector<16xf32>,
        tpu.vector_store %arg21[%swap3A_709, %swap3A_710], %mul3A_708 {strides = array<i32>} : memref<80x128xf32, #tpu.memory_space<vmem>>, vector<16xf32>,
        %eq3A_712 = arith.constant 7 : i32
        %eq3A_713 = vector.broadcast %eq3A_712 : i32 to vector<16xi32>
        %eq3A_714 = arith.cmpi eq, %iota3A, %eq3A_713 : vector<16xi32>
        %select_n3A_715 = arith.select %eq3A_714, %exp3A_707, %select_n3A_682 : vector<16xi1>, vector<16xf32>
        %mul3A_716 = arith.constant 16 : i32
        %mul3A_717 = arith.muli %add3A_452, %mul3A_716 : i32
        %swap3A_718 = arith.index_cast %mul3A_717 : i32 to index
        %swap3A_719 = tpu.vector_load %arg23[%swap3A_718] {strides = array<i32>} : memref<1280xf32, #tpu.memory_space<vmem>>, vector<16xf32>,
        tpu.vector_store %arg23[%swap3A_718], %select_n3A_715 {strides = array<i32>} : memref<1280xf32, #tpu.memory_space<vmem>>, vector<16xf32>,
      }
      %scan3A_198 = arith.constant 80 : i32
      %get3A_199 = arith.constant 0 : index
      %get3A_200 = tpu.vector_load %arg13[%get3A_199] {strides = array<i32>} : memref<80xi32, #tpu.memory_space<vmem>>, vector<16xi32>,
      %sub3A = vector.broadcast %mul3A_2 : i32 to vector<16xi32>
      %sub3A_201 = arith.subi %get3A_200, %sub3A : vector<16xi32>
      %ge3A_202 = arith.constant 0 : i32
      %ge3A_203 = vector.broadcast %ge3A_202 : i32 to vector<16xi32>
      %ge3A_204 = arith.cmpi sge, %sub3A_201, %ge3A_203 : vector<16xi32>
      %lt3A_205 = arith.constant 5120 : i32
      %lt3A_206 = vector.broadcast %lt3A_205 : i32 to vector<16xi32>
      %lt3A_207 = arith.cmpi slt, %sub3A_201, %lt3A_206 : vector<16xi32>
      %and3A = arith.andi %ge3A_204, %lt3A_207 : vector<16xi1>
      %jit3A = arith.constant 5120 : i32
      %broadcast_in_dim3A = vector.broadcast %jit3A : i32 to vector<16xi32>
      %select_n3A = arith.select %and3A, %sub3A_201, %broadcast_in_dim3A : vector<16xi1>, vector<16xi32>
      %swap3A = arith.constant 0 : index
      %swap3A_208 = tpu.vector_load %arg15[%swap3A] {strides = array<i32>} : memref<80xi32, #tpu.memory_space<vmem>>, vector<16xi32>,
      tpu.vector_store %arg15[%swap3A], %select_n3A {strides = array<i32>} : memref<80xi32, #tpu.memory_space<vmem>>, vector<16xi32>,
      %get3A_209 = arith.constant 16 : index
      %get3A_210 = tpu.vector_load %arg13[%get3A_209] {strides = array<i32>} : memref<80xi32, #tpu.memory_space<vmem>>, vector<16xi32>,
      %sub3A_211 = vector.broadcast %mul3A_2 : i32 to vector<16xi32>
      %sub3A_212 = arith.subi %get3A_210, %sub3A_211 : vector<16xi32>
      %ge3A_213 = arith.constant 0 : i32
      %ge3A_214 = vector.broadcast %ge3A_213 : i32 to vector<16xi32>
      %ge3A_215 = arith.cmpi sge, %sub3A_212, %ge3A_214 : vector<16xi32>
      %lt3A_216 = arith.constant 5120 : i32
      %lt3A_217 = vector.broadcast %lt3A_216 : i32 to vector<16xi32>
      %lt3A_218 = arith.cmpi slt, %sub3A_212, %lt3A_217 : vector<16xi32>
      %and3A_219 = arith.andi %ge3A_215, %lt3A_218 : vector<16xi1>
      %jit3A_220 = arith.constant 5120 : i32
      %broadcast_in_dim3A_221 = vector.broadcast %jit3A_220 : i32 to vector<16xi32>
      %select_n3A_222 = arith.select %and3A_219, %sub3A_212, %broadcast_in_dim3A_221 : vector<16xi1>, vector<16xi32>
      %swap3A_223 = arith.constant 16 : index
      %swap3A_224 = tpu.vector_load %arg15[%swap3A_223] {strides = array<i32>} : memref<80xi32, #tpu.memory_space<vmem>>, vector<16xi32>,
      tpu.vector_store %arg15[%swap3A_223], %select_n3A_222 {strides = array<i32>} : memref<80xi32, #tpu.memory_space<vmem>>, vector<16xi32>,
      %get3A_225 = arith.constant 32 : index
      %get3A_226 = tpu.vector_load %arg13[%get3A_225] {strides = array<i32>} : memref<80xi32, #tpu.memory_space<vmem>>, vector<16xi32>,
      %sub3A_227 = vector.broadcast %mul3A_2 : i32 to vector<16xi32>
      %sub3A_228 = arith.subi %get3A_226, %sub3A_227 : vector<16xi32>
      %ge3A_229 = arith.constant 0 : i32
      %ge3A_230 = vector.broadcast %ge3A_229 : i32 to vector<16xi32>
      %ge3A_231 = arith.cmpi sge, %sub3A_228, %ge3A_230 : vector<16xi32>
      %lt3A_232 = arith.constant 5120 : i32
      %lt3A_233 = vector.broadcast %lt3A_232 : i32 to vector<16xi32>
      %lt3A_234 = arith.cmpi slt, %sub3A_228, %lt3A_233 : vector<16xi32>
      %and3A_235 = arith.andi %ge3A_231, %lt3A_234 : vector<16xi1>
      %jit3A_236 = arith.constant 5120 : i32
      %broadcast_in_dim3A_237 = vector.broadcast %jit3A_236 : i32 to vector<16xi32>
      %select_n3A_238 = arith.select %and3A_235, %sub3A_228, %broadcast_in_dim3A_237 : vector<16xi1>, vector<16xi32>
      %swap3A_239 = arith.constant 32 : index
      %swap3A_240 = tpu.vector_load %arg15[%swap3A_239] {strides = array<i32>} : memref<80xi32, #tpu.memory_space<vmem>>, vector<16xi32>,
      tpu.vector_store %arg15[%swap3A_239], %select_n3A_238 {strides = array<i32>} : memref<80xi32, #tpu.memory_space<vmem>>, vector<16xi32>,
      %get3A_241 = arith.constant 48 : index
      %get3A_242 = tpu.vector_load %arg13[%get3A_241] {strides = array<i32>} : memref<80xi32, #tpu.memory_space<vmem>>, vector<16xi32>,
      %sub3A_243 = vector.broadcast %mul3A_2 : i32 to vector<16xi32>
      %sub3A_244 = arith.subi %get3A_242, %sub3A_243 : vector<16xi32>
      %ge3A_245 = arith.constant 0 : i32
      %ge3A_246 = vector.broadcast %ge3A_245 : i32 to vector<16xi32>
      %ge3A_247 = arith.cmpi sge, %sub3A_244, %ge3A_246 : vector<16xi32>
      %lt3A_248 = arith.constant 5120 : i32
      %lt3A_249 = vector.broadcast %lt3A_248 : i32 to vector<16xi32>
      %lt3A_250 = arith.cmpi slt, %sub3A_244, %lt3A_249 : vector<16xi32>
      %and3A_251 = arith.andi %ge3A_247, %lt3A_250 : vector<16xi1>
      %jit3A_252 = arith.constant 5120 : i32
      %broadcast_in_dim3A_253 = vector.broadcast %jit3A_252 : i32 to vector<16xi32>
      %select_n3A_254 = arith.select %and3A_251, %sub3A_244, %broadcast_in_dim3A_253 : vector<16xi1>, vector<16xi32>
      %swap3A_255 = arith.constant 48 : index
      %swap3A_256 = tpu.vector_load %arg15[%swap3A_255] {strides = array<i32>} : memref<80xi32, #tpu.memory_space<vmem>>, vector<16xi32>,
      tpu.vector_store %arg15[%swap3A_255], %select_n3A_254 {strides = array<i32>} : memref<80xi32, #tpu.memory_space<vmem>>, vector<16xi32>,
      %get3A_257 = arith.constant 64 : index
      %get3A_258 = tpu.vector_load %arg13[%get3A_257] {strides = array<i32>} : memref<80xi32, #tpu.memory_space<vmem>>, vector<16xi32>,
      %sub3A_259 = vector.broadcast %mul3A_2 : i32 to vector<16xi32>
      %sub3A_260 = arith.subi %get3A_258, %sub3A_259 : vector<16xi32>
      %ge3A_261 = arith.constant 0 : i32
      %ge3A_262 = vector.broadcast %ge3A_261 : i32 to vector<16xi32>
      %ge3A_263 = arith.cmpi sge, %sub3A_260, %ge3A_262 : vector<16xi32>
      %lt3A_264 = arith.constant 5120 : i32
      %lt3A_265 = vector.broadcast %lt3A_264 : i32 to vector<16xi32>
      %lt3A_266 = arith.cmpi slt, %sub3A_260, %lt3A_265 : vector<16xi32>
      %and3A_267 = arith.andi %ge3A_263, %lt3A_266 : vector<16xi1>
      %jit3A_268 = arith.constant 5120 : i32
      %broadcast_in_dim3A_269 = vector.broadcast %jit3A_268 : i32 to vector<16xi32>
      %select_n3A_270 = arith.select %and3A_267, %sub3A_260, %broadcast_in_dim3A_269 : vector<16xi1>, vector<16xi32>
      %swap3A_271 = arith.constant 64 : index
      %swap3A_272 = tpu.vector_load %arg15[%swap3A_271] {strides = array<i32>} : memref<80xi32, #tpu.memory_space<vmem>>, vector<16xi32>,
      tpu.vector_store %arg15[%swap3A_271], %select_n3A_270 {strides = array<i32>} : memref<80xi32, #tpu.memory_space<vmem>>, vector<16xi32>,
      %dma_start3A_273 = arith.constant 0 : i32
      %dma_start3A_274 = arith.constant 0 : i32
      %dma_start3A_275 = tpu.memref_slice %arg27[%dma_start3A_273, %dma_start3A_274] : memref<5128x128xf32, #tpu.memory_space<vmem_shared>> -> memref<5128x128xf32, #tpu.memory_space<vmem_shared>>
      tpu.enqueue_indirect_dma source(%arg21 : memref<80x128xf32, #tpu.memory_space<vmem>>) target(%dma_start3A_275 : memref<5128x128xf32, #tpu.memory_space<vmem_shared>>) offsets(%arg15 : memref<80xi32, #tpu.memory_space<vmem>>) semaphore(%arg32 : memref<!tpu.dma_semaphore, #tpu.memory_space<semaphore_mem>>) {add = true}
      %mul3A_276 = arith.constant 20000 : i32
      %mul3A_277 = arith.muli %arg1, %mul3A_276 : i32
      %mul3A_278 = arith.constant 80 : i32
      %mul3A_279 = arith.muli %add3A_169, %mul3A_278 : i32
      %add3A_280 = arith.addi %mul3A_277, %mul3A_279 : i32
      %mul3A_281 = arith.constant 16 : i32
      %mul3A_282 = arith.muli %add3A_280, %mul3A_281 : i32
      %dma_start3A_283 = tpu.memref_slice %arg10[%mul3A_282] : memref<5120000xf32, #tpu.memory_space<hbm>> -> memref<1280xf32, #tpu.memory_space<hbm>>
      %dma_start3A_284 = tpu.memref_slice %arg10[%mul3A_282] : memref<5120000xf32, #tpu.memory_space<hbm>> -> memref<1280xf32, #tpu.memory_space<hbm>>
      tpu.enqueue_dma source(%arg23 : memref<1280xf32, #tpu.memory_space<vmem>>) target(%dma_start3A_284 : memref<1280xf32, #tpu.memory_space<hbm>>) target_semaphore(%arg36 : memref<!tpu.dma_semaphore, #tpu.memory_space<semaphore_mem>>)
      %add3A_285 = arith.constant 2 : i32
      %add3A_286 = arith.addi %add3A_169, %add3A_285 : i32
      %lt3A_287 = arith.constant 250 : i32
      %lt3A_288 = arith.cmpi slt, %add3A_286, %lt3A_287 : i32
      %convert_element_type3A_289 = arith.extui %lt3A_288 : i1 to i32
      %cond3A_290 = arith.constant 0 : i32
      %cond3A_291 = arith.cmpi ne, %convert_element_type3A_289, %cond3A_290 : i32
      scf.if %cond3A_291 {
        %add3A_448 = arith.constant 2 : i32
        %add3A_449 = arith.addi %add3A_169, %add3A_448 : i32
        %mul3A_450 = arith.constant 20000 : i32
        %mul3A_451 = arith.muli %arg1, %mul3A_450 : i32
        %mul3A_452 = arith.constant 80 : i32
        %mul3A_453 = arith.muli %add3A_449, %mul3A_452 : i32
        %add3A_454 = arith.addi %mul3A_451, %mul3A_453 : i32
        %dma_start3A_455 = tpu.memref_slice %arg5[%add3A_454] : memref<320000xi32, #tpu.memory_space<hbm>> -> memref<80xi32, #tpu.memory_space<hbm>>
        %dma_start3A_456 = tpu.memref_slice %arg5[%add3A_454] : memref<320000xi32, #tpu.memory_space<hbm>> -> memref<80xi32, #tpu.memory_space<hbm>>
        tpu.enqueue_dma source(%dma_start3A_456 : memref<80xi32, #tpu.memory_space<hbm>>) target(%arg11 : memref<80xi32, #tpu.memory_space<vmem>>) target_semaphore(%arg28 : memref<!tpu.dma_semaphore, #tpu.memory_space<semaphore_mem>>)
        %mul3A_457 = arith.constant 20000 : i32
        %mul3A_458 = arith.muli %arg1, %mul3A_457 : i32
        %mul3A_459 = arith.constant 80 : i32
        %mul3A_460 = arith.muli %add3A_449, %mul3A_459 : i32
        %add3A_461 = arith.addi %mul3A_458, %mul3A_460 : i32
        %dma_start3A_462 = tpu.memref_slice %arg6[%add3A_461] : memref<320000xi32, #tpu.memory_space<hbm>> -> memref<80xi32, #tpu.memory_space<hbm>>
        %dma_start3A_463 = tpu.memref_slice %arg6[%add3A_461] : memref<320000xi32, #tpu.memory_space<hbm>> -> memref<80xi32, #tpu.memory_space<hbm>>
        tpu.enqueue_dma source(%dma_start3A_463 : memref<80xi32, #tpu.memory_space<hbm>>) target(%arg13 : memref<80xi32, #tpu.memory_space<vmem>>) target_semaphore(%arg28 : memref<!tpu.dma_semaphore, #tpu.memory_space<semaphore_mem>>)
      } else {
      }
      %add3A_292 = arith.constant 1 : i32
      %add3A_293 = arith.addi %add3A_169, %add3A_292 : i32
      %lt3A_294 = arith.constant 250 : i32
      %lt3A_295 = arith.cmpi slt, %add3A_293, %lt3A_294 : i32
      %convert_element_type3A_296 = arith.extui %lt3A_295 : i1 to i32
      %cond3A_297 = arith.constant 0 : i32
      %cond3A_298 = arith.cmpi ne, %convert_element_type3A_296, %cond3A_297 : i32
      scf.if %cond3A_298 {
        %dma_wait3A_448 = arith.constant 0 : i32
        %dma_wait3A_449 = arith.constant 0 : i32
        %dma_wait3A_450 = tpu.memref_slice %arg2[%dma_wait3A_448, %dma_wait3A_449] : memref<10000x128xf32, #tpu.memory_space<hbm>> -> memref<10000x128xf32, #tpu.memory_space<hbm>>
        tpu.wait_indirect_dma semaphore(%arg31 : memref<!tpu.dma_semaphore, #tpu.memory_space<semaphore_mem>>) src(%dma_wait3A_450 : memref<10000x128xf32, #tpu.memory_space<hbm>>) dst(%arg18 : memref<80x128xf32, #tpu.memory_space<vmem>>)
        %dma_wait3A_451 = arith.constant 0 : i32
        %dma_wait3A_452 = arith.constant 0 : i32
        %dma_wait3A_453 = tpu.memref_slice %arg3[%dma_wait3A_451, %dma_wait3A_452] : memref<10000x128xf32, #tpu.memory_space<hbm>> -> memref<10000x128xf32, #tpu.memory_space<hbm>>
        tpu.wait_indirect_dma semaphore(%arg31 : memref<!tpu.dma_semaphore, #tpu.memory_space<semaphore_mem>>) src(%dma_wait3A_453 : memref<10000x128xf32, #tpu.memory_space<hbm>>) dst(%arg20 : memref<80x128xf32, #tpu.memory_space<vmem>>)
      } else {
      }
      %dma_wait3A_299 = arith.constant 0 : i32
      %dma_wait3A_300 = arith.constant 0 : i32
      %dma_wait3A_301 = tpu.memref_slice %arg27[%dma_wait3A_299, %dma_wait3A_300] : memref<5128x128xf32, #tpu.memory_space<vmem_shared>> -> memref<5128x128xf32, #tpu.memory_space<vmem_shared>>
      tpu.wait_indirect_dma semaphore(%arg32 : memref<!tpu.dma_semaphore, #tpu.memory_space<semaphore_mem>>) src(%arg21 : memref<80x128xf32, #tpu.memory_space<vmem>>) dst(%dma_wait3A_301 : memref<5128x128xf32, #tpu.memory_space<vmem_shared>>)
      %mul3A_302 = arith.constant 2 : i32
      %mul3A_303 = arith.muli %mul3A_302, %add3A_165 : i32
      %add3A_304 = arith.constant 1 : i32
      %add3A_305 = arith.addi %mul3A_303, %add3A_304 : i32
      %ge3A_306 = arith.constant 1 : i32
      %ge3A_307 = arith.cmpi sge, %add3A_305, %ge3A_306 : i32
      %convert_element_type3A_308 = arith.extui %ge3A_307 : i1 to i32
      %cond3A_309 = arith.constant 0 : i32
      %cond3A_310 = arith.cmpi ne, %convert_element_type3A_308, %cond3A_309 : i32
      scf.if %cond3A_310 {
        %sub3A_448 = arith.constant 1 : i32
        %sub3A_449 = arith.subi %add3A_305, %sub3A_448 : i32
        %mul3A_450 = arith.constant 20000 : i32
        %mul3A_451 = arith.muli %arg1, %mul3A_450 : i32
        %mul3A_452 = arith.constant 80 : i32
        %mul3A_453 = arith.muli %sub3A_449, %mul3A_452 : i32
        %add3A_454 = arith.addi %mul3A_451, %mul3A_453 : i32
        %mul3A_455 = arith.constant 16 : i32
        %mul3A_456 = arith.muli %add3A_454, %mul3A_455 : i32
        %dma_wait3A_457 = tpu.memref_slice %arg10[%mul3A_456] : memref<5120000xf32, #tpu.memory_space<hbm>> -> memref<1280xf32, #tpu.memory_space<hbm>>
        %dma_wait3A_458 = tpu.memref_slice %arg10[%mul3A_456] : memref<5120000xf32, #tpu.memory_space<hbm>> -> memref<1280xf32, #tpu.memory_space<hbm>>
        tpu.wait_dma2 semaphore(%arg36 : memref<!tpu.dma_semaphore, #tpu.memory_space<semaphore_mem>>) src(%arg23 : memref<1280xf32, #tpu.memory_space<vmem>>) dst(%dma_wait3A_458 : memref<1280xf32, #tpu.memory_space<hbm>>)
      } else {
      }
      %add3A_311 = arith.constant 1 : i32
      %add3A_312 = arith.addi %add3A_305, %add3A_311 : i32
      %lt3A_313 = arith.constant 250 : i32
      %lt3A_314 = arith.cmpi slt, %add3A_312, %lt3A_313 : i32
      %convert_element_type3A_315 = arith.extui %lt3A_314 : i1 to i32
      %cond3A_316 = arith.constant 0 : i32
      %cond3A_317 = arith.cmpi ne, %convert_element_type3A_315, %cond3A_316 : i32
      scf.if %cond3A_317 {
        %add3A_448 = arith.constant 1 : i32
        %add3A_449 = arith.addi %add3A_305, %add3A_448 : i32
        %mul3A_450 = arith.constant 20000 : i32
        %mul3A_451 = arith.muli %arg1, %mul3A_450 : i32
        %mul3A_452 = arith.constant 80 : i32
        %mul3A_453 = arith.muli %add3A_449, %mul3A_452 : i32
        %add3A_454 = arith.addi %mul3A_451, %mul3A_453 : i32
        %dma_wait3A_455 = tpu.memref_slice %arg5[%add3A_454] : memref<320000xi32, #tpu.memory_space<hbm>> -> memref<80xi32, #tpu.memory_space<hbm>>
        %dma_wait3A_456 = tpu.memref_slice %arg5[%add3A_454] : memref<320000xi32, #tpu.memory_space<hbm>> -> memref<80xi32, #tpu.memory_space<hbm>>
        tpu.wait_dma2 semaphore(%arg28 : memref<!tpu.dma_semaphore, #tpu.memory_space<semaphore_mem>>) src(%dma_wait3A_456 : memref<80xi32, #tpu.memory_space<hbm>>) dst(%arg11 : memref<80xi32, #tpu.memory_space<vmem>>)
        %mul3A_457 = arith.constant 20000 : i32
        %mul3A_458 = arith.muli %arg1, %mul3A_457 : i32
        %mul3A_459 = arith.constant 80 : i32
        %mul3A_460 = arith.muli %add3A_449, %mul3A_459 : i32
        %add3A_461 = arith.addi %mul3A_458, %mul3A_460 : i32
        %dma_wait3A_462 = tpu.memref_slice %arg6[%add3A_461] : memref<320000xi32, #tpu.memory_space<hbm>> -> memref<80xi32, #tpu.memory_space<hbm>>
        %dma_wait3A_463 = tpu.memref_slice %arg6[%add3A_461] : memref<320000xi32, #tpu.memory_space<hbm>> -> memref<80xi32, #tpu.memory_space<hbm>>
        tpu.wait_dma2 semaphore(%arg28 : memref<!tpu.dma_semaphore, #tpu.memory_space<semaphore_mem>>) src(%dma_wait3A_463 : memref<80xi32, #tpu.memory_space<hbm>>) dst(%arg13 : memref<80xi32, #tpu.memory_space<vmem>>)
      } else {
      }
      %add3A_318 = arith.constant 1 : i32
      %add3A_319 = arith.addi %add3A_305, %add3A_318 : i32
      %lt3A_320 = arith.constant 250 : i32
      %lt3A_321 = arith.cmpi slt, %add3A_319, %lt3A_320 : i32
      %convert_element_type3A_322 = arith.extui %lt3A_321 : i1 to i32
      %cond3A_323 = arith.constant 0 : i32
      %cond3A_324 = arith.cmpi ne, %convert_element_type3A_322, %cond3A_323 : i32
      scf.if %cond3A_324 {
        %add3A_448 = arith.constant 1 : i32
        %add3A_449 = arith.addi %add3A_305, %add3A_448 : i32
        %dma_start3A_450 = arith.constant 0 : i32
        %dma_start3A_451 = arith.constant 0 : i32
        %dma_start3A_452 = tpu.memref_slice %arg2[%dma_start3A_450, %dma_start3A_451] : memref<10000x128xf32, #tpu.memory_space<hbm>> -> memref<10000x128xf32, #tpu.memory_space<hbm>>
        tpu.enqueue_indirect_dma source(%dma_start3A_452 : memref<10000x128xf32, #tpu.memory_space<hbm>>) target(%arg17 : memref<80x128xf32, #tpu.memory_space<vmem>>) offsets(%arg11 : memref<80xi32, #tpu.memory_space<vmem>>) semaphore(%arg30 : memref<!tpu.dma_semaphore, #tpu.memory_space<semaphore_mem>>)
        %dma_start3A_453 = arith.constant 0 : i32
        %dma_start3A_454 = arith.constant 0 : i32
        %dma_start3A_455 = tpu.memref_slice %arg3[%dma_start3A_453, %dma_start3A_454] : memref<10000x128xf32, #tpu.memory_space<hbm>> -> memref<10000x128xf32, #tpu.memory_space<hbm>>
        tpu.enqueue_indirect_dma source(%dma_start3A_455 : memref<10000x128xf32, #tpu.memory_space<hbm>>) target(%arg19 : memref<80x128xf32, #tpu.memory_space<vmem>>) offsets(%arg13 : memref<80xi32, #tpu.memory_space<vmem>>) semaphore(%arg30 : memref<!tpu.dma_semaphore, #tpu.memory_space<semaphore_mem>>)
        %add3A_456 = arith.constant 1 : i32
        %add3A_457 = arith.addi %add3A_305, %add3A_456 : i32
        %mul3A_458 = arith.constant 20000 : i32
        %mul3A_459 = arith.muli %arg1, %mul3A_458 : i32
        %mul3A_460 = arith.constant 80 : i32
        %mul3A_461 = arith.muli %add3A_457, %mul3A_460 : i32
        %add3A_462 = arith.addi %mul3A_459, %mul3A_461 : i32
        %dma_start3A_463 = arith.constant 0 : i32
        %dma_start3A_464 = tpu.memref_slice %arg4[%add3A_462, %dma_start3A_463] : memref<320000x128xf32, #tpu.memory_space<hbm>> -> memref<80x128xf32, #tpu.memory_space<hbm>>
        %dma_start3A_465 = arith.constant 0 : i32
        %dma_start3A_466 = tpu.memref_slice %arg4[%add3A_462, %dma_start3A_465] : memref<320000x128xf32, #tpu.memory_space<hbm>> -> memref<80x128xf32, #tpu.memory_space<hbm>>
        tpu.enqueue_dma source(%dma_start3A_466 : memref<80x128xf32, #tpu.memory_space<hbm>>) target(%arg21 : memref<80x128xf32, #tpu.memory_space<vmem>>) target_semaphore(%arg34 : memref<!tpu.dma_semaphore, #tpu.memory_space<semaphore_mem>>)
      } else {
      }
      %mul3A_325 = arith.constant 20000 : i32
      %mul3A_326 = arith.muli %arg1, %mul3A_325 : i32
      %mul3A_327 = arith.constant 80 : i32
      %mul3A_328 = arith.muli %add3A_305, %mul3A_327 : i32
      %add3A_329 = arith.addi %mul3A_326, %mul3A_328 : i32
      %dma_wait3A_330 = arith.constant 0 : i32
      %dma_wait3A_331 = tpu.memref_slice %arg4[%add3A_329, %dma_wait3A_330] : memref<320000x128xf32, #tpu.memory_space<hbm>> -> memref<80x128xf32, #tpu.memory_space<hbm>>
      %dma_wait3A_332 = arith.constant 0 : i32
      %dma_wait3A_333 = tpu.memref_slice %arg4[%add3A_329, %dma_wait3A_332] : memref<320000x128xf32, #tpu.memory_space<hbm>> -> memref<80x128xf32, #tpu.memory_space<hbm>>
      tpu.wait_dma2 semaphore(%arg35 : memref<!tpu.dma_semaphore, #tpu.memory_space<semaphore_mem>>) src(%dma_wait3A_333 : memref<80x128xf32, #tpu.memory_space<hbm>>) dst(%arg22 : memref<80x128xf32, #tpu.memory_space<vmem>>)
      %scan3A_334 = arith.constant 0 : i32
      %scan3A_335 = arith.constant 80 : i32
      %scan3A_336 = arith.addi %scan3A_334, %scan3A_335 : i32
      %scan3A_337 = arith.constant 1 : i32
      scf.for %scan3A_448 = %scan3A_334 to %scan3A_336 step %scan3A_337  : i32 {
        %mul3A_449 = arith.constant 1 : i32
        %mul3A_450 = arith.muli %scan3A_448, %mul3A_449 : i32
        %add3A_451 = arith.constant 0 : i32
        %add3A_452 = arith.addi %add3A_451, %mul3A_450 : i32
        %broadcast_in_dim3A_453 = arith.constant 0.000000e+00 : f32
        %broadcast_in_dim3A_454 = vector.broadcast %broadcast_in_dim3A_453 : f32 to vector<16xf32>
        %get3A_455 = arith.index_cast %add3A_452 : i32 to index
        %get3A_456 = arith.constant 0 : index
        %get3A_457 = tpu.vector_load %arg18[%get3A_455, %get3A_456] {strides = array<i32>} : memref<80x128xf32, #tpu.memory_space<vmem>>, vector<16xf32>,
        %get3A_458 = arith.index_cast %add3A_452 : i32 to index
        %get3A_459 = arith.constant 0 : index
        %get3A_460 = tpu.vector_load %arg20[%get3A_458, %get3A_459] {strides = array<i32>} : memref<80x128xf32, #tpu.memory_space<vmem>>, vector<16xf32>,
        %add3A_461 = arith.addf %get3A_457, %get3A_460 : vector<16xf32>
        %get3A_462 = arith.index_cast %add3A_452 : i32 to index
        %get3A_463 = arith.constant 0 : index
        %get3A_464 = tpu.vector_load %arg22[%get3A_462, %get3A_463] {strides = array<i32>} : memref<80x128xf32, #tpu.memory_space<vmem>>, vector<16xf32>,
        %add3A_465 = arith.addf %add3A_461, %get3A_464 : vector<16xf32>
        %ge3A_466 = arith.constant 0.000000e+00 : f32
        %ge3A_467 = vector.broadcast %ge3A_466 : f32 to vector<16xf32>
        %ge3A_468 = arith.cmpf oge, %add3A_465, %ge3A_467 : vector<16xf32>
        %mul3A_469 = arith.constant 2.000000e-01 : f32
        %mul3A_470 = vector.broadcast %mul3A_469 : f32 to vector<16xf32>
        %mul3A_471 = arith.mulf %add3A_465, %mul3A_470 : vector<16xf32>
        %select_n3A_472 = arith.select %ge3A_468, %add3A_465, %mul3A_471 : vector<16xi1>, vector<16xf32>
        %mul3A_473 = arith.mulf %select_n3A_472, %get3A_14 : vector<16xf32>
        %reduce_sum3A = arith.constant true
        %reduce_sum3A_474 = vector.broadcast %reduce_sum3A : i1 to vector<16xi1>
        %reduce_sum3A_475 = tpu.scan <sum>, %mul3A_473 masked %reduce_sum3A_474 : vector<16xf32>, vector<16xi1> -> vector<16xf32>
        %reduce_sum3A_476 = vector.extract %reduce_sum3A_475[15] : f32 from vector<16xf32>
        %broadcast_in_dim3A_477 = vector.broadcast %reduce_sum3A_476 : f32 to vector<16xf32>
        %exp3A = math.exp %broadcast_in_dim3A_477 : vector<16xf32>
        %mul3A_478 = arith.mulf %exp3A, %get3A_457 : vector<16xf32>
        %swap3A_479 = arith.index_cast %add3A_452 : i32 to index
        %swap3A_480 = arith.constant 0 : index
        %swap3A_481 = tpu.vector_load %arg22[%swap3A_479, %swap3A_480] {strides = array<i32>} : memref<80x128xf32, #tpu.memory_space<vmem>>, vector<16xf32>,
        tpu.vector_store %arg22[%swap3A_479, %swap3A_480], %mul3A_478 {strides = array<i32>} : memref<80x128xf32, #tpu.memory_space<vmem>>, vector<16xf32>,
        %eq3A = arith.constant 0 : i32
        %eq3A_482 = vector.broadcast %eq3A : i32 to vector<16xi32>
        %eq3A_483 = arith.cmpi eq, %iota3A, %eq3A_482 : vector<16xi32>
        %select_n3A_484 = arith.select %eq3A_483, %exp3A, %broadcast_in_dim3A_454 : vector<16xi1>, vector<16xf32>
        %get3A_485 = arith.index_cast %add3A_452 : i32 to index
        %get3A_486 = arith.constant 16 : index
        %get3A_487 = tpu.vector_load %arg18[%get3A_485, %get3A_486] {strides = array<i32>} : memref<80x128xf32, #tpu.memory_space<vmem>>, vector<16xf32>,
        %get3A_488 = arith.index_cast %add3A_452 : i32 to index
        %get3A_489 = arith.constant 16 : index
        %get3A_490 = tpu.vector_load %arg20[%get3A_488, %get3A_489] {strides = array<i32>} : memref<80x128xf32, #tpu.memory_space<vmem>>, vector<16xf32>,
        %add3A_491 = arith.addf %get3A_487, %get3A_490 : vector<16xf32>
        %get3A_492 = arith.index_cast %add3A_452 : i32 to index
        %get3A_493 = arith.constant 16 : index
        %get3A_494 = tpu.vector_load %arg22[%get3A_492, %get3A_493] {strides = array<i32>} : memref<80x128xf32, #tpu.memory_space<vmem>>, vector<16xf32>,
        %add3A_495 = arith.addf %add3A_491, %get3A_494 : vector<16xf32>
        %ge3A_496 = arith.constant 0.000000e+00 : f32
        %ge3A_497 = vector.broadcast %ge3A_496 : f32 to vector<16xf32>
        %ge3A_498 = arith.cmpf oge, %add3A_495, %ge3A_497 : vector<16xf32>
        %mul3A_499 = arith.constant 2.000000e-01 : f32
        %mul3A_500 = vector.broadcast %mul3A_499 : f32 to vector<16xf32>
        %mul3A_501 = arith.mulf %add3A_495, %mul3A_500 : vector<16xf32>
        %select_n3A_502 = arith.select %ge3A_498, %add3A_495, %mul3A_501 : vector<16xi1>, vector<16xf32>
        %mul3A_503 = arith.mulf %select_n3A_502, %get3A_18 : vector<16xf32>
        %reduce_sum3A_504 = arith.constant true
        %reduce_sum3A_505 = vector.broadcast %reduce_sum3A_504 : i1 to vector<16xi1>
        %reduce_sum3A_506 = tpu.scan <sum>, %mul3A_503 masked %reduce_sum3A_505 : vector<16xf32>, vector<16xi1> -> vector<16xf32>
        %reduce_sum3A_507 = vector.extract %reduce_sum3A_506[15] : f32 from vector<16xf32>
        %broadcast_in_dim3A_508 = vector.broadcast %reduce_sum3A_507 : f32 to vector<16xf32>
        %exp3A_509 = math.exp %broadcast_in_dim3A_508 : vector<16xf32>
        %mul3A_510 = arith.mulf %exp3A_509, %get3A_487 : vector<16xf32>
        %swap3A_511 = arith.index_cast %add3A_452 : i32 to index
        %swap3A_512 = arith.constant 16 : index
        %swap3A_513 = tpu.vector_load %arg22[%swap3A_511, %swap3A_512] {strides = array<i32>} : memref<80x128xf32, #tpu.memory_space<vmem>>, vector<16xf32>,
        tpu.vector_store %arg22[%swap3A_511, %swap3A_512], %mul3A_510 {strides = array<i32>} : memref<80x128xf32, #tpu.memory_space<vmem>>, vector<16xf32>,
        %eq3A_514 = arith.constant 1 : i32
        %eq3A_515 = vector.broadcast %eq3A_514 : i32 to vector<16xi32>
        %eq3A_516 = arith.cmpi eq, %iota3A, %eq3A_515 : vector<16xi32>
        %select_n3A_517 = arith.select %eq3A_516, %exp3A_509, %select_n3A_484 : vector<16xi1>, vector<16xf32>
        %get3A_518 = arith.index_cast %add3A_452 : i32 to index
        %get3A_519 = arith.constant 32 : index
        %get3A_520 = tpu.vector_load %arg18[%get3A_518, %get3A_519] {strides = array<i32>} : memref<80x128xf32, #tpu.memory_space<vmem>>, vector<16xf32>,
        %get3A_521 = arith.index_cast %add3A_452 : i32 to index
        %get3A_522 = arith.constant 32 : index
        %get3A_523 = tpu.vector_load %arg20[%get3A_521, %get3A_522] {strides = array<i32>} : memref<80x128xf32, #tpu.memory_space<vmem>>, vector<16xf32>,
        %add3A_524 = arith.addf %get3A_520, %get3A_523 : vector<16xf32>
        %get3A_525 = arith.index_cast %add3A_452 : i32 to index
        %get3A_526 = arith.constant 32 : index
        %get3A_527 = tpu.vector_load %arg22[%get3A_525, %get3A_526] {strides = array<i32>} : memref<80x128xf32, #tpu.memory_space<vmem>>, vector<16xf32>,
        %add3A_528 = arith.addf %add3A_524, %get3A_527 : vector<16xf32>
        %ge3A_529 = arith.constant 0.000000e+00 : f32
        %ge3A_530 = vector.broadcast %ge3A_529 : f32 to vector<16xf32>
        %ge3A_531 = arith.cmpf oge, %add3A_528, %ge3A_530 : vector<16xf32>
        %mul3A_532 = arith.constant 2.000000e-01 : f32
        %mul3A_533 = vector.broadcast %mul3A_532 : f32 to vector<16xf32>
        %mul3A_534 = arith.mulf %add3A_528, %mul3A_533 : vector<16xf32>
        %select_n3A_535 = arith.select %ge3A_531, %add3A_528, %mul3A_534 : vector<16xi1>, vector<16xf32>
        %mul3A_536 = arith.mulf %select_n3A_535, %get3A_22 : vector<16xf32>
        %reduce_sum3A_537 = arith.constant true
        %reduce_sum3A_538 = vector.broadcast %reduce_sum3A_537 : i1 to vector<16xi1>
        %reduce_sum3A_539 = tpu.scan <sum>, %mul3A_536 masked %reduce_sum3A_538 : vector<16xf32>, vector<16xi1> -> vector<16xf32>
        %reduce_sum3A_540 = vector.extract %reduce_sum3A_539[15] : f32 from vector<16xf32>
        %broadcast_in_dim3A_541 = vector.broadcast %reduce_sum3A_540 : f32 to vector<16xf32>
        %exp3A_542 = math.exp %broadcast_in_dim3A_541 : vector<16xf32>
        %mul3A_543 = arith.mulf %exp3A_542, %get3A_520 : vector<16xf32>
        %swap3A_544 = arith.index_cast %add3A_452 : i32 to index
        %swap3A_545 = arith.constant 32 : index
        %swap3A_546 = tpu.vector_load %arg22[%swap3A_544, %swap3A_545] {strides = array<i32>} : memref<80x128xf32, #tpu.memory_space<vmem>>, vector<16xf32>,
        tpu.vector_store %arg22[%swap3A_544, %swap3A_545], %mul3A_543 {strides = array<i32>} : memref<80x128xf32, #tpu.memory_space<vmem>>, vector<16xf32>,
        %eq3A_547 = arith.constant 2 : i32
        %eq3A_548 = vector.broadcast %eq3A_547 : i32 to vector<16xi32>
        %eq3A_549 = arith.cmpi eq, %iota3A, %eq3A_548 : vector<16xi32>
        %select_n3A_550 = arith.select %eq3A_549, %exp3A_542, %select_n3A_517 : vector<16xi1>, vector<16xf32>
        %get3A_551 = arith.index_cast %add3A_452 : i32 to index
        %get3A_552 = arith.constant 48 : index
        %get3A_553 = tpu.vector_load %arg18[%get3A_551, %get3A_552] {strides = array<i32>} : memref<80x128xf32, #tpu.memory_space<vmem>>, vector<16xf32>,
        %get3A_554 = arith.index_cast %add3A_452 : i32 to index
        %get3A_555 = arith.constant 48 : index
        %get3A_556 = tpu.vector_load %arg20[%get3A_554, %get3A_555] {strides = array<i32>} : memref<80x128xf32, #tpu.memory_space<vmem>>, vector<16xf32>,
        %add3A_557 = arith.addf %get3A_553, %get3A_556 : vector<16xf32>
        %get3A_558 = arith.index_cast %add3A_452 : i32 to index
        %get3A_559 = arith.constant 48 : index
        %get3A_560 = tpu.vector_load %arg22[%get3A_558, %get3A_559] {strides = array<i32>} : memref<80x128xf32, #tpu.memory_space<vmem>>, vector<16xf32>,
        %add3A_561 = arith.addf %add3A_557, %get3A_560 : vector<16xf32>
        %ge3A_562 = arith.constant 0.000000e+00 : f32
        %ge3A_563 = vector.broadcast %ge3A_562 : f32 to vector<16xf32>
        %ge3A_564 = arith.cmpf oge, %add3A_561, %ge3A_563 : vector<16xf32>
        %mul3A_565 = arith.constant 2.000000e-01 : f32
        %mul3A_566 = vector.broadcast %mul3A_565 : f32 to vector<16xf32>
        %mul3A_567 = arith.mulf %add3A_561, %mul3A_566 : vector<16xf32>
        %select_n3A_568 = arith.select %ge3A_564, %add3A_561, %mul3A_567 : vector<16xi1>, vector<16xf32>
        %mul3A_569 = arith.mulf %select_n3A_568, %get3A_26 : vector<16xf32>
        %reduce_sum3A_570 = arith.constant true
        %reduce_sum3A_571 = vector.broadcast %reduce_sum3A_570 : i1 to vector<16xi1>
        %reduce_sum3A_572 = tpu.scan <sum>, %mul3A_569 masked %reduce_sum3A_571 : vector<16xf32>, vector<16xi1> -> vector<16xf32>
        %reduce_sum3A_573 = vector.extract %reduce_sum3A_572[15] : f32 from vector<16xf32>
        %broadcast_in_dim3A_574 = vector.broadcast %reduce_sum3A_573 : f32 to vector<16xf32>
        %exp3A_575 = math.exp %broadcast_in_dim3A_574 : vector<16xf32>
        %mul3A_576 = arith.mulf %exp3A_575, %get3A_553 : vector<16xf32>
        %swap3A_577 = arith.index_cast %add3A_452 : i32 to index
        %swap3A_578 = arith.constant 48 : index
        %swap3A_579 = tpu.vector_load %arg22[%swap3A_577, %swap3A_578] {strides = array<i32>} : memref<80x128xf32, #tpu.memory_space<vmem>>, vector<16xf32>,
        tpu.vector_store %arg22[%swap3A_577, %swap3A_578], %mul3A_576 {strides = array<i32>} : memref<80x128xf32, #tpu.memory_space<vmem>>, vector<16xf32>,
        %eq3A_580 = arith.constant 3 : i32
        %eq3A_581 = vector.broadcast %eq3A_580 : i32 to vector<16xi32>
        %eq3A_582 = arith.cmpi eq, %iota3A, %eq3A_581 : vector<16xi32>
        %select_n3A_583 = arith.select %eq3A_582, %exp3A_575, %select_n3A_550 : vector<16xi1>, vector<16xf32>
        %get3A_584 = arith.index_cast %add3A_452 : i32 to index
        %get3A_585 = arith.constant 64 : index
        %get3A_586 = tpu.vector_load %arg18[%get3A_584, %get3A_585] {strides = array<i32>} : memref<80x128xf32, #tpu.memory_space<vmem>>, vector<16xf32>,
        %get3A_587 = arith.index_cast %add3A_452 : i32 to index
        %get3A_588 = arith.constant 64 : index
        %get3A_589 = tpu.vector_load %arg20[%get3A_587, %get3A_588] {strides = array<i32>} : memref<80x128xf32, #tpu.memory_space<vmem>>, vector<16xf32>,
        %add3A_590 = arith.addf %get3A_586, %get3A_589 : vector<16xf32>
        %get3A_591 = arith.index_cast %add3A_452 : i32 to index
        %get3A_592 = arith.constant 64 : index
        %get3A_593 = tpu.vector_load %arg22[%get3A_591, %get3A_592] {strides = array<i32>} : memref<80x128xf32, #tpu.memory_space<vmem>>, vector<16xf32>,
        %add3A_594 = arith.addf %add3A_590, %get3A_593 : vector<16xf32>
        %ge3A_595 = arith.constant 0.000000e+00 : f32
        %ge3A_596 = vector.broadcast %ge3A_595 : f32 to vector<16xf32>
        %ge3A_597 = arith.cmpf oge, %add3A_594, %ge3A_596 : vector<16xf32>
        %mul3A_598 = arith.constant 2.000000e-01 : f32
        %mul3A_599 = vector.broadcast %mul3A_598 : f32 to vector<16xf32>
        %mul3A_600 = arith.mulf %add3A_594, %mul3A_599 : vector<16xf32>
        %select_n3A_601 = arith.select %ge3A_597, %add3A_594, %mul3A_600 : vector<16xi1>, vector<16xf32>
        %mul3A_602 = arith.mulf %select_n3A_601, %get3A_30 : vector<16xf32>
        %reduce_sum3A_603 = arith.constant true
        %reduce_sum3A_604 = vector.broadcast %reduce_sum3A_603 : i1 to vector<16xi1>
        %reduce_sum3A_605 = tpu.scan <sum>, %mul3A_602 masked %reduce_sum3A_604 : vector<16xf32>, vector<16xi1> -> vector<16xf32>
        %reduce_sum3A_606 = vector.extract %reduce_sum3A_605[15] : f32 from vector<16xf32>
        %broadcast_in_dim3A_607 = vector.broadcast %reduce_sum3A_606 : f32 to vector<16xf32>
        %exp3A_608 = math.exp %broadcast_in_dim3A_607 : vector<16xf32>
        %mul3A_609 = arith.mulf %exp3A_608, %get3A_586 : vector<16xf32>
        %swap3A_610 = arith.index_cast %add3A_452 : i32 to index
        %swap3A_611 = arith.constant 64 : index
        %swap3A_612 = tpu.vector_load %arg22[%swap3A_610, %swap3A_611] {strides = array<i32>} : memref<80x128xf32, #tpu.memory_space<vmem>>, vector<16xf32>,
        tpu.vector_store %arg22[%swap3A_610, %swap3A_611], %mul3A_609 {strides = array<i32>} : memref<80x128xf32, #tpu.memory_space<vmem>>, vector<16xf32>,
        %eq3A_613 = arith.constant 4 : i32
        %eq3A_614 = vector.broadcast %eq3A_613 : i32 to vector<16xi32>
        %eq3A_615 = arith.cmpi eq, %iota3A, %eq3A_614 : vector<16xi32>
        %select_n3A_616 = arith.select %eq3A_615, %exp3A_608, %select_n3A_583 : vector<16xi1>, vector<16xf32>
        %get3A_617 = arith.index_cast %add3A_452 : i32 to index
        %get3A_618 = arith.constant 80 : index
        %get3A_619 = tpu.vector_load %arg18[%get3A_617, %get3A_618] {strides = array<i32>} : memref<80x128xf32, #tpu.memory_space<vmem>>, vector<16xf32>,
        %get3A_620 = arith.index_cast %add3A_452 : i32 to index
        %get3A_621 = arith.constant 80 : index
        %get3A_622 = tpu.vector_load %arg20[%get3A_620, %get3A_621] {strides = array<i32>} : memref<80x128xf32, #tpu.memory_space<vmem>>, vector<16xf32>,
        %add3A_623 = arith.addf %get3A_619, %get3A_622 : vector<16xf32>
        %get3A_624 = arith.index_cast %add3A_452 : i32 to index
        %get3A_625 = arith.constant 80 : index
        %get3A_626 = tpu.vector_load %arg22[%get3A_624, %get3A_625] {strides = array<i32>} : memref<80x128xf32, #tpu.memory_space<vmem>>, vector<16xf32>,
        %add3A_627 = arith.addf %add3A_623, %get3A_626 : vector<16xf32>
        %ge3A_628 = arith.constant 0.000000e+00 : f32
        %ge3A_629 = vector.broadcast %ge3A_628 : f32 to vector<16xf32>
        %ge3A_630 = arith.cmpf oge, %add3A_627, %ge3A_629 : vector<16xf32>
        %mul3A_631 = arith.constant 2.000000e-01 : f32
        %mul3A_632 = vector.broadcast %mul3A_631 : f32 to vector<16xf32>
        %mul3A_633 = arith.mulf %add3A_627, %mul3A_632 : vector<16xf32>
        %select_n3A_634 = arith.select %ge3A_630, %add3A_627, %mul3A_633 : vector<16xi1>, vector<16xf32>
        %mul3A_635 = arith.mulf %select_n3A_634, %get3A_34 : vector<16xf32>
        %reduce_sum3A_636 = arith.constant true
        %reduce_sum3A_637 = vector.broadcast %reduce_sum3A_636 : i1 to vector<16xi1>
        %reduce_sum3A_638 = tpu.scan <sum>, %mul3A_635 masked %reduce_sum3A_637 : vector<16xf32>, vector<16xi1> -> vector<16xf32>
        %reduce_sum3A_639 = vector.extract %reduce_sum3A_638[15] : f32 from vector<16xf32>
        %broadcast_in_dim3A_640 = vector.broadcast %reduce_sum3A_639 : f32 to vector<16xf32>
        %exp3A_641 = math.exp %broadcast_in_dim3A_640 : vector<16xf32>
        %mul3A_642 = arith.mulf %exp3A_641, %get3A_619 : vector<16xf32>
        %swap3A_643 = arith.index_cast %add3A_452 : i32 to index
        %swap3A_644 = arith.constant 80 : index
        %swap3A_645 = tpu.vector_load %arg22[%swap3A_643, %swap3A_644] {strides = array<i32>} : memref<80x128xf32, #tpu.memory_space<vmem>>, vector<16xf32>,
        tpu.vector_store %arg22[%swap3A_643, %swap3A_644], %mul3A_642 {strides = array<i32>} : memref<80x128xf32, #tpu.memory_space<vmem>>, vector<16xf32>,
        %eq3A_646 = arith.constant 5 : i32
        %eq3A_647 = vector.broadcast %eq3A_646 : i32 to vector<16xi32>
        %eq3A_648 = arith.cmpi eq, %iota3A, %eq3A_647 : vector<16xi32>
        %select_n3A_649 = arith.select %eq3A_648, %exp3A_641, %select_n3A_616 : vector<16xi1>, vector<16xf32>
        %get3A_650 = arith.index_cast %add3A_452 : i32 to index
        %get3A_651 = arith.constant 96 : index
        %get3A_652 = tpu.vector_load %arg18[%get3A_650, %get3A_651] {strides = array<i32>} : memref<80x128xf32, #tpu.memory_space<vmem>>, vector<16xf32>,
        %get3A_653 = arith.index_cast %add3A_452 : i32 to index
        %get3A_654 = arith.constant 96 : index
        %get3A_655 = tpu.vector_load %arg20[%get3A_653, %get3A_654] {strides = array<i32>} : memref<80x128xf32, #tpu.memory_space<vmem>>, vector<16xf32>,
        %add3A_656 = arith.addf %get3A_652, %get3A_655 : vector<16xf32>
        %get3A_657 = arith.index_cast %add3A_452 : i32 to index
        %get3A_658 = arith.constant 96 : index
        %get3A_659 = tpu.vector_load %arg22[%get3A_657, %get3A_658] {strides = array<i32>} : memref<80x128xf32, #tpu.memory_space<vmem>>, vector<16xf32>,
        %add3A_660 = arith.addf %add3A_656, %get3A_659 : vector<16xf32>
        %ge3A_661 = arith.constant 0.000000e+00 : f32
        %ge3A_662 = vector.broadcast %ge3A_661 : f32 to vector<16xf32>
        %ge3A_663 = arith.cmpf oge, %add3A_660, %ge3A_662 : vector<16xf32>
        %mul3A_664 = arith.constant 2.000000e-01 : f32
        %mul3A_665 = vector.broadcast %mul3A_664 : f32 to vector<16xf32>
        %mul3A_666 = arith.mulf %add3A_660, %mul3A_665 : vector<16xf32>
        %select_n3A_667 = arith.select %ge3A_663, %add3A_660, %mul3A_666 : vector<16xi1>, vector<16xf32>
        %mul3A_668 = arith.mulf %select_n3A_667, %get3A_38 : vector<16xf32>
        %reduce_sum3A_669 = arith.constant true
        %reduce_sum3A_670 = vector.broadcast %reduce_sum3A_669 : i1 to vector<16xi1>
        %reduce_sum3A_671 = tpu.scan <sum>, %mul3A_668 masked %reduce_sum3A_670 : vector<16xf32>, vector<16xi1> -> vector<16xf32>
        %reduce_sum3A_672 = vector.extract %reduce_sum3A_671[15] : f32 from vector<16xf32>
        %broadcast_in_dim3A_673 = vector.broadcast %reduce_sum3A_672 : f32 to vector<16xf32>
        %exp3A_674 = math.exp %broadcast_in_dim3A_673 : vector<16xf32>
        %mul3A_675 = arith.mulf %exp3A_674, %get3A_652 : vector<16xf32>
        %swap3A_676 = arith.index_cast %add3A_452 : i32 to index
        %swap3A_677 = arith.constant 96 : index
        %swap3A_678 = tpu.vector_load %arg22[%swap3A_676, %swap3A_677] {strides = array<i32>} : memref<80x128xf32, #tpu.memory_space<vmem>>, vector<16xf32>,
        tpu.vector_store %arg22[%swap3A_676, %swap3A_677], %mul3A_675 {strides = array<i32>} : memref<80x128xf32, #tpu.memory_space<vmem>>, vector<16xf32>,
        %eq3A_679 = arith.constant 6 : i32
        %eq3A_680 = vector.broadcast %eq3A_679 : i32 to vector<16xi32>
        %eq3A_681 = arith.cmpi eq, %iota3A, %eq3A_680 : vector<16xi32>
        %select_n3A_682 = arith.select %eq3A_681, %exp3A_674, %select_n3A_649 : vector<16xi1>, vector<16xf32>
        %get3A_683 = arith.index_cast %add3A_452 : i32 to index
        %get3A_684 = arith.constant 112 : index
        %get3A_685 = tpu.vector_load %arg18[%get3A_683, %get3A_684] {strides = array<i32>} : memref<80x128xf32, #tpu.memory_space<vmem>>, vector<16xf32>,
        %get3A_686 = arith.index_cast %add3A_452 : i32 to index
        %get3A_687 = arith.constant 112 : index
        %get3A_688 = tpu.vector_load %arg20[%get3A_686, %get3A_687] {strides = array<i32>} : memref<80x128xf32, #tpu.memory_space<vmem>>, vector<16xf32>,
        %add3A_689 = arith.addf %get3A_685, %get3A_688 : vector<16xf32>
        %get3A_690 = arith.index_cast %add3A_452 : i32 to index
        %get3A_691 = arith.constant 112 : index
        %get3A_692 = tpu.vector_load %arg22[%get3A_690, %get3A_691] {strides = array<i32>} : memref<80x128xf32, #tpu.memory_space<vmem>>, vector<16xf32>,
        %add3A_693 = arith.addf %add3A_689, %get3A_692 : vector<16xf32>
        %ge3A_694 = arith.constant 0.000000e+00 : f32
        %ge3A_695 = vector.broadcast %ge3A_694 : f32 to vector<16xf32>
        %ge3A_696 = arith.cmpf oge, %add3A_693, %ge3A_695 : vector<16xf32>
        %mul3A_697 = arith.constant 2.000000e-01 : f32
        %mul3A_698 = vector.broadcast %mul3A_697 : f32 to vector<16xf32>
        %mul3A_699 = arith.mulf %add3A_693, %mul3A_698 : vector<16xf32>
        %select_n3A_700 = arith.select %ge3A_696, %add3A_693, %mul3A_699 : vector<16xi1>, vector<16xf32>
        %mul3A_701 = arith.mulf %select_n3A_700, %get3A_42 : vector<16xf32>
        %reduce_sum3A_702 = arith.constant true
        %reduce_sum3A_703 = vector.broadcast %reduce_sum3A_702 : i1 to vector<16xi1>
        %reduce_sum3A_704 = tpu.scan <sum>, %mul3A_701 masked %reduce_sum3A_703 : vector<16xf32>, vector<16xi1> -> vector<16xf32>
        %reduce_sum3A_705 = vector.extract %reduce_sum3A_704[15] : f32 from vector<16xf32>
        %broadcast_in_dim3A_706 = vector.broadcast %reduce_sum3A_705 : f32 to vector<16xf32>
        %exp3A_707 = math.exp %broadcast_in_dim3A_706 : vector<16xf32>
        %mul3A_708 = arith.mulf %exp3A_707, %get3A_685 : vector<16xf32>
        %swap3A_709 = arith.index_cast %add3A_452 : i32 to index
        %swap3A_710 = arith.constant 112 : index
        %swap3A_711 = tpu.vector_load %arg22[%swap3A_709, %swap3A_710] {strides = array<i32>} : memref<80x128xf32, #tpu.memory_space<vmem>>, vector<16xf32>,
        tpu.vector_store %arg22[%swap3A_709, %swap3A_710], %mul3A_708 {strides = array<i32>} : memref<80x128xf32, #tpu.memory_space<vmem>>, vector<16xf32>,
        %eq3A_712 = arith.constant 7 : i32
        %eq3A_713 = vector.broadcast %eq3A_712 : i32 to vector<16xi32>
        %eq3A_714 = arith.cmpi eq, %iota3A, %eq3A_713 : vector<16xi32>
        %select_n3A_715 = arith.select %eq3A_714, %exp3A_707, %select_n3A_682 : vector<16xi1>, vector<16xf32>
        %mul3A_716 = arith.constant 16 : i32
        %mul3A_717 = arith.muli %add3A_452, %mul3A_716 : i32
        %swap3A_718 = arith.index_cast %mul3A_717 : i32 to index
        %swap3A_719 = tpu.vector_load %arg24[%swap3A_718] {strides = array<i32>} : memref<1280xf32, #tpu.memory_space<vmem>>, vector<16xf32>,
        tpu.vector_store %arg24[%swap3A_718], %select_n3A_715 {strides = array<i32>} : memref<1280xf32, #tpu.memory_space<vmem>>, vector<16xf32>,
      }
      %scan3A_338 = arith.constant 80 : i32
      %get3A_339 = arith.constant 0 : index
      %get3A_340 = tpu.vector_load %arg14[%get3A_339] {strides = array<i32>} : memref<80xi32, #tpu.memory_space<vmem>>, vector<16xi32>,
      %sub3A_341 = vector.broadcast %mul3A_2 : i32 to vector<16xi32>
      %sub3A_342 = arith.subi %get3A_340, %sub3A_341 : vector<16xi32>
      %ge3A_343 = arith.constant 0 : i32
      %ge3A_344 = vector.broadcast %ge3A_343 : i32 to vector<16xi32>
      %ge3A_345 = arith.cmpi sge, %sub3A_342, %ge3A_344 : vector<16xi32>
      %lt3A_346 = arith.constant 5120 : i32
      %lt3A_347 = vector.broadcast %lt3A_346 : i32 to vector<16xi32>
      %lt3A_348 = arith.cmpi slt, %sub3A_342, %lt3A_347 : vector<16xi32>
      %and3A_349 = arith.andi %ge3A_345, %lt3A_348 : vector<16xi1>
      %jit3A_350 = arith.constant 5120 : i32
      %broadcast_in_dim3A_351 = vector.broadcast %jit3A_350 : i32 to vector<16xi32>
      %select_n3A_352 = arith.select %and3A_349, %sub3A_342, %broadcast_in_dim3A_351 : vector<16xi1>, vector<16xi32>
      %swap3A_353 = arith.constant 0 : index
      %swap3A_354 = tpu.vector_load %arg16[%swap3A_353] {strides = array<i32>} : memref<80xi32, #tpu.memory_space<vmem>>, vector<16xi32>,
      tpu.vector_store %arg16[%swap3A_353], %select_n3A_352 {strides = array<i32>} : memref<80xi32, #tpu.memory_space<vmem>>, vector<16xi32>,
      %get3A_355 = arith.constant 16 : index
      %get3A_356 = tpu.vector_load %arg14[%get3A_355] {strides = array<i32>} : memref<80xi32, #tpu.memory_space<vmem>>, vector<16xi32>,
      %sub3A_357 = vector.broadcast %mul3A_2 : i32 to vector<16xi32>
      %sub3A_358 = arith.subi %get3A_356, %sub3A_357 : vector<16xi32>
      %ge3A_359 = arith.constant 0 : i32
      %ge3A_360 = vector.broadcast %ge3A_359 : i32 to vector<16xi32>
      %ge3A_361 = arith.cmpi sge, %sub3A_358, %ge3A_360 : vector<16xi32>
      %lt3A_362 = arith.constant 5120 : i32
      %lt3A_363 = vector.broadcast %lt3A_362 : i32 to vector<16xi32>
      %lt3A_364 = arith.cmpi slt, %sub3A_358, %lt3A_363 : vector<16xi32>
      %and3A_365 = arith.andi %ge3A_361, %lt3A_364 : vector<16xi1>
      %jit3A_366 = arith.constant 5120 : i32
      %broadcast_in_dim3A_367 = vector.broadcast %jit3A_366 : i32 to vector<16xi32>
      %select_n3A_368 = arith.select %and3A_365, %sub3A_358, %broadcast_in_dim3A_367 : vector<16xi1>, vector<16xi32>
      %swap3A_369 = arith.constant 16 : index
      %swap3A_370 = tpu.vector_load %arg16[%swap3A_369] {strides = array<i32>} : memref<80xi32, #tpu.memory_space<vmem>>, vector<16xi32>,
      tpu.vector_store %arg16[%swap3A_369], %select_n3A_368 {strides = array<i32>} : memref<80xi32, #tpu.memory_space<vmem>>, vector<16xi32>,
      %get3A_371 = arith.constant 32 : index
      %get3A_372 = tpu.vector_load %arg14[%get3A_371] {strides = array<i32>} : memref<80xi32, #tpu.memory_space<vmem>>, vector<16xi32>,
      %sub3A_373 = vector.broadcast %mul3A_2 : i32 to vector<16xi32>
      %sub3A_374 = arith.subi %get3A_372, %sub3A_373 : vector<16xi32>
      %ge3A_375 = arith.constant 0 : i32
      %ge3A_376 = vector.broadcast %ge3A_375 : i32 to vector<16xi32>
      %ge3A_377 = arith.cmpi sge, %sub3A_374, %ge3A_376 : vector<16xi32>
      %lt3A_378 = arith.constant 5120 : i32
      %lt3A_379 = vector.broadcast %lt3A_378 : i32 to vector<16xi32>
      %lt3A_380 = arith.cmpi slt, %sub3A_374, %lt3A_379 : vector<16xi32>
      %and3A_381 = arith.andi %ge3A_377, %lt3A_380 : vector<16xi1>
      %jit3A_382 = arith.constant 5120 : i32
      %broadcast_in_dim3A_383 = vector.broadcast %jit3A_382 : i32 to vector<16xi32>
      %select_n3A_384 = arith.select %and3A_381, %sub3A_374, %broadcast_in_dim3A_383 : vector<16xi1>, vector<16xi32>
      %swap3A_385 = arith.constant 32 : index
      %swap3A_386 = tpu.vector_load %arg16[%swap3A_385] {strides = array<i32>} : memref<80xi32, #tpu.memory_space<vmem>>, vector<16xi32>,
      tpu.vector_store %arg16[%swap3A_385], %select_n3A_384 {strides = array<i32>} : memref<80xi32, #tpu.memory_space<vmem>>, vector<16xi32>,
      %get3A_387 = arith.constant 48 : index
      %get3A_388 = tpu.vector_load %arg14[%get3A_387] {strides = array<i32>} : memref<80xi32, #tpu.memory_space<vmem>>, vector<16xi32>,
      %sub3A_389 = vector.broadcast %mul3A_2 : i32 to vector<16xi32>
      %sub3A_390 = arith.subi %get3A_388, %sub3A_389 : vector<16xi32>
      %ge3A_391 = arith.constant 0 : i32
      %ge3A_392 = vector.broadcast %ge3A_391 : i32 to vector<16xi32>
      %ge3A_393 = arith.cmpi sge, %sub3A_390, %ge3A_392 : vector<16xi32>
      %lt3A_394 = arith.constant 5120 : i32
      %lt3A_395 = vector.broadcast %lt3A_394 : i32 to vector<16xi32>
      %lt3A_396 = arith.cmpi slt, %sub3A_390, %lt3A_395 : vector<16xi32>
      %and3A_397 = arith.andi %ge3A_393, %lt3A_396 : vector<16xi1>
      %jit3A_398 = arith.constant 5120 : i32
      %broadcast_in_dim3A_399 = vector.broadcast %jit3A_398 : i32 to vector<16xi32>
      %select_n3A_400 = arith.select %and3A_397, %sub3A_390, %broadcast_in_dim3A_399 : vector<16xi1>, vector<16xi32>
      %swap3A_401 = arith.constant 48 : index
      %swap3A_402 = tpu.vector_load %arg16[%swap3A_401] {strides = array<i32>} : memref<80xi32, #tpu.memory_space<vmem>>, vector<16xi32>,
      tpu.vector_store %arg16[%swap3A_401], %select_n3A_400 {strides = array<i32>} : memref<80xi32, #tpu.memory_space<vmem>>, vector<16xi32>,
      %get3A_403 = arith.constant 64 : index
      %get3A_404 = tpu.vector_load %arg14[%get3A_403] {strides = array<i32>} : memref<80xi32, #tpu.memory_space<vmem>>, vector<16xi32>,
      %sub3A_405 = vector.broadcast %mul3A_2 : i32 to vector<16xi32>
      %sub3A_406 = arith.subi %get3A_404, %sub3A_405 : vector<16xi32>
      %ge3A_407 = arith.constant 0 : i32
      %ge3A_408 = vector.broadcast %ge3A_407 : i32 to vector<16xi32>
      %ge3A_409 = arith.cmpi sge, %sub3A_406, %ge3A_408 : vector<16xi32>
      %lt3A_410 = arith.constant 5120 : i32
      %lt3A_411 = vector.broadcast %lt3A_410 : i32 to vector<16xi32>
      %lt3A_412 = arith.cmpi slt, %sub3A_406, %lt3A_411 : vector<16xi32>
      %and3A_413 = arith.andi %ge3A_409, %lt3A_412 : vector<16xi1>
      %jit3A_414 = arith.constant 5120 : i32
      %broadcast_in_dim3A_415 = vector.broadcast %jit3A_414 : i32 to vector<16xi32>
      %select_n3A_416 = arith.select %and3A_413, %sub3A_406, %broadcast_in_dim3A_415 : vector<16xi1>, vector<16xi32>
      %swap3A_417 = arith.constant 64 : index
      %swap3A_418 = tpu.vector_load %arg16[%swap3A_417] {strides = array<i32>} : memref<80xi32, #tpu.memory_space<vmem>>, vector<16xi32>,
      tpu.vector_store %arg16[%swap3A_417], %select_n3A_416 {strides = array<i32>} : memref<80xi32, #tpu.memory_space<vmem>>, vector<16xi32>,
      %dma_start3A_419 = arith.constant 0 : i32
      %dma_start3A_420 = arith.constant 0 : i32
      %dma_start3A_421 = tpu.memref_slice %arg27[%dma_start3A_419, %dma_start3A_420] : memref<5128x128xf32, #tpu.memory_space<vmem_shared>> -> memref<5128x128xf32, #tpu.memory_space<vmem_shared>>
      tpu.enqueue_indirect_dma source(%arg22 : memref<80x128xf32, #tpu.memory_space<vmem>>) target(%dma_start3A_421 : memref<5128x128xf32, #tpu.memory_space<vmem_shared>>) offsets(%arg16 : memref<80xi32, #tpu.memory_space<vmem>>) semaphore(%arg33 : memref<!tpu.dma_semaphore, #tpu.memory_space<semaphore_mem>>) {add = true}
      %mul3A_422 = arith.constant 20000 : i32
      %mul3A_423 = arith.muli %arg1, %mul3A_422 : i32
      %mul3A_424 = arith.constant 80 : i32
      %mul3A_425 = arith.muli %add3A_305, %mul3A_424 : i32
      %add3A_426 = arith.addi %mul3A_423, %mul3A_425 : i32
      %mul3A_427 = arith.constant 16 : i32
      %mul3A_428 = arith.muli %add3A_426, %mul3A_427 : i32
      %dma_start3A_429 = tpu.memref_slice %arg10[%mul3A_428] : memref<5120000xf32, #tpu.memory_space<hbm>> -> memref<1280xf32, #tpu.memory_space<hbm>>
      %dma_start3A_430 = tpu.memref_slice %arg10[%mul3A_428] : memref<5120000xf32, #tpu.memory_space<hbm>> -> memref<1280xf32, #tpu.memory_space<hbm>>
      tpu.enqueue_dma source(%arg24 : memref<1280xf32, #tpu.memory_space<vmem>>) target(%dma_start3A_430 : memref<1280xf32, #tpu.memory_space<hbm>>) target_semaphore(%arg37 : memref<!tpu.dma_semaphore, #tpu.memory_space<semaphore_mem>>)
      %add3A_431 = arith.constant 2 : i32
      %add3A_432 = arith.addi %add3A_305, %add3A_431 : i32
      %lt3A_433 = arith.constant 250 : i32
      %lt3A_434 = arith.cmpi slt, %add3A_432, %lt3A_433 : i32
      %convert_element_type3A_435 = arith.extui %lt3A_434 : i1 to i32
      %cond3A_436 = arith.constant 0 : i32
      %cond3A_437 = arith.cmpi ne, %convert_element_type3A_435, %cond3A_436 : i32
      scf.if %cond3A_437 {
        %add3A_448 = arith.constant 2 : i32
        %add3A_449 = arith.addi %add3A_305, %add3A_448 : i32
        %mul3A_450 = arith.constant 20000 : i32
        %mul3A_451 = arith.muli %arg1, %mul3A_450 : i32
        %mul3A_452 = arith.constant 80 : i32
        %mul3A_453 = arith.muli %add3A_449, %mul3A_452 : i32
        %add3A_454 = arith.addi %mul3A_451, %mul3A_453 : i32
        %dma_start3A_455 = tpu.memref_slice %arg5[%add3A_454] : memref<320000xi32, #tpu.memory_space<hbm>> -> memref<80xi32, #tpu.memory_space<hbm>>
        %dma_start3A_456 = tpu.memref_slice %arg5[%add3A_454] : memref<320000xi32, #tpu.memory_space<hbm>> -> memref<80xi32, #tpu.memory_space<hbm>>
        tpu.enqueue_dma source(%dma_start3A_456 : memref<80xi32, #tpu.memory_space<hbm>>) target(%arg12 : memref<80xi32, #tpu.memory_space<vmem>>) target_semaphore(%arg29 : memref<!tpu.dma_semaphore, #tpu.memory_space<semaphore_mem>>)
        %mul3A_457 = arith.constant 20000 : i32
        %mul3A_458 = arith.muli %arg1, %mul3A_457 : i32
        %mul3A_459 = arith.constant 80 : i32
        %mul3A_460 = arith.muli %add3A_449, %mul3A_459 : i32
        %add3A_461 = arith.addi %mul3A_458, %mul3A_460 : i32
        %dma_start3A_462 = tpu.memref_slice %arg6[%add3A_461] : memref<320000xi32, #tpu.memory_space<hbm>> -> memref<80xi32, #tpu.memory_space<hbm>>
        %dma_start3A_463 = tpu.memref_slice %arg6[%add3A_461] : memref<320000xi32, #tpu.memory_space<hbm>> -> memref<80xi32, #tpu.memory_space<hbm>>
        tpu.enqueue_dma source(%dma_start3A_463 : memref<80xi32, #tpu.memory_space<hbm>>) target(%arg14 : memref<80xi32, #tpu.memory_space<vmem>>) target_semaphore(%arg29 : memref<!tpu.dma_semaphore, #tpu.memory_space<semaphore_mem>>)
      } else {
      }
      %add3A_438 = arith.constant 1 : i32
      %add3A_439 = arith.addi %add3A_305, %add3A_438 : i32
      %lt3A_440 = arith.constant 250 : i32
      %lt3A_441 = arith.cmpi slt, %add3A_439, %lt3A_440 : i32
      %convert_element_type3A_442 = arith.extui %lt3A_441 : i1 to i32
      %cond3A_443 = arith.constant 0 : i32
      %cond3A_444 = arith.cmpi ne, %convert_element_type3A_442, %cond3A_443 : i32
      scf.if %cond3A_444 {
        %dma_wait3A_448 = arith.constant 0 : i32
        %dma_wait3A_449 = arith.constant 0 : i32
        %dma_wait3A_450 = tpu.memref_slice %arg2[%dma_wait3A_448, %dma_wait3A_449] : memref<10000x128xf32, #tpu.memory_space<hbm>> -> memref<10000x128xf32, #tpu.memory_space<hbm>>
        tpu.wait_indirect_dma semaphore(%arg30 : memref<!tpu.dma_semaphore, #tpu.memory_space<semaphore_mem>>) src(%dma_wait3A_450 : memref<10000x128xf32, #tpu.memory_space<hbm>>) dst(%arg17 : memref<80x128xf32, #tpu.memory_space<vmem>>)
        %dma_wait3A_451 = arith.constant 0 : i32
        %dma_wait3A_452 = arith.constant 0 : i32
        %dma_wait3A_453 = tpu.memref_slice %arg3[%dma_wait3A_451, %dma_wait3A_452] : memref<10000x128xf32, #tpu.memory_space<hbm>> -> memref<10000x128xf32, #tpu.memory_space<hbm>>
        tpu.wait_indirect_dma semaphore(%arg30 : memref<!tpu.dma_semaphore, #tpu.memory_space<semaphore_mem>>) src(%dma_wait3A_453 : memref<10000x128xf32, #tpu.memory_space<hbm>>) dst(%arg19 : memref<80x128xf32, #tpu.memory_space<vmem>>)
      } else {
      }
      %dma_wait3A_445 = arith.constant 0 : i32
      %dma_wait3A_446 = arith.constant 0 : i32
      %dma_wait3A_447 = tpu.memref_slice %arg27[%dma_wait3A_445, %dma_wait3A_446] : memref<5128x128xf32, #tpu.memory_space<vmem_shared>> -> memref<5128x128xf32, #tpu.memory_space<vmem_shared>>
      tpu.wait_indirect_dma semaphore(%arg33 : memref<!tpu.dma_semaphore, #tpu.memory_space<semaphore_mem>>) src(%arg22 : memref<80x128xf32, #tpu.memory_space<vmem>>) dst(%dma_wait3A_447 : memref<5128x128xf32, #tpu.memory_space<vmem_shared>>)
    }
    %scan3A_100 = arith.constant 125 : i32
    %mul3A_101 = arith.constant 20000 : i32
    %mul3A_102 = arith.muli %arg1, %mul3A_101 : i32
    %add3A_103 = arith.constant 19920 : i32
    %add3A_104 = arith.addi %mul3A_102, %add3A_103 : i32
    %mul3A_105 = arith.constant 16 : i32
    %mul3A_106 = arith.muli %add3A_104, %mul3A_105 : i32
    %dma_wait3A_107 = tpu.memref_slice %arg10[%mul3A_106] : memref<5120000xf32, #tpu.memory_space<hbm>> -> memref<1280xf32, #tpu.memory_space<hbm>>
    %dma_wait3A_108 = tpu.memref_slice %arg10[%mul3A_106] : memref<5120000xf32, #tpu.memory_space<hbm>> -> memref<1280xf32, #tpu.memory_space<hbm>>
    tpu.wait_dma2 semaphore(%arg37 : memref<!tpu.dma_semaphore, #tpu.memory_space<semaphore_mem>>) src(%arg24 : memref<1280xf32, #tpu.memory_space<vmem>>) dst(%dma_wait3A_108 : memref<1280xf32, #tpu.memory_space<hbm>>)
    %barrier3A_109 = arith.constant 0 : index
    tpu.barrier barrier_id(%barrier3A_109)
    %mul3A_110 = arith.constant 5128 : i32
    %mul3A_111 = arith.muli %arg0, %mul3A_110 : i32
    %add3A_112 = arith.addi %mul3A_111, %mul3A_0 : i32
    "tpu.region"() ({
      %run_scoped3A = tpu.sem_alloc : memref<!tpu.dma_semaphore, #tpu.memory_space<semaphore_mem>>
      %dma_start3A_161 = arith.constant 0 : i32
      %dma_start3A_162 = tpu.memref_slice %arg8[%add3A_112, %dma_start3A_161] : memref<10256x128xf32, #tpu.memory_space<hbm>> -> memref<320x128xf32, #tpu.memory_space<hbm>>
      %dma_start3A_163 = arith.constant 0 : i32
      %dma_start3A_164 = tpu.memref_slice %arg27[%mul3A_0, %dma_start3A_163] : memref<5128x128xf32, #tpu.memory_space<vmem_shared>> -> memref<320x128xf32, #tpu.memory_space<vmem_shared>>
      tpu.enqueue_dma source(%dma_start3A_164 : memref<320x128xf32, #tpu.memory_space<vmem_shared>>) target(%dma_start3A_162 : memref<320x128xf32, #tpu.memory_space<hbm>>) target_semaphore(%run_scoped3A : memref<!tpu.dma_semaphore, #tpu.memory_space<semaphore_mem>>)
      %dma_wait3A_165 = arith.constant 0 : i32
      %dma_wait3A_166 = tpu.memref_slice %arg8[%add3A_112, %dma_wait3A_165] : memref<10256x128xf32, #tpu.memory_space<hbm>> -> memref<320x128xf32, #tpu.memory_space<hbm>>
      %dma_wait3A_167 = arith.constant 0 : i32
      %dma_wait3A_168 = tpu.memref_slice %arg27[%mul3A_0, %dma_wait3A_167] : memref<5128x128xf32, #tpu.memory_space<vmem_shared>> -> memref<320x128xf32, #tpu.memory_space<vmem_shared>>
      tpu.wait_dma2 semaphore(%run_scoped3A : memref<!tpu.dma_semaphore, #tpu.memory_space<semaphore_mem>>) src(%dma_wait3A_168 : memref<320x128xf32, #tpu.memory_space<vmem_shared>>) dst(%dma_wait3A_166 : memref<320x128xf32, #tpu.memory_space<hbm>>)
      tpu.yield
    }) : () -> ()
    %scan3A_113 = arith.constant 0 : i32
    %scan3A_114 = arith.constant 10 : i32
    %scan3A_115 = arith.addi %scan3A_113, %scan3A_114 : i32
    %scan3A_116 = arith.constant 1 : i32
    scf.for %scan3A_161 = %scan3A_113 to %scan3A_115 step %scan3A_116  : i32 {
      %mul3A_162 = arith.constant 1 : i32
      %mul3A_163 = arith.muli %scan3A_161, %mul3A_162 : i32
      %add3A_164 = arith.constant 0 : i32
      %add3A_165 = arith.addi %add3A_164, %mul3A_163 : i32
      %mul3A_166 = arith.constant 32 : i32
      %mul3A_167 = arith.muli %add3A_165, %mul3A_166 : i32
      %add3A_168 = arith.addi %mul3A_0, %mul3A_167 : i32
      "tpu.region"() ({
        %run_scoped3A = tpu.sem_alloc : memref<!tpu.dma_semaphore, #tpu.memory_space<semaphore_mem>>
        %dma_start3A_169 = arith.constant 0 : i32
        %dma_start3A_170 = tpu.memref_slice %arg27[%add3A_168, %dma_start3A_169] : memref<5128x128xf32, #tpu.memory_space<vmem_shared>> -> memref<32x128xf32, #tpu.memory_space<vmem_shared>>
        %dma_start3A_171 = arith.constant 0 : i32
        %dma_start3A_172 = tpu.memref_slice %arg27[%add3A_168, %dma_start3A_171] : memref<5128x128xf32, #tpu.memory_space<vmem_shared>> -> memref<32x128xf32, #tpu.memory_space<vmem_shared>>
        tpu.enqueue_dma source(%arg26 : memref<32x128xf32, #tpu.memory_space<vmem>>) target(%dma_start3A_172 : memref<32x128xf32, #tpu.memory_space<vmem_shared>>) target_semaphore(%run_scoped3A : memref<!tpu.dma_semaphore, #tpu.memory_space<semaphore_mem>>)
        %dma_wait3A_173 = arith.constant 0 : i32
        %dma_wait3A_174 = tpu.memref_slice %arg27[%add3A_168, %dma_wait3A_173] : memref<5128x128xf32, #tpu.memory_space<vmem_shared>> -> memref<32x128xf32, #tpu.memory_space<vmem_shared>>
        %dma_wait3A_175 = arith.constant 0 : i32
        %dma_wait3A_176 = tpu.memref_slice %arg27[%add3A_168, %dma_wait3A_175] : memref<5128x128xf32, #tpu.memory_space<vmem_shared>> -> memref<32x128xf32, #tpu.memory_space<vmem_shared>>
        tpu.wait_dma2 semaphore(%run_scoped3A : memref<!tpu.dma_semaphore, #tpu.memory_space<semaphore_mem>>) src(%arg26 : memref<32x128xf32, #tpu.memory_space<vmem>>) dst(%dma_wait3A_176 : memref<32x128xf32, #tpu.memory_space<vmem_shared>>)
        tpu.yield
      }) : () -> ()
    }
    %scan3A_117 = arith.constant 10 : i32
    %barrier3A_118 = arith.constant 0 : index
    tpu.barrier barrier_id(%barrier3A_118)
    %scan3A_119 = arith.constant 0 : i32
    %scan3A_120 = arith.constant 80 : i32
    %scan3A_121 = arith.addi %scan3A_119, %scan3A_120 : i32
    %scan3A_122 = arith.constant 1 : i32
    scf.for %scan3A_161 = %scan3A_119 to %scan3A_121 step %scan3A_122  : i32 {
      %mul3A_162 = arith.constant 1 : i32
      %mul3A_163 = arith.muli %scan3A_161, %mul3A_162 : i32
      %add3A_164 = arith.constant 0 : i32
      %add3A_165 = arith.addi %add3A_164, %mul3A_163 : i32
      %broadcast_in_dim3A = arith.constant 0.000000e+00 : f32
      %broadcast_in_dim3A_166 = vector.broadcast %broadcast_in_dim3A : f32 to vector<16xf32>
      %swap3A = arith.index_cast %add3A_165 : i32 to index
      %swap3A_167 = arith.constant 16 : index
      %swap3A_168 = tpu.vector_load %arg21[%swap3A, %swap3A_167] {strides = array<i32>} : memref<80x128xf32, #tpu.memory_space<vmem>>, vector<16xf32>,
      tpu.vector_store %arg21[%swap3A, %swap3A_167], %broadcast_in_dim3A_166 {strides = array<i32>} : memref<80x128xf32, #tpu.memory_space<vmem>>, vector<16xf32>,
      %broadcast_in_dim3A_169 = arith.constant 0.000000e+00 : f32
      %broadcast_in_dim3A_170 = vector.broadcast %broadcast_in_dim3A_169 : f32 to vector<16xf32>
      %swap3A_171 = arith.index_cast %add3A_165 : i32 to index
      %swap3A_172 = arith.constant 32 : index
      %swap3A_173 = tpu.vector_load %arg21[%swap3A_171, %swap3A_172] {strides = array<i32>} : memref<80x128xf32, #tpu.memory_space<vmem>>, vector<16xf32>,
      tpu.vector_store %arg21[%swap3A_171, %swap3A_172], %broadcast_in_dim3A_170 {strides = array<i32>} : memref<80x128xf32, #tpu.memory_space<vmem>>, vector<16xf32>,
      %broadcast_in_dim3A_174 = arith.constant 0.000000e+00 : f32
      %broadcast_in_dim3A_175 = vector.broadcast %broadcast_in_dim3A_174 : f32 to vector<16xf32>
      %swap3A_176 = arith.index_cast %add3A_165 : i32 to index
      %swap3A_177 = arith.constant 48 : index
      %swap3A_178 = tpu.vector_load %arg21[%swap3A_176, %swap3A_177] {strides = array<i32>} : memref<80x128xf32, #tpu.memory_space<vmem>>, vector<16xf32>,
      tpu.vector_store %arg21[%swap3A_176, %swap3A_177], %broadcast_in_dim3A_175 {strides = array<i32>} : memref<80x128xf32, #tpu.memory_space<vmem>>, vector<16xf32>,
      %broadcast_in_dim3A_179 = arith.constant 0.000000e+00 : f32
      %broadcast_in_dim3A_180 = vector.broadcast %broadcast_in_dim3A_179 : f32 to vector<16xf32>
      %swap3A_181 = arith.index_cast %add3A_165 : i32 to index
      %swap3A_182 = arith.constant 64 : index
      %swap3A_183 = tpu.vector_load %arg21[%swap3A_181, %swap3A_182] {strides = array<i32>} : memref<80x128xf32, #tpu.memory_space<vmem>>, vector<16xf32>,
      tpu.vector_store %arg21[%swap3A_181, %swap3A_182], %broadcast_in_dim3A_180 {strides = array<i32>} : memref<80x128xf32, #tpu.memory_space<vmem>>, vector<16xf32>,
      %broadcast_in_dim3A_184 = arith.constant 0.000000e+00 : f32
      %broadcast_in_dim3A_185 = vector.broadcast %broadcast_in_dim3A_184 : f32 to vector<16xf32>
      %swap3A_186 = arith.index_cast %add3A_165 : i32 to index
      %swap3A_187 = arith.constant 80 : index
      %swap3A_188 = tpu.vector_load %arg21[%swap3A_186, %swap3A_187] {strides = array<i32>} : memref<80x128xf32, #tpu.memory_space<vmem>>, vector<16xf32>,
      tpu.vector_store %arg21[%swap3A_186, %swap3A_187], %broadcast_in_dim3A_185 {strides = array<i32>} : memref<80x128xf32, #tpu.memory_space<vmem>>, vector<16xf32>,
      %broadcast_in_dim3A_189 = arith.constant 0.000000e+00 : f32
      %broadcast_in_dim3A_190 = vector.broadcast %broadcast_in_dim3A_189 : f32 to vector<16xf32>
      %swap3A_191 = arith.index_cast %add3A_165 : i32 to index
      %swap3A_192 = arith.constant 96 : index
      %swap3A_193 = tpu.vector_load %arg21[%swap3A_191, %swap3A_192] {strides = array<i32>} : memref<80x128xf32, #tpu.memory_space<vmem>>, vector<16xf32>,
      tpu.vector_store %arg21[%swap3A_191, %swap3A_192], %broadcast_in_dim3A_190 {strides = array<i32>} : memref<80x128xf32, #tpu.memory_space<vmem>>, vector<16xf32>,
      %broadcast_in_dim3A_194 = arith.constant 0.000000e+00 : f32
      %broadcast_in_dim3A_195 = vector.broadcast %broadcast_in_dim3A_194 : f32 to vector<16xf32>
      %swap3A_196 = arith.index_cast %add3A_165 : i32 to index
      %swap3A_197 = arith.constant 112 : index
      %swap3A_198 = tpu.vector_load %arg21[%swap3A_196, %swap3A_197] {strides = array<i32>} : memref<80x128xf32, #tpu.memory_space<vmem>>, vector<16xf32>,
      tpu.vector_store %arg21[%swap3A_196, %swap3A_197], %broadcast_in_dim3A_195 {strides = array<i32>} : memref<80x128xf32, #tpu.memory_space<vmem>>, vector<16xf32>,
      %broadcast_in_dim3A_199 = arith.constant 0.000000e+00 : f32
      %broadcast_in_dim3A_200 = vector.broadcast %broadcast_in_dim3A_199 : f32 to vector<16xf32>
      %swap3A_201 = arith.index_cast %add3A_165 : i32 to index
      %swap3A_202 = arith.constant 16 : index
      %swap3A_203 = tpu.vector_load %arg22[%swap3A_201, %swap3A_202] {strides = array<i32>} : memref<80x128xf32, #tpu.memory_space<vmem>>, vector<16xf32>,
      tpu.vector_store %arg22[%swap3A_201, %swap3A_202], %broadcast_in_dim3A_200 {strides = array<i32>} : memref<80x128xf32, #tpu.memory_space<vmem>>, vector<16xf32>,
      %broadcast_in_dim3A_204 = arith.constant 0.000000e+00 : f32
      %broadcast_in_dim3A_205 = vector.broadcast %broadcast_in_dim3A_204 : f32 to vector<16xf32>
      %swap3A_206 = arith.index_cast %add3A_165 : i32 to index
      %swap3A_207 = arith.constant 32 : index
      %swap3A_208 = tpu.vector_load %arg22[%swap3A_206, %swap3A_207] {strides = array<i32>} : memref<80x128xf32, #tpu.memory_space<vmem>>, vector<16xf32>,
      tpu.vector_store %arg22[%swap3A_206, %swap3A_207], %broadcast_in_dim3A_205 {strides = array<i32>} : memref<80x128xf32, #tpu.memory_space<vmem>>, vector<16xf32>,
      %broadcast_in_dim3A_209 = arith.constant 0.000000e+00 : f32
      %broadcast_in_dim3A_210 = vector.broadcast %broadcast_in_dim3A_209 : f32 to vector<16xf32>
      %swap3A_211 = arith.index_cast %add3A_165 : i32 to index
      %swap3A_212 = arith.constant 48 : index
      %swap3A_213 = tpu.vector_load %arg22[%swap3A_211, %swap3A_212] {strides = array<i32>} : memref<80x128xf32, #tpu.memory_space<vmem>>, vector<16xf32>,
      tpu.vector_store %arg22[%swap3A_211, %swap3A_212], %broadcast_in_dim3A_210 {strides = array<i32>} : memref<80x128xf32, #tpu.memory_space<vmem>>, vector<16xf32>,
      %broadcast_in_dim3A_214 = arith.constant 0.000000e+00 : f32
      %broadcast_in_dim3A_215 = vector.broadcast %broadcast_in_dim3A_214 : f32 to vector<16xf32>
      %swap3A_216 = arith.index_cast %add3A_165 : i32 to index
      %swap3A_217 = arith.constant 64 : index
      %swap3A_218 = tpu.vector_load %arg22[%swap3A_216, %swap3A_217] {strides = array<i32>} : memref<80x128xf32, #tpu.memory_space<vmem>>, vector<16xf32>,
      tpu.vector_store %arg22[%swap3A_216, %swap3A_217], %broadcast_in_dim3A_215 {strides = array<i32>} : memref<80x128xf32, #tpu.memory_space<vmem>>, vector<16xf32>,
      %broadcast_in_dim3A_219 = arith.constant 0.000000e+00 : f32
      %broadcast_in_dim3A_220 = vector.broadcast %broadcast_in_dim3A_219 : f32 to vector<16xf32>
      %swap3A_221 = arith.index_cast %add3A_165 : i32 to index
      %swap3A_222 = arith.constant 80 : index
      %swap3A_223 = tpu.vector_load %arg22[%swap3A_221, %swap3A_222] {strides = array<i32>} : memref<80x128xf32, #tpu.memory_space<vmem>>, vector<16xf32>,
      tpu.vector_store %arg22[%swap3A_221, %swap3A_222], %broadcast_in_dim3A_220 {strides = array<i32>} : memref<80x128xf32, #tpu.memory_space<vmem>>, vector<16xf32>,
      %broadcast_in_dim3A_224 = arith.constant 0.000000e+00 : f32
      %broadcast_in_dim3A_225 = vector.broadcast %broadcast_in_dim3A_224 : f32 to vector<16xf32>
      %swap3A_226 = arith.index_cast %add3A_165 : i32 to index
      %swap3A_227 = arith.constant 96 : index
      %swap3A_228 = tpu.vector_load %arg22[%swap3A_226, %swap3A_227] {strides = array<i32>} : memref<80x128xf32, #tpu.memory_space<vmem>>, vector<16xf32>,
      tpu.vector_store %arg22[%swap3A_226, %swap3A_227], %broadcast_in_dim3A_225 {strides = array<i32>} : memref<80x128xf32, #tpu.memory_space<vmem>>, vector<16xf32>,
      %broadcast_in_dim3A_229 = arith.constant 0.000000e+00 : f32
      %broadcast_in_dim3A_230 = vector.broadcast %broadcast_in_dim3A_229 : f32 to vector<16xf32>
      %swap3A_231 = arith.index_cast %add3A_165 : i32 to index
      %swap3A_232 = arith.constant 112 : index
      %swap3A_233 = tpu.vector_load %arg22[%swap3A_231, %swap3A_232] {strides = array<i32>} : memref<80x128xf32, #tpu.memory_space<vmem>>, vector<16xf32>,
      tpu.vector_store %arg22[%swap3A_231, %swap3A_232], %broadcast_in_dim3A_230 {strides = array<i32>} : memref<80x128xf32, #tpu.memory_space<vmem>>, vector<16xf32>,
    }
    %scan3A_123 = arith.constant 80 : i32
    %mul3A_124 = arith.constant 20000 : i32
    %mul3A_125 = arith.muli %arg1, %mul3A_124 : i32
    %add3A_126 = arith.constant 0 : i32
    %add3A_127 = arith.addi %mul3A_125, %add3A_126 : i32
    %dma_start3A_128 = tpu.memref_slice %arg6[%add3A_127] : memref<320000xi32, #tpu.memory_space<hbm>> -> memref<80xi32, #tpu.memory_space<hbm>>
    %dma_start3A_129 = tpu.memref_slice %arg6[%add3A_127] : memref<320000xi32, #tpu.memory_space<hbm>> -> memref<80xi32, #tpu.memory_space<hbm>>
    tpu.enqueue_dma source(%dma_start3A_129 : memref<80xi32, #tpu.memory_space<hbm>>) target(%arg13 : memref<80xi32, #tpu.memory_space<vmem>>) target_semaphore(%arg28 : memref<!tpu.dma_semaphore, #tpu.memory_space<semaphore_mem>>)
    %mul3A_130 = arith.constant 20000 : i32
    %mul3A_131 = arith.muli %arg1, %mul3A_130 : i32
    %add3A_132 = arith.constant 0 : i32
    %add3A_133 = arith.addi %mul3A_131, %add3A_132 : i32
    %mul3A_134 = arith.constant 16 : i32
    %mul3A_135 = arith.muli %add3A_133, %mul3A_134 : i32
    %dma_start3A_136 = tpu.memref_slice %arg10[%mul3A_135] : memref<5120000xf32, #tpu.memory_space<hbm>> -> memref<1280xf32, #tpu.memory_space<hbm>>
    %dma_start3A_137 = tpu.memref_slice %arg10[%mul3A_135] : memref<5120000xf32, #tpu.memory_space<hbm>> -> memref<1280xf32, #tpu.memory_space<hbm>>
    tpu.enqueue_dma source(%dma_start3A_137 : memref<1280xf32, #tpu.memory_space<hbm>>) target(%arg23 : memref<1280xf32, #tpu.memory_space<vmem>>) target_semaphore(%arg34 : memref<!tpu.dma_semaphore, #tpu.memory_space<semaphore_mem>>)
    %mul3A_138 = arith.constant 20000 : i32
    %mul3A_139 = arith.muli %arg1, %mul3A_138 : i32
    %add3A_140 = arith.constant 80 : i32
    %add3A_141 = arith.addi %mul3A_139, %add3A_140 : i32
    %dma_start3A_142 = tpu.memref_slice %arg6[%add3A_141] : memref<320000xi32, #tpu.memory_space<hbm>> -> memref<80xi32, #tpu.memory_space<hbm>>
    %dma_start3A_143 = tpu.memref_slice %arg6[%add3A_141] : memref<320000xi32, #tpu.memory_space<hbm>> -> memref<80xi32, #tpu.memory_space<hbm>>
    tpu.enqueue_dma source(%dma_start3A_143 : memref<80xi32, #tpu.memory_space<hbm>>) target(%arg14 : memref<80xi32, #tpu.memory_space<vmem>>) target_semaphore(%arg29 : memref<!tpu.dma_semaphore, #tpu.memory_space<semaphore_mem>>)
    %mul3A_144 = arith.constant 20000 : i32
    %mul3A_145 = arith.muli %arg1, %mul3A_144 : i32
    %add3A_146 = arith.constant 80 : i32
    %add3A_147 = arith.addi %mul3A_145, %add3A_146 : i32
    %mul3A_148 = arith.constant 16 : i32
    %mul3A_149 = arith.muli %add3A_147, %mul3A_148 : i32
    %dma_start3A_150 = tpu.memref_slice %arg10[%mul3A_149] : memref<5120000xf32, #tpu.memory_space<hbm>> -> memref<1280xf32, #tpu.memory_space<hbm>>
    %dma_start3A_151 = tpu.memref_slice %arg10[%mul3A_149] : memref<5120000xf32, #tpu.memory_space<hbm>> -> memref<1280xf32, #tpu.memory_space<hbm>>
    tpu.enqueue_dma source(%dma_start3A_151 : memref<1280xf32, #tpu.memory_space<hbm>>) target(%arg24 : memref<1280xf32, #tpu.memory_space<vmem>>) target_semaphore(%arg35 : memref<!tpu.dma_semaphore, #tpu.memory_space<semaphore_mem>>)
    %scan3A_152 = arith.constant 0 : i32
    %scan3A_153 = arith.constant 125 : i32
    %scan3A_154 = arith.addi %scan3A_152, %scan3A_153 : i32
    %scan3A_155 = arith.constant 1 : i32
    scf.for %scan3A_161 = %scan3A_152 to %scan3A_154 step %scan3A_155  : i32 {
      %mul3A_162 = arith.constant 1 : i32
      %mul3A_163 = arith.muli %scan3A_161, %mul3A_162 : i32
      %add3A_164 = arith.constant 0 : i32
      %add3A_165 = arith.addi %add3A_164, %mul3A_163 : i32
      %mul3A_166 = arith.constant 2 : i32
      %mul3A_167 = arith.muli %mul3A_166, %add3A_165 : i32
      %mul3A_168 = arith.constant 20000 : i32
      %mul3A_169 = arith.muli %arg1, %mul3A_168 : i32
      %mul3A_170 = arith.constant 80 : i32
      %mul3A_171 = arith.muli %mul3A_167, %mul3A_170 : i32
      %add3A_172 = arith.addi %mul3A_169, %mul3A_171 : i32
      %dma_wait3A_173 = tpu.memref_slice %arg6[%add3A_172] : memref<320000xi32, #tpu.memory_space<hbm>> -> memref<80xi32, #tpu.memory_space<hbm>>
      %dma_wait3A_174 = tpu.memref_slice %arg6[%add3A_172] : memref<320000xi32, #tpu.memory_space<hbm>> -> memref<80xi32, #tpu.memory_space<hbm>>
      tpu.wait_dma2 semaphore(%arg28 : memref<!tpu.dma_semaphore, #tpu.memory_space<semaphore_mem>>) src(%dma_wait3A_174 : memref<80xi32, #tpu.memory_space<hbm>>) dst(%arg13 : memref<80xi32, #tpu.memory_space<vmem>>)
      %mul3A_175 = arith.constant 20000 : i32
      %mul3A_176 = arith.muli %arg1, %mul3A_175 : i32
      %mul3A_177 = arith.constant 80 : i32
      %mul3A_178 = arith.muli %mul3A_167, %mul3A_177 : i32
      %add3A_179 = arith.addi %mul3A_176, %mul3A_178 : i32
      %mul3A_180 = arith.constant 16 : i32
      %mul3A_181 = arith.muli %add3A_179, %mul3A_180 : i32
      %dma_wait3A_182 = tpu.memref_slice %arg10[%mul3A_181] : memref<5120000xf32, #tpu.memory_space<hbm>> -> memref<1280xf32, #tpu.memory_space<hbm>>
      %dma_wait3A_183 = tpu.memref_slice %arg10[%mul3A_181] : memref<5120000xf32, #tpu.memory_space<hbm>> -> memref<1280xf32, #tpu.memory_space<hbm>>
      tpu.wait_dma2 semaphore(%arg34 : memref<!tpu.dma_semaphore, #tpu.memory_space<semaphore_mem>>) src(%dma_wait3A_183 : memref<1280xf32, #tpu.memory_space<hbm>>) dst(%arg23 : memref<1280xf32, #tpu.memory_space<vmem>>)
      %get3A_184 = arith.constant 0 : index
      %get3A_185 = tpu.vector_load %arg13[%get3A_184] {strides = array<i32>} : memref<80xi32, #tpu.memory_space<vmem>>, vector<16xi32>,
      %sub3A = vector.broadcast %mul3A_2 : i32 to vector<16xi32>
      %sub3A_186 = arith.subi %get3A_185, %sub3A : vector<16xi32>
      %ge3A = arith.constant 0 : i32
      %ge3A_187 = vector.broadcast %ge3A : i32 to vector<16xi32>
      %ge3A_188 = arith.cmpi sge, %sub3A_186, %ge3A_187 : vector<16xi32>
      %lt3A = arith.constant 5120 : i32
      %lt3A_189 = vector.broadcast %lt3A : i32 to vector<16xi32>
      %lt3A_190 = arith.cmpi slt, %sub3A_186, %lt3A_189 : vector<16xi32>
      %and3A = arith.andi %ge3A_188, %lt3A_190 : vector<16xi1>
      %jit3A = arith.constant 5120 : i32
      %broadcast_in_dim3A = vector.broadcast %jit3A : i32 to vector<16xi32>
      %select_n3A = arith.select %and3A, %sub3A_186, %broadcast_in_dim3A : vector<16xi1>, vector<16xi32>
      %swap3A = arith.constant 0 : index
      %swap3A_191 = tpu.vector_load %arg15[%swap3A] {strides = array<i32>} : memref<80xi32, #tpu.memory_space<vmem>>, vector<16xi32>,
      tpu.vector_store %arg15[%swap3A], %select_n3A {strides = array<i32>} : memref<80xi32, #tpu.memory_space<vmem>>, vector<16xi32>,
      %get3A_192 = arith.constant 16 : index
      %get3A_193 = tpu.vector_load %arg13[%get3A_192] {strides = array<i32>} : memref<80xi32, #tpu.memory_space<vmem>>, vector<16xi32>,
      %sub3A_194 = vector.broadcast %mul3A_2 : i32 to vector<16xi32>
      %sub3A_195 = arith.subi %get3A_193, %sub3A_194 : vector<16xi32>
      %ge3A_196 = arith.constant 0 : i32
      %ge3A_197 = vector.broadcast %ge3A_196 : i32 to vector<16xi32>
      %ge3A_198 = arith.cmpi sge, %sub3A_195, %ge3A_197 : vector<16xi32>
      %lt3A_199 = arith.constant 5120 : i32
      %lt3A_200 = vector.broadcast %lt3A_199 : i32 to vector<16xi32>
      %lt3A_201 = arith.cmpi slt, %sub3A_195, %lt3A_200 : vector<16xi32>
      %and3A_202 = arith.andi %ge3A_198, %lt3A_201 : vector<16xi1>
      %jit3A_203 = arith.constant 5120 : i32
      %broadcast_in_dim3A_204 = vector.broadcast %jit3A_203 : i32 to vector<16xi32>
      %select_n3A_205 = arith.select %and3A_202, %sub3A_195, %broadcast_in_dim3A_204 : vector<16xi1>, vector<16xi32>
      %swap3A_206 = arith.constant 16 : index
      %swap3A_207 = tpu.vector_load %arg15[%swap3A_206] {strides = array<i32>} : memref<80xi32, #tpu.memory_space<vmem>>, vector<16xi32>,
      tpu.vector_store %arg15[%swap3A_206], %select_n3A_205 {strides = array<i32>} : memref<80xi32, #tpu.memory_space<vmem>>, vector<16xi32>,
      %get3A_208 = arith.constant 32 : index
      %get3A_209 = tpu.vector_load %arg13[%get3A_208] {strides = array<i32>} : memref<80xi32, #tpu.memory_space<vmem>>, vector<16xi32>,
      %sub3A_210 = vector.broadcast %mul3A_2 : i32 to vector<16xi32>
      %sub3A_211 = arith.subi %get3A_209, %sub3A_210 : vector<16xi32>
      %ge3A_212 = arith.constant 0 : i32
      %ge3A_213 = vector.broadcast %ge3A_212 : i32 to vector<16xi32>
      %ge3A_214 = arith.cmpi sge, %sub3A_211, %ge3A_213 : vector<16xi32>
      %lt3A_215 = arith.constant 5120 : i32
      %lt3A_216 = vector.broadcast %lt3A_215 : i32 to vector<16xi32>
      %lt3A_217 = arith.cmpi slt, %sub3A_211, %lt3A_216 : vector<16xi32>
      %and3A_218 = arith.andi %ge3A_214, %lt3A_217 : vector<16xi1>
      %jit3A_219 = arith.constant 5120 : i32
      %broadcast_in_dim3A_220 = vector.broadcast %jit3A_219 : i32 to vector<16xi32>
      %select_n3A_221 = arith.select %and3A_218, %sub3A_211, %broadcast_in_dim3A_220 : vector<16xi1>, vector<16xi32>
      %swap3A_222 = arith.constant 32 : index
      %swap3A_223 = tpu.vector_load %arg15[%swap3A_222] {strides = array<i32>} : memref<80xi32, #tpu.memory_space<vmem>>, vector<16xi32>,
      tpu.vector_store %arg15[%swap3A_222], %select_n3A_221 {strides = array<i32>} : memref<80xi32, #tpu.memory_space<vmem>>, vector<16xi32>,
      %get3A_224 = arith.constant 48 : index
      %get3A_225 = tpu.vector_load %arg13[%get3A_224] {strides = array<i32>} : memref<80xi32, #tpu.memory_space<vmem>>, vector<16xi32>,
      %sub3A_226 = vector.broadcast %mul3A_2 : i32 to vector<16xi32>
      %sub3A_227 = arith.subi %get3A_225, %sub3A_226 : vector<16xi32>
      %ge3A_228 = arith.constant 0 : i32
      %ge3A_229 = vector.broadcast %ge3A_228 : i32 to vector<16xi32>
      %ge3A_230 = arith.cmpi sge, %sub3A_227, %ge3A_229 : vector<16xi32>
      %lt3A_231 = arith.constant 5120 : i32
      %lt3A_232 = vector.broadcast %lt3A_231 : i32 to vector<16xi32>
      %lt3A_233 = arith.cmpi slt, %sub3A_227, %lt3A_232 : vector<16xi32>
      %and3A_234 = arith.andi %ge3A_230, %lt3A_233 : vector<16xi1>
      %jit3A_235 = arith.constant 5120 : i32
      %broadcast_in_dim3A_236 = vector.broadcast %jit3A_235 : i32 to vector<16xi32>
      %select_n3A_237 = arith.select %and3A_234, %sub3A_227, %broadcast_in_dim3A_236 : vector<16xi1>, vector<16xi32>
      %swap3A_238 = arith.constant 48 : index
      %swap3A_239 = tpu.vector_load %arg15[%swap3A_238] {strides = array<i32>} : memref<80xi32, #tpu.memory_space<vmem>>, vector<16xi32>,
      tpu.vector_store %arg15[%swap3A_238], %select_n3A_237 {strides = array<i32>} : memref<80xi32, #tpu.memory_space<vmem>>, vector<16xi32>,
      %get3A_240 = arith.constant 64 : index
      %get3A_241 = tpu.vector_load %arg13[%get3A_240] {strides = array<i32>} : memref<80xi32, #tpu.memory_space<vmem>>, vector<16xi32>,
      %sub3A_242 = vector.broadcast %mul3A_2 : i32 to vector<16xi32>
      %sub3A_243 = arith.subi %get3A_241, %sub3A_242 : vector<16xi32>
      %ge3A_244 = arith.constant 0 : i32
      %ge3A_245 = vector.broadcast %ge3A_244 : i32 to vector<16xi32>
      %ge3A_246 = arith.cmpi sge, %sub3A_243, %ge3A_245 : vector<16xi32>
      %lt3A_247 = arith.constant 5120 : i32
      %lt3A_248 = vector.broadcast %lt3A_247 : i32 to vector<16xi32>
      %lt3A_249 = arith.cmpi slt, %sub3A_243, %lt3A_248 : vector<16xi32>
      %and3A_250 = arith.andi %ge3A_246, %lt3A_249 : vector<16xi1>
      %jit3A_251 = arith.constant 5120 : i32
      %broadcast_in_dim3A_252 = vector.broadcast %jit3A_251 : i32 to vector<16xi32>
      %select_n3A_253 = arith.select %and3A_250, %sub3A_243, %broadcast_in_dim3A_252 : vector<16xi1>, vector<16xi32>
      %swap3A_254 = arith.constant 64 : index
      %swap3A_255 = tpu.vector_load %arg15[%swap3A_254] {strides = array<i32>} : memref<80xi32, #tpu.memory_space<vmem>>, vector<16xi32>,
      tpu.vector_store %arg15[%swap3A_254], %select_n3A_253 {strides = array<i32>} : memref<80xi32, #tpu.memory_space<vmem>>, vector<16xi32>,
      %scan3A_256 = arith.constant 0 : i32
      %scan3A_257 = arith.constant 80 : i32
      %scan3A_258 = arith.addi %scan3A_256, %scan3A_257 : i32
      %scan3A_259 = arith.constant 1 : i32
      scf.for %scan3A_394 = %scan3A_256 to %scan3A_258 step %scan3A_259  : i32 {
        %mul3A_395 = arith.constant 1 : i32
        %mul3A_396 = arith.muli %scan3A_394, %mul3A_395 : i32
        %add3A_397 = arith.constant 0 : i32
        %add3A_398 = arith.addi %add3A_397, %mul3A_396 : i32
        %mul3A_399 = arith.constant 16 : i32
        %mul3A_400 = arith.muli %add3A_398, %mul3A_399 : i32
        %get3A_401 = arith.index_cast %mul3A_400 : i32 to index
        %get3A_402 = tpu.vector_load %arg23[%get3A_401] {strides = array<i32>} : memref<1280xf32, #tpu.memory_space<vmem>>, vector<16xf32>,
        %swap3A_403 = arith.index_cast %add3A_398 : i32 to index
        %swap3A_404 = arith.constant 0 : index
        %swap3A_405 = tpu.vector_load %arg21[%swap3A_403, %swap3A_404] {strides = array<i32>} : memref<80x128xf32, #tpu.memory_space<vmem>>, vector<16xf32>,
        tpu.vector_store %arg21[%swap3A_403, %swap3A_404], %get3A_402 {strides = array<i32>} : memref<80x128xf32, #tpu.memory_space<vmem>>, vector<16xf32>,
      }
      %scan3A_260 = arith.constant 80 : i32
      %dma_start3A_261 = arith.constant 0 : i32
      %dma_start3A_262 = arith.constant 0 : i32
      %dma_start3A_263 = tpu.memref_slice %arg27[%dma_start3A_261, %dma_start3A_262] : memref<5128x128xf32, #tpu.memory_space<vmem_shared>> -> memref<5128x128xf32, #tpu.memory_space<vmem_shared>>
      tpu.enqueue_indirect_dma source(%arg21 : memref<80x128xf32, #tpu.memory_space<vmem>>) target(%dma_start3A_263 : memref<5128x128xf32, #tpu.memory_space<vmem_shared>>) offsets(%arg15 : memref<80xi32, #tpu.memory_space<vmem>>) semaphore(%arg32 : memref<!tpu.dma_semaphore, #tpu.memory_space<semaphore_mem>>) {add = true}
      %mul3A_264 = arith.constant 2 : i32
      %mul3A_265 = arith.muli %mul3A_264, %add3A_165 : i32
      %add3A_266 = arith.constant 1 : i32
      %add3A_267 = arith.addi %mul3A_265, %add3A_266 : i32
      %mul3A_268 = arith.constant 20000 : i32
      %mul3A_269 = arith.muli %arg1, %mul3A_268 : i32
      %mul3A_270 = arith.constant 80 : i32
      %mul3A_271 = arith.muli %add3A_267, %mul3A_270 : i32
      %add3A_272 = arith.addi %mul3A_269, %mul3A_271 : i32
      %dma_wait3A_273 = tpu.memref_slice %arg6[%add3A_272] : memref<320000xi32, #tpu.memory_space<hbm>> -> memref<80xi32, #tpu.memory_space<hbm>>
      %dma_wait3A_274 = tpu.memref_slice %arg6[%add3A_272] : memref<320000xi32, #tpu.memory_space<hbm>> -> memref<80xi32, #tpu.memory_space<hbm>>
      tpu.wait_dma2 semaphore(%arg29 : memref<!tpu.dma_semaphore, #tpu.memory_space<semaphore_mem>>) src(%dma_wait3A_274 : memref<80xi32, #tpu.memory_space<hbm>>) dst(%arg14 : memref<80xi32, #tpu.memory_space<vmem>>)
      %mul3A_275 = arith.constant 20000 : i32
      %mul3A_276 = arith.muli %arg1, %mul3A_275 : i32
      %mul3A_277 = arith.constant 80 : i32
      %mul3A_278 = arith.muli %add3A_267, %mul3A_277 : i32
      %add3A_279 = arith.addi %mul3A_276, %mul3A_278 : i32
      %mul3A_280 = arith.constant 16 : i32
      %mul3A_281 = arith.muli %add3A_279, %mul3A_280 : i32
      %dma_wait3A_282 = tpu.memref_slice %arg10[%mul3A_281] : memref<5120000xf32, #tpu.memory_space<hbm>> -> memref<1280xf32, #tpu.memory_space<hbm>>
      %dma_wait3A_283 = tpu.memref_slice %arg10[%mul3A_281] : memref<5120000xf32, #tpu.memory_space<hbm>> -> memref<1280xf32, #tpu.memory_space<hbm>>
      tpu.wait_dma2 semaphore(%arg35 : memref<!tpu.dma_semaphore, #tpu.memory_space<semaphore_mem>>) src(%dma_wait3A_283 : memref<1280xf32, #tpu.memory_space<hbm>>) dst(%arg24 : memref<1280xf32, #tpu.memory_space<vmem>>)
      %get3A_284 = arith.constant 0 : index
      %get3A_285 = tpu.vector_load %arg14[%get3A_284] {strides = array<i32>} : memref<80xi32, #tpu.memory_space<vmem>>, vector<16xi32>,
      %sub3A_286 = vector.broadcast %mul3A_2 : i32 to vector<16xi32>
      %sub3A_287 = arith.subi %get3A_285, %sub3A_286 : vector<16xi32>
      %ge3A_288 = arith.constant 0 : i32
      %ge3A_289 = vector.broadcast %ge3A_288 : i32 to vector<16xi32>
      %ge3A_290 = arith.cmpi sge, %sub3A_287, %ge3A_289 : vector<16xi32>
      %lt3A_291 = arith.constant 5120 : i32
      %lt3A_292 = vector.broadcast %lt3A_291 : i32 to vector<16xi32>
      %lt3A_293 = arith.cmpi slt, %sub3A_287, %lt3A_292 : vector<16xi32>
      %and3A_294 = arith.andi %ge3A_290, %lt3A_293 : vector<16xi1>
      %jit3A_295 = arith.constant 5120 : i32
      %broadcast_in_dim3A_296 = vector.broadcast %jit3A_295 : i32 to vector<16xi32>
      %select_n3A_297 = arith.select %and3A_294, %sub3A_287, %broadcast_in_dim3A_296 : vector<16xi1>, vector<16xi32>
      %swap3A_298 = arith.constant 0 : index
      %swap3A_299 = tpu.vector_load %arg16[%swap3A_298] {strides = array<i32>} : memref<80xi32, #tpu.memory_space<vmem>>, vector<16xi32>,
      tpu.vector_store %arg16[%swap3A_298], %select_n3A_297 {strides = array<i32>} : memref<80xi32, #tpu.memory_space<vmem>>, vector<16xi32>,
      %get3A_300 = arith.constant 16 : index
      %get3A_301 = tpu.vector_load %arg14[%get3A_300] {strides = array<i32>} : memref<80xi32, #tpu.memory_space<vmem>>, vector<16xi32>,
      %sub3A_302 = vector.broadcast %mul3A_2 : i32 to vector<16xi32>
      %sub3A_303 = arith.subi %get3A_301, %sub3A_302 : vector<16xi32>
      %ge3A_304 = arith.constant 0 : i32
      %ge3A_305 = vector.broadcast %ge3A_304 : i32 to vector<16xi32>
      %ge3A_306 = arith.cmpi sge, %sub3A_303, %ge3A_305 : vector<16xi32>
      %lt3A_307 = arith.constant 5120 : i32
      %lt3A_308 = vector.broadcast %lt3A_307 : i32 to vector<16xi32>
      %lt3A_309 = arith.cmpi slt, %sub3A_303, %lt3A_308 : vector<16xi32>
      %and3A_310 = arith.andi %ge3A_306, %lt3A_309 : vector<16xi1>
      %jit3A_311 = arith.constant 5120 : i32
      %broadcast_in_dim3A_312 = vector.broadcast %jit3A_311 : i32 to vector<16xi32>
      %select_n3A_313 = arith.select %and3A_310, %sub3A_303, %broadcast_in_dim3A_312 : vector<16xi1>, vector<16xi32>
      %swap3A_314 = arith.constant 16 : index
      %swap3A_315 = tpu.vector_load %arg16[%swap3A_314] {strides = array<i32>} : memref<80xi32, #tpu.memory_space<vmem>>, vector<16xi32>,
      tpu.vector_store %arg16[%swap3A_314], %select_n3A_313 {strides = array<i32>} : memref<80xi32, #tpu.memory_space<vmem>>, vector<16xi32>,
      %get3A_316 = arith.constant 32 : index
      %get3A_317 = tpu.vector_load %arg14[%get3A_316] {strides = array<i32>} : memref<80xi32, #tpu.memory_space<vmem>>, vector<16xi32>,
      %sub3A_318 = vector.broadcast %mul3A_2 : i32 to vector<16xi32>
      %sub3A_319 = arith.subi %get3A_317, %sub3A_318 : vector<16xi32>
      %ge3A_320 = arith.constant 0 : i32
      %ge3A_321 = vector.broadcast %ge3A_320 : i32 to vector<16xi32>
      %ge3A_322 = arith.cmpi sge, %sub3A_319, %ge3A_321 : vector<16xi32>
      %lt3A_323 = arith.constant 5120 : i32
      %lt3A_324 = vector.broadcast %lt3A_323 : i32 to vector<16xi32>
      %lt3A_325 = arith.cmpi slt, %sub3A_319, %lt3A_324 : vector<16xi32>
      %and3A_326 = arith.andi %ge3A_322, %lt3A_325 : vector<16xi1>
      %jit3A_327 = arith.constant 5120 : i32
      %broadcast_in_dim3A_328 = vector.broadcast %jit3A_327 : i32 to vector<16xi32>
      %select_n3A_329 = arith.select %and3A_326, %sub3A_319, %broadcast_in_dim3A_328 : vector<16xi1>, vector<16xi32>
      %swap3A_330 = arith.constant 32 : index
      %swap3A_331 = tpu.vector_load %arg16[%swap3A_330] {strides = array<i32>} : memref<80xi32, #tpu.memory_space<vmem>>, vector<16xi32>,
      tpu.vector_store %arg16[%swap3A_330], %select_n3A_329 {strides = array<i32>} : memref<80xi32, #tpu.memory_space<vmem>>, vector<16xi32>,
      %get3A_332 = arith.constant 48 : index
      %get3A_333 = tpu.vector_load %arg14[%get3A_332] {strides = array<i32>} : memref<80xi32, #tpu.memory_space<vmem>>, vector<16xi32>,
      %sub3A_334 = vector.broadcast %mul3A_2 : i32 to vector<16xi32>
      %sub3A_335 = arith.subi %get3A_333, %sub3A_334 : vector<16xi32>
      %ge3A_336 = arith.constant 0 : i32
      %ge3A_337 = vector.broadcast %ge3A_336 : i32 to vector<16xi32>
      %ge3A_338 = arith.cmpi sge, %sub3A_335, %ge3A_337 : vector<16xi32>
      %lt3A_339 = arith.constant 5120 : i32
      %lt3A_340 = vector.broadcast %lt3A_339 : i32 to vector<16xi32>
      %lt3A_341 = arith.cmpi slt, %sub3A_335, %lt3A_340 : vector<16xi32>
      %and3A_342 = arith.andi %ge3A_338, %lt3A_341 : vector<16xi1>
      %jit3A_343 = arith.constant 5120 : i32
      %broadcast_in_dim3A_344 = vector.broadcast %jit3A_343 : i32 to vector<16xi32>
      %select_n3A_345 = arith.select %and3A_342, %sub3A_335, %broadcast_in_dim3A_344 : vector<16xi1>, vector<16xi32>
      %swap3A_346 = arith.constant 48 : index
      %swap3A_347 = tpu.vector_load %arg16[%swap3A_346] {strides = array<i32>} : memref<80xi32, #tpu.memory_space<vmem>>, vector<16xi32>,
      tpu.vector_store %arg16[%swap3A_346], %select_n3A_345 {strides = array<i32>} : memref<80xi32, #tpu.memory_space<vmem>>, vector<16xi32>,
      %get3A_348 = arith.constant 64 : index
      %get3A_349 = tpu.vector_load %arg14[%get3A_348] {strides = array<i32>} : memref<80xi32, #tpu.memory_space<vmem>>, vector<16xi32>,
      %sub3A_350 = vector.broadcast %mul3A_2 : i32 to vector<16xi32>
      %sub3A_351 = arith.subi %get3A_349, %sub3A_350 : vector<16xi32>
      %ge3A_352 = arith.constant 0 : i32
      %ge3A_353 = vector.broadcast %ge3A_352 : i32 to vector<16xi32>
      %ge3A_354 = arith.cmpi sge, %sub3A_351, %ge3A_353 : vector<16xi32>
      %lt3A_355 = arith.constant 5120 : i32
      %lt3A_356 = vector.broadcast %lt3A_355 : i32 to vector<16xi32>
      %lt3A_357 = arith.cmpi slt, %sub3A_351, %lt3A_356 : vector<16xi32>
      %and3A_358 = arith.andi %ge3A_354, %lt3A_357 : vector<16xi1>
      %jit3A_359 = arith.constant 5120 : i32
      %broadcast_in_dim3A_360 = vector.broadcast %jit3A_359 : i32 to vector<16xi32>
      %select_n3A_361 = arith.select %and3A_358, %sub3A_351, %broadcast_in_dim3A_360 : vector<16xi1>, vector<16xi32>
      %swap3A_362 = arith.constant 64 : index
      %swap3A_363 = tpu.vector_load %arg16[%swap3A_362] {strides = array<i32>} : memref<80xi32, #tpu.memory_space<vmem>>, vector<16xi32>,
      tpu.vector_store %arg16[%swap3A_362], %select_n3A_361 {strides = array<i32>} : memref<80xi32, #tpu.memory_space<vmem>>, vector<16xi32>,
      %scan3A_364 = arith.constant 0 : i32
      %scan3A_365 = arith.constant 80 : i32
      %scan3A_366 = arith.addi %scan3A_364, %scan3A_365 : i32
      %scan3A_367 = arith.constant 1 : i32
      scf.for %scan3A_394 = %scan3A_364 to %scan3A_366 step %scan3A_367  : i32 {
        %mul3A_395 = arith.constant 1 : i32
        %mul3A_396 = arith.muli %scan3A_394, %mul3A_395 : i32
        %add3A_397 = arith.constant 0 : i32
        %add3A_398 = arith.addi %add3A_397, %mul3A_396 : i32
        %mul3A_399 = arith.constant 16 : i32
        %mul3A_400 = arith.muli %add3A_398, %mul3A_399 : i32
        %get3A_401 = arith.index_cast %mul3A_400 : i32 to index
        %get3A_402 = tpu.vector_load %arg24[%get3A_401] {strides = array<i32>} : memref<1280xf32, #tpu.memory_space<vmem>>, vector<16xf32>,
        %swap3A_403 = arith.index_cast %add3A_398 : i32 to index
        %swap3A_404 = arith.constant 0 : index
        %swap3A_405 = tpu.vector_load %arg22[%swap3A_403, %swap3A_404] {strides = array<i32>} : memref<80x128xf32, #tpu.memory_space<vmem>>, vector<16xf32>,
        tpu.vector_store %arg22[%swap3A_403, %swap3A_404], %get3A_402 {strides = array<i32>} : memref<80x128xf32, #tpu.memory_space<vmem>>, vector<16xf32>,
      }
      %scan3A_368 = arith.constant 80 : i32
      %dma_start3A_369 = arith.constant 0 : i32
      %dma_start3A_370 = arith.constant 0 : i32
      %dma_start3A_371 = tpu.memref_slice %arg27[%dma_start3A_369, %dma_start3A_370] : memref<5128x128xf32, #tpu.memory_space<vmem_shared>> -> memref<5128x128xf32, #tpu.memory_space<vmem_shared>>
      tpu.enqueue_indirect_dma source(%arg22 : memref<80x128xf32, #tpu.memory_space<vmem>>) target(%dma_start3A_371 : memref<5128x128xf32, #tpu.memory_space<vmem_shared>>) offsets(%arg16 : memref<80xi32, #tpu.memory_space<vmem>>) semaphore(%arg33 : memref<!tpu.dma_semaphore, #tpu.memory_space<semaphore_mem>>) {add = true}
      %mul3A_372 = arith.constant 2 : i32
      %mul3A_373 = arith.muli %mul3A_372, %add3A_165 : i32
      %add3A_374 = arith.constant 2 : i32
      %add3A_375 = arith.addi %mul3A_373, %add3A_374 : i32
      %lt3A_376 = arith.constant 250 : i32
      %lt3A_377 = arith.cmpi slt, %add3A_375, %lt3A_376 : i32
      %convert_element_type3A = arith.extui %lt3A_377 : i1 to i32
      %cond3A = arith.constant 0 : i32
      %cond3A_378 = arith.cmpi ne, %convert_element_type3A, %cond3A : i32
      scf.if %cond3A_378 {
        %mul3A_394 = arith.constant 2 : i32
        %mul3A_395 = arith.muli %mul3A_394, %add3A_165 : i32
        %add3A_396 = arith.constant 2 : i32
        %add3A_397 = arith.addi %mul3A_395, %add3A_396 : i32
        %mul3A_398 = arith.constant 20000 : i32
        %mul3A_399 = arith.muli %arg1, %mul3A_398 : i32
        %mul3A_400 = arith.constant 80 : i32
        %mul3A_401 = arith.muli %add3A_397, %mul3A_400 : i32
        %add3A_402 = arith.addi %mul3A_399, %mul3A_401 : i32
        %dma_start3A_403 = tpu.memref_slice %arg6[%add3A_402] : memref<320000xi32, #tpu.memory_space<hbm>> -> memref<80xi32, #tpu.memory_space<hbm>>
        %dma_start3A_404 = tpu.memref_slice %arg6[%add3A_402] : memref<320000xi32, #tpu.memory_space<hbm>> -> memref<80xi32, #tpu.memory_space<hbm>>
        tpu.enqueue_dma source(%dma_start3A_404 : memref<80xi32, #tpu.memory_space<hbm>>) target(%arg13 : memref<80xi32, #tpu.memory_space<vmem>>) target_semaphore(%arg28 : memref<!tpu.dma_semaphore, #tpu.memory_space<semaphore_mem>>)
        %mul3A_405 = arith.constant 20000 : i32
        %mul3A_406 = arith.muli %arg1, %mul3A_405 : i32
        %mul3A_407 = arith.constant 80 : i32
        %mul3A_408 = arith.muli %add3A_397, %mul3A_407 : i32
        %add3A_409 = arith.addi %mul3A_406, %mul3A_408 : i32
        %mul3A_410 = arith.constant 16 : i32
        %mul3A_411 = arith.muli %add3A_409, %mul3A_410 : i32
        %dma_start3A_412 = tpu.memref_slice %arg10[%mul3A_411] : memref<5120000xf32, #tpu.memory_space<hbm>> -> memref<1280xf32, #tpu.memory_space<hbm>>
        %dma_start3A_413 = tpu.memref_slice %arg10[%mul3A_411] : memref<5120000xf32, #tpu.memory_space<hbm>> -> memref<1280xf32, #tpu.memory_space<hbm>>
        tpu.enqueue_dma source(%dma_start3A_413 : memref<1280xf32, #tpu.memory_space<hbm>>) target(%arg23 : memref<1280xf32, #tpu.memory_space<vmem>>) target_semaphore(%arg34 : memref<!tpu.dma_semaphore, #tpu.memory_space<semaphore_mem>>)
      } else {
      }
      %mul3A_379 = arith.constant 2 : i32
      %mul3A_380 = arith.muli %mul3A_379, %add3A_165 : i32
      %add3A_381 = arith.constant 3 : i32
      %add3A_382 = arith.addi %mul3A_380, %add3A_381 : i32
      %lt3A_383 = arith.constant 250 : i32
      %lt3A_384 = arith.cmpi slt, %add3A_382, %lt3A_383 : i32
      %convert_element_type3A_385 = arith.extui %lt3A_384 : i1 to i32
      %cond3A_386 = arith.constant 0 : i32
      %cond3A_387 = arith.cmpi ne, %convert_element_type3A_385, %cond3A_386 : i32
      scf.if %cond3A_387 {
        %mul3A_394 = arith.constant 2 : i32
        %mul3A_395 = arith.muli %mul3A_394, %add3A_165 : i32
        %add3A_396 = arith.constant 3 : i32
        %add3A_397 = arith.addi %mul3A_395, %add3A_396 : i32
        %mul3A_398 = arith.constant 20000 : i32
        %mul3A_399 = arith.muli %arg1, %mul3A_398 : i32
        %mul3A_400 = arith.constant 80 : i32
        %mul3A_401 = arith.muli %add3A_397, %mul3A_400 : i32
        %add3A_402 = arith.addi %mul3A_399, %mul3A_401 : i32
        %dma_start3A_403 = tpu.memref_slice %arg6[%add3A_402] : memref<320000xi32, #tpu.memory_space<hbm>> -> memref<80xi32, #tpu.memory_space<hbm>>
        %dma_start3A_404 = tpu.memref_slice %arg6[%add3A_402] : memref<320000xi32, #tpu.memory_space<hbm>> -> memref<80xi32, #tpu.memory_space<hbm>>
        tpu.enqueue_dma source(%dma_start3A_404 : memref<80xi32, #tpu.memory_space<hbm>>) target(%arg14 : memref<80xi32, #tpu.memory_space<vmem>>) target_semaphore(%arg29 : memref<!tpu.dma_semaphore, #tpu.memory_space<semaphore_mem>>)
        %mul3A_405 = arith.constant 20000 : i32
        %mul3A_406 = arith.muli %arg1, %mul3A_405 : i32
        %mul3A_407 = arith.constant 80 : i32
        %mul3A_408 = arith.muli %add3A_397, %mul3A_407 : i32
        %add3A_409 = arith.addi %mul3A_406, %mul3A_408 : i32
        %mul3A_410 = arith.constant 16 : i32
        %mul3A_411 = arith.muli %add3A_409, %mul3A_410 : i32
        %dma_start3A_412 = tpu.memref_slice %arg10[%mul3A_411] : memref<5120000xf32, #tpu.memory_space<hbm>> -> memref<1280xf32, #tpu.memory_space<hbm>>
        %dma_start3A_413 = tpu.memref_slice %arg10[%mul3A_411] : memref<5120000xf32, #tpu.memory_space<hbm>> -> memref<1280xf32, #tpu.memory_space<hbm>>
        tpu.enqueue_dma source(%dma_start3A_413 : memref<1280xf32, #tpu.memory_space<hbm>>) target(%arg24 : memref<1280xf32, #tpu.memory_space<vmem>>) target_semaphore(%arg35 : memref<!tpu.dma_semaphore, #tpu.memory_space<semaphore_mem>>)
      } else {
      }
      %dma_wait3A_388 = arith.constant 0 : i32
      %dma_wait3A_389 = arith.constant 0 : i32
      %dma_wait3A_390 = tpu.memref_slice %arg27[%dma_wait3A_388, %dma_wait3A_389] : memref<5128x128xf32, #tpu.memory_space<vmem_shared>> -> memref<5128x128xf32, #tpu.memory_space<vmem_shared>>
      tpu.wait_indirect_dma semaphore(%arg32 : memref<!tpu.dma_semaphore, #tpu.memory_space<semaphore_mem>>) src(%arg21 : memref<80x128xf32, #tpu.memory_space<vmem>>) dst(%dma_wait3A_390 : memref<5128x128xf32, #tpu.memory_space<vmem_shared>>)
      %dma_wait3A_391 = arith.constant 0 : i32
      %dma_wait3A_392 = arith.constant 0 : i32
      %dma_wait3A_393 = tpu.memref_slice %arg27[%dma_wait3A_391, %dma_wait3A_392] : memref<5128x128xf32, #tpu.memory_space<vmem_shared>> -> memref<5128x128xf32, #tpu.memory_space<vmem_shared>>
      tpu.wait_indirect_dma semaphore(%arg33 : memref<!tpu.dma_semaphore, #tpu.memory_space<semaphore_mem>>) src(%arg22 : memref<80x128xf32, #tpu.memory_space<vmem>>) dst(%dma_wait3A_393 : memref<5128x128xf32, #tpu.memory_space<vmem_shared>>)
    }
    %scan3A_156 = arith.constant 125 : i32
    %barrier3A_157 = arith.constant 0 : index
    tpu.barrier barrier_id(%barrier3A_157)
    %mul3A_158 = arith.constant 5128 : i32
    %mul3A_159 = arith.muli %arg0, %mul3A_158 : i32
    %add3A_160 = arith.addi %mul3A_159, %mul3A_0 : i32
    "tpu.region"() ({
      %run_scoped3A = tpu.sem_alloc : memref<!tpu.dma_semaphore, #tpu.memory_space<semaphore_mem>>
      %dma_start3A_161 = arith.constant 0 : i32
      %dma_start3A_162 = tpu.memref_slice %arg9[%add3A_160, %dma_start3A_161] : memref<10256x128xf32, #tpu.memory_space<hbm>> -> memref<320x128xf32, #tpu.memory_space<hbm>>
      %dma_start3A_163 = arith.constant 0 : i32
      %dma_start3A_164 = tpu.memref_slice %arg27[%mul3A_0, %dma_start3A_163] : memref<5128x128xf32, #tpu.memory_space<vmem_shared>> -> memref<320x128xf32, #tpu.memory_space<vmem_shared>>
      tpu.enqueue_dma source(%dma_start3A_164 : memref<320x128xf32, #tpu.memory_space<vmem_shared>>) target(%dma_start3A_162 : memref<320x128xf32, #tpu.memory_space<hbm>>) target_semaphore(%run_scoped3A : memref<!tpu.dma_semaphore, #tpu.memory_space<semaphore_mem>>)
      %dma_wait3A_165 = arith.constant 0 : i32
      %dma_wait3A_166 = tpu.memref_slice %arg9[%add3A_160, %dma_wait3A_165] : memref<10256x128xf32, #tpu.memory_space<hbm>> -> memref<320x128xf32, #tpu.memory_space<hbm>>
      %dma_wait3A_167 = arith.constant 0 : i32
      %dma_wait3A_168 = tpu.memref_slice %arg27[%mul3A_0, %dma_wait3A_167] : memref<5128x128xf32, #tpu.memory_space<vmem_shared>> -> memref<320x128xf32, #tpu.memory_space<vmem_shared>>
      tpu.wait_dma2 semaphore(%run_scoped3A : memref<!tpu.dma_semaphore, #tpu.memory_space<semaphore_mem>>) src(%dma_wait3A_168 : memref<320x128xf32, #tpu.memory_space<vmem_shared>>) dst(%dma_wait3A_166 : memref<320x128xf32, #tpu.memory_space<hbm>>)
      tpu.yield
    }) : () -> ()
    return
  }
}

#map = affine_map<(d0, d1) -> (0, 0)>
#map1 = affine_map<(d0, d1) -> (0)>
module attributes {stable_mosaic.version = 14 : i64} {
  func.func @k(%arg0: i32, %arg1: i32, %arg2: memref<10000x128xf32, #tpu.memory_space<hbm>>, %arg3: memref<10000x128xf32, #tpu.memory_space<hbm>>, %arg4: memref<320000x128xf32, #tpu.memory_space<hbm>>, %arg5: memref<320000xi32, #tpu.memory_space<hbm>>, %arg6: memref<320000xi32, #tpu.memory_space<hbm>>, %arg7: memref<8x16xf32, #tpu.memory_space<hbm>>, %arg8: memref<10256x128xf32, #tpu.memory_space<hbm>>, %arg9: memref<10256x128xf32, #tpu.memory_space<hbm>>, %arg10: memref<5120000xf32, #tpu.memory_space<hbm>>, %arg11: memref<80xi32, #tpu.memory_space<vmem>>, %arg12: memref<80xi32, #tpu.memory_space<vmem>>, %arg13: memref<80xi32, #tpu.memory_space<vmem>>, %arg14: memref<80xi32, #tpu.memory_space<vmem>>, %arg15: memref<80xi32, #tpu.memory_space<vmem>>, %arg16: memref<80xi32, #tpu.memory_space<vmem>>, %arg17: memref<80x128xf32, #tpu.memory_space<vmem>>, %arg18: memref<80x128xf32, #tpu.memory_space<vmem>>, %arg19: memref<80x128xf32, #tpu.memory_space<vmem>>, %arg20: memref<80x128xf32, #tpu.memory_space<vmem>>, %arg21: memref<80x128xf32, #tpu.memory_space<vmem>>, %arg22: memref<80x128xf32, #tpu.memory_space<vmem>>, %arg23: memref<1280xf32, #tpu.memory_space<vmem>>, %arg24: memref<1280xf32, #tpu.memory_space<vmem>>, %arg25: memref<8x16xf32, #tpu.memory_space<vmem>>, %arg26: memref<32x128xf32, #tpu.memory_space<vmem>>, %arg27: memref<5128x128xf32, #tpu.memory_space<vmem_shared>>, %arg28: memref<!tpu.dma_semaphore, #tpu.memory_space<semaphore_mem>>, %arg29: memref<!tpu.dma_semaphore, #tpu.memory_space<semaphore_mem>>, %arg30: memref<!tpu.dma_semaphore, #tpu.memory_space<semaphore_mem>>, %arg31: memref<!tpu.dma_semaphore, #tpu.memory_space<semaphore_mem>>, %arg32: memref<!tpu.dma_semaphore, #tpu.memory_space<semaphore_mem>>, %arg33: memref<!tpu.dma_semaphore, #tpu.memory_space<semaphore_mem>>, %arg34: memref<!tpu.dma_semaphore, #tpu.memory_space<semaphore_mem>>, %arg35: memref<!tpu.dma_semaphore, #tpu.memory_space<semaphore_mem>>, %arg36: memref<!tpu.dma_semaphore, #tpu.memory_space<semaphore_mem>>, %arg37: memref<!tpu.dma_semaphore, #tpu.memory_space<semaphore_mem>>) attributes {dimension_semantics = [#tpu.dimension_semantics<core_parallel>, #tpu.dimension_semantics<subcore_parallel>], iteration_bounds = array<i64: 2, 16>, scalar_prefetch = 0 : i64, scratch_operands = 27 : i64, tpu.core_type = #tpu.core_type<sc_vector_subcore>, window_params = [{transform_indices = #map}, {transform_indices = #map}, {transform_indices = #map}, {transform_indices = #map1}, {transform_indices = #map1}, {transform_indices = #map}, {transform_indices = #map}, {transform_indices = #map}, {transform_indices = #map1}]} {
    %mul3A = arith.constant 320 : i32
    %mul3A_0 = arith.muli %arg1, %mul3A : i32
    %mul3A_1 = arith.constant 5120 : i32
    %mul3A_2 = arith.muli %arg0, %mul3A_1 : i32
    %scan3A = arith.constant 0 : i32
    %scan3A_3 = arith.constant 32 : i32
    %scan3A_4 = arith.addi %scan3A, %scan3A_3 : i32
    %scan3A_5 = arith.constant 1 : i32
    scf.for %scan3A_161 = %scan3A to %scan3A_4 step %scan3A_5  : i32 {
      %mul3A_162 = arith.constant 1 : i32
      %mul3A_163 = arith.muli %scan3A_161, %mul3A_162 : i32
      %add3A_164 = arith.constant 0 : i32
      %add3A_165 = arith.addi %add3A_164, %mul3A_163 : i32
      %broadcast_in_dim3A = arith.constant 0.000000e+00 : f32
      %broadcast_in_dim3A_166 = vector.broadcast %broadcast_in_dim3A : f32 to vector<16xf32>
      %swap3A = arith.index_cast %add3A_165 : i32 to index
      %swap3A_167 = arith.constant 0 : index
      %swap3A_168 = tpu.vector_load %arg26[%swap3A, %swap3A_167] {strides = array<i32>} : memref<32x128xf32, #tpu.memory_space<vmem>>, vector<16xf32>,
      tpu.vector_store %arg26[%swap3A, %swap3A_167], %broadcast_in_dim3A_166 {strides = array<i32>} : memref<32x128xf32, #tpu.memory_space<vmem>>, vector<16xf32>,
      %broadcast_in_dim3A_169 = arith.constant 0.000000e+00 : f32
      %broadcast_in_dim3A_170 = vector.broadcast %broadcast_in_dim3A_169 : f32 to vector<16xf32>
      %swap3A_171 = arith.index_cast %add3A_165 : i32 to index
      %swap3A_172 = arith.constant 16 : index
      %swap3A_173 = tpu.vector_load %arg26[%swap3A_171, %swap3A_172] {strides = array<i32>} : memref<32x128xf32, #tpu.memory_space<vmem>>, vector<16xf32>,
      tpu.vector_store %arg26[%swap3A_171, %swap3A_172], %broadcast_in_dim3A_170 {strides = array<i32>} : memref<32x128xf32, #tpu.memory_space<vmem>>, vector<16xf32>,
      %broadcast_in_dim3A_174 = arith.constant 0.000000e+00 : f32
      %broadcast_in_dim3A_175 = vector.broadcast %broadcast_in_dim3A_174 : f32 to vector<16xf32>
      %swap3A_176 = arith.index_cast %add3A_165 : i32 to index
      %swap3A_177 = arith.constant 32 : index
      %swap3A_178 = tpu.vector_load %arg26[%swap3A_176, %swap3A_177] {strides = array<i32>} : memref<32x128xf32, #tpu.memory_space<vmem>>, vector<16xf32>,
      tpu.vector_store %arg26[%swap3A_176, %swap3A_177], %broadcast_in_dim3A_175 {strides = array<i32>} : memref<32x128xf32, #tpu.memory_space<vmem>>, vector<16xf32>,
      %broadcast_in_dim3A_179 = arith.constant 0.000000e+00 : f32
      %broadcast_in_dim3A_180 = vector.broadcast %broadcast_in_dim3A_179 : f32 to vector<16xf32>
      %swap3A_181 = arith.index_cast %add3A_165 : i32 to index
      %swap3A_182 = arith.constant 48 : index
      %swap3A_183 = tpu.vector_load %arg26[%swap3A_181, %swap3A_182] {strides = array<i32>} : memref<32x128xf32, #tpu.memory_space<vmem>>, vector<16xf32>,
      tpu.vector_store %arg26[%swap3A_181, %swap3A_182], %broadcast_in_dim3A_180 {strides = array<i32>} : memref<32x128xf32, #tpu.memory_space<vmem>>, vector<16xf32>,
      %broadcast_in_dim3A_184 = arith.constant 0.000000e+00 : f32
      %broadcast_in_dim3A_185 = vector.broadcast %broadcast_in_dim3A_184 : f32 to vector<16xf32>
      %swap3A_186 = arith.index_cast %add3A_165 : i32 to index
      %swap3A_187 = arith.constant 64 : index
      %swap3A_188 = tpu.vector_load %arg26[%swap3A_186, %swap3A_187] {strides = array<i32>} : memref<32x128xf32, #tpu.memory_space<vmem>>, vector<16xf32>,
      tpu.vector_store %arg26[%swap3A_186, %swap3A_187], %broadcast_in_dim3A_185 {strides = array<i32>} : memref<32x128xf32, #tpu.memory_space<vmem>>, vector<16xf32>,
      %broadcast_in_dim3A_189 = arith.constant 0.000000e+00 : f32
      %broadcast_in_dim3A_190 = vector.broadcast %broadcast_in_dim3A_189 : f32 to vector<16xf32>
      %swap3A_191 = arith.index_cast %add3A_165 : i32 to index
      %swap3A_192 = arith.constant 80 : index
      %swap3A_193 = tpu.vector_load %arg26[%swap3A_191, %swap3A_192] {strides = array<i32>} : memref<32x128xf32, #tpu.memory_space<vmem>>, vector<16xf32>,
      tpu.vector_store %arg26[%swap3A_191, %swap3A_192], %broadcast_in_dim3A_190 {strides = array<i32>} : memref<32x128xf32, #tpu.memory_space<vmem>>, vector<16xf32>,
      %broadcast_in_dim3A_194 = arith.constant 0.000000e+00 : f32
      %broadcast_in_dim3A_195 = vector.broadcast %broadcast_in_dim3A_194 : f32 to vector<16xf32>
      %swap3A_196 = arith.index_cast %add3A_165 : i32 to index
      %swap3A_197 = arith.constant 96 : index
      %swap3A_198 = tpu.vector_load %arg26[%swap3A_196, %swap3A_197] {strides = array<i32>} : memref<32x128xf32, #tpu.memory_space<vmem>>, vector<16xf32>,
      tpu.vector_store %arg26[%swap3A_196, %swap3A_197], %broadcast_in_dim3A_195 {strides = array<i32>} : memref<32x128xf32, #tpu.memory_space<vmem>>, vector<16xf32>,
      %broadcast_in_dim3A_199 = arith.constant 0.000000e+00 : f32
      %broadcast_in_dim3A_200 = vector.broadcast %broadcast_in_dim3A_199 : f32 to vector<16xf32>
      %swap3A_201 = arith.index_cast %add3A_165 : i32 to index
      %swap3A_202 = arith.constant 112 : index
      %swap3A_203 = tpu.vector_load %arg26[%swap3A_201, %swap3A_202] {strides = array<i32>} : memref<32x128xf32, #tpu.memory_space<vmem>>, vector<16xf32>,
      tpu.vector_store %arg26[%swap3A_201, %swap3A_202], %broadcast_in_dim3A_200 {strides = array<i32>} : memref<32x128xf32, #tpu.memory_space<vmem>>, vector<16xf32>,
    }
    %scan3A_6 = arith.constant 32 : i32
    "tpu.region"() ({
      %run_scoped3A = tpu.sem_alloc : memref<!tpu.dma_semaphore, #tpu.memory_space<semaphore_mem>>
      tpu.enqueue_dma source(%arg7 : memref<8x16xf32, #tpu.memory_space<hbm>>) target(%arg25 : memref<8x16xf32, #tpu.memory_space<vmem>>) target_semaphore(%run_scoped3A : memref<!tpu.dma_semaphore, #tpu.memory_space<semaphore_mem>>)
      tpu.wait_dma2 semaphore(%run_scoped3A : memref<!tpu.dma_semaphore, #tpu.memory_space<semaphore_mem>>) src(%arg7 : memref<8x16xf32, #tpu.memory_space<hbm>>) dst(%arg25 : memref<8x16xf32, #tpu.memory_space<vmem>>)
      tpu.yield
    }) : () -> ()
    %scan3A_7 = arith.constant 0 : i32
    %scan3A_8 = arith.constant 10 : i32
    %scan3A_9 = arith.addi %scan3A_7, %scan3A_8 : i32
    %scan3A_10 = arith.constant 1 : i32
    scf.for %scan3A_161 = %scan3A_7 to %scan3A_9 step %scan3A_10  : i32 {
      %mul3A_162 = arith.constant 1 : i32
      %mul3A_163 = arith.muli %scan3A_161, %mul3A_162 : i32
      %add3A_164 = arith.constant 0 : i32
      %add3A_165 = arith.addi %add3A_164, %mul3A_163 : i32
      %mul3A_166 = arith.constant 32 : i32
      %mul3A_167 = arith.muli %add3A_165, %mul3A_166 : i32
      %add3A_168 = arith.addi %mul3A_0, %mul3A_167 : i32
      "tpu.region"() ({
        %run_scoped3A = tpu.sem_alloc : memref<!tpu.dma_semaphore, #tpu.memory_space<semaphore_mem>>
        %dma_start3A_169 = arith.constant 0 : i32
        %dma_start3A_170 = tpu.memref_slice %arg27[%add3A_168, %dma_start3A_169] : memref<5128x128xf32, #tpu.memory_space<vmem_shared>> -> memref<32x128xf32, #tpu.memory_space<vmem_shared>>
        %dma_start3A_171 = arith.constant 0 : i32
        %dma_start3A_172 = tpu.memref_slice %arg27[%add3A_168, %dma_start3A_171] : memref<5128x128xf32, #tpu.memory_space<vmem_shared>> -> memref<32x128xf32, #tpu.memory_space<vmem_shared>>
        tpu.enqueue_dma source(%arg26 : memref<32x128xf32, #tpu.memory_space<vmem>>) target(%dma_start3A_172 : memref<32x128xf32, #tpu.memory_space<vmem_shared>>) target_semaphore(%run_scoped3A : memref<!tpu.dma_semaphore, #tpu.memory_space<semaphore_mem>>)
        %dma_wait3A_173 = arith.constant 0 : i32
        %dma_wait3A_174 = tpu.memref_slice %arg27[%add3A_168, %dma_wait3A_173] : memref<5128x128xf32, #tpu.memory_space<vmem_shared>> -> memref<32x128xf32, #tpu.memory_space<vmem_shared>>
        %dma_wait3A_175 = arith.constant 0 : i32
        %dma_wait3A_176 = tpu.memref_slice %arg27[%add3A_168, %dma_wait3A_175] : memref<5128x128xf32, #tpu.memory_space<vmem_shared>> -> memref<32x128xf32, #tpu.memory_space<vmem_shared>>
        tpu.wait_dma2 semaphore(%run_scoped3A : memref<!tpu.dma_semaphore, #tpu.memory_space<semaphore_mem>>) src(%arg26 : memref<32x128xf32, #tpu.memory_space<vmem>>) dst(%dma_wait3A_176 : memref<32x128xf32, #tpu.memory_space<vmem_shared>>)
        tpu.yield
      }) : () -> ()
    }
    %scan3A_11 = arith.constant 10 : i32
    %barrier3A = arith.constant 0 : index
    tpu.barrier barrier_id(%barrier3A)
    %get3A = arith.constant 0 : i32
    %get3A_12 = arith.index_cast %get3A : i32 to index
    %get3A_13 = arith.constant 0 : index
    %get3A_14 = tpu.vector_load %arg25[%get3A_12, %get3A_13] {strides = array<i32>} : memref<8x16xf32, #tpu.memory_space<vmem>>, vector<16xf32>,
    %get3A_15 = arith.constant 1 : i32
    %get3A_16 = arith.index_cast %get3A_15 : i32 to index
    %get3A_17 = arith.constant 0 : index
    %get3A_18 = tpu.vector_load %arg25[%get3A_16, %get3A_17] {strides = array<i32>} : memref<8x16xf32, #tpu.memory_space<vmem>>, vector<16xf32>,
    %get3A_19 = arith.constant 2 : i32
    %get3A_20 = arith.index_cast %get3A_19 : i32 to index
    %get3A_21 = arith.constant 0 : index
    %get3A_22 = tpu.vector_load %arg25[%get3A_20, %get3A_21] {strides = array<i32>} : memref<8x16xf32, #tpu.memory_space<vmem>>, vector<16xf32>,
    %get3A_23 = arith.constant 3 : i32
    %get3A_24 = arith.index_cast %get3A_23 : i32 to index
    %get3A_25 = arith.constant 0 : index
    %get3A_26 = tpu.vector_load %arg25[%get3A_24, %get3A_25] {strides = array<i32>} : memref<8x16xf32, #tpu.memory_space<vmem>>, vector<16xf32>,
    %get3A_27 = arith.constant 4 : i32
    %get3A_28 = arith.index_cast %get3A_27 : i32 to index
    %get3A_29 = arith.constant 0 : index
    %get3A_30 = tpu.vector_load %arg25[%get3A_28, %get3A_29] {strides = array<i32>} : memref<8x16xf32, #tpu.memory_space<vmem>>, vector<16xf32>,
    %get3A_31 = arith.constant 5 : i32
    %get3A_32 = arith.index_cast %get3A_31 : i32 to index
    %get3A_33 = arith.constant 0 : index
    %get3A_34 = tpu.vector_load %arg25[%get3A_32, %get3A_33] {strides = array<i32>} : memref<8x16xf32, #tpu.memory_space<vmem>>, vector<16xf32>,
    %get3A_35 = arith.constant 6 : i32
    %get3A_36 = arith.index_cast %get3A_35 : i32 to index
    %get3A_37 = arith.constant 0 : index
    %get3A_38 = tpu.vector_load %arg25[%get3A_36, %get3A_37] {strides = array<i32>} : memref<8x16xf32, #tpu.memory_space<vmem>>, vector<16xf32>,
    %get3A_39 = arith.constant 7 : i32
    %get3A_40 = arith.index_cast %get3A_39 : i32 to index
    %get3A_41 = arith.constant 0 : index
    %get3A_42 = tpu.vector_load %arg25[%get3A_40, %get3A_41] {strides = array<i32>} : memref<8x16xf32, #tpu.memory_space<vmem>>, vector<16xf32>,
    %iota3A = tpu.iota {dimensions = array<i32: 0>} : vector<16xi32>
    %mul3A_43 = arith.constant 20000 : i32
    %mul3A_44 = arith.muli %arg1, %mul3A_43 : i32
    %add3A = arith.constant 0 : i32
    %add3A_45 = arith.addi %mul3A_44, %add3A : i32
    %dma_start3A = tpu.memref_slice %arg5[%add3A_45] : memref<320000xi32, #tpu.memory_space<hbm>> -> memref<80xi32, #tpu.memory_space<hbm>>
    %dma_start3A_46 = tpu.memref_slice %arg5[%add3A_45] : memref<320000xi32, #tpu.memory_space<hbm>> -> memref<80xi32, #tpu.memory_space<hbm>>
    tpu.enqueue_dma source(%dma_start3A_46 : memref<80xi32, #tpu.memory_space<hbm>>) target(%arg11 : memref<80xi32, #tpu.memory_space<vmem>>) target_semaphore(%arg28 : memref<!tpu.dma_semaphore, #tpu.memory_space<semaphore_mem>>)
    %mul3A_47 = arith.constant 20000 : i32
    %mul3A_48 = arith.muli %arg1, %mul3A_47 : i32
    %add3A_49 = arith.constant 0 : i32
    %add3A_50 = arith.addi %mul3A_48, %add3A_49 : i32
    %dma_start3A_51 = tpu.memref_slice %arg6[%add3A_50] : memref<320000xi32, #tpu.memory_space<hbm>> -> memref<80xi32, #tpu.memory_space<hbm>>
    %dma_start3A_52 = tpu.memref_slice %arg6[%add3A_50] : memref<320000xi32, #tpu.memory_space<hbm>> -> memref<80xi32, #tpu.memory_space<hbm>>
    tpu.enqueue_dma source(%dma_start3A_52 : memref<80xi32, #tpu.memory_space<hbm>>) target(%arg13 : memref<80xi32, #tpu.memory_space<vmem>>) target_semaphore(%arg28 : memref<!tpu.dma_semaphore, #tpu.memory_space<semaphore_mem>>)
    %mul3A_53 = arith.constant 20000 : i32
    %mul3A_54 = arith.muli %arg1, %mul3A_53 : i32
    %add3A_55 = arith.constant 0 : i32
    %add3A_56 = arith.addi %mul3A_54, %add3A_55 : i32
    %dma_wait3A = tpu.memref_slice %arg5[%add3A_56] : memref<320000xi32, #tpu.memory_space<hbm>> -> memref<80xi32, #tpu.memory_space<hbm>>
    %dma_wait3A_57 = tpu.memref_slice %arg5[%add3A_56] : memref<320000xi32, #tpu.memory_space<hbm>> -> memref<80xi32, #tpu.memory_space<hbm>>
    tpu.wait_dma2 semaphore(%arg28 : memref<!tpu.dma_semaphore, #tpu.memory_space<semaphore_mem>>) src(%dma_wait3A_57 : memref<80xi32, #tpu.memory_space<hbm>>) dst(%arg11 : memref<80xi32, #tpu.memory_space<vmem>>)
    %mul3A_58 = arith.constant 20000 : i32
    %mul3A_59 = arith.muli %arg1, %mul3A_58 : i32
    %add3A_60 = arith.constant 0 : i32
    %add3A_61 = arith.addi %mul3A_59, %add3A_60 : i32
    %dma_wait3A_62 = tpu.memref_slice %arg6[%add3A_61] : memref<320000xi32, #tpu.memory_space<hbm>> -> memref<80xi32, #tpu.memory_space<hbm>>
    %dma_wait3A_63 = tpu.memref_slice %arg6[%add3A_61] : memref<320000xi32, #tpu.memory_space<hbm>> -> memref<80xi32, #tpu.memory_space<hbm>>
    tpu.wait_dma2 semaphore(%arg28 : memref<!tpu.dma_semaphore, #tpu.memory_space<semaphore_mem>>) src(%dma_wait3A_63 : memref<80xi32, #tpu.memory_space<hbm>>) dst(%arg13 : memref<80xi32, #tpu.memory_space<vmem>>)
    %dma_start3A_64 = arith.constant 0 : i32
    %dma_start3A_65 = arith.constant 0 : i32
    %dma_start3A_66 = tpu.memref_slice %arg2[%dma_start3A_64, %dma_start3A_65] : memref<10000x128xf32, #tpu.memory_space<hbm>> -> memref<10000x128xf32, #tpu.memory_space<hbm>>
    tpu.enqueue_indirect_dma source(%dma_start3A_66 : memref<10000x128xf32, #tpu.memory_space<hbm>>) target(%arg17 : memref<80x128xf32, #tpu.memory_space<vmem>>) offsets(%arg11 : memref<80xi32, #tpu.memory_space<vmem>>) semaphore(%arg30 : memref<!tpu.dma_semaphore, #tpu.memory_space<semaphore_mem>>)
    %dma_start3A_67 = arith.constant 0 : i32
    %dma_start3A_68 = arith.constant 0 : i32
    %dma_start3A_69 = tpu.memref_slice %arg3[%dma_start3A_67, %dma_start3A_68] : memref<10000x128xf32, #tpu.memory_space<hbm>> -> memref<10000x128xf32, #tpu.memory_space<hbm>>
    tpu.enqueue_indirect_dma source(%dma_start3A_69 : memref<10000x128xf32, #tpu.memory_space<hbm>>) target(%arg19 : memref<80x128xf32, #tpu.memory_space<vmem>>) offsets(%arg13 : memref<80xi32, #tpu.memory_space<vmem>>) semaphore(%arg30 : memref<!tpu.dma_semaphore, #tpu.memory_space<semaphore_mem>>)
    %mul3A_70 = arith.constant 20000 : i32
    %mul3A_71 = arith.muli %arg1, %mul3A_70 : i32
    %add3A_72 = arith.constant 0 : i32
    %add3A_73 = arith.addi %mul3A_71, %add3A_72 : i32
    %dma_start3A_74 = arith.constant 0 : i32
    %dma_start3A_75 = tpu.memref_slice %arg4[%add3A_73, %dma_start3A_74] : memref<320000x128xf32, #tpu.memory_space<hbm>> -> memref<80x128xf32, #tpu.memory_space<hbm>>
    %dma_start3A_76 = arith.constant 0 : i32
    %dma_start3A_77 = tpu.memref_slice %arg4[%add3A_73, %dma_start3A_76] : memref<320000x128xf32, #tpu.memory_space<hbm>> -> memref<80x128xf32, #tpu.memory_space<hbm>>
    tpu.enqueue_dma source(%dma_start3A_77 : memref<80x128xf32, #tpu.memory_space<hbm>>) target(%arg21 : memref<80x128xf32, #tpu.memory_space<vmem>>) target_semaphore(%arg34 : memref<!tpu.dma_semaphore, #tpu.memory_space<semaphore_mem>>)
    %mul3A_78 = arith.constant 20000 : i32
    %mul3A_79 = arith.muli %arg1, %mul3A_78 : i32
    %add3A_80 = arith.constant 80 : i32
    %add3A_81 = arith.addi %mul3A_79, %add3A_80 : i32
    %dma_start3A_82 = tpu.memref_slice %arg5[%add3A_81] : memref<320000xi32, #tpu.memory_space<hbm>> -> memref<80xi32, #tpu.memory_space<hbm>>
    %dma_start3A_83 = tpu.memref_slice %arg5[%add3A_81] : memref<320000xi32, #tpu.memory_space<hbm>> -> memref<80xi32, #tpu.memory_space<hbm>>
    tpu.enqueue_dma source(%dma_start3A_83 : memref<80xi32, #tpu.memory_space<hbm>>) target(%arg12 : memref<80xi32, #tpu.memory_space<vmem>>) target_semaphore(%arg29 : memref<!tpu.dma_semaphore, #tpu.memory_space<semaphore_mem>>)
    %mul3A_84 = arith.constant 20000 : i32
    %mul3A_85 = arith.muli %arg1, %mul3A_84 : i32
    %add3A_86 = arith.constant 80 : i32
    %add3A_87 = arith.addi %mul3A_85, %add3A_86 : i32
    %dma_start3A_88 = tpu.memref_slice %arg6[%add3A_87] : memref<320000xi32, #tpu.memory_space<hbm>> -> memref<80xi32, #tpu.memory_space<hbm>>
    %dma_start3A_89 = tpu.memref_slice %arg6[%add3A_87] : memref<320000xi32, #tpu.memory_space<hbm>> -> memref<80xi32, #tpu.memory_space<hbm>>
    tpu.enqueue_dma source(%dma_start3A_89 : memref<80xi32, #tpu.memory_space<hbm>>) target(%arg14 : memref<80xi32, #tpu.memory_space<vmem>>) target_semaphore(%arg29 : memref<!tpu.dma_semaphore, #tpu.memory_space<semaphore_mem>>)
    %dma_wait3A_90 = arith.constant 0 : i32
    %dma_wait3A_91 = arith.constant 0 : i32
    %dma_wait3A_92 = tpu.memref_slice %arg2[%dma_wait3A_90, %dma_wait3A_91] : memref<10000x128xf32, #tpu.memory_space<hbm>> -> memref<10000x128xf32, #tpu.memory_space<hbm>>
    tpu.wait_indirect_dma semaphore(%arg30 : memref<!tpu.dma_semaphore, #tpu.memory_space<semaphore_mem>>) src(%dma_wait3A_92 : memref<10000x128xf32, #tpu.memory_space<hbm>>) dst(%arg17 : memref<80x128xf32, #tpu.memory_space<vmem>>)
    %dma_wait3A_93 = arith.constant 0 : i32
    %dma_wait3A_94 = arith.constant 0 : i32
    %dma_wait3A_95 = tpu.memref_slice %arg3[%dma_wait3A_93, %dma_wait3A_94] : memref<10000x128xf32, #tpu.memory_space<hbm>> -> memref<10000x128xf32, #tpu.memory_space<hbm>>
    tpu.wait_indirect_dma semaphore(%arg30 : memref<!tpu.dma_semaphore, #tpu.memory_space<semaphore_mem>>) src(%dma_wait3A_95 : memref<10000x128xf32, #tpu.memory_space<hbm>>) dst(%arg19 : memref<80x128xf32, #tpu.memory_space<vmem>>)
    %scan3A_96 = arith.constant 0 : i32
    %scan3A_97 = arith.constant 125 : i32
    %scan3A_98 = arith.addi %scan3A_96, %scan3A_97 : i32
    %scan3A_99 = arith.constant 1 : i32
    scf.for %scan3A_161 = %scan3A_96 to %scan3A_98 step %scan3A_99  : i32 {
      %mul3A_162 = arith.constant 1 : i32
      %mul3A_163 = arith.muli %scan3A_161, %mul3A_162 : i32
      %add3A_164 = arith.constant 0 : i32
      %add3A_165 = arith.addi %add3A_164, %mul3A_163 : i32
      %mul3A_166 = arith.constant 2 : i32
      %mul3A_167 = arith.muli %mul3A_166, %add3A_165 : i32
      %add3A_168 = arith.constant 0 : i32
      %add3A_169 = arith.addi %mul3A_167, %add3A_168 : i32
      %ge3A = arith.constant 1 : i32
      %ge3A_170 = arith.cmpi sge, %add3A_169, %ge3A : i32
      %convert_element_type3A = arith.extui %ge3A_170 : i1 to i32
      %cond3A = arith.constant 0 : i32
      %cond3A_171 = arith.cmpi ne, %convert_element_type3A, %cond3A : i32
      scf.if %cond3A_171 {
        %sub3A_448 = arith.constant 1 : i32
        %sub3A_449 = arith.subi %add3A_169, %sub3A_448 : i32
        %mul3A_450 = arith.constant 20000 : i32
        %mul3A_451 = arith.muli %arg1, %mul3A_450 : i32
        %mul3A_452 = arith.constant 80 : i32
        %mul3A_453 = arith.muli %sub3A_449, %mul3A_452 : i32
        %add3A_454 = arith.addi %mul3A_451, %mul3A_453 : i32
        %mul3A_455 = arith.constant 16 : i32
        %mul3A_456 = arith.muli %add3A_454, %mul3A_455 : i32
        %dma_wait3A_457 = tpu.memref_slice %arg10[%mul3A_456] : memref<5120000xf32, #tpu.memory_space<hbm>> -> memref<1280xf32, #tpu.memory_space<hbm>>
        %dma_wait3A_458 = tpu.memref_slice %arg10[%mul3A_456] : memref<5120000xf32, #tpu.memory_space<hbm>> -> memref<1280xf32, #tpu.memory_space<hbm>>
        tpu.wait_dma2 semaphore(%arg37 : memref<!tpu.dma_semaphore, #tpu.memory_space<semaphore_mem>>) src(%arg24 : memref<1280xf32, #tpu.memory_space<vmem>>) dst(%dma_wait3A_458 : memref<1280xf32, #tpu.memory_space<hbm>>)
      } else {
      }
      %add3A_172 = arith.constant 1 : i32
      %add3A_173 = arith.addi %add3A_169, %add3A_172 : i32
      %lt3A = arith.constant 250 : i32
      %lt3A_174 = arith.cmpi slt, %add3A_173, %lt3A : i32
      %convert_element_type3A_175 = arith.extui %lt3A_174 : i1 to i32
      %cond3A_176 = arith.constant 0 : i32
      %cond3A_177 = arith.cmpi ne, %convert_element_type3A_175, %cond3A_176 : i32
      scf.if %cond3A_177 {
        %add3A_448 = arith.constant 1 : i32
        %add3A_449 = arith.addi %add3A_169, %add3A_448 : i32
        %mul3A_450 = arith.constant 20000 : i32
        %mul3A_451 = arith.muli %arg1, %mul3A_450 : i32
        %mul3A_452 = arith.constant 80 : i32
        %mul3A_453 = arith.muli %add3A_449, %mul3A_452 : i32
        %add3A_454 = arith.addi %mul3A_451, %mul3A_453 : i32
        %dma_wait3A_455 = tpu.memref_slice %arg5[%add3A_454] : memref<320000xi32, #tpu.memory_space<hbm>> -> memref<80xi32, #tpu.memory_space<hbm>>
        %dma_wait3A_456 = tpu.memref_slice %arg5[%add3A_454] : memref<320000xi32, #tpu.memory_space<hbm>> -> memref<80xi32, #tpu.memory_space<hbm>>
        tpu.wait_dma2 semaphore(%arg29 : memref<!tpu.dma_semaphore, #tpu.memory_space<semaphore_mem>>) src(%dma_wait3A_456 : memref<80xi32, #tpu.memory_space<hbm>>) dst(%arg12 : memref<80xi32, #tpu.memory_space<vmem>>)
        %mul3A_457 = arith.constant 20000 : i32
        %mul3A_458 = arith.muli %arg1, %mul3A_457 : i32
        %mul3A_459 = arith.constant 80 : i32
        %mul3A_460 = arith.muli %add3A_449, %mul3A_459 : i32
        %add3A_461 = arith.addi %mul3A_458, %mul3A_460 : i32
        %dma_wait3A_462 = tpu.memref_slice %arg6[%add3A_461] : memref<320000xi32, #tpu.memory_space<hbm>> -> memref<80xi32, #tpu.memory_space<hbm>>
        %dma_wait3A_463 = tpu.memref_slice %arg6[%add3A_461] : memref<320000xi32, #tpu.memory_space<hbm>> -> memref<80xi32, #tpu.memory_space<hbm>>
        tpu.wait_dma2 semaphore(%arg29 : memref<!tpu.dma_semaphore, #tpu.memory_space<semaphore_mem>>) src(%dma_wait3A_463 : memref<80xi32, #tpu.memory_space<hbm>>) dst(%arg14 : memref<80xi32, #tpu.memory_space<vmem>>)
      } else {
      }
      %add3A_178 = arith.constant 1 : i32
      %add3A_179 = arith.addi %add3A_169, %add3A_178 : i32
      %lt3A_180 = arith.constant 250 : i32
      %lt3A_181 = arith.cmpi slt, %add3A_179, %lt3A_180 : i32
      %convert_element_type3A_182 = arith.extui %lt3A_181 : i1 to i32
      %cond3A_183 = arith.constant 0 : i32
      %cond3A_184 = arith.cmpi ne, %convert_element_type3A_182, %cond3A_183 : i32
      scf.if %cond3A_184 {
        %add3A_448 = arith.constant 1 : i32
        %add3A_449 = arith.addi %add3A_169, %add3A_448 : i32
        %dma_start3A_450 = arith.constant 0 : i32
        %dma_start3A_451 = arith.constant 0 : i32
        %dma_start3A_452 = tpu.memref_slice %arg2[%dma_start3A_450, %dma_start3A_451] : memref<10000x128xf32, #tpu.memory_space<hbm>> -> memref<10000x128xf32, #tpu.memory_space<hbm>>
        tpu.enqueue_indirect_dma source(%dma_start3A_452 : memref<10000x128xf32, #tpu.memory_space<hbm>>) target(%arg18 : memref<80x128xf32, #tpu.memory_space<vmem>>) offsets(%arg12 : memref<80xi32, #tpu.memory_space<vmem>>) semaphore(%arg31 : memref<!tpu.dma_semaphore, #tpu.memory_space<semaphore_mem>>)
        %dma_start3A_453 = arith.constant 0 : i32
        %dma_start3A_454 = arith.constant 0 : i32
        %dma_start3A_455 = tpu.memref_slice %arg3[%dma_start3A_453, %dma_start3A_454] : memref<10000x128xf32, #tpu.memory_space<hbm>> -> memref<10000x128xf32, #tpu.memory_space<hbm>>
        tpu.enqueue_indirect_dma source(%dma_start3A_455 : memref<10000x128xf32, #tpu.memory_space<hbm>>) target(%arg20 : memref<80x128xf32, #tpu.memory_space<vmem>>) offsets(%arg14 : memref<80xi32, #tpu.memory_space<vmem>>) semaphore(%arg31 : memref<!tpu.dma_semaphore, #tpu.memory_space<semaphore_mem>>)
        %add3A_456 = arith.constant 1 : i32
        %add3A_457 = arith.addi %add3A_169, %add3A_456 : i32
        %mul3A_458 = arith.constant 20000 : i32
        %mul3A_459 = arith.muli %arg1, %mul3A_458 : i32
        %mul3A_460 = arith.constant 80 : i32
        %mul3A_461 = arith.muli %add3A_457, %mul3A_460 : i32
        %add3A_462 = arith.addi %mul3A_459, %mul3A_461 : i32
        %dma_start3A_463 = arith.constant 0 : i32
        %dma_start3A_464 = tpu.memref_slice %arg4[%add3A_462, %dma_start3A_463] : memref<320000x128xf32, #tpu.memory_space<hbm>> -> memref<80x128xf32, #tpu.memory_space<hbm>>
        %dma_start3A_465 = arith.constant 0 : i32
        %dma_start3A_466 = tpu.memref_slice %arg4[%add3A_462, %dma_start3A_465] : memref<320000x128xf32, #tpu.memory_space<hbm>> -> memref<80x128xf32, #tpu.memory_space<hbm>>
        tpu.enqueue_dma source(%dma_start3A_466 : memref<80x128xf32, #tpu.memory_space<hbm>>) target(%arg22 : memref<80x128xf32, #tpu.memory_space<vmem>>) target_semaphore(%arg35 : memref<!tpu.dma_semaphore, #tpu.memory_space<semaphore_mem>>)
      } else {
      }
      %mul3A_185 = arith.constant 20000 : i32
      %mul3A_186 = arith.muli %arg1, %mul3A_185 : i32
      %mul3A_187 = arith.constant 80 : i32
      %mul3A_188 = arith.muli %add3A_169, %mul3A_187 : i32
      %add3A_189 = arith.addi %mul3A_186, %mul3A_188 : i32
      %dma_wait3A_190 = arith.constant 0 : i32
      %dma_wait3A_191 = tpu.memref_slice %arg4[%add3A_189, %dma_wait3A_190] : memref<320000x128xf32, #tpu.memory_space<hbm>> -> memref<80x128xf32, #tpu.memory_space<hbm>>
      %dma_wait3A_192 = arith.constant 0 : i32
      %dma_wait3A_193 = tpu.memref_slice %arg4[%add3A_189, %dma_wait3A_192] : memref<320000x128xf32, #tpu.memory_space<hbm>> -> memref<80x128xf32, #tpu.memory_space<hbm>>
      tpu.wait_dma2 semaphore(%arg34 : memref<!tpu.dma_semaphore, #tpu.memory_space<semaphore_mem>>) src(%dma_wait3A_193 : memref<80x128xf32, #tpu.memory_space<hbm>>) dst(%arg21 : memref<80x128xf32, #tpu.memory_space<vmem>>)
      %scan3A_194 = arith.constant 0 : i32
      %scan3A_195 = arith.constant 80 : i32
      %scan3A_196 = arith.addi %scan3A_194, %scan3A_195 : i32
      %scan3A_197 = arith.constant 1 : i32
      scf.for %scan3A_448 = %scan3A_194 to %scan3A_196 step %scan3A_197  : i32 {
        %mul3A_449 = arith.constant 1 : i32
        %mul3A_450 = arith.muli %scan3A_448, %mul3A_449 : i32
        %add3A_451 = arith.constant 0 : i32
        %add3A_452 = arith.addi %add3A_451, %mul3A_450 : i32
        %broadcast_in_dim3A_453 = arith.constant 0.000000e+00 : f32
        %broadcast_in_dim3A_454 = vector.broadcast %broadcast_in_dim3A_453 : f32 to vector<16xf32>
        %get3A_455 = arith.index_cast %add3A_452 : i32 to index
        %get3A_456 = arith.constant 0 : index
        %get3A_457 = tpu.vector_load %arg17[%get3A_455, %get3A_456] {strides = array<i32>} : memref<80x128xf32, #tpu.memory_space<vmem>>, vector<16xf32>,
        %get3A_458 = arith.index_cast %add3A_452 : i32 to index
        %get3A_459 = arith.constant 0 : index
        %get3A_460 = tpu.vector_load %arg19[%get3A_458, %get3A_459] {strides = array<i32>} : memref<80x128xf32, #tpu.memory_space<vmem>>, vector<16xf32>,
        %add3A_461 = arith.addf %get3A_457, %get3A_460 : vector<16xf32>
        %get3A_462 = arith.index_cast %add3A_452 : i32 to index
        %get3A_463 = arith.constant 0 : index
        %get3A_464 = tpu.vector_load %arg21[%get3A_462, %get3A_463] {strides = array<i32>} : memref<80x128xf32, #tpu.memory_space<vmem>>, vector<16xf32>,
        %add3A_465 = arith.addf %add3A_461, %get3A_464 : vector<16xf32>
        %ge3A_466 = arith.constant 0.000000e+00 : f32
        %ge3A_467 = vector.broadcast %ge3A_466 : f32 to vector<16xf32>
        %ge3A_468 = arith.cmpf oge, %add3A_465, %ge3A_467 : vector<16xf32>
        %mul3A_469 = arith.constant 2.000000e-01 : f32
        %mul3A_470 = vector.broadcast %mul3A_469 : f32 to vector<16xf32>
        %mul3A_471 = arith.mulf %add3A_465, %mul3A_470 : vector<16xf32>
        %select_n3A_472 = arith.select %ge3A_468, %add3A_465, %mul3A_471 : vector<16xi1>, vector<16xf32>
        %mul3A_473 = arith.mulf %select_n3A_472, %get3A_14 : vector<16xf32>
        %reduce_sum3A = arith.constant true
        %reduce_sum3A_474 = vector.broadcast %reduce_sum3A : i1 to vector<16xi1>
        %reduce_sum3A_475 = tpu.scan <sum>, %mul3A_473 masked %reduce_sum3A_474 : vector<16xf32>, vector<16xi1> -> vector<16xf32>
        %reduce_sum3A_476 = vector.extract %reduce_sum3A_475[15] : f32 from vector<16xf32>
        %broadcast_in_dim3A_477 = vector.broadcast %reduce_sum3A_476 : f32 to vector<16xf32>
        %exp3A = math.exp %broadcast_in_dim3A_477 : vector<16xf32>
        %mul3A_478 = arith.mulf %exp3A, %get3A_457 : vector<16xf32>
        %swap3A_479 = arith.index_cast %add3A_452 : i32 to index
        %swap3A_480 = arith.constant 0 : index
        %swap3A_481 = tpu.vector_load %arg21[%swap3A_479, %swap3A_480] {strides = array<i32>} : memref<80x128xf32, #tpu.memory_space<vmem>>, vector<16xf32>,
        tpu.vector_store %arg21[%swap3A_479, %swap3A_480], %mul3A_478 {strides = array<i32>} : memref<80x128xf32, #tpu.memory_space<vmem>>, vector<16xf32>,
        %eq3A = arith.constant 0 : i32
        %eq3A_482 = vector.broadcast %eq3A : i32 to vector<16xi32>
        %eq3A_483 = arith.cmpi eq, %iota3A, %eq3A_482 : vector<16xi32>
        %select_n3A_484 = arith.select %eq3A_483, %exp3A, %broadcast_in_dim3A_454 : vector<16xi1>, vector<16xf32>
        %get3A_485 = arith.index_cast %add3A_452 : i32 to index
        %get3A_486 = arith.constant 16 : index
        %get3A_487 = tpu.vector_load %arg17[%get3A_485, %get3A_486] {strides = array<i32>} : memref<80x128xf32, #tpu.memory_space<vmem>>, vector<16xf32>,
        %get3A_488 = arith.index_cast %add3A_452 : i32 to index
        %get3A_489 = arith.constant 16 : index
        %get3A_490 = tpu.vector_load %arg19[%get3A_488, %get3A_489] {strides = array<i32>} : memref<80x128xf32, #tpu.memory_space<vmem>>, vector<16xf32>,
        %add3A_491 = arith.addf %get3A_487, %get3A_490 : vector<16xf32>
        %get3A_492 = arith.index_cast %add3A_452 : i32 to index
        %get3A_493 = arith.constant 16 : index
        %get3A_494 = tpu.vector_load %arg21[%get3A_492, %get3A_493] {strides = array<i32>} : memref<80x128xf32, #tpu.memory_space<vmem>>, vector<16xf32>,
        %add3A_495 = arith.addf %add3A_491, %get3A_494 : vector<16xf32>
        %ge3A_496 = arith.constant 0.000000e+00 : f32
        %ge3A_497 = vector.broadcast %ge3A_496 : f32 to vector<16xf32>
        %ge3A_498 = arith.cmpf oge, %add3A_495, %ge3A_497 : vector<16xf32>
        %mul3A_499 = arith.constant 2.000000e-01 : f32
        %mul3A_500 = vector.broadcast %mul3A_499 : f32 to vector<16xf32>
        %mul3A_501 = arith.mulf %add3A_495, %mul3A_500 : vector<16xf32>
        %select_n3A_502 = arith.select %ge3A_498, %add3A_495, %mul3A_501 : vector<16xi1>, vector<16xf32>
        %mul3A_503 = arith.mulf %select_n3A_502, %get3A_18 : vector<16xf32>
        %reduce_sum3A_504 = arith.constant true
        %reduce_sum3A_505 = vector.broadcast %reduce_sum3A_504 : i1 to vector<16xi1>
        %reduce_sum3A_506 = tpu.scan <sum>, %mul3A_503 masked %reduce_sum3A_505 : vector<16xf32>, vector<16xi1> -> vector<16xf32>
        %reduce_sum3A_507 = vector.extract %reduce_sum3A_506[15] : f32 from vector<16xf32>
        %broadcast_in_dim3A_508 = vector.broadcast %reduce_sum3A_507 : f32 to vector<16xf32>
        %exp3A_509 = math.exp %broadcast_in_dim3A_508 : vector<16xf32>
        %mul3A_510 = arith.mulf %exp3A_509, %get3A_487 : vector<16xf32>
        %swap3A_511 = arith.index_cast %add3A_452 : i32 to index
        %swap3A_512 = arith.constant 16 : index
        %swap3A_513 = tpu.vector_load %arg21[%swap3A_511, %swap3A_512] {strides = array<i32>} : memref<80x128xf32, #tpu.memory_space<vmem>>, vector<16xf32>,
        tpu.vector_store %arg21[%swap3A_511, %swap3A_512], %mul3A_510 {strides = array<i32>} : memref<80x128xf32, #tpu.memory_space<vmem>>, vector<16xf32>,
        %eq3A_514 = arith.constant 1 : i32
        %eq3A_515 = vector.broadcast %eq3A_514 : i32 to vector<16xi32>
        %eq3A_516 = arith.cmpi eq, %iota3A, %eq3A_515 : vector<16xi32>
        %select_n3A_517 = arith.select %eq3A_516, %exp3A_509, %select_n3A_484 : vector<16xi1>, vector<16xf32>
        %get3A_518 = arith.index_cast %add3A_452 : i32 to index
        %get3A_519 = arith.constant 32 : index
        %get3A_520 = tpu.vector_load %arg17[%get3A_518, %get3A_519] {strides = array<i32>} : memref<80x128xf32, #tpu.memory_space<vmem>>, vector<16xf32>,
        %get3A_521 = arith.index_cast %add3A_452 : i32 to index
        %get3A_522 = arith.constant 32 : index
        %get3A_523 = tpu.vector_load %arg19[%get3A_521, %get3A_522] {strides = array<i32>} : memref<80x128xf32, #tpu.memory_space<vmem>>, vector<16xf32>,
        %add3A_524 = arith.addf %get3A_520, %get3A_523 : vector<16xf32>
        %get3A_525 = arith.index_cast %add3A_452 : i32 to index
        %get3A_526 = arith.constant 32 : index
        %get3A_527 = tpu.vector_load %arg21[%get3A_525, %get3A_526] {strides = array<i32>} : memref<80x128xf32, #tpu.memory_space<vmem>>, vector<16xf32>,
        %add3A_528 = arith.addf %add3A_524, %get3A_527 : vector<16xf32>
        %ge3A_529 = arith.constant 0.000000e+00 : f32
        %ge3A_530 = vector.broadcast %ge3A_529 : f32 to vector<16xf32>
        %ge3A_531 = arith.cmpf oge, %add3A_528, %ge3A_530 : vector<16xf32>
        %mul3A_532 = arith.constant 2.000000e-01 : f32
        %mul3A_533 = vector.broadcast %mul3A_532 : f32 to vector<16xf32>
        %mul3A_534 = arith.mulf %add3A_528, %mul3A_533 : vector<16xf32>
        %select_n3A_535 = arith.select %ge3A_531, %add3A_528, %mul3A_534 : vector<16xi1>, vector<16xf32>
        %mul3A_536 = arith.mulf %select_n3A_535, %get3A_22 : vector<16xf32>
        %reduce_sum3A_537 = arith.constant true
        %reduce_sum3A_538 = vector.broadcast %reduce_sum3A_537 : i1 to vector<16xi1>
        %reduce_sum3A_539 = tpu.scan <sum>, %mul3A_536 masked %reduce_sum3A_538 : vector<16xf32>, vector<16xi1> -> vector<16xf32>
        %reduce_sum3A_540 = vector.extract %reduce_sum3A_539[15] : f32 from vector<16xf32>
        %broadcast_in_dim3A_541 = vector.broadcast %reduce_sum3A_540 : f32 to vector<16xf32>
        %exp3A_542 = math.exp %broadcast_in_dim3A_541 : vector<16xf32>
        %mul3A_543 = arith.mulf %exp3A_542, %get3A_520 : vector<16xf32>
        %swap3A_544 = arith.index_cast %add3A_452 : i32 to index
        %swap3A_545 = arith.constant 32 : index
        %swap3A_546 = tpu.vector_load %arg21[%swap3A_544, %swap3A_545] {strides = array<i32>} : memref<80x128xf32, #tpu.memory_space<vmem>>, vector<16xf32>,
        tpu.vector_store %arg21[%swap3A_544, %swap3A_545], %mul3A_543 {strides = array<i32>} : memref<80x128xf32, #tpu.memory_space<vmem>>, vector<16xf32>,
        %eq3A_547 = arith.constant 2 : i32
        %eq3A_548 = vector.broadcast %eq3A_547 : i32 to vector<16xi32>
        %eq3A_549 = arith.cmpi eq, %iota3A, %eq3A_548 : vector<16xi32>
        %select_n3A_550 = arith.select %eq3A_549, %exp3A_542, %select_n3A_517 : vector<16xi1>, vector<16xf32>
        %get3A_551 = arith.index_cast %add3A_452 : i32 to index
        %get3A_552 = arith.constant 48 : index
        %get3A_553 = tpu.vector_load %arg17[%get3A_551, %get3A_552] {strides = array<i32>} : memref<80x128xf32, #tpu.memory_space<vmem>>, vector<16xf32>,
        %get3A_554 = arith.index_cast %add3A_452 : i32 to index
        %get3A_555 = arith.constant 48 : index
        %get3A_556 = tpu.vector_load %arg19[%get3A_554, %get3A_555] {strides = array<i32>} : memref<80x128xf32, #tpu.memory_space<vmem>>, vector<16xf32>,
        %add3A_557 = arith.addf %get3A_553, %get3A_556 : vector<16xf32>
        %get3A_558 = arith.index_cast %add3A_452 : i32 to index
        %get3A_559 = arith.constant 48 : index
        %get3A_560 = tpu.vector_load %arg21[%get3A_558, %get3A_559] {strides = array<i32>} : memref<80x128xf32, #tpu.memory_space<vmem>>, vector<16xf32>,
        %add3A_561 = arith.addf %add3A_557, %get3A_560 : vector<16xf32>
        %ge3A_562 = arith.constant 0.000000e+00 : f32
        %ge3A_563 = vector.broadcast %ge3A_562 : f32 to vector<16xf32>
        %ge3A_564 = arith.cmpf oge, %add3A_561, %ge3A_563 : vector<16xf32>
        %mul3A_565 = arith.constant 2.000000e-01 : f32
        %mul3A_566 = vector.broadcast %mul3A_565 : f32 to vector<16xf32>
        %mul3A_567 = arith.mulf %add3A_561, %mul3A_566 : vector<16xf32>
        %select_n3A_568 = arith.select %ge3A_564, %add3A_561, %mul3A_567 : vector<16xi1>, vector<16xf32>
        %mul3A_569 = arith.mulf %select_n3A_568, %get3A_26 : vector<16xf32>
        %reduce_sum3A_570 = arith.constant true
        %reduce_sum3A_571 = vector.broadcast %reduce_sum3A_570 : i1 to vector<16xi1>
        %reduce_sum3A_572 = tpu.scan <sum>, %mul3A_569 masked %reduce_sum3A_571 : vector<16xf32>, vector<16xi1> -> vector<16xf32>
        %reduce_sum3A_573 = vector.extract %reduce_sum3A_572[15] : f32 from vector<16xf32>
        %broadcast_in_dim3A_574 = vector.broadcast %reduce_sum3A_573 : f32 to vector<16xf32>
        %exp3A_575 = math.exp %broadcast_in_dim3A_574 : vector<16xf32>
        %mul3A_576 = arith.mulf %exp3A_575, %get3A_553 : vector<16xf32>
        %swap3A_577 = arith.index_cast %add3A_452 : i32 to index
        %swap3A_578 = arith.constant 48 : index
        %swap3A_579 = tpu.vector_load %arg21[%swap3A_577, %swap3A_578] {strides = array<i32>} : memref<80x128xf32, #tpu.memory_space<vmem>>, vector<16xf32>,
        tpu.vector_store %arg21[%swap3A_577, %swap3A_578], %mul3A_576 {strides = array<i32>} : memref<80x128xf32, #tpu.memory_space<vmem>>, vector<16xf32>,
        %eq3A_580 = arith.constant 3 : i32
        %eq3A_581 = vector.broadcast %eq3A_580 : i32 to vector<16xi32>
        %eq3A_582 = arith.cmpi eq, %iota3A, %eq3A_581 : vector<16xi32>
        %select_n3A_583 = arith.select %eq3A_582, %exp3A_575, %select_n3A_550 : vector<16xi1>, vector<16xf32>
        %get3A_584 = arith.index_cast %add3A_452 : i32 to index
        %get3A_585 = arith.constant 64 : index
        %get3A_586 = tpu.vector_load %arg17[%get3A_584, %get3A_585] {strides = array<i32>} : memref<80x128xf32, #tpu.memory_space<vmem>>, vector<16xf32>,
        %get3A_587 = arith.index_cast %add3A_452 : i32 to index
        %get3A_588 = arith.constant 64 : index
        %get3A_589 = tpu.vector_load %arg19[%get3A_587, %get3A_588] {strides = array<i32>} : memref<80x128xf32, #tpu.memory_space<vmem>>, vector<16xf32>,
        %add3A_590 = arith.addf %get3A_586, %get3A_589 : vector<16xf32>
        %get3A_591 = arith.index_cast %add3A_452 : i32 to index
        %get3A_592 = arith.constant 64 : index
        %get3A_593 = tpu.vector_load %arg21[%get3A_591, %get3A_592] {strides = array<i32>} : memref<80x128xf32, #tpu.memory_space<vmem>>, vector<16xf32>,
        %add3A_594 = arith.addf %add3A_590, %get3A_593 : vector<16xf32>
        %ge3A_595 = arith.constant 0.000000e+00 : f32
        %ge3A_596 = vector.broadcast %ge3A_595 : f32 to vector<16xf32>
        %ge3A_597 = arith.cmpf oge, %add3A_594, %ge3A_596 : vector<16xf32>
        %mul3A_598 = arith.constant 2.000000e-01 : f32
        %mul3A_599 = vector.broadcast %mul3A_598 : f32 to vector<16xf32>
        %mul3A_600 = arith.mulf %add3A_594, %mul3A_599 : vector<16xf32>
        %select_n3A_601 = arith.select %ge3A_597, %add3A_594, %mul3A_600 : vector<16xi1>, vector<16xf32>
        %mul3A_602 = arith.mulf %select_n3A_601, %get3A_30 : vector<16xf32>
        %reduce_sum3A_603 = arith.constant true
        %reduce_sum3A_604 = vector.broadcast %reduce_sum3A_603 : i1 to vector<16xi1>
        %reduce_sum3A_605 = tpu.scan <sum>, %mul3A_602 masked %reduce_sum3A_604 : vector<16xf32>, vector<16xi1> -> vector<16xf32>
        %reduce_sum3A_606 = vector.extract %reduce_sum3A_605[15] : f32 from vector<16xf32>
        %broadcast_in_dim3A_607 = vector.broadcast %reduce_sum3A_606 : f32 to vector<16xf32>
        %exp3A_608 = math.exp %broadcast_in_dim3A_607 : vector<16xf32>
        %mul3A_609 = arith.mulf %exp3A_608, %get3A_586 : vector<16xf32>
        %swap3A_610 = arith.index_cast %add3A_452 : i32 to index
        %swap3A_611 = arith.constant 64 : index
        %swap3A_612 = tpu.vector_load %arg21[%swap3A_610, %swap3A_611] {strides = array<i32>} : memref<80x128xf32, #tpu.memory_space<vmem>>, vector<16xf32>,
        tpu.vector_store %arg21[%swap3A_610, %swap3A_611], %mul3A_609 {strides = array<i32>} : memref<80x128xf32, #tpu.memory_space<vmem>>, vector<16xf32>,
        %eq3A_613 = arith.constant 4 : i32
        %eq3A_614 = vector.broadcast %eq3A_613 : i32 to vector<16xi32>
        %eq3A_615 = arith.cmpi eq, %iota3A, %eq3A_614 : vector<16xi32>
        %select_n3A_616 = arith.select %eq3A_615, %exp3A_608, %select_n3A_583 : vector<16xi1>, vector<16xf32>
        %get3A_617 = arith.index_cast %add3A_452 : i32 to index
        %get3A_618 = arith.constant 80 : index
        %get3A_619 = tpu.vector_load %arg17[%get3A_617, %get3A_618] {strides = array<i32>} : memref<80x128xf32, #tpu.memory_space<vmem>>, vector<16xf32>,
        %get3A_620 = arith.index_cast %add3A_452 : i32 to index
        %get3A_621 = arith.constant 80 : index
        %get3A_622 = tpu.vector_load %arg19[%get3A_620, %get3A_621] {strides = array<i32>} : memref<80x128xf32, #tpu.memory_space<vmem>>, vector<16xf32>,
        %add3A_623 = arith.addf %get3A_619, %get3A_622 : vector<16xf32>
        %get3A_624 = arith.index_cast %add3A_452 : i32 to index
        %get3A_625 = arith.constant 80 : index
        %get3A_626 = tpu.vector_load %arg21[%get3A_624, %get3A_625] {strides = array<i32>} : memref<80x128xf32, #tpu.memory_space<vmem>>, vector<16xf32>,
        %add3A_627 = arith.addf %add3A_623, %get3A_626 : vector<16xf32>
        %ge3A_628 = arith.constant 0.000000e+00 : f32
        %ge3A_629 = vector.broadcast %ge3A_628 : f32 to vector<16xf32>
        %ge3A_630 = arith.cmpf oge, %add3A_627, %ge3A_629 : vector<16xf32>
        %mul3A_631 = arith.constant 2.000000e-01 : f32
        %mul3A_632 = vector.broadcast %mul3A_631 : f32 to vector<16xf32>
        %mul3A_633 = arith.mulf %add3A_627, %mul3A_632 : vector<16xf32>
        %select_n3A_634 = arith.select %ge3A_630, %add3A_627, %mul3A_633 : vector<16xi1>, vector<16xf32>
        %mul3A_635 = arith.mulf %select_n3A_634, %get3A_34 : vector<16xf32>
        %reduce_sum3A_636 = arith.constant true
        %reduce_sum3A_637 = vector.broadcast %reduce_sum3A_636 : i1 to vector<16xi1>
        %reduce_sum3A_638 = tpu.scan <sum>, %mul3A_635 masked %reduce_sum3A_637 : vector<16xf32>, vector<16xi1> -> vector<16xf32>
        %reduce_sum3A_639 = vector.extract %reduce_sum3A_638[15] : f32 from vector<16xf32>
        %broadcast_in_dim3A_640 = vector.broadcast %reduce_sum3A_639 : f32 to vector<16xf32>
        %exp3A_641 = math.exp %broadcast_in_dim3A_640 : vector<16xf32>
        %mul3A_642 = arith.mulf %exp3A_641, %get3A_619 : vector<16xf32>
        %swap3A_643 = arith.index_cast %add3A_452 : i32 to index
        %swap3A_644 = arith.constant 80 : index
        %swap3A_645 = tpu.vector_load %arg21[%swap3A_643, %swap3A_644] {strides = array<i32>} : memref<80x128xf32, #tpu.memory_space<vmem>>, vector<16xf32>,
        tpu.vector_store %arg21[%swap3A_643, %swap3A_644], %mul3A_642 {strides = array<i32>} : memref<80x128xf32, #tpu.memory_space<vmem>>, vector<16xf32>,
        %eq3A_646 = arith.constant 5 : i32
        %eq3A_647 = vector.broadcast %eq3A_646 : i32 to vector<16xi32>
        %eq3A_648 = arith.cmpi eq, %iota3A, %eq3A_647 : vector<16xi32>
        %select_n3A_649 = arith.select %eq3A_648, %exp3A_641, %select_n3A_616 : vector<16xi1>, vector<16xf32>
        %get3A_650 = arith.index_cast %add3A_452 : i32 to index
        %get3A_651 = arith.constant 96 : index
        %get3A_652 = tpu.vector_load %arg17[%get3A_650, %get3A_651] {strides = array<i32>} : memref<80x128xf32, #tpu.memory_space<vmem>>, vector<16xf32>,
        %get3A_653 = arith.index_cast %add3A_452 : i32 to index
        %get3A_654 = arith.constant 96 : index
        %get3A_655 = tpu.vector_load %arg19[%get3A_653, %get3A_654] {strides = array<i32>} : memref<80x128xf32, #tpu.memory_space<vmem>>, vector<16xf32>,
        %add3A_656 = arith.addf %get3A_652, %get3A_655 : vector<16xf32>
        %get3A_657 = arith.index_cast %add3A_452 : i32 to index
        %get3A_658 = arith.constant 96 : index
        %get3A_659 = tpu.vector_load %arg21[%get3A_657, %get3A_658] {strides = array<i32>} : memref<80x128xf32, #tpu.memory_space<vmem>>, vector<16xf32>,
        %add3A_660 = arith.addf %add3A_656, %get3A_659 : vector<16xf32>
        %ge3A_661 = arith.constant 0.000000e+00 : f32
        %ge3A_662 = vector.broadcast %ge3A_661 : f32 to vector<16xf32>
        %ge3A_663 = arith.cmpf oge, %add3A_660, %ge3A_662 : vector<16xf32>
        %mul3A_664 = arith.constant 2.000000e-01 : f32
        %mul3A_665 = vector.broadcast %mul3A_664 : f32 to vector<16xf32>
        %mul3A_666 = arith.mulf %add3A_660, %mul3A_665 : vector<16xf32>
        %select_n3A_667 = arith.select %ge3A_663, %add3A_660, %mul3A_666 : vector<16xi1>, vector<16xf32>
        %mul3A_668 = arith.mulf %select_n3A_667, %get3A_38 : vector<16xf32>
        %reduce_sum3A_669 = arith.constant true
        %reduce_sum3A_670 = vector.broadcast %reduce_sum3A_669 : i1 to vector<16xi1>
        %reduce_sum3A_671 = tpu.scan <sum>, %mul3A_668 masked %reduce_sum3A_670 : vector<16xf32>, vector<16xi1> -> vector<16xf32>
        %reduce_sum3A_672 = vector.extract %reduce_sum3A_671[15] : f32 from vector<16xf32>
        %broadcast_in_dim3A_673 = vector.broadcast %reduce_sum3A_672 : f32 to vector<16xf32>
        %exp3A_674 = math.exp %broadcast_in_dim3A_673 : vector<16xf32>
        %mul3A_675 = arith.mulf %exp3A_674, %get3A_652 : vector<16xf32>
        %swap3A_676 = arith.index_cast %add3A_452 : i32 to index
        %swap3A_677 = arith.constant 96 : index
        %swap3A_678 = tpu.vector_load %arg21[%swap3A_676, %swap3A_677] {strides = array<i32>} : memref<80x128xf32, #tpu.memory_space<vmem>>, vector<16xf32>,
        tpu.vector_store %arg21[%swap3A_676, %swap3A_677], %mul3A_675 {strides = array<i32>} : memref<80x128xf32, #tpu.memory_space<vmem>>, vector<16xf32>,
        %eq3A_679 = arith.constant 6 : i32
        %eq3A_680 = vector.broadcast %eq3A_679 : i32 to vector<16xi32>
        %eq3A_681 = arith.cmpi eq, %iota3A, %eq3A_680 : vector<16xi32>
        %select_n3A_682 = arith.select %eq3A_681, %exp3A_674, %select_n3A_649 : vector<16xi1>, vector<16xf32>
        %get3A_683 = arith.index_cast %add3A_452 : i32 to index
        %get3A_684 = arith.constant 112 : index
        %get3A_685 = tpu.vector_load %arg17[%get3A_683, %get3A_684] {strides = array<i32>} : memref<80x128xf32, #tpu.memory_space<vmem>>, vector<16xf32>,
        %get3A_686 = arith.index_cast %add3A_452 : i32 to index
        %get3A_687 = arith.constant 112 : index
        %get3A_688 = tpu.vector_load %arg19[%get3A_686, %get3A_687] {strides = array<i32>} : memref<80x128xf32, #tpu.memory_space<vmem>>, vector<16xf32>,
        %add3A_689 = arith.addf %get3A_685, %get3A_688 : vector<16xf32>
        %get3A_690 = arith.index_cast %add3A_452 : i32 to index
        %get3A_691 = arith.constant 112 : index
        %get3A_692 = tpu.vector_load %arg21[%get3A_690, %get3A_691] {strides = array<i32>} : memref<80x128xf32, #tpu.memory_space<vmem>>, vector<16xf32>,
        %add3A_693 = arith.addf %add3A_689, %get3A_692 : vector<16xf32>
        %ge3A_694 = arith.constant 0.000000e+00 : f32
        %ge3A_695 = vector.broadcast %ge3A_694 : f32 to vector<16xf32>
        %ge3A_696 = arith.cmpf oge, %add3A_693, %ge3A_695 : vector<16xf32>
        %mul3A_697 = arith.constant 2.000000e-01 : f32
        %mul3A_698 = vector.broadcast %mul3A_697 : f32 to vector<16xf32>
        %mul3A_699 = arith.mulf %add3A_693, %mul3A_698 : vector<16xf32>
        %select_n3A_700 = arith.select %ge3A_696, %add3A_693, %mul3A_699 : vector<16xi1>, vector<16xf32>
        %mul3A_701 = arith.mulf %select_n3A_700, %get3A_42 : vector<16xf32>
        %reduce_sum3A_702 = arith.constant true
        %reduce_sum3A_703 = vector.broadcast %reduce_sum3A_702 : i1 to vector<16xi1>
        %reduce_sum3A_704 = tpu.scan <sum>, %mul3A_701 masked %reduce_sum3A_703 : vector<16xf32>, vector<16xi1> -> vector<16xf32>
        %reduce_sum3A_705 = vector.extract %reduce_sum3A_704[15] : f32 from vector<16xf32>
        %broadcast_in_dim3A_706 = vector.broadcast %reduce_sum3A_705 : f32 to vector<16xf32>
        %exp3A_707 = math.exp %broadcast_in_dim3A_706 : vector<16xf32>
        %mul3A_708 = arith.mulf %exp3A_707, %get3A_685 : vector<16xf32>
        %swap3A_709 = arith.index_cast %add3A_452 : i32 to index
        %swap3A_710 = arith.constant 112 : index
        %swap3A_711 = tpu.vector_load %arg21[%swap3A_709, %swap3A_710] {strides = array<i32>} : memref<80x128xf32, #tpu.memory_space<vmem>>, vector<16xf32>,
        tpu.vector_store %arg21[%swap3A_709, %swap3A_710], %mul3A_708 {strides = array<i32>} : memref<80x128xf32, #tpu.memory_space<vmem>>, vector<16xf32>,
        %eq3A_712 = arith.constant 7 : i32
        %eq3A_713 = vector.broadcast %eq3A_712 : i32 to vector<16xi32>
        %eq3A_714 = arith.cmpi eq, %iota3A, %eq3A_713 : vector<16xi32>
        %select_n3A_715 = arith.select %eq3A_714, %exp3A_707, %select_n3A_682 : vector<16xi1>, vector<16xf32>
        %mul3A_716 = arith.constant 16 : i32
        %mul3A_717 = arith.muli %add3A_452, %mul3A_716 : i32
        %swap3A_718 = arith.index_cast %mul3A_717 : i32 to index
        %swap3A_719 = tpu.vector_load %arg23[%swap3A_718] {strides = array<i32>} : memref<1280xf32, #tpu.memory_space<vmem>>, vector<16xf32>,
        tpu.vector_store %arg23[%swap3A_718], %select_n3A_715 {strides = array<i32>} : memref<1280xf32, #tpu.memory_space<vmem>>, vector<16xf32>,
      }
      %scan3A_198 = arith.constant 80 : i32
      %get3A_199 = arith.constant 0 : index
      %get3A_200 = tpu.vector_load %arg13[%get3A_199] {strides = array<i32>} : memref<80xi32, #tpu.memory_space<vmem>>, vector<16xi32>,
      %sub3A = vector.broadcast %mul3A_2 : i32 to vector<16xi32>
      %sub3A_201 = arith.subi %get3A_200, %sub3A : vector<16xi32>
      %ge3A_202 = arith.constant 0 : i32
      %ge3A_203 = vector.broadcast %ge3A_202 : i32 to vector<16xi32>
      %ge3A_204 = arith.cmpi sge, %sub3A_201, %ge3A_203 : vector<16xi32>
      %lt3A_205 = arith.constant 5120 : i32
      %lt3A_206 = vector.broadcast %lt3A_205 : i32 to vector<16xi32>
      %lt3A_207 = arith.cmpi slt, %sub3A_201, %lt3A_206 : vector<16xi32>
      %and3A = arith.andi %ge3A_204, %lt3A_207 : vector<16xi1>
      %jit3A = arith.constant 5120 : i32
      %broadcast_in_dim3A = vector.broadcast %jit3A : i32 to vector<16xi32>
      %select_n3A = arith.select %and3A, %sub3A_201, %broadcast_in_dim3A : vector<16xi1>, vector<16xi32>
      %swap3A = arith.constant 0 : index
      %swap3A_208 = tpu.vector_load %arg15[%swap3A] {strides = array<i32>} : memref<80xi32, #tpu.memory_space<vmem>>, vector<16xi32>,
      tpu.vector_store %arg15[%swap3A], %select_n3A {strides = array<i32>} : memref<80xi32, #tpu.memory_space<vmem>>, vector<16xi32>,
      %get3A_209 = arith.constant 16 : index
      %get3A_210 = tpu.vector_load %arg13[%get3A_209] {strides = array<i32>} : memref<80xi32, #tpu.memory_space<vmem>>, vector<16xi32>,
      %sub3A_211 = vector.broadcast %mul3A_2 : i32 to vector<16xi32>
      %sub3A_212 = arith.subi %get3A_210, %sub3A_211 : vector<16xi32>
      %ge3A_213 = arith.constant 0 : i32
      %ge3A_214 = vector.broadcast %ge3A_213 : i32 to vector<16xi32>
      %ge3A_215 = arith.cmpi sge, %sub3A_212, %ge3A_214 : vector<16xi32>
      %lt3A_216 = arith.constant 5120 : i32
      %lt3A_217 = vector.broadcast %lt3A_216 : i32 to vector<16xi32>
      %lt3A_218 = arith.cmpi slt, %sub3A_212, %lt3A_217 : vector<16xi32>
      %and3A_219 = arith.andi %ge3A_215, %lt3A_218 : vector<16xi1>
      %jit3A_220 = arith.constant 5120 : i32
      %broadcast_in_dim3A_221 = vector.broadcast %jit3A_220 : i32 to vector<16xi32>
      %select_n3A_222 = arith.select %and3A_219, %sub3A_212, %broadcast_in_dim3A_221 : vector<16xi1>, vector<16xi32>
      %swap3A_223 = arith.constant 16 : index
      %swap3A_224 = tpu.vector_load %arg15[%swap3A_223] {strides = array<i32>} : memref<80xi32, #tpu.memory_space<vmem>>, vector<16xi32>,
      tpu.vector_store %arg15[%swap3A_223], %select_n3A_222 {strides = array<i32>} : memref<80xi32, #tpu.memory_space<vmem>>, vector<16xi32>,
      %get3A_225 = arith.constant 32 : index
      %get3A_226 = tpu.vector_load %arg13[%get3A_225] {strides = array<i32>} : memref<80xi32, #tpu.memory_space<vmem>>, vector<16xi32>,
      %sub3A_227 = vector.broadcast %mul3A_2 : i32 to vector<16xi32>
      %sub3A_228 = arith.subi %get3A_226, %sub3A_227 : vector<16xi32>
      %ge3A_229 = arith.constant 0 : i32
      %ge3A_230 = vector.broadcast %ge3A_229 : i32 to vector<16xi32>
      %ge3A_231 = arith.cmpi sge, %sub3A_228, %ge3A_230 : vector<16xi32>
      %lt3A_232 = arith.constant 5120 : i32
      %lt3A_233 = vector.broadcast %lt3A_232 : i32 to vector<16xi32>
      %lt3A_234 = arith.cmpi slt, %sub3A_228, %lt3A_233 : vector<16xi32>
      %and3A_235 = arith.andi %ge3A_231, %lt3A_234 : vector<16xi1>
      %jit3A_236 = arith.constant 5120 : i32
      %broadcast_in_dim3A_237 = vector.broadcast %jit3A_236 : i32 to vector<16xi32>
      %select_n3A_238 = arith.select %and3A_235, %sub3A_228, %broadcast_in_dim3A_237 : vector<16xi1>, vector<16xi32>
      %swap3A_239 = arith.constant 32 : index
      %swap3A_240 = tpu.vector_load %arg15[%swap3A_239] {strides = array<i32>} : memref<80xi32, #tpu.memory_space<vmem>>, vector<16xi32>,
      tpu.vector_store %arg15[%swap3A_239], %select_n3A_238 {strides = array<i32>} : memref<80xi32, #tpu.memory_space<vmem>>, vector<16xi32>,
      %get3A_241 = arith.constant 48 : index
      %get3A_242 = tpu.vector_load %arg13[%get3A_241] {strides = array<i32>} : memref<80xi32, #tpu.memory_space<vmem>>, vector<16xi32>,
      %sub3A_243 = vector.broadcast %mul3A_2 : i32 to vector<16xi32>
      %sub3A_244 = arith.subi %get3A_242, %sub3A_243 : vector<16xi32>
      %ge3A_245 = arith.constant 0 : i32
      %ge3A_246 = vector.broadcast %ge3A_245 : i32 to vector<16xi32>
      %ge3A_247 = arith.cmpi sge, %sub3A_244, %ge3A_246 : vector<16xi32>
      %lt3A_248 = arith.constant 5120 : i32
      %lt3A_249 = vector.broadcast %lt3A_248 : i32 to vector<16xi32>
      %lt3A_250 = arith.cmpi slt, %sub3A_244, %lt3A_249 : vector<16xi32>
      %and3A_251 = arith.andi %ge3A_247, %lt3A_250 : vector<16xi1>
      %jit3A_252 = arith.constant 5120 : i32
      %broadcast_in_dim3A_253 = vector.broadcast %jit3A_252 : i32 to vector<16xi32>
      %select_n3A_254 = arith.select %and3A_251, %sub3A_244, %broadcast_in_dim3A_253 : vector<16xi1>, vector<16xi32>
      %swap3A_255 = arith.constant 48 : index
      %swap3A_256 = tpu.vector_load %arg15[%swap3A_255] {strides = array<i32>} : memref<80xi32, #tpu.memory_space<vmem>>, vector<16xi32>,
      tpu.vector_store %arg15[%swap3A_255], %select_n3A_254 {strides = array<i32>} : memref<80xi32, #tpu.memory_space<vmem>>, vector<16xi32>,
      %get3A_257 = arith.constant 64 : index
      %get3A_258 = tpu.vector_load %arg13[%get3A_257] {strides = array<i32>} : memref<80xi32, #tpu.memory_space<vmem>>, vector<16xi32>,
      %sub3A_259 = vector.broadcast %mul3A_2 : i32 to vector<16xi32>
      %sub3A_260 = arith.subi %get3A_258, %sub3A_259 : vector<16xi32>
      %ge3A_261 = arith.constant 0 : i32
      %ge3A_262 = vector.broadcast %ge3A_261 : i32 to vector<16xi32>
      %ge3A_263 = arith.cmpi sge, %sub3A_260, %ge3A_262 : vector<16xi32>
      %lt3A_264 = arith.constant 5120 : i32
      %lt3A_265 = vector.broadcast %lt3A_264 : i32 to vector<16xi32>
      %lt3A_266 = arith.cmpi slt, %sub3A_260, %lt3A_265 : vector<16xi32>
      %and3A_267 = arith.andi %ge3A_263, %lt3A_266 : vector<16xi1>
      %jit3A_268 = arith.constant 5120 : i32
      %broadcast_in_dim3A_269 = vector.broadcast %jit3A_268 : i32 to vector<16xi32>
      %select_n3A_270 = arith.select %and3A_267, %sub3A_260, %broadcast_in_dim3A_269 : vector<16xi1>, vector<16xi32>
      %swap3A_271 = arith.constant 64 : index
      %swap3A_272 = tpu.vector_load %arg15[%swap3A_271] {strides = array<i32>} : memref<80xi32, #tpu.memory_space<vmem>>, vector<16xi32>,
      tpu.vector_store %arg15[%swap3A_271], %select_n3A_270 {strides = array<i32>} : memref<80xi32, #tpu.memory_space<vmem>>, vector<16xi32>,
      %dma_start3A_273 = arith.constant 0 : i32
      %dma_start3A_274 = arith.constant 0 : i32
      %dma_start3A_275 = tpu.memref_slice %arg27[%dma_start3A_273, %dma_start3A_274] : memref<5128x128xf32, #tpu.memory_space<vmem_shared>> -> memref<5128x128xf32, #tpu.memory_space<vmem_shared>>
      tpu.enqueue_indirect_dma source(%arg21 : memref<80x128xf32, #tpu.memory_space<vmem>>) target(%dma_start3A_275 : memref<5128x128xf32, #tpu.memory_space<vmem_shared>>) offsets(%arg15 : memref<80xi32, #tpu.memory_space<vmem>>) semaphore(%arg32 : memref<!tpu.dma_semaphore, #tpu.memory_space<semaphore_mem>>) {add = true}
      %mul3A_276 = arith.constant 20000 : i32
      %mul3A_277 = arith.muli %arg1, %mul3A_276 : i32
      %mul3A_278 = arith.constant 80 : i32
      %mul3A_279 = arith.muli %add3A_169, %mul3A_278 : i32
      %add3A_280 = arith.addi %mul3A_277, %mul3A_279 : i32
      %mul3A_281 = arith.constant 16 : i32
      %mul3A_282 = arith.muli %add3A_280, %mul3A_281 : i32
      %dma_start3A_283 = tpu.memref_slice %arg10[%mul3A_282] : memref<5120000xf32, #tpu.memory_space<hbm>> -> memref<1280xf32, #tpu.memory_space<hbm>>
      %dma_start3A_284 = tpu.memref_slice %arg10[%mul3A_282] : memref<5120000xf32, #tpu.memory_space<hbm>> -> memref<1280xf32, #tpu.memory_space<hbm>>
      tpu.enqueue_dma source(%arg23 : memref<1280xf32, #tpu.memory_space<vmem>>) target(%dma_start3A_284 : memref<1280xf32, #tpu.memory_space<hbm>>) target_semaphore(%arg36 : memref<!tpu.dma_semaphore, #tpu.memory_space<semaphore_mem>>)
      %add3A_285 = arith.constant 2 : i32
      %add3A_286 = arith.addi %add3A_169, %add3A_285 : i32
      %lt3A_287 = arith.constant 250 : i32
      %lt3A_288 = arith.cmpi slt, %add3A_286, %lt3A_287 : i32
      %convert_element_type3A_289 = arith.extui %lt3A_288 : i1 to i32
      %cond3A_290 = arith.constant 0 : i32
      %cond3A_291 = arith.cmpi ne, %convert_element_type3A_289, %cond3A_290 : i32
      scf.if %cond3A_291 {
        %add3A_448 = arith.constant 2 : i32
        %add3A_449 = arith.addi %add3A_169, %add3A_448 : i32
        %mul3A_450 = arith.constant 20000 : i32
        %mul3A_451 = arith.muli %arg1, %mul3A_450 : i32
        %mul3A_452 = arith.constant 80 : i32
        %mul3A_453 = arith.muli %add3A_449, %mul3A_452 : i32
        %add3A_454 = arith.addi %mul3A_451, %mul3A_453 : i32
        %dma_start3A_455 = tpu.memref_slice %arg5[%add3A_454] : memref<320000xi32, #tpu.memory_space<hbm>> -> memref<80xi32, #tpu.memory_space<hbm>>
        %dma_start3A_456 = tpu.memref_slice %arg5[%add3A_454] : memref<320000xi32, #tpu.memory_space<hbm>> -> memref<80xi32, #tpu.memory_space<hbm>>
        tpu.enqueue_dma source(%dma_start3A_456 : memref<80xi32, #tpu.memory_space<hbm>>) target(%arg11 : memref<80xi32, #tpu.memory_space<vmem>>) target_semaphore(%arg28 : memref<!tpu.dma_semaphore, #tpu.memory_space<semaphore_mem>>)
        %mul3A_457 = arith.constant 20000 : i32
        %mul3A_458 = arith.muli %arg1, %mul3A_457 : i32
        %mul3A_459 = arith.constant 80 : i32
        %mul3A_460 = arith.muli %add3A_449, %mul3A_459 : i32
        %add3A_461 = arith.addi %mul3A_458, %mul3A_460 : i32
        %dma_start3A_462 = tpu.memref_slice %arg6[%add3A_461] : memref<320000xi32, #tpu.memory_space<hbm>> -> memref<80xi32, #tpu.memory_space<hbm>>
        %dma_start3A_463 = tpu.memref_slice %arg6[%add3A_461] : memref<320000xi32, #tpu.memory_space<hbm>> -> memref<80xi32, #tpu.memory_space<hbm>>
        tpu.enqueue_dma source(%dma_start3A_463 : memref<80xi32, #tpu.memory_space<hbm>>) target(%arg13 : memref<80xi32, #tpu.memory_space<vmem>>) target_semaphore(%arg28 : memref<!tpu.dma_semaphore, #tpu.memory_space<semaphore_mem>>)
      } else {
      }
      %add3A_292 = arith.constant 1 : i32
      %add3A_293 = arith.addi %add3A_169, %add3A_292 : i32
      %lt3A_294 = arith.constant 250 : i32
      %lt3A_295 = arith.cmpi slt, %add3A_293, %lt3A_294 : i32
      %convert_element_type3A_296 = arith.extui %lt3A_295 : i1 to i32
      %cond3A_297 = arith.constant 0 : i32
      %cond3A_298 = arith.cmpi ne, %convert_element_type3A_296, %cond3A_297 : i32
      scf.if %cond3A_298 {
        %dma_wait3A_448 = arith.constant 0 : i32
        %dma_wait3A_449 = arith.constant 0 : i32
        %dma_wait3A_450 = tpu.memref_slice %arg2[%dma_wait3A_448, %dma_wait3A_449] : memref<10000x128xf32, #tpu.memory_space<hbm>> -> memref<10000x128xf32, #tpu.memory_space<hbm>>
        tpu.wait_indirect_dma semaphore(%arg31 : memref<!tpu.dma_semaphore, #tpu.memory_space<semaphore_mem>>) src(%dma_wait3A_450 : memref<10000x128xf32, #tpu.memory_space<hbm>>) dst(%arg18 : memref<80x128xf32, #tpu.memory_space<vmem>>)
        %dma_wait3A_451 = arith.constant 0 : i32
        %dma_wait3A_452 = arith.constant 0 : i32
        %dma_wait3A_453 = tpu.memref_slice %arg3[%dma_wait3A_451, %dma_wait3A_452] : memref<10000x128xf32, #tpu.memory_space<hbm>> -> memref<10000x128xf32, #tpu.memory_space<hbm>>
        tpu.wait_indirect_dma semaphore(%arg31 : memref<!tpu.dma_semaphore, #tpu.memory_space<semaphore_mem>>) src(%dma_wait3A_453 : memref<10000x128xf32, #tpu.memory_space<hbm>>) dst(%arg20 : memref<80x128xf32, #tpu.memory_space<vmem>>)
      } else {
      }
      %dma_wait3A_299 = arith.constant 0 : i32
      %dma_wait3A_300 = arith.constant 0 : i32
      %dma_wait3A_301 = tpu.memref_slice %arg27[%dma_wait3A_299, %dma_wait3A_300] : memref<5128x128xf32, #tpu.memory_space<vmem_shared>> -> memref<5128x128xf32, #tpu.memory_space<vmem_shared>>
      tpu.wait_indirect_dma semaphore(%arg32 : memref<!tpu.dma_semaphore, #tpu.memory_space<semaphore_mem>>) src(%arg21 : memref<80x128xf32, #tpu.memory_space<vmem>>) dst(%dma_wait3A_301 : memref<5128x128xf32, #tpu.memory_space<vmem_shared>>)
      %mul3A_302 = arith.constant 2 : i32
      %mul3A_303 = arith.muli %mul3A_302, %add3A_165 : i32
      %add3A_304 = arith.constant 1 : i32
      %add3A_305 = arith.addi %mul3A_303, %add3A_304 : i32
      %ge3A_306 = arith.constant 1 : i32
      %ge3A_307 = arith.cmpi sge, %add3A_305, %ge3A_306 : i32
      %convert_element_type3A_308 = arith.extui %ge3A_307 : i1 to i32
      %cond3A_309 = arith.constant 0 : i32
      %cond3A_310 = arith.cmpi ne, %convert_element_type3A_308, %cond3A_309 : i32
      scf.if %cond3A_310 {
        %sub3A_448 = arith.constant 1 : i32
        %sub3A_449 = arith.subi %add3A_305, %sub3A_448 : i32
        %mul3A_450 = arith.constant 20000 : i32
        %mul3A_451 = arith.muli %arg1, %mul3A_450 : i32
        %mul3A_452 = arith.constant 80 : i32
        %mul3A_453 = arith.muli %sub3A_449, %mul3A_452 : i32
        %add3A_454 = arith.addi %mul3A_451, %mul3A_453 : i32
        %mul3A_455 = arith.constant 16 : i32
        %mul3A_456 = arith.muli %add3A_454, %mul3A_455 : i32
        %dma_wait3A_457 = tpu.memref_slice %arg10[%mul3A_456] : memref<5120000xf32, #tpu.memory_space<hbm>> -> memref<1280xf32, #tpu.memory_space<hbm>>
        %dma_wait3A_458 = tpu.memref_slice %arg10[%mul3A_456] : memref<5120000xf32, #tpu.memory_space<hbm>> -> memref<1280xf32, #tpu.memory_space<hbm>>
        tpu.wait_dma2 semaphore(%arg36 : memref<!tpu.dma_semaphore, #tpu.memory_space<semaphore_mem>>) src(%arg23 : memref<1280xf32, #tpu.memory_space<vmem>>) dst(%dma_wait3A_458 : memref<1280xf32, #tpu.memory_space<hbm>>)
      } else {
      }
      %add3A_311 = arith.constant 1 : i32
      %add3A_312 = arith.addi %add3A_305, %add3A_311 : i32
      %lt3A_313 = arith.constant 250 : i32
      %lt3A_314 = arith.cmpi slt, %add3A_312, %lt3A_313 : i32
      %convert_element_type3A_315 = arith.extui %lt3A_314 : i1 to i32
      %cond3A_316 = arith.constant 0 : i32
      %cond3A_317 = arith.cmpi ne, %convert_element_type3A_315, %cond3A_316 : i32
      scf.if %cond3A_317 {
        %add3A_448 = arith.constant 1 : i32
        %add3A_449 = arith.addi %add3A_305, %add3A_448 : i32
        %mul3A_450 = arith.constant 20000 : i32
        %mul3A_451 = arith.muli %arg1, %mul3A_450 : i32
        %mul3A_452 = arith.constant 80 : i32
        %mul3A_453 = arith.muli %add3A_449, %mul3A_452 : i32
        %add3A_454 = arith.addi %mul3A_451, %mul3A_453 : i32
        %dma_wait3A_455 = tpu.memref_slice %arg5[%add3A_454] : memref<320000xi32, #tpu.memory_space<hbm>> -> memref<80xi32, #tpu.memory_space<hbm>>
        %dma_wait3A_456 = tpu.memref_slice %arg5[%add3A_454] : memref<320000xi32, #tpu.memory_space<hbm>> -> memref<80xi32, #tpu.memory_space<hbm>>
        tpu.wait_dma2 semaphore(%arg28 : memref<!tpu.dma_semaphore, #tpu.memory_space<semaphore_mem>>) src(%dma_wait3A_456 : memref<80xi32, #tpu.memory_space<hbm>>) dst(%arg11 : memref<80xi32, #tpu.memory_space<vmem>>)
        %mul3A_457 = arith.constant 20000 : i32
        %mul3A_458 = arith.muli %arg1, %mul3A_457 : i32
        %mul3A_459 = arith.constant 80 : i32
        %mul3A_460 = arith.muli %add3A_449, %mul3A_459 : i32
        %add3A_461 = arith.addi %mul3A_458, %mul3A_460 : i32
        %dma_wait3A_462 = tpu.memref_slice %arg6[%add3A_461] : memref<320000xi32, #tpu.memory_space<hbm>> -> memref<80xi32, #tpu.memory_space<hbm>>
        %dma_wait3A_463 = tpu.memref_slice %arg6[%add3A_461] : memref<320000xi32, #tpu.memory_space<hbm>> -> memref<80xi32, #tpu.memory_space<hbm>>
        tpu.wait_dma2 semaphore(%arg28 : memref<!tpu.dma_semaphore, #tpu.memory_space<semaphore_mem>>) src(%dma_wait3A_463 : memref<80xi32, #tpu.memory_space<hbm>>) dst(%arg13 : memref<80xi32, #tpu.memory_space<vmem>>)
      } else {
      }
      %add3A_318 = arith.constant 1 : i32
      %add3A_319 = arith.addi %add3A_305, %add3A_318 : i32
      %lt3A_320 = arith.constant 250 : i32
      %lt3A_321 = arith.cmpi slt, %add3A_319, %lt3A_320 : i32
      %convert_element_type3A_322 = arith.extui %lt3A_321 : i1 to i32
      %cond3A_323 = arith.constant 0 : i32
      %cond3A_324 = arith.cmpi ne, %convert_element_type3A_322, %cond3A_323 : i32
      scf.if %cond3A_324 {
        %add3A_448 = arith.constant 1 : i32
        %add3A_449 = arith.addi %add3A_305, %add3A_448 : i32
        %dma_start3A_450 = arith.constant 0 : i32
        %dma_start3A_451 = arith.constant 0 : i32
        %dma_start3A_452 = tpu.memref_slice %arg2[%dma_start3A_450, %dma_start3A_451] : memref<10000x128xf32, #tpu.memory_space<hbm>> -> memref<10000x128xf32, #tpu.memory_space<hbm>>
        tpu.enqueue_indirect_dma source(%dma_start3A_452 : memref<10000x128xf32, #tpu.memory_space<hbm>>) target(%arg17 : memref<80x128xf32, #tpu.memory_space<vmem>>) offsets(%arg11 : memref<80xi32, #tpu.memory_space<vmem>>) semaphore(%arg30 : memref<!tpu.dma_semaphore, #tpu.memory_space<semaphore_mem>>)
        %dma_start3A_453 = arith.constant 0 : i32
        %dma_start3A_454 = arith.constant 0 : i32
        %dma_start3A_455 = tpu.memref_slice %arg3[%dma_start3A_453, %dma_start3A_454] : memref<10000x128xf32, #tpu.memory_space<hbm>> -> memref<10000x128xf32, #tpu.memory_space<hbm>>
        tpu.enqueue_indirect_dma source(%dma_start3A_455 : memref<10000x128xf32, #tpu.memory_space<hbm>>) target(%arg19 : memref<80x128xf32, #tpu.memory_space<vmem>>) offsets(%arg13 : memref<80xi32, #tpu.memory_space<vmem>>) semaphore(%arg30 : memref<!tpu.dma_semaphore, #tpu.memory_space<semaphore_mem>>)
        %add3A_456 = arith.constant 1 : i32
        %add3A_457 = arith.addi %add3A_305, %add3A_456 : i32
        %mul3A_458 = arith.constant 20000 : i32
        %mul3A_459 = arith.muli %arg1, %mul3A_458 : i32
        %mul3A_460 = arith.constant 80 : i32
        %mul3A_461 = arith.muli %add3A_457, %mul3A_460 : i32
        %add3A_462 = arith.addi %mul3A_459, %mul3A_461 : i32
        %dma_start3A_463 = arith.constant 0 : i32
        %dma_start3A_464 = tpu.memref_slice %arg4[%add3A_462, %dma_start3A_463] : memref<320000x128xf32, #tpu.memory_space<hbm>> -> memref<80x128xf32, #tpu.memory_space<hbm>>
        %dma_start3A_465 = arith.constant 0 : i32
        %dma_start3A_466 = tpu.memref_slice %arg4[%add3A_462, %dma_start3A_465] : memref<320000x128xf32, #tpu.memory_space<hbm>> -> memref<80x128xf32, #tpu.memory_space<hbm>>
        tpu.enqueue_dma source(%dma_start3A_466 : memref<80x128xf32, #tpu.memory_space<hbm>>) target(%arg21 : memref<80x128xf32, #tpu.memory_space<vmem>>) target_semaphore(%arg34 : memref<!tpu.dma_semaphore, #tpu.memory_space<semaphore_mem>>)
      } else {
      }
      %mul3A_325 = arith.constant 20000 : i32
      %mul3A_326 = arith.muli %arg1, %mul3A_325 : i32
      %mul3A_327 = arith.constant 80 : i32
      %mul3A_328 = arith.muli %add3A_305, %mul3A_327 : i32
      %add3A_329 = arith.addi %mul3A_326, %mul3A_328 : i32
      %dma_wait3A_330 = arith.constant 0 : i32
      %dma_wait3A_331 = tpu.memref_slice %arg4[%add3A_329, %dma_wait3A_330] : memref<320000x128xf32, #tpu.memory_space<hbm>> -> memref<80x128xf32, #tpu.memory_space<hbm>>
      %dma_wait3A_332 = arith.constant 0 : i32
      %dma_wait3A_333 = tpu.memref_slice %arg4[%add3A_329, %dma_wait3A_332] : memref<320000x128xf32, #tpu.memory_space<hbm>> -> memref<80x128xf32, #tpu.memory_space<hbm>>
      tpu.wait_dma2 semaphore(%arg35 : memref<!tpu.dma_semaphore, #tpu.memory_space<semaphore_mem>>) src(%dma_wait3A_333 : memref<80x128xf32, #tpu.memory_space<hbm>>) dst(%arg22 : memref<80x128xf32, #tpu.memory_space<vmem>>)
      %scan3A_334 = arith.constant 0 : i32
      %scan3A_335 = arith.constant 80 : i32
      %scan3A_336 = arith.addi %scan3A_334, %scan3A_335 : i32
      %scan3A_337 = arith.constant 1 : i32
      scf.for %scan3A_448 = %scan3A_334 to %scan3A_336 step %scan3A_337  : i32 {
        %mul3A_449 = arith.constant 1 : i32
        %mul3A_450 = arith.muli %scan3A_448, %mul3A_449 : i32
        %add3A_451 = arith.constant 0 : i32
        %add3A_452 = arith.addi %add3A_451, %mul3A_450 : i32
        %broadcast_in_dim3A_453 = arith.constant 0.000000e+00 : f32
        %broadcast_in_dim3A_454 = vector.broadcast %broadcast_in_dim3A_453 : f32 to vector<16xf32>
        %get3A_455 = arith.index_cast %add3A_452 : i32 to index
        %get3A_456 = arith.constant 0 : index
        %get3A_457 = tpu.vector_load %arg18[%get3A_455, %get3A_456] {strides = array<i32>} : memref<80x128xf32, #tpu.memory_space<vmem>>, vector<16xf32>,
        %get3A_458 = arith.index_cast %add3A_452 : i32 to index
        %get3A_459 = arith.constant 0 : index
        %get3A_460 = tpu.vector_load %arg20[%get3A_458, %get3A_459] {strides = array<i32>} : memref<80x128xf32, #tpu.memory_space<vmem>>, vector<16xf32>,
        %add3A_461 = arith.addf %get3A_457, %get3A_460 : vector<16xf32>
        %get3A_462 = arith.index_cast %add3A_452 : i32 to index
        %get3A_463 = arith.constant 0 : index
        %get3A_464 = tpu.vector_load %arg22[%get3A_462, %get3A_463] {strides = array<i32>} : memref<80x128xf32, #tpu.memory_space<vmem>>, vector<16xf32>,
        %add3A_465 = arith.addf %add3A_461, %get3A_464 : vector<16xf32>
        %ge3A_466 = arith.constant 0.000000e+00 : f32
        %ge3A_467 = vector.broadcast %ge3A_466 : f32 to vector<16xf32>
        %ge3A_468 = arith.cmpf oge, %add3A_465, %ge3A_467 : vector<16xf32>
        %mul3A_469 = arith.constant 2.000000e-01 : f32
        %mul3A_470 = vector.broadcast %mul3A_469 : f32 to vector<16xf32>
        %mul3A_471 = arith.mulf %add3A_465, %mul3A_470 : vector<16xf32>
        %select_n3A_472 = arith.select %ge3A_468, %add3A_465, %mul3A_471 : vector<16xi1>, vector<16xf32>
        %mul3A_473 = arith.mulf %select_n3A_472, %get3A_14 : vector<16xf32>
        %reduce_sum3A = arith.constant true
        %reduce_sum3A_474 = vector.broadcast %reduce_sum3A : i1 to vector<16xi1>
        %reduce_sum3A_475 = tpu.scan <sum>, %mul3A_473 masked %reduce_sum3A_474 : vector<16xf32>, vector<16xi1> -> vector<16xf32>
        %reduce_sum3A_476 = vector.extract %reduce_sum3A_475[15] : f32 from vector<16xf32>
        %broadcast_in_dim3A_477 = vector.broadcast %reduce_sum3A_476 : f32 to vector<16xf32>
        %exp3A = math.exp %broadcast_in_dim3A_477 : vector<16xf32>
        %mul3A_478 = arith.mulf %exp3A, %get3A_457 : vector<16xf32>
        %swap3A_479 = arith.index_cast %add3A_452 : i32 to index
        %swap3A_480 = arith.constant 0 : index
        %swap3A_481 = tpu.vector_load %arg22[%swap3A_479, %swap3A_480] {strides = array<i32>} : memref<80x128xf32, #tpu.memory_space<vmem>>, vector<16xf32>,
        tpu.vector_store %arg22[%swap3A_479, %swap3A_480], %mul3A_478 {strides = array<i32>} : memref<80x128xf32, #tpu.memory_space<vmem>>, vector<16xf32>,
        %eq3A = arith.constant 0 : i32
        %eq3A_482 = vector.broadcast %eq3A : i32 to vector<16xi32>
        %eq3A_483 = arith.cmpi eq, %iota3A, %eq3A_482 : vector<16xi32>
        %select_n3A_484 = arith.select %eq3A_483, %exp3A, %broadcast_in_dim3A_454 : vector<16xi1>, vector<16xf32>
        %get3A_485 = arith.index_cast %add3A_452 : i32 to index
        %get3A_486 = arith.constant 16 : index
        %get3A_487 = tpu.vector_load %arg18[%get3A_485, %get3A_486] {strides = array<i32>} : memref<80x128xf32, #tpu.memory_space<vmem>>, vector<16xf32>,
        %get3A_488 = arith.index_cast %add3A_452 : i32 to index
        %get3A_489 = arith.constant 16 : index
        %get3A_490 = tpu.vector_load %arg20[%get3A_488, %get3A_489] {strides = array<i32>} : memref<80x128xf32, #tpu.memory_space<vmem>>, vector<16xf32>,
        %add3A_491 = arith.addf %get3A_487, %get3A_490 : vector<16xf32>
        %get3A_492 = arith.index_cast %add3A_452 : i32 to index
        %get3A_493 = arith.constant 16 : index
        %get3A_494 = tpu.vector_load %arg22[%get3A_492, %get3A_493] {strides = array<i32>} : memref<80x128xf32, #tpu.memory_space<vmem>>, vector<16xf32>,
        %add3A_495 = arith.addf %add3A_491, %get3A_494 : vector<16xf32>
        %ge3A_496 = arith.constant 0.000000e+00 : f32
        %ge3A_497 = vector.broadcast %ge3A_496 : f32 to vector<16xf32>
        %ge3A_498 = arith.cmpf oge, %add3A_495, %ge3A_497 : vector<16xf32>
        %mul3A_499 = arith.constant 2.000000e-01 : f32
        %mul3A_500 = vector.broadcast %mul3A_499 : f32 to vector<16xf32>
        %mul3A_501 = arith.mulf %add3A_495, %mul3A_500 : vector<16xf32>
        %select_n3A_502 = arith.select %ge3A_498, %add3A_495, %mul3A_501 : vector<16xi1>, vector<16xf32>
        %mul3A_503 = arith.mulf %select_n3A_502, %get3A_18 : vector<16xf32>
        %reduce_sum3A_504 = arith.constant true
        %reduce_sum3A_505 = vector.broadcast %reduce_sum3A_504 : i1 to vector<16xi1>
        %reduce_sum3A_506 = tpu.scan <sum>, %mul3A_503 masked %reduce_sum3A_505 : vector<16xf32>, vector<16xi1> -> vector<16xf32>
        %reduce_sum3A_507 = vector.extract %reduce_sum3A_506[15] : f32 from vector<16xf32>
        %broadcast_in_dim3A_508 = vector.broadcast %reduce_sum3A_507 : f32 to vector<16xf32>
        %exp3A_509 = math.exp %broadcast_in_dim3A_508 : vector<16xf32>
        %mul3A_510 = arith.mulf %exp3A_509, %get3A_487 : vector<16xf32>
        %swap3A_511 = arith.index_cast %add3A_452 : i32 to index
        %swap3A_512 = arith.constant 16 : index
        %swap3A_513 = tpu.vector_load %arg22[%swap3A_511, %swap3A_512] {strides = array<i32>} : memref<80x128xf32, #tpu.memory_space<vmem>>, vector<16xf32>,
        tpu.vector_store %arg22[%swap3A_511, %swap3A_512], %mul3A_510 {strides = array<i32>} : memref<80x128xf32, #tpu.memory_space<vmem>>, vector<16xf32>,
        %eq3A_514 = arith.constant 1 : i32
        %eq3A_515 = vector.broadcast %eq3A_514 : i32 to vector<16xi32>
        %eq3A_516 = arith.cmpi eq, %iota3A, %eq3A_515 : vector<16xi32>
        %select_n3A_517 = arith.select %eq3A_516, %exp3A_509, %select_n3A_484 : vector<16xi1>, vector<16xf32>
        %get3A_518 = arith.index_cast %add3A_452 : i32 to index
        %get3A_519 = arith.constant 32 : index
        %get3A_520 = tpu.vector_load %arg18[%get3A_518, %get3A_519] {strides = array<i32>} : memref<80x128xf32, #tpu.memory_space<vmem>>, vector<16xf32>,
        %get3A_521 = arith.index_cast %add3A_452 : i32 to index
        %get3A_522 = arith.constant 32 : index
        %get3A_523 = tpu.vector_load %arg20[%get3A_521, %get3A_522] {strides = array<i32>} : memref<80x128xf32, #tpu.memory_space<vmem>>, vector<16xf32>,
        %add3A_524 = arith.addf %get3A_520, %get3A_523 : vector<16xf32>
        %get3A_525 = arith.index_cast %add3A_452 : i32 to index
        %get3A_526 = arith.constant 32 : index
        %get3A_527 = tpu.vector_load %arg22[%get3A_525, %get3A_526] {strides = array<i32>} : memref<80x128xf32, #tpu.memory_space<vmem>>, vector<16xf32>,
        %add3A_528 = arith.addf %add3A_524, %get3A_527 : vector<16xf32>
        %ge3A_529 = arith.constant 0.000000e+00 : f32
        %ge3A_530 = vector.broadcast %ge3A_529 : f32 to vector<16xf32>
        %ge3A_531 = arith.cmpf oge, %add3A_528, %ge3A_530 : vector<16xf32>
        %mul3A_532 = arith.constant 2.000000e-01 : f32
        %mul3A_533 = vector.broadcast %mul3A_532 : f32 to vector<16xf32>
        %mul3A_534 = arith.mulf %add3A_528, %mul3A_533 : vector<16xf32>
        %select_n3A_535 = arith.select %ge3A_531, %add3A_528, %mul3A_534 : vector<16xi1>, vector<16xf32>
        %mul3A_536 = arith.mulf %select_n3A_535, %get3A_22 : vector<16xf32>
        %reduce_sum3A_537 = arith.constant true
        %reduce_sum3A_538 = vector.broadcast %reduce_sum3A_537 : i1 to vector<16xi1>
        %reduce_sum3A_539 = tpu.scan <sum>, %mul3A_536 masked %reduce_sum3A_538 : vector<16xf32>, vector<16xi1> -> vector<16xf32>
        %reduce_sum3A_540 = vector.extract %reduce_sum3A_539[15] : f32 from vector<16xf32>
        %broadcast_in_dim3A_541 = vector.broadcast %reduce_sum3A_540 : f32 to vector<16xf32>
        %exp3A_542 = math.exp %broadcast_in_dim3A_541 : vector<16xf32>
        %mul3A_543 = arith.mulf %exp3A_542, %get3A_520 : vector<16xf32>
        %swap3A_544 = arith.index_cast %add3A_452 : i32 to index
        %swap3A_545 = arith.constant 32 : index
        %swap3A_546 = tpu.vector_load %arg22[%swap3A_544, %swap3A_545] {strides = array<i32>} : memref<80x128xf32, #tpu.memory_space<vmem>>, vector<16xf32>,
        tpu.vector_store %arg22[%swap3A_544, %swap3A_545], %mul3A_543 {strides = array<i32>} : memref<80x128xf32, #tpu.memory_space<vmem>>, vector<16xf32>,
        %eq3A_547 = arith.constant 2 : i32
        %eq3A_548 = vector.broadcast %eq3A_547 : i32 to vector<16xi32>
        %eq3A_549 = arith.cmpi eq, %iota3A, %eq3A_548 : vector<16xi32>
        %select_n3A_550 = arith.select %eq3A_549, %exp3A_542, %select_n3A_517 : vector<16xi1>, vector<16xf32>
        %get3A_551 = arith.index_cast %add3A_452 : i32 to index
        %get3A_552 = arith.constant 48 : index
        %get3A_553 = tpu.vector_load %arg18[%get3A_551, %get3A_552] {strides = array<i32>} : memref<80x128xf32, #tpu.memory_space<vmem>>, vector<16xf32>,
        %get3A_554 = arith.index_cast %add3A_452 : i32 to index
        %get3A_555 = arith.constant 48 : index
        %get3A_556 = tpu.vector_load %arg20[%get3A_554, %get3A_555] {strides = array<i32>} : memref<80x128xf32, #tpu.memory_space<vmem>>, vector<16xf32>,
        %add3A_557 = arith.addf %get3A_553, %get3A_556 : vector<16xf32>
        %get3A_558 = arith.index_cast %add3A_452 : i32 to index
        %get3A_559 = arith.constant 48 : index
        %get3A_560 = tpu.vector_load %arg22[%get3A_558, %get3A_559] {strides = array<i32>} : memref<80x128xf32, #tpu.memory_space<vmem>>, vector<16xf32>,
        %add3A_561 = arith.addf %add3A_557, %get3A_560 : vector<16xf32>
        %ge3A_562 = arith.constant 0.000000e+00 : f32
        %ge3A_563 = vector.broadcast %ge3A_562 : f32 to vector<16xf32>
        %ge3A_564 = arith.cmpf oge, %add3A_561, %ge3A_563 : vector<16xf32>
        %mul3A_565 = arith.constant 2.000000e-01 : f32
        %mul3A_566 = vector.broadcast %mul3A_565 : f32 to vector<16xf32>
        %mul3A_567 = arith.mulf %add3A_561, %mul3A_566 : vector<16xf32>
        %select_n3A_568 = arith.select %ge3A_564, %add3A_561, %mul3A_567 : vector<16xi1>, vector<16xf32>
        %mul3A_569 = arith.mulf %select_n3A_568, %get3A_26 : vector<16xf32>
        %reduce_sum3A_570 = arith.constant true
        %reduce_sum3A_571 = vector.broadcast %reduce_sum3A_570 : i1 to vector<16xi1>
        %reduce_sum3A_572 = tpu.scan <sum>, %mul3A_569 masked %reduce_sum3A_571 : vector<16xf32>, vector<16xi1> -> vector<16xf32>
        %reduce_sum3A_573 = vector.extract %reduce_sum3A_572[15] : f32 from vector<16xf32>
        %broadcast_in_dim3A_574 = vector.broadcast %reduce_sum3A_573 : f32 to vector<16xf32>
        %exp3A_575 = math.exp %broadcast_in_dim3A_574 : vector<16xf32>
        %mul3A_576 = arith.mulf %exp3A_575, %get3A_553 : vector<16xf32>
        %swap3A_577 = arith.index_cast %add3A_452 : i32 to index
        %swap3A_578 = arith.constant 48 : index
        %swap3A_579 = tpu.vector_load %arg22[%swap3A_577, %swap3A_578] {strides = array<i32>} : memref<80x128xf32, #tpu.memory_space<vmem>>, vector<16xf32>,
        tpu.vector_store %arg22[%swap3A_577, %swap3A_578], %mul3A_576 {strides = array<i32>} : memref<80x128xf32, #tpu.memory_space<vmem>>, vector<16xf32>,
        %eq3A_580 = arith.constant 3 : i32
        %eq3A_581 = vector.broadcast %eq3A_580 : i32 to vector<16xi32>
        %eq3A_582 = arith.cmpi eq, %iota3A, %eq3A_581 : vector<16xi32>
        %select_n3A_583 = arith.select %eq3A_582, %exp3A_575, %select_n3A_550 : vector<16xi1>, vector<16xf32>
        %get3A_584 = arith.index_cast %add3A_452 : i32 to index
        %get3A_585 = arith.constant 64 : index
        %get3A_586 = tpu.vector_load %arg18[%get3A_584, %get3A_585] {strides = array<i32>} : memref<80x128xf32, #tpu.memory_space<vmem>>, vector<16xf32>,
        %get3A_587 = arith.index_cast %add3A_452 : i32 to index
        %get3A_588 = arith.constant 64 : index
        %get3A_589 = tpu.vector_load %arg20[%get3A_587, %get3A_588] {strides = array<i32>} : memref<80x128xf32, #tpu.memory_space<vmem>>, vector<16xf32>,
        %add3A_590 = arith.addf %get3A_586, %get3A_589 : vector<16xf32>
        %get3A_591 = arith.index_cast %add3A_452 : i32 to index
        %get3A_592 = arith.constant 64 : index
        %get3A_593 = tpu.vector_load %arg22[%get3A_591, %get3A_592] {strides = array<i32>} : memref<80x128xf32, #tpu.memory_space<vmem>>, vector<16xf32>,
        %add3A_594 = arith.addf %add3A_590, %get3A_593 : vector<16xf32>
        %ge3A_595 = arith.constant 0.000000e+00 : f32
        %ge3A_596 = vector.broadcast %ge3A_595 : f32 to vector<16xf32>
        %ge3A_597 = arith.cmpf oge, %add3A_594, %ge3A_596 : vector<16xf32>
        %mul3A_598 = arith.constant 2.000000e-01 : f32
        %mul3A_599 = vector.broadcast %mul3A_598 : f32 to vector<16xf32>
        %mul3A_600 = arith.mulf %add3A_594, %mul3A_599 : vector<16xf32>
        %select_n3A_601 = arith.select %ge3A_597, %add3A_594, %mul3A_600 : vector<16xi1>, vector<16xf32>
        %mul3A_602 = arith.mulf %select_n3A_601, %get3A_30 : vector<16xf32>
        %reduce_sum3A_603 = arith.constant true
        %reduce_sum3A_604 = vector.broadcast %reduce_sum3A_603 : i1 to vector<16xi1>
        %reduce_sum3A_605 = tpu.scan <sum>, %mul3A_602 masked %reduce_sum3A_604 : vector<16xf32>, vector<16xi1> -> vector<16xf32>
        %reduce_sum3A_606 = vector.extract %reduce_sum3A_605[15] : f32 from vector<16xf32>
        %broadcast_in_dim3A_607 = vector.broadcast %reduce_sum3A_606 : f32 to vector<16xf32>
        %exp3A_608 = math.exp %broadcast_in_dim3A_607 : vector<16xf32>
        %mul3A_609 = arith.mulf %exp3A_608, %get3A_586 : vector<16xf32>
        %swap3A_610 = arith.index_cast %add3A_452 : i32 to index
        %swap3A_611 = arith.constant 64 : index
        %swap3A_612 = tpu.vector_load %arg22[%swap3A_610, %swap3A_611] {strides = array<i32>} : memref<80x128xf32, #tpu.memory_space<vmem>>, vector<16xf32>,
        tpu.vector_store %arg22[%swap3A_610, %swap3A_611], %mul3A_609 {strides = array<i32>} : memref<80x128xf32, #tpu.memory_space<vmem>>, vector<16xf32>,
        %eq3A_613 = arith.constant 4 : i32
        %eq3A_614 = vector.broadcast %eq3A_613 : i32 to vector<16xi32>
        %eq3A_615 = arith.cmpi eq, %iota3A, %eq3A_614 : vector<16xi32>
        %select_n3A_616 = arith.select %eq3A_615, %exp3A_608, %select_n3A_583 : vector<16xi1>, vector<16xf32>
        %get3A_617 = arith.index_cast %add3A_452 : i32 to index
        %get3A_618 = arith.constant 80 : index
        %get3A_619 = tpu.vector_load %arg18[%get3A_617, %get3A_618] {strides = array<i32>} : memref<80x128xf32, #tpu.memory_space<vmem>>, vector<16xf32>,
        %get3A_620 = arith.index_cast %add3A_452 : i32 to index
        %get3A_621 = arith.constant 80 : index
        %get3A_622 = tpu.vector_load %arg20[%get3A_620, %get3A_621] {strides = array<i32>} : memref<80x128xf32, #tpu.memory_space<vmem>>, vector<16xf32>,
        %add3A_623 = arith.addf %get3A_619, %get3A_622 : vector<16xf32>
        %get3A_624 = arith.index_cast %add3A_452 : i32 to index
        %get3A_625 = arith.constant 80 : index
        %get3A_626 = tpu.vector_load %arg22[%get3A_624, %get3A_625] {strides = array<i32>} : memref<80x128xf32, #tpu.memory_space<vmem>>, vector<16xf32>,
        %add3A_627 = arith.addf %add3A_623, %get3A_626 : vector<16xf32>
        %ge3A_628 = arith.constant 0.000000e+00 : f32
        %ge3A_629 = vector.broadcast %ge3A_628 : f32 to vector<16xf32>
        %ge3A_630 = arith.cmpf oge, %add3A_627, %ge3A_629 : vector<16xf32>
        %mul3A_631 = arith.constant 2.000000e-01 : f32
        %mul3A_632 = vector.broadcast %mul3A_631 : f32 to vector<16xf32>
        %mul3A_633 = arith.mulf %add3A_627, %mul3A_632 : vector<16xf32>
        %select_n3A_634 = arith.select %ge3A_630, %add3A_627, %mul3A_633 : vector<16xi1>, vector<16xf32>
        %mul3A_635 = arith.mulf %select_n3A_634, %get3A_34 : vector<16xf32>
        %reduce_sum3A_636 = arith.constant true
        %reduce_sum3A_637 = vector.broadcast %reduce_sum3A_636 : i1 to vector<16xi1>
        %reduce_sum3A_638 = tpu.scan <sum>, %mul3A_635 masked %reduce_sum3A_637 : vector<16xf32>, vector<16xi1> -> vector<16xf32>
        %reduce_sum3A_639 = vector.extract %reduce_sum3A_638[15] : f32 from vector<16xf32>
        %broadcast_in_dim3A_640 = vector.broadcast %reduce_sum3A_639 : f32 to vector<16xf32>
        %exp3A_641 = math.exp %broadcast_in_dim3A_640 : vector<16xf32>
        %mul3A_642 = arith.mulf %exp3A_641, %get3A_619 : vector<16xf32>
        %swap3A_643 = arith.index_cast %add3A_452 : i32 to index
        %swap3A_644 = arith.constant 80 : index
        %swap3A_645 = tpu.vector_load %arg22[%swap3A_643, %swap3A_644] {strides = array<i32>} : memref<80x128xf32, #tpu.memory_space<vmem>>, vector<16xf32>,
        tpu.vector_store %arg22[%swap3A_643, %swap3A_644], %mul3A_642 {strides = array<i32>} : memref<80x128xf32, #tpu.memory_space<vmem>>, vector<16xf32>,
        %eq3A_646 = arith.constant 5 : i32
        %eq3A_647 = vector.broadcast %eq3A_646 : i32 to vector<16xi32>
        %eq3A_648 = arith.cmpi eq, %iota3A, %eq3A_647 : vector<16xi32>
        %select_n3A_649 = arith.select %eq3A_648, %exp3A_641, %select_n3A_616 : vector<16xi1>, vector<16xf32>
        %get3A_650 = arith.index_cast %add3A_452 : i32 to index
        %get3A_651 = arith.constant 96 : index
        %get3A_652 = tpu.vector_load %arg18[%get3A_650, %get3A_651] {strides = array<i32>} : memref<80x128xf32, #tpu.memory_space<vmem>>, vector<16xf32>,
        %get3A_653 = arith.index_cast %add3A_452 : i32 to index
        %get3A_654 = arith.constant 96 : index
        %get3A_655 = tpu.vector_load %arg20[%get3A_653, %get3A_654] {strides = array<i32>} : memref<80x128xf32, #tpu.memory_space<vmem>>, vector<16xf32>,
        %add3A_656 = arith.addf %get3A_652, %get3A_655 : vector<16xf32>
        %get3A_657 = arith.index_cast %add3A_452 : i32 to index
        %get3A_658 = arith.constant 96 : index
        %get3A_659 = tpu.vector_load %arg22[%get3A_657, %get3A_658] {strides = array<i32>} : memref<80x128xf32, #tpu.memory_space<vmem>>, vector<16xf32>,
        %add3A_660 = arith.addf %add3A_656, %get3A_659 : vector<16xf32>
        %ge3A_661 = arith.constant 0.000000e+00 : f32
        %ge3A_662 = vector.broadcast %ge3A_661 : f32 to vector<16xf32>
        %ge3A_663 = arith.cmpf oge, %add3A_660, %ge3A_662 : vector<16xf32>
        %mul3A_664 = arith.constant 2.000000e-01 : f32
        %mul3A_665 = vector.broadcast %mul3A_664 : f32 to vector<16xf32>
        %mul3A_666 = arith.mulf %add3A_660, %mul3A_665 : vector<16xf32>
        %select_n3A_667 = arith.select %ge3A_663, %add3A_660, %mul3A_666 : vector<16xi1>, vector<16xf32>
        %mul3A_668 = arith.mulf %select_n3A_667, %get3A_38 : vector<16xf32>
        %reduce_sum3A_669 = arith.constant true
        %reduce_sum3A_670 = vector.broadcast %reduce_sum3A_669 : i1 to vector<16xi1>
        %reduce_sum3A_671 = tpu.scan <sum>, %mul3A_668 masked %reduce_sum3A_670 : vector<16xf32>, vector<16xi1> -> vector<16xf32>
        %reduce_sum3A_672 = vector.extract %reduce_sum3A_671[15] : f32 from vector<16xf32>
        %broadcast_in_dim3A_673 = vector.broadcast %reduce_sum3A_672 : f32 to vector<16xf32>
        %exp3A_674 = math.exp %broadcast_in_dim3A_673 : vector<16xf32>
        %mul3A_675 = arith.mulf %exp3A_674, %get3A_652 : vector<16xf32>
        %swap3A_676 = arith.index_cast %add3A_452 : i32 to index
        %swap3A_677 = arith.constant 96 : index
        %swap3A_678 = tpu.vector_load %arg22[%swap3A_676, %swap3A_677] {strides = array<i32>} : memref<80x128xf32, #tpu.memory_space<vmem>>, vector<16xf32>,
        tpu.vector_store %arg22[%swap3A_676, %swap3A_677], %mul3A_675 {strides = array<i32>} : memref<80x128xf32, #tpu.memory_space<vmem>>, vector<16xf32>,
        %eq3A_679 = arith.constant 6 : i32
        %eq3A_680 = vector.broadcast %eq3A_679 : i32 to vector<16xi32>
        %eq3A_681 = arith.cmpi eq, %iota3A, %eq3A_680 : vector<16xi32>
        %select_n3A_682 = arith.select %eq3A_681, %exp3A_674, %select_n3A_649 : vector<16xi1>, vector<16xf32>
        %get3A_683 = arith.index_cast %add3A_452 : i32 to index
        %get3A_684 = arith.constant 112 : index
        %get3A_685 = tpu.vector_load %arg18[%get3A_683, %get3A_684] {strides = array<i32>} : memref<80x128xf32, #tpu.memory_space<vmem>>, vector<16xf32>,
        %get3A_686 = arith.index_cast %add3A_452 : i32 to index
        %get3A_687 = arith.constant 112 : index
        %get3A_688 = tpu.vector_load %arg20[%get3A_686, %get3A_687] {strides = array<i32>} : memref<80x128xf32, #tpu.memory_space<vmem>>, vector<16xf32>,
        %add3A_689 = arith.addf %get3A_685, %get3A_688 : vector<16xf32>
        %get3A_690 = arith.index_cast %add3A_452 : i32 to index
        %get3A_691 = arith.constant 112 : index
        %get3A_692 = tpu.vector_load %arg22[%get3A_690, %get3A_691] {strides = array<i32>} : memref<80x128xf32, #tpu.memory_space<vmem>>, vector<16xf32>,
        %add3A_693 = arith.addf %add3A_689, %get3A_692 : vector<16xf32>
        %ge3A_694 = arith.constant 0.000000e+00 : f32
        %ge3A_695 = vector.broadcast %ge3A_694 : f32 to vector<16xf32>
        %ge3A_696 = arith.cmpf oge, %add3A_693, %ge3A_695 : vector<16xf32>
        %mul3A_697 = arith.constant 2.000000e-01 : f32
        %mul3A_698 = vector.broadcast %mul3A_697 : f32 to vector<16xf32>
        %mul3A_699 = arith.mulf %add3A_693, %mul3A_698 : vector<16xf32>
        %select_n3A_700 = arith.select %ge3A_696, %add3A_693, %mul3A_699 : vector<16xi1>, vector<16xf32>
        %mul3A_701 = arith.mulf %select_n3A_700, %get3A_42 : vector<16xf32>
        %reduce_sum3A_702 = arith.constant true
        %reduce_sum3A_703 = vector.broadcast %reduce_sum3A_702 : i1 to vector<16xi1>
        %reduce_sum3A_704 = tpu.scan <sum>, %mul3A_701 masked %reduce_sum3A_703 : vector<16xf32>, vector<16xi1> -> vector<16xf32>
        %reduce_sum3A_705 = vector.extract %reduce_sum3A_704[15] : f32 from vector<16xf32>
        %broadcast_in_dim3A_706 = vector.broadcast %reduce_sum3A_705 : f32 to vector<16xf32>
        %exp3A_707 = math.exp %broadcast_in_dim3A_706 : vector<16xf32>
        %mul3A_708 = arith.mulf %exp3A_707, %get3A_685 : vector<16xf32>
        %swap3A_709 = arith.index_cast %add3A_452 : i32 to index
        %swap3A_710 = arith.constant 112 : index
        %swap3A_711 = tpu.vector_load %arg22[%swap3A_709, %swap3A_710] {strides = array<i32>} : memref<80x128xf32, #tpu.memory_space<vmem>>, vector<16xf32>,
        tpu.vector_store %arg22[%swap3A_709, %swap3A_710], %mul3A_708 {strides = array<i32>} : memref<80x128xf32, #tpu.memory_space<vmem>>, vector<16xf32>,
        %eq3A_712 = arith.constant 7 : i32
        %eq3A_713 = vector.broadcast %eq3A_712 : i32 to vector<16xi32>
        %eq3A_714 = arith.cmpi eq, %iota3A, %eq3A_713 : vector<16xi32>
        %select_n3A_715 = arith.select %eq3A_714, %exp3A_707, %select_n3A_682 : vector<16xi1>, vector<16xf32>
        %mul3A_716 = arith.constant 16 : i32
        %mul3A_717 = arith.muli %add3A_452, %mul3A_716 : i32
        %swap3A_718 = arith.index_cast %mul3A_717 : i32 to index
        %swap3A_719 = tpu.vector_load %arg24[%swap3A_718] {strides = array<i32>} : memref<1280xf32, #tpu.memory_space<vmem>>, vector<16xf32>,
        tpu.vector_store %arg24[%swap3A_718], %select_n3A_715 {strides = array<i32>} : memref<1280xf32, #tpu.memory_space<vmem>>, vector<16xf32>,
      }
      %scan3A_338 = arith.constant 80 : i32
      %get3A_339 = arith.constant 0 : index
      %get3A_340 = tpu.vector_load %arg14[%get3A_339] {strides = array<i32>} : memref<80xi32, #tpu.memory_space<vmem>>, vector<16xi32>,
      %sub3A_341 = vector.broadcast %mul3A_2 : i32 to vector<16xi32>
      %sub3A_342 = arith.subi %get3A_340, %sub3A_341 : vector<16xi32>
      %ge3A_343 = arith.constant 0 : i32
      %ge3A_344 = vector.broadcast %ge3A_343 : i32 to vector<16xi32>
      %ge3A_345 = arith.cmpi sge, %sub3A_342, %ge3A_344 : vector<16xi32>
      %lt3A_346 = arith.constant 5120 : i32
      %lt3A_347 = vector.broadcast %lt3A_346 : i32 to vector<16xi32>
      %lt3A_348 = arith.cmpi slt, %sub3A_342, %lt3A_347 : vector<16xi32>
      %and3A_349 = arith.andi %ge3A_345, %lt3A_348 : vector<16xi1>
      %jit3A_350 = arith.constant 5120 : i32
      %broadcast_in_dim3A_351 = vector.broadcast %jit3A_350 : i32 to vector<16xi32>
      %select_n3A_352 = arith.select %and3A_349, %sub3A_342, %broadcast_in_dim3A_351 : vector<16xi1>, vector<16xi32>
      %swap3A_353 = arith.constant 0 : index
      %swap3A_354 = tpu.vector_load %arg16[%swap3A_353] {strides = array<i32>} : memref<80xi32, #tpu.memory_space<vmem>>, vector<16xi32>,
      tpu.vector_store %arg16[%swap3A_353], %select_n3A_352 {strides = array<i32>} : memref<80xi32, #tpu.memory_space<vmem>>, vector<16xi32>,
      %get3A_355 = arith.constant 16 : index
      %get3A_356 = tpu.vector_load %arg14[%get3A_355] {strides = array<i32>} : memref<80xi32, #tpu.memory_space<vmem>>, vector<16xi32>,
      %sub3A_357 = vector.broadcast %mul3A_2 : i32 to vector<16xi32>
      %sub3A_358 = arith.subi %get3A_356, %sub3A_357 : vector<16xi32>
      %ge3A_359 = arith.constant 0 : i32
      %ge3A_360 = vector.broadcast %ge3A_359 : i32 to vector<16xi32>
      %ge3A_361 = arith.cmpi sge, %sub3A_358, %ge3A_360 : vector<16xi32>
      %lt3A_362 = arith.constant 5120 : i32
      %lt3A_363 = vector.broadcast %lt3A_362 : i32 to vector<16xi32>
      %lt3A_364 = arith.cmpi slt, %sub3A_358, %lt3A_363 : vector<16xi32>
      %and3A_365 = arith.andi %ge3A_361, %lt3A_364 : vector<16xi1>
      %jit3A_366 = arith.constant 5120 : i32
      %broadcast_in_dim3A_367 = vector.broadcast %jit3A_366 : i32 to vector<16xi32>
      %select_n3A_368 = arith.select %and3A_365, %sub3A_358, %broadcast_in_dim3A_367 : vector<16xi1>, vector<16xi32>
      %swap3A_369 = arith.constant 16 : index
      %swap3A_370 = tpu.vector_load %arg16[%swap3A_369] {strides = array<i32>} : memref<80xi32, #tpu.memory_space<vmem>>, vector<16xi32>,
      tpu.vector_store %arg16[%swap3A_369], %select_n3A_368 {strides = array<i32>} : memref<80xi32, #tpu.memory_space<vmem>>, vector<16xi32>,
      %get3A_371 = arith.constant 32 : index
      %get3A_372 = tpu.vector_load %arg14[%get3A_371] {strides = array<i32>} : memref<80xi32, #tpu.memory_space<vmem>>, vector<16xi32>,
      %sub3A_373 = vector.broadcast %mul3A_2 : i32 to vector<16xi32>
      %sub3A_374 = arith.subi %get3A_372, %sub3A_373 : vector<16xi32>
      %ge3A_375 = arith.constant 0 : i32
      %ge3A_376 = vector.broadcast %ge3A_375 : i32 to vector<16xi32>
      %ge3A_377 = arith.cmpi sge, %sub3A_374, %ge3A_376 : vector<16xi32>
      %lt3A_378 = arith.constant 5120 : i32
      %lt3A_379 = vector.broadcast %lt3A_378 : i32 to vector<16xi32>
      %lt3A_380 = arith.cmpi slt, %sub3A_374, %lt3A_379 : vector<16xi32>
      %and3A_381 = arith.andi %ge3A_377, %lt3A_380 : vector<16xi1>
      %jit3A_382 = arith.constant 5120 : i32
      %broadcast_in_dim3A_383 = vector.broadcast %jit3A_382 : i32 to vector<16xi32>
      %select_n3A_384 = arith.select %and3A_381, %sub3A_374, %broadcast_in_dim3A_383 : vector<16xi1>, vector<16xi32>
      %swap3A_385 = arith.constant 32 : index
      %swap3A_386 = tpu.vector_load %arg16[%swap3A_385] {strides = array<i32>} : memref<80xi32, #tpu.memory_space<vmem>>, vector<16xi32>,
      tpu.vector_store %arg16[%swap3A_385], %select_n3A_384 {strides = array<i32>} : memref<80xi32, #tpu.memory_space<vmem>>, vector<16xi32>,
      %get3A_387 = arith.constant 48 : index
      %get3A_388 = tpu.vector_load %arg14[%get3A_387] {strides = array<i32>} : memref<80xi32, #tpu.memory_space<vmem>>, vector<16xi32>,
      %sub3A_389 = vector.broadcast %mul3A_2 : i32 to vector<16xi32>
      %sub3A_390 = arith.subi %get3A_388, %sub3A_389 : vector<16xi32>
      %ge3A_391 = arith.constant 0 : i32
      %ge3A_392 = vector.broadcast %ge3A_391 : i32 to vector<16xi32>
      %ge3A_393 = arith.cmpi sge, %sub3A_390, %ge3A_392 : vector<16xi32>
      %lt3A_394 = arith.constant 5120 : i32
      %lt3A_395 = vector.broadcast %lt3A_394 : i32 to vector<16xi32>
      %lt3A_396 = arith.cmpi slt, %sub3A_390, %lt3A_395 : vector<16xi32>
      %and3A_397 = arith.andi %ge3A_393, %lt3A_396 : vector<16xi1>
      %jit3A_398 = arith.constant 5120 : i32
      %broadcast_in_dim3A_399 = vector.broadcast %jit3A_398 : i32 to vector<16xi32>
      %select_n3A_400 = arith.select %and3A_397, %sub3A_390, %broadcast_in_dim3A_399 : vector<16xi1>, vector<16xi32>
      %swap3A_401 = arith.constant 48 : index
      %swap3A_402 = tpu.vector_load %arg16[%swap3A_401] {strides = array<i32>} : memref<80xi32, #tpu.memory_space<vmem>>, vector<16xi32>,
      tpu.vector_store %arg16[%swap3A_401], %select_n3A_400 {strides = array<i32>} : memref<80xi32, #tpu.memory_space<vmem>>, vector<16xi32>,
      %get3A_403 = arith.constant 64 : index
      %get3A_404 = tpu.vector_load %arg14[%get3A_403] {strides = array<i32>} : memref<80xi32, #tpu.memory_space<vmem>>, vector<16xi32>,
      %sub3A_405 = vector.broadcast %mul3A_2 : i32 to vector<16xi32>
      %sub3A_406 = arith.subi %get3A_404, %sub3A_405 : vector<16xi32>
      %ge3A_407 = arith.constant 0 : i32
      %ge3A_408 = vector.broadcast %ge3A_407 : i32 to vector<16xi32>
      %ge3A_409 = arith.cmpi sge, %sub3A_406, %ge3A_408 : vector<16xi32>
      %lt3A_410 = arith.constant 5120 : i32
      %lt3A_411 = vector.broadcast %lt3A_410 : i32 to vector<16xi32>
      %lt3A_412 = arith.cmpi slt, %sub3A_406, %lt3A_411 : vector<16xi32>
      %and3A_413 = arith.andi %ge3A_409, %lt3A_412 : vector<16xi1>
      %jit3A_414 = arith.constant 5120 : i32
      %broadcast_in_dim3A_415 = vector.broadcast %jit3A_414 : i32 to vector<16xi32>
      %select_n3A_416 = arith.select %and3A_413, %sub3A_406, %broadcast_in_dim3A_415 : vector<16xi1>, vector<16xi32>
      %swap3A_417 = arith.constant 64 : index
      %swap3A_418 = tpu.vector_load %arg16[%swap3A_417] {strides = array<i32>} : memref<80xi32, #tpu.memory_space<vmem>>, vector<16xi32>,
      tpu.vector_store %arg16[%swap3A_417], %select_n3A_416 {strides = array<i32>} : memref<80xi32, #tpu.memory_space<vmem>>, vector<16xi32>,
      %dma_start3A_419 = arith.constant 0 : i32
      %dma_start3A_420 = arith.constant 0 : i32
      %dma_start3A_421 = tpu.memref_slice %arg27[%dma_start3A_419, %dma_start3A_420] : memref<5128x128xf32, #tpu.memory_space<vmem_shared>> -> memref<5128x128xf32, #tpu.memory_space<vmem_shared>>
      tpu.enqueue_indirect_dma source(%arg22 : memref<80x128xf32, #tpu.memory_space<vmem>>) target(%dma_start3A_421 : memref<5128x128xf32, #tpu.memory_space<vmem_shared>>) offsets(%arg16 : memref<80xi32, #tpu.memory_space<vmem>>) semaphore(%arg33 : memref<!tpu.dma_semaphore, #tpu.memory_space<semaphore_mem>>) {add = true}
      %mul3A_422 = arith.constant 20000 : i32
      %mul3A_423 = arith.muli %arg1, %mul3A_422 : i32
      %mul3A_424 = arith.constant 80 : i32
      %mul3A_425 = arith.muli %add3A_305, %mul3A_424 : i32
      %add3A_426 = arith.addi %mul3A_423, %mul3A_425 : i32
      %mul3A_427 = arith.constant 16 : i32
      %mul3A_428 = arith.muli %add3A_426, %mul3A_427 : i32
      %dma_start3A_429 = tpu.memref_slice %arg10[%mul3A_428] : memref<5120000xf32, #tpu.memory_space<hbm>> -> memref<1280xf32, #tpu.memory_space<hbm>>
      %dma_start3A_430 = tpu.memref_slice %arg10[%mul3A_428] : memref<5120000xf32, #tpu.memory_space<hbm>> -> memref<1280xf32, #tpu.memory_space<hbm>>
      tpu.enqueue_dma source(%arg24 : memref<1280xf32, #tpu.memory_space<vmem>>) target(%dma_start3A_430 : memref<1280xf32, #tpu.memory_space<hbm>>) target_semaphore(%arg37 : memref<!tpu.dma_semaphore, #tpu.memory_space<semaphore_mem>>)
      %add3A_431 = arith.constant 2 : i32
      %add3A_432 = arith.addi %add3A_305, %add3A_431 : i32
      %lt3A_433 = arith.constant 250 : i32
      %lt3A_434 = arith.cmpi slt, %add3A_432, %lt3A_433 : i32
      %convert_element_type3A_435 = arith.extui %lt3A_434 : i1 to i32
      %cond3A_436 = arith.constant 0 : i32
      %cond3A_437 = arith.cmpi ne, %convert_element_type3A_435, %cond3A_436 : i32
      scf.if %cond3A_437 {
        %add3A_448 = arith.constant 2 : i32
        %add3A_449 = arith.addi %add3A_305, %add3A_448 : i32
        %mul3A_450 = arith.constant 20000 : i32
        %mul3A_451 = arith.muli %arg1, %mul3A_450 : i32
        %mul3A_452 = arith.constant 80 : i32
        %mul3A_453 = arith.muli %add3A_449, %mul3A_452 : i32
        %add3A_454 = arith.addi %mul3A_451, %mul3A_453 : i32
        %dma_start3A_455 = tpu.memref_slice %arg5[%add3A_454] : memref<320000xi32, #tpu.memory_space<hbm>> -> memref<80xi32, #tpu.memory_space<hbm>>
        %dma_start3A_456 = tpu.memref_slice %arg5[%add3A_454] : memref<320000xi32, #tpu.memory_space<hbm>> -> memref<80xi32, #tpu.memory_space<hbm>>
        tpu.enqueue_dma source(%dma_start3A_456 : memref<80xi32, #tpu.memory_space<hbm>>) target(%arg12 : memref<80xi32, #tpu.memory_space<vmem>>) target_semaphore(%arg29 : memref<!tpu.dma_semaphore, #tpu.memory_space<semaphore_mem>>)
        %mul3A_457 = arith.constant 20000 : i32
        %mul3A_458 = arith.muli %arg1, %mul3A_457 : i32
        %mul3A_459 = arith.constant 80 : i32
        %mul3A_460 = arith.muli %add3A_449, %mul3A_459 : i32
        %add3A_461 = arith.addi %mul3A_458, %mul3A_460 : i32
        %dma_start3A_462 = tpu.memref_slice %arg6[%add3A_461] : memref<320000xi32, #tpu.memory_space<hbm>> -> memref<80xi32, #tpu.memory_space<hbm>>
        %dma_start3A_463 = tpu.memref_slice %arg6[%add3A_461] : memref<320000xi32, #tpu.memory_space<hbm>> -> memref<80xi32, #tpu.memory_space<hbm>>
        tpu.enqueue_dma source(%dma_start3A_463 : memref<80xi32, #tpu.memory_space<hbm>>) target(%arg14 : memref<80xi32, #tpu.memory_space<vmem>>) target_semaphore(%arg29 : memref<!tpu.dma_semaphore, #tpu.memory_space<semaphore_mem>>)
      } else {
      }
      %add3A_438 = arith.constant 1 : i32
      %add3A_439 = arith.addi %add3A_305, %add3A_438 : i32
      %lt3A_440 = arith.constant 250 : i32
      %lt3A_441 = arith.cmpi slt, %add3A_439, %lt3A_440 : i32
      %convert_element_type3A_442 = arith.extui %lt3A_441 : i1 to i32
      %cond3A_443 = arith.constant 0 : i32
      %cond3A_444 = arith.cmpi ne, %convert_element_type3A_442, %cond3A_443 : i32
      scf.if %cond3A_444 {
        %dma_wait3A_448 = arith.constant 0 : i32
        %dma_wait3A_449 = arith.constant 0 : i32
        %dma_wait3A_450 = tpu.memref_slice %arg2[%dma_wait3A_448, %dma_wait3A_449] : memref<10000x128xf32, #tpu.memory_space<hbm>> -> memref<10000x128xf32, #tpu.memory_space<hbm>>
        tpu.wait_indirect_dma semaphore(%arg30 : memref<!tpu.dma_semaphore, #tpu.memory_space<semaphore_mem>>) src(%dma_wait3A_450 : memref<10000x128xf32, #tpu.memory_space<hbm>>) dst(%arg17 : memref<80x128xf32, #tpu.memory_space<vmem>>)
        %dma_wait3A_451 = arith.constant 0 : i32
        %dma_wait3A_452 = arith.constant 0 : i32
        %dma_wait3A_453 = tpu.memref_slice %arg3[%dma_wait3A_451, %dma_wait3A_452] : memref<10000x128xf32, #tpu.memory_space<hbm>> -> memref<10000x128xf32, #tpu.memory_space<hbm>>
        tpu.wait_indirect_dma semaphore(%arg30 : memref<!tpu.dma_semaphore, #tpu.memory_space<semaphore_mem>>) src(%dma_wait3A_453 : memref<10000x128xf32, #tpu.memory_space<hbm>>) dst(%arg19 : memref<80x128xf32, #tpu.memory_space<vmem>>)
      } else {
      }
      %dma_wait3A_445 = arith.constant 0 : i32
      %dma_wait3A_446 = arith.constant 0 : i32
      %dma_wait3A_447 = tpu.memref_slice %arg27[%dma_wait3A_445, %dma_wait3A_446] : memref<5128x128xf32, #tpu.memory_space<vmem_shared>> -> memref<5128x128xf32, #tpu.memory_space<vmem_shared>>
      tpu.wait_indirect_dma semaphore(%arg33 : memref<!tpu.dma_semaphore, #tpu.memory_space<semaphore_mem>>) src(%arg22 : memref<80x128xf32, #tpu.memory_space<vmem>>) dst(%dma_wait3A_447 : memref<5128x128xf32, #tpu.memory_space<vmem_shared>>)
    }
    %scan3A_100 = arith.constant 125 : i32
    %mul3A_101 = arith.constant 20000 : i32
    %mul3A_102 = arith.muli %arg1, %mul3A_101 : i32
    %add3A_103 = arith.constant 19920 : i32
    %add3A_104 = arith.addi %mul3A_102, %add3A_103 : i32
    %mul3A_105 = arith.constant 16 : i32
    %mul3A_106 = arith.muli %add3A_104, %mul3A_105 : i32
    %dma_wait3A_107 = tpu.memref_slice %arg10[%mul3A_106] : memref<5120000xf32, #tpu.memory_space<hbm>> -> memref<1280xf32, #tpu.memory_space<hbm>>
    %dma_wait3A_108 = tpu.memref_slice %arg10[%mul3A_106] : memref<5120000xf32, #tpu.memory_space<hbm>> -> memref<1280xf32, #tpu.memory_space<hbm>>
    tpu.wait_dma2 semaphore(%arg37 : memref<!tpu.dma_semaphore, #tpu.memory_space<semaphore_mem>>) src(%arg24 : memref<1280xf32, #tpu.memory_space<vmem>>) dst(%dma_wait3A_108 : memref<1280xf32, #tpu.memory_space<hbm>>)
    %barrier3A_109 = arith.constant 0 : index
    tpu.barrier barrier_id(%barrier3A_109)
    %mul3A_110 = arith.constant 5128 : i32
    %mul3A_111 = arith.muli %arg0, %mul3A_110 : i32
    %add3A_112 = arith.addi %mul3A_111, %mul3A_0 : i32
    "tpu.region"() ({
      %run_scoped3A = tpu.sem_alloc : memref<!tpu.dma_semaphore, #tpu.memory_space<semaphore_mem>>
      %dma_start3A_161 = arith.constant 0 : i32
      %dma_start3A_162 = tpu.memref_slice %arg8[%add3A_112, %dma_start3A_161] : memref<10256x128xf32, #tpu.memory_space<hbm>> -> memref<320x128xf32, #tpu.memory_space<hbm>>
      %dma_start3A_163 = arith.constant 0 : i32
      %dma_start3A_164 = tpu.memref_slice %arg27[%mul3A_0, %dma_start3A_163] : memref<5128x128xf32, #tpu.memory_space<vmem_shared>> -> memref<320x128xf32, #tpu.memory_space<vmem_shared>>
      tpu.enqueue_dma source(%dma_start3A_164 : memref<320x128xf32, #tpu.memory_space<vmem_shared>>) target(%dma_start3A_162 : memref<320x128xf32, #tpu.memory_space<hbm>>) target_semaphore(%run_scoped3A : memref<!tpu.dma_semaphore, #tpu.memory_space<semaphore_mem>>)
      %dma_wait3A_165 = arith.constant 0 : i32
      %dma_wait3A_166 = tpu.memref_slice %arg8[%add3A_112, %dma_wait3A_165] : memref<10256x128xf32, #tpu.memory_space<hbm>> -> memref<320x128xf32, #tpu.memory_space<hbm>>
      %dma_wait3A_167 = arith.constant 0 : i32
      %dma_wait3A_168 = tpu.memref_slice %arg27[%mul3A_0, %dma_wait3A_167] : memref<5128x128xf32, #tpu.memory_space<vmem_shared>> -> memref<320x128xf32, #tpu.memory_space<vmem_shared>>
      tpu.wait_dma2 semaphore(%run_scoped3A : memref<!tpu.dma_semaphore, #tpu.memory_space<semaphore_mem>>) src(%dma_wait3A_168 : memref<320x128xf32, #tpu.memory_space<vmem_shared>>) dst(%dma_wait3A_166 : memref<320x128xf32, #tpu.memory_space<hbm>>)
      tpu.yield
    }) : () -> ()
    %scan3A_113 = arith.constant 0 : i32
    %scan3A_114 = arith.constant 10 : i32
    %scan3A_115 = arith.addi %scan3A_113, %scan3A_114 : i32
    %scan3A_116 = arith.constant 1 : i32
    scf.for %scan3A_161 = %scan3A_113 to %scan3A_115 step %scan3A_116  : i32 {
      %mul3A_162 = arith.constant 1 : i32
      %mul3A_163 = arith.muli %scan3A_161, %mul3A_162 : i32
      %add3A_164 = arith.constant 0 : i32
      %add3A_165 = arith.addi %add3A_164, %mul3A_163 : i32
      %mul3A_166 = arith.constant 32 : i32
      %mul3A_167 = arith.muli %add3A_165, %mul3A_166 : i32
      %add3A_168 = arith.addi %mul3A_0, %mul3A_167 : i32
      "tpu.region"() ({
        %run_scoped3A = tpu.sem_alloc : memref<!tpu.dma_semaphore, #tpu.memory_space<semaphore_mem>>
        %dma_start3A_169 = arith.constant 0 : i32
        %dma_start3A_170 = tpu.memref_slice %arg27[%add3A_168, %dma_start3A_169] : memref<5128x128xf32, #tpu.memory_space<vmem_shared>> -> memref<32x128xf32, #tpu.memory_space<vmem_shared>>
        %dma_start3A_171 = arith.constant 0 : i32
        %dma_start3A_172 = tpu.memref_slice %arg27[%add3A_168, %dma_start3A_171] : memref<5128x128xf32, #tpu.memory_space<vmem_shared>> -> memref<32x128xf32, #tpu.memory_space<vmem_shared>>
        tpu.enqueue_dma source(%arg26 : memref<32x128xf32, #tpu.memory_space<vmem>>) target(%dma_start3A_172 : memref<32x128xf32, #tpu.memory_space<vmem_shared>>) target_semaphore(%run_scoped3A : memref<!tpu.dma_semaphore, #tpu.memory_space<semaphore_mem>>)
        %dma_wait3A_173 = arith.constant 0 : i32
        %dma_wait3A_174 = tpu.memref_slice %arg27[%add3A_168, %dma_wait3A_173] : memref<5128x128xf32, #tpu.memory_space<vmem_shared>> -> memref<32x128xf32, #tpu.memory_space<vmem_shared>>
        %dma_wait3A_175 = arith.constant 0 : i32
        %dma_wait3A_176 = tpu.memref_slice %arg27[%add3A_168, %dma_wait3A_175] : memref<5128x128xf32, #tpu.memory_space<vmem_shared>> -> memref<32x128xf32, #tpu.memory_space<vmem_shared>>
        tpu.wait_dma2 semaphore(%run_scoped3A : memref<!tpu.dma_semaphore, #tpu.memory_space<semaphore_mem>>) src(%arg26 : memref<32x128xf32, #tpu.memory_space<vmem>>) dst(%dma_wait3A_176 : memref<32x128xf32, #tpu.memory_space<vmem_shared>>)
        tpu.yield
      }) : () -> ()
    }
    %scan3A_117 = arith.constant 10 : i32
    %barrier3A_118 = arith.constant 0 : index
    tpu.barrier barrier_id(%barrier3A_118)
    %scan3A_119 = arith.constant 0 : i32
    %scan3A_120 = arith.constant 80 : i32
    %scan3A_121 = arith.addi %scan3A_119, %scan3A_120 : i32
    %scan3A_122 = arith.constant 1 : i32
    scf.for %scan3A_161 = %scan3A_119 to %scan3A_121 step %scan3A_122  : i32 {
      %mul3A_162 = arith.constant 1 : i32
      %mul3A_163 = arith.muli %scan3A_161, %mul3A_162 : i32
      %add3A_164 = arith.constant 0 : i32
      %add3A_165 = arith.addi %add3A_164, %mul3A_163 : i32
      %broadcast_in_dim3A = arith.constant 0.000000e+00 : f32
      %broadcast_in_dim3A_166 = vector.broadcast %broadcast_in_dim3A : f32 to vector<16xf32>
      %swap3A = arith.index_cast %add3A_165 : i32 to index
      %swap3A_167 = arith.constant 16 : index
      %swap3A_168 = tpu.vector_load %arg21[%swap3A, %swap3A_167] {strides = array<i32>} : memref<80x128xf32, #tpu.memory_space<vmem>>, vector<16xf32>,
      tpu.vector_store %arg21[%swap3A, %swap3A_167], %broadcast_in_dim3A_166 {strides = array<i32>} : memref<80x128xf32, #tpu.memory_space<vmem>>, vector<16xf32>,
      %broadcast_in_dim3A_169 = arith.constant 0.000000e+00 : f32
      %broadcast_in_dim3A_170 = vector.broadcast %broadcast_in_dim3A_169 : f32 to vector<16xf32>
      %swap3A_171 = arith.index_cast %add3A_165 : i32 to index
      %swap3A_172 = arith.constant 32 : index
      %swap3A_173 = tpu.vector_load %arg21[%swap3A_171, %swap3A_172] {strides = array<i32>} : memref<80x128xf32, #tpu.memory_space<vmem>>, vector<16xf32>,
      tpu.vector_store %arg21[%swap3A_171, %swap3A_172], %broadcast_in_dim3A_170 {strides = array<i32>} : memref<80x128xf32, #tpu.memory_space<vmem>>, vector<16xf32>,
      %broadcast_in_dim3A_174 = arith.constant 0.000000e+00 : f32
      %broadcast_in_dim3A_175 = vector.broadcast %broadcast_in_dim3A_174 : f32 to vector<16xf32>
      %swap3A_176 = arith.index_cast %add3A_165 : i32 to index
      %swap3A_177 = arith.constant 48 : index
      %swap3A_178 = tpu.vector_load %arg21[%swap3A_176, %swap3A_177] {strides = array<i32>} : memref<80x128xf32, #tpu.memory_space<vmem>>, vector<16xf32>,
      tpu.vector_store %arg21[%swap3A_176, %swap3A_177], %broadcast_in_dim3A_175 {strides = array<i32>} : memref<80x128xf32, #tpu.memory_space<vmem>>, vector<16xf32>,
      %broadcast_in_dim3A_179 = arith.constant 0.000000e+00 : f32
      %broadcast_in_dim3A_180 = vector.broadcast %broadcast_in_dim3A_179 : f32 to vector<16xf32>
      %swap3A_181 = arith.index_cast %add3A_165 : i32 to index
      %swap3A_182 = arith.constant 64 : index
      %swap3A_183 = tpu.vector_load %arg21[%swap3A_181, %swap3A_182] {strides = array<i32>} : memref<80x128xf32, #tpu.memory_space<vmem>>, vector<16xf32>,
      tpu.vector_store %arg21[%swap3A_181, %swap3A_182], %broadcast_in_dim3A_180 {strides = array<i32>} : memref<80x128xf32, #tpu.memory_space<vmem>>, vector<16xf32>,
      %broadcast_in_dim3A_184 = arith.constant 0.000000e+00 : f32
      %broadcast_in_dim3A_185 = vector.broadcast %broadcast_in_dim3A_184 : f32 to vector<16xf32>
      %swap3A_186 = arith.index_cast %add3A_165 : i32 to index
      %swap3A_187 = arith.constant 80 : index
      %swap3A_188 = tpu.vector_load %arg21[%swap3A_186, %swap3A_187] {strides = array<i32>} : memref<80x128xf32, #tpu.memory_space<vmem>>, vector<16xf32>,
      tpu.vector_store %arg21[%swap3A_186, %swap3A_187], %broadcast_in_dim3A_185 {strides = array<i32>} : memref<80x128xf32, #tpu.memory_space<vmem>>, vector<16xf32>,
      %broadcast_in_dim3A_189 = arith.constant 0.000000e+00 : f32
      %broadcast_in_dim3A_190 = vector.broadcast %broadcast_in_dim3A_189 : f32 to vector<16xf32>
      %swap3A_191 = arith.index_cast %add3A_165 : i32 to index
      %swap3A_192 = arith.constant 96 : index
      %swap3A_193 = tpu.vector_load %arg21[%swap3A_191, %swap3A_192] {strides = array<i32>} : memref<80x128xf32, #tpu.memory_space<vmem>>, vector<16xf32>,
      tpu.vector_store %arg21[%swap3A_191, %swap3A_192], %broadcast_in_dim3A_190 {strides = array<i32>} : memref<80x128xf32, #tpu.memory_space<vmem>>, vector<16xf32>,
      %broadcast_in_dim3A_194 = arith.constant 0.000000e+00 : f32
      %broadcast_in_dim3A_195 = vector.broadcast %broadcast_in_dim3A_194 : f32 to vector<16xf32>
      %swap3A_196 = arith.index_cast %add3A_165 : i32 to index
      %swap3A_197 = arith.constant 112 : index
      %swap3A_198 = tpu.vector_load %arg21[%swap3A_196, %swap3A_197] {strides = array<i32>} : memref<80x128xf32, #tpu.memory_space<vmem>>, vector<16xf32>,
      tpu.vector_store %arg21[%swap3A_196, %swap3A_197], %broadcast_in_dim3A_195 {strides = array<i32>} : memref<80x128xf32, #tpu.memory_space<vmem>>, vector<16xf32>,
      %broadcast_in_dim3A_199 = arith.constant 0.000000e+00 : f32
      %broadcast_in_dim3A_200 = vector.broadcast %broadcast_in_dim3A_199 : f32 to vector<16xf32>
      %swap3A_201 = arith.index_cast %add3A_165 : i32 to index
      %swap3A_202 = arith.constant 16 : index
      %swap3A_203 = tpu.vector_load %arg22[%swap3A_201, %swap3A_202] {strides = array<i32>} : memref<80x128xf32, #tpu.memory_space<vmem>>, vector<16xf32>,
      tpu.vector_store %arg22[%swap3A_201, %swap3A_202], %broadcast_in_dim3A_200 {strides = array<i32>} : memref<80x128xf32, #tpu.memory_space<vmem>>, vector<16xf32>,
      %broadcast_in_dim3A_204 = arith.constant 0.000000e+00 : f32
      %broadcast_in_dim3A_205 = vector.broadcast %broadcast_in_dim3A_204 : f32 to vector<16xf32>
      %swap3A_206 = arith.index_cast %add3A_165 : i32 to index
      %swap3A_207 = arith.constant 32 : index
      %swap3A_208 = tpu.vector_load %arg22[%swap3A_206, %swap3A_207] {strides = array<i32>} : memref<80x128xf32, #tpu.memory_space<vmem>>, vector<16xf32>,
      tpu.vector_store %arg22[%swap3A_206, %swap3A_207], %broadcast_in_dim3A_205 {strides = array<i32>} : memref<80x128xf32, #tpu.memory_space<vmem>>, vector<16xf32>,
      %broadcast_in_dim3A_209 = arith.constant 0.000000e+00 : f32
      %broadcast_in_dim3A_210 = vector.broadcast %broadcast_in_dim3A_209 : f32 to vector<16xf32>
      %swap3A_211 = arith.index_cast %add3A_165 : i32 to index
      %swap3A_212 = arith.constant 48 : index
      %swap3A_213 = tpu.vector_load %arg22[%swap3A_211, %swap3A_212] {strides = array<i32>} : memref<80x128xf32, #tpu.memory_space<vmem>>, vector<16xf32>,
      tpu.vector_store %arg22[%swap3A_211, %swap3A_212], %broadcast_in_dim3A_210 {strides = array<i32>} : memref<80x128xf32, #tpu.memory_space<vmem>>, vector<16xf32>,
      %broadcast_in_dim3A_214 = arith.constant 0.000000e+00 : f32
      %broadcast_in_dim3A_215 = vector.broadcast %broadcast_in_dim3A_214 : f32 to vector<16xf32>
      %swap3A_216 = arith.index_cast %add3A_165 : i32 to index
      %swap3A_217 = arith.constant 64 : index
      %swap3A_218 = tpu.vector_load %arg22[%swap3A_216, %swap3A_217] {strides = array<i32>} : memref<80x128xf32, #tpu.memory_space<vmem>>, vector<16xf32>,
      tpu.vector_store %arg22[%swap3A_216, %swap3A_217], %broadcast_in_dim3A_215 {strides = array<i32>} : memref<80x128xf32, #tpu.memory_space<vmem>>, vector<16xf32>,
      %broadcast_in_dim3A_219 = arith.constant 0.000000e+00 : f32
      %broadcast_in_dim3A_220 = vector.broadcast %broadcast_in_dim3A_219 : f32 to vector<16xf32>
      %swap3A_221 = arith.index_cast %add3A_165 : i32 to index
      %swap3A_222 = arith.constant 80 : index
      %swap3A_223 = tpu.vector_load %arg22[%swap3A_221, %swap3A_222] {strides = array<i32>} : memref<80x128xf32, #tpu.memory_space<vmem>>, vector<16xf32>,
      tpu.vector_store %arg22[%swap3A_221, %swap3A_222], %broadcast_in_dim3A_220 {strides = array<i32>} : memref<80x128xf32, #tpu.memory_space<vmem>>, vector<16xf32>,
      %broadcast_in_dim3A_224 = arith.constant 0.000000e+00 : f32
      %broadcast_in_dim3A_225 = vector.broadcast %broadcast_in_dim3A_224 : f32 to vector<16xf32>
      %swap3A_226 = arith.index_cast %add3A_165 : i32 to index
      %swap3A_227 = arith.constant 96 : index
      %swap3A_228 = tpu.vector_load %arg22[%swap3A_226, %swap3A_227] {strides = array<i32>} : memref<80x128xf32, #tpu.memory_space<vmem>>, vector<16xf32>,
      tpu.vector_store %arg22[%swap3A_226, %swap3A_227], %broadcast_in_dim3A_225 {strides = array<i32>} : memref<80x128xf32, #tpu.memory_space<vmem>>, vector<16xf32>,
      %broadcast_in_dim3A_229 = arith.constant 0.000000e+00 : f32
      %broadcast_in_dim3A_230 = vector.broadcast %broadcast_in_dim3A_229 : f32 to vector<16xf32>
      %swap3A_231 = arith.index_cast %add3A_165 : i32 to index
      %swap3A_232 = arith.constant 112 : index
      %swap3A_233 = tpu.vector_load %arg22[%swap3A_231, %swap3A_232] {strides = array<i32>} : memref<80x128xf32, #tpu.memory_space<vmem>>, vector<16xf32>,
      tpu.vector_store %arg22[%swap3A_231, %swap3A_232], %broadcast_in_dim3A_230 {strides = array<i32>} : memref<80x128xf32, #tpu.memory_space<vmem>>, vector<16xf32>,
    }
    %scan3A_123 = arith.constant 80 : i32
    %mul3A_124 = arith.constant 20000 : i32
    %mul3A_125 = arith.muli %arg1, %mul3A_124 : i32
    %add3A_126 = arith.constant 0 : i32
    %add3A_127 = arith.addi %mul3A_125, %add3A_126 : i32
    %dma_start3A_128 = tpu.memref_slice %arg6[%add3A_127] : memref<320000xi32, #tpu.memory_space<hbm>> -> memref<80xi32, #tpu.memory_space<hbm>>
    %dma_start3A_129 = tpu.memref_slice %arg6[%add3A_127] : memref<320000xi32, #tpu.memory_space<hbm>> -> memref<80xi32, #tpu.memory_space<hbm>>
    tpu.enqueue_dma source(%dma_start3A_129 : memref<80xi32, #tpu.memory_space<hbm>>) target(%arg13 : memref<80xi32, #tpu.memory_space<vmem>>) target_semaphore(%arg28 : memref<!tpu.dma_semaphore, #tpu.memory_space<semaphore_mem>>)
    %mul3A_130 = arith.constant 20000 : i32
    %mul3A_131 = arith.muli %arg1, %mul3A_130 : i32
    %add3A_132 = arith.constant 0 : i32
    %add3A_133 = arith.addi %mul3A_131, %add3A_132 : i32
    %mul3A_134 = arith.constant 16 : i32
    %mul3A_135 = arith.muli %add3A_133, %mul3A_134 : i32
    %dma_start3A_136 = tpu.memref_slice %arg10[%mul3A_135] : memref<5120000xf32, #tpu.memory_space<hbm>> -> memref<1280xf32, #tpu.memory_space<hbm>>
    %dma_start3A_137 = tpu.memref_slice %arg10[%mul3A_135] : memref<5120000xf32, #tpu.memory_space<hbm>> -> memref<1280xf32, #tpu.memory_space<hbm>>
    tpu.enqueue_dma source(%dma_start3A_137 : memref<1280xf32, #tpu.memory_space<hbm>>) target(%arg23 : memref<1280xf32, #tpu.memory_space<vmem>>) target_semaphore(%arg34 : memref<!tpu.dma_semaphore, #tpu.memory_space<semaphore_mem>>)
    %mul3A_138 = arith.constant 20000 : i32
    %mul3A_139 = arith.muli %arg1, %mul3A_138 : i32
    %add3A_140 = arith.constant 80 : i32
    %add3A_141 = arith.addi %mul3A_139, %add3A_140 : i32
    %dma_start3A_142 = tpu.memref_slice %arg6[%add3A_141] : memref<320000xi32, #tpu.memory_space<hbm>> -> memref<80xi32, #tpu.memory_space<hbm>>
    %dma_start3A_143 = tpu.memref_slice %arg6[%add3A_141] : memref<320000xi32, #tpu.memory_space<hbm>> -> memref<80xi32, #tpu.memory_space<hbm>>
    tpu.enqueue_dma source(%dma_start3A_143 : memref<80xi32, #tpu.memory_space<hbm>>) target(%arg14 : memref<80xi32, #tpu.memory_space<vmem>>) target_semaphore(%arg29 : memref<!tpu.dma_semaphore, #tpu.memory_space<semaphore_mem>>)
    %mul3A_144 = arith.constant 20000 : i32
    %mul3A_145 = arith.muli %arg1, %mul3A_144 : i32
    %add3A_146 = arith.constant 80 : i32
    %add3A_147 = arith.addi %mul3A_145, %add3A_146 : i32
    %mul3A_148 = arith.constant 16 : i32
    %mul3A_149 = arith.muli %add3A_147, %mul3A_148 : i32
    %dma_start3A_150 = tpu.memref_slice %arg10[%mul3A_149] : memref<5120000xf32, #tpu.memory_space<hbm>> -> memref<1280xf32, #tpu.memory_space<hbm>>
    %dma_start3A_151 = tpu.memref_slice %arg10[%mul3A_149] : memref<5120000xf32, #tpu.memory_space<hbm>> -> memref<1280xf32, #tpu.memory_space<hbm>>
    tpu.enqueue_dma source(%dma_start3A_151 : memref<1280xf32, #tpu.memory_space<hbm>>) target(%arg24 : memref<1280xf32, #tpu.memory_space<vmem>>) target_semaphore(%arg35 : memref<!tpu.dma_semaphore, #tpu.memory_space<semaphore_mem>>)
    %scan3A_152 = arith.constant 0 : i32
    %scan3A_153 = arith.constant 125 : i32
    %scan3A_154 = arith.addi %scan3A_152, %scan3A_153 : i32
    %scan3A_155 = arith.constant 1 : i32
    scf.for %scan3A_161 = %scan3A_152 to %scan3A_154 step %scan3A_155  : i32 {
      %mul3A_162 = arith.constant 1 : i32
      %mul3A_163 = arith.muli %scan3A_161, %mul3A_162 : i32
      %add3A_164 = arith.constant 0 : i32
      %add3A_165 = arith.addi %add3A_164, %mul3A_163 : i32
      %mul3A_166 = arith.constant 2 : i32
      %mul3A_167 = arith.muli %mul3A_166, %add3A_165 : i32
      %mul3A_168 = arith.constant 20000 : i32
      %mul3A_169 = arith.muli %arg1, %mul3A_168 : i32
      %mul3A_170 = arith.constant 80 : i32
      %mul3A_171 = arith.muli %mul3A_167, %mul3A_170 : i32
      %add3A_172 = arith.addi %mul3A_169, %mul3A_171 : i32
      %dma_wait3A_173 = tpu.memref_slice %arg6[%add3A_172] : memref<320000xi32, #tpu.memory_space<hbm>> -> memref<80xi32, #tpu.memory_space<hbm>>
      %dma_wait3A_174 = tpu.memref_slice %arg6[%add3A_172] : memref<320000xi32, #tpu.memory_space<hbm>> -> memref<80xi32, #tpu.memory_space<hbm>>
      tpu.wait_dma2 semaphore(%arg28 : memref<!tpu.dma_semaphore, #tpu.memory_space<semaphore_mem>>) src(%dma_wait3A_174 : memref<80xi32, #tpu.memory_space<hbm>>) dst(%arg13 : memref<80xi32, #tpu.memory_space<vmem>>)
      %mul3A_175 = arith.constant 20000 : i32
      %mul3A_176 = arith.muli %arg1, %mul3A_175 : i32
      %mul3A_177 = arith.constant 80 : i32
      %mul3A_178 = arith.muli %mul3A_167, %mul3A_177 : i32
      %add3A_179 = arith.addi %mul3A_176, %mul3A_178 : i32
      %mul3A_180 = arith.constant 16 : i32
      %mul3A_181 = arith.muli %add3A_179, %mul3A_180 : i32
      %dma_wait3A_182 = tpu.memref_slice %arg10[%mul3A_181] : memref<5120000xf32, #tpu.memory_space<hbm>> -> memref<1280xf32, #tpu.memory_space<hbm>>
      %dma_wait3A_183 = tpu.memref_slice %arg10[%mul3A_181] : memref<5120000xf32, #tpu.memory_space<hbm>> -> memref<1280xf32, #tpu.memory_space<hbm>>
      tpu.wait_dma2 semaphore(%arg34 : memref<!tpu.dma_semaphore, #tpu.memory_space<semaphore_mem>>) src(%dma_wait3A_183 : memref<1280xf32, #tpu.memory_space<hbm>>) dst(%arg23 : memref<1280xf32, #tpu.memory_space<vmem>>)
      %get3A_184 = arith.constant 0 : index
      %get3A_185 = tpu.vector_load %arg13[%get3A_184] {strides = array<i32>} : memref<80xi32, #tpu.memory_space<vmem>>, vector<16xi32>,
      %sub3A = vector.broadcast %mul3A_2 : i32 to vector<16xi32>
      %sub3A_186 = arith.subi %get3A_185, %sub3A : vector<16xi32>
      %ge3A = arith.constant 0 : i32
      %ge3A_187 = vector.broadcast %ge3A : i32 to vector<16xi32>
      %ge3A_188 = arith.cmpi sge, %sub3A_186, %ge3A_187 : vector<16xi32>
      %lt3A = arith.constant 5120 : i32
      %lt3A_189 = vector.broadcast %lt3A : i32 to vector<16xi32>
      %lt3A_190 = arith.cmpi slt, %sub3A_186, %lt3A_189 : vector<16xi32>
      %and3A = arith.andi %ge3A_188, %lt3A_190 : vector<16xi1>
      %jit3A = arith.constant 5120 : i32
      %broadcast_in_dim3A = vector.broadcast %jit3A : i32 to vector<16xi32>
      %select_n3A = arith.select %and3A, %sub3A_186, %broadcast_in_dim3A : vector<16xi1>, vector<16xi32>
      %swap3A = arith.constant 0 : index
      %swap3A_191 = tpu.vector_load %arg15[%swap3A] {strides = array<i32>} : memref<80xi32, #tpu.memory_space<vmem>>, vector<16xi32>,
      tpu.vector_store %arg15[%swap3A], %select_n3A {strides = array<i32>} : memref<80xi32, #tpu.memory_space<vmem>>, vector<16xi32>,
      %get3A_192 = arith.constant 16 : index
      %get3A_193 = tpu.vector_load %arg13[%get3A_192] {strides = array<i32>} : memref<80xi32, #tpu.memory_space<vmem>>, vector<16xi32>,
      %sub3A_194 = vector.broadcast %mul3A_2 : i32 to vector<16xi32>
      %sub3A_195 = arith.subi %get3A_193, %sub3A_194 : vector<16xi32>
      %ge3A_196 = arith.constant 0 : i32
      %ge3A_197 = vector.broadcast %ge3A_196 : i32 to vector<16xi32>
      %ge3A_198 = arith.cmpi sge, %sub3A_195, %ge3A_197 : vector<16xi32>
      %lt3A_199 = arith.constant 5120 : i32
      %lt3A_200 = vector.broadcast %lt3A_199 : i32 to vector<16xi32>
      %lt3A_201 = arith.cmpi slt, %sub3A_195, %lt3A_200 : vector<16xi32>
      %and3A_202 = arith.andi %ge3A_198, %lt3A_201 : vector<16xi1>
      %jit3A_203 = arith.constant 5120 : i32
      %broadcast_in_dim3A_204 = vector.broadcast %jit3A_203 : i32 to vector<16xi32>
      %select_n3A_205 = arith.select %and3A_202, %sub3A_195, %broadcast_in_dim3A_204 : vector<16xi1>, vector<16xi32>
      %swap3A_206 = arith.constant 16 : index
      %swap3A_207 = tpu.vector_load %arg15[%swap3A_206] {strides = array<i32>} : memref<80xi32, #tpu.memory_space<vmem>>, vector<16xi32>,
      tpu.vector_store %arg15[%swap3A_206], %select_n3A_205 {strides = array<i32>} : memref<80xi32, #tpu.memory_space<vmem>>, vector<16xi32>,
      %get3A_208 = arith.constant 32 : index
      %get3A_209 = tpu.vector_load %arg13[%get3A_208] {strides = array<i32>} : memref<80xi32, #tpu.memory_space<vmem>>, vector<16xi32>,
      %sub3A_210 = vector.broadcast %mul3A_2 : i32 to vector<16xi32>
      %sub3A_211 = arith.subi %get3A_209, %sub3A_210 : vector<16xi32>
      %ge3A_212 = arith.constant 0 : i32
      %ge3A_213 = vector.broadcast %ge3A_212 : i32 to vector<16xi32>
      %ge3A_214 = arith.cmpi sge, %sub3A_211, %ge3A_213 : vector<16xi32>
      %lt3A_215 = arith.constant 5120 : i32
      %lt3A_216 = vector.broadcast %lt3A_215 : i32 to vector<16xi32>
      %lt3A_217 = arith.cmpi slt, %sub3A_211, %lt3A_216 : vector<16xi32>
      %and3A_218 = arith.andi %ge3A_214, %lt3A_217 : vector<16xi1>
      %jit3A_219 = arith.constant 5120 : i32
      %broadcast_in_dim3A_220 = vector.broadcast %jit3A_219 : i32 to vector<16xi32>
      %select_n3A_221 = arith.select %and3A_218, %sub3A_211, %broadcast_in_dim3A_220 : vector<16xi1>, vector<16xi32>
      %swap3A_222 = arith.constant 32 : index
      %swap3A_223 = tpu.vector_load %arg15[%swap3A_222] {strides = array<i32>} : memref<80xi32, #tpu.memory_space<vmem>>, vector<16xi32>,
      tpu.vector_store %arg15[%swap3A_222], %select_n3A_221 {strides = array<i32>} : memref<80xi32, #tpu.memory_space<vmem>>, vector<16xi32>,
      %get3A_224 = arith.constant 48 : index
      %get3A_225 = tpu.vector_load %arg13[%get3A_224] {strides = array<i32>} : memref<80xi32, #tpu.memory_space<vmem>>, vector<16xi32>,
      %sub3A_226 = vector.broadcast %mul3A_2 : i32 to vector<16xi32>
      %sub3A_227 = arith.subi %get3A_225, %sub3A_226 : vector<16xi32>
      %ge3A_228 = arith.constant 0 : i32
      %ge3A_229 = vector.broadcast %ge3A_228 : i32 to vector<16xi32>
      %ge3A_230 = arith.cmpi sge, %sub3A_227, %ge3A_229 : vector<16xi32>
      %lt3A_231 = arith.constant 5120 : i32
      %lt3A_232 = vector.broadcast %lt3A_231 : i32 to vector<16xi32>
      %lt3A_233 = arith.cmpi slt, %sub3A_227, %lt3A_232 : vector<16xi32>
      %and3A_234 = arith.andi %ge3A_230, %lt3A_233 : vector<16xi1>
      %jit3A_235 = arith.constant 5120 : i32
      %broadcast_in_dim3A_236 = vector.broadcast %jit3A_235 : i32 to vector<16xi32>
      %select_n3A_237 = arith.select %and3A_234, %sub3A_227, %broadcast_in_dim3A_236 : vector<16xi1>, vector<16xi32>
      %swap3A_238 = arith.constant 48 : index
      %swap3A_239 = tpu.vector_load %arg15[%swap3A_238] {strides = array<i32>} : memref<80xi32, #tpu.memory_space<vmem>>, vector<16xi32>,
      tpu.vector_store %arg15[%swap3A_238], %select_n3A_237 {strides = array<i32>} : memref<80xi32, #tpu.memory_space<vmem>>, vector<16xi32>,
      %get3A_240 = arith.constant 64 : index
      %get3A_241 = tpu.vector_load %arg13[%get3A_240] {strides = array<i32>} : memref<80xi32, #tpu.memory_space<vmem>>, vector<16xi32>,
      %sub3A_242 = vector.broadcast %mul3A_2 : i32 to vector<16xi32>
      %sub3A_243 = arith.subi %get3A_241, %sub3A_242 : vector<16xi32>
      %ge3A_244 = arith.constant 0 : i32
      %ge3A_245 = vector.broadcast %ge3A_244 : i32 to vector<16xi32>
      %ge3A_246 = arith.cmpi sge, %sub3A_243, %ge3A_245 : vector<16xi32>
      %lt3A_247 = arith.constant 5120 : i32
      %lt3A_248 = vector.broadcast %lt3A_247 : i32 to vector<16xi32>
      %lt3A_249 = arith.cmpi slt, %sub3A_243, %lt3A_248 : vector<16xi32>
      %and3A_250 = arith.andi %ge3A_246, %lt3A_249 : vector<16xi1>
      %jit3A_251 = arith.constant 5120 : i32
      %broadcast_in_dim3A_252 = vector.broadcast %jit3A_251 : i32 to vector<16xi32>
      %select_n3A_253 = arith.select %and3A_250, %sub3A_243, %broadcast_in_dim3A_252 : vector<16xi1>, vector<16xi32>
      %swap3A_254 = arith.constant 64 : index
      %swap3A_255 = tpu.vector_load %arg15[%swap3A_254] {strides = array<i32>} : memref<80xi32, #tpu.memory_space<vmem>>, vector<16xi32>,
      tpu.vector_store %arg15[%swap3A_254], %select_n3A_253 {strides = array<i32>} : memref<80xi32, #tpu.memory_space<vmem>>, vector<16xi32>,
      %scan3A_256 = arith.constant 0 : i32
      %scan3A_257 = arith.constant 80 : i32
      %scan3A_258 = arith.addi %scan3A_256, %scan3A_257 : i32
      %scan3A_259 = arith.constant 1 : i32
      scf.for %scan3A_394 = %scan3A_256 to %scan3A_258 step %scan3A_259  : i32 {
        %mul3A_395 = arith.constant 1 : i32
        %mul3A_396 = arith.muli %scan3A_394, %mul3A_395 : i32
        %add3A_397 = arith.constant 0 : i32
        %add3A_398 = arith.addi %add3A_397, %mul3A_396 : i32
        %mul3A_399 = arith.constant 16 : i32
        %mul3A_400 = arith.muli %add3A_398, %mul3A_399 : i32
        %get3A_401 = arith.index_cast %mul3A_400 : i32 to index
        %get3A_402 = tpu.vector_load %arg23[%get3A_401] {strides = array<i32>} : memref<1280xf32, #tpu.memory_space<vmem>>, vector<16xf32>,
        %swap3A_403 = arith.index_cast %add3A_398 : i32 to index
        %swap3A_404 = arith.constant 0 : index
        %swap3A_405 = tpu.vector_load %arg21[%swap3A_403, %swap3A_404] {strides = array<i32>} : memref<80x128xf32, #tpu.memory_space<vmem>>, vector<16xf32>,
        tpu.vector_store %arg21[%swap3A_403, %swap3A_404], %get3A_402 {strides = array<i32>} : memref<80x128xf32, #tpu.memory_space<vmem>>, vector<16xf32>,
      }
      %scan3A_260 = arith.constant 80 : i32
      %dma_start3A_261 = arith.constant 0 : i32
      %dma_start3A_262 = arith.constant 0 : i32
      %dma_start3A_263 = tpu.memref_slice %arg27[%dma_start3A_261, %dma_start3A_262] : memref<5128x128xf32, #tpu.memory_space<vmem_shared>> -> memref<5128x128xf32, #tpu.memory_space<vmem_shared>>
      tpu.enqueue_indirect_dma source(%arg21 : memref<80x128xf32, #tpu.memory_space<vmem>>) target(%dma_start3A_263 : memref<5128x128xf32, #tpu.memory_space<vmem_shared>>) offsets(%arg15 : memref<80xi32, #tpu.memory_space<vmem>>) semaphore(%arg32 : memref<!tpu.dma_semaphore, #tpu.memory_space<semaphore_mem>>) {add = true}
      %mul3A_264 = arith.constant 2 : i32
      %mul3A_265 = arith.muli %mul3A_264, %add3A_165 : i32
      %add3A_266 = arith.constant 1 : i32
      %add3A_267 = arith.addi %mul3A_265, %add3A_266 : i32
      %mul3A_268 = arith.constant 20000 : i32
      %mul3A_269 = arith.muli %arg1, %mul3A_268 : i32
      %mul3A_270 = arith.constant 80 : i32
      %mul3A_271 = arith.muli %add3A_267, %mul3A_270 : i32
      %add3A_272 = arith.addi %mul3A_269, %mul3A_271 : i32
      %dma_wait3A_273 = tpu.memref_slice %arg6[%add3A_272] : memref<320000xi32, #tpu.memory_space<hbm>> -> memref<80xi32, #tpu.memory_space<hbm>>
      %dma_wait3A_274 = tpu.memref_slice %arg6[%add3A_272] : memref<320000xi32, #tpu.memory_space<hbm>> -> memref<80xi32, #tpu.memory_space<hbm>>
      tpu.wait_dma2 semaphore(%arg29 : memref<!tpu.dma_semaphore, #tpu.memory_space<semaphore_mem>>) src(%dma_wait3A_274 : memref<80xi32, #tpu.memory_space<hbm>>) dst(%arg14 : memref<80xi32, #tpu.memory_space<vmem>>)
      %mul3A_275 = arith.constant 20000 : i32
      %mul3A_276 = arith.muli %arg1, %mul3A_275 : i32
      %mul3A_277 = arith.constant 80 : i32
      %mul3A_278 = arith.muli %add3A_267, %mul3A_277 : i32
      %add3A_279 = arith.addi %mul3A_276, %mul3A_278 : i32
      %mul3A_280 = arith.constant 16 : i32
      %mul3A_281 = arith.muli %add3A_279, %mul3A_280 : i32
      %dma_wait3A_282 = tpu.memref_slice %arg10[%mul3A_281] : memref<5120000xf32, #tpu.memory_space<hbm>> -> memref<1280xf32, #tpu.memory_space<hbm>>
      %dma_wait3A_283 = tpu.memref_slice %arg10[%mul3A_281] : memref<5120000xf32, #tpu.memory_space<hbm>> -> memref<1280xf32, #tpu.memory_space<hbm>>
      tpu.wait_dma2 semaphore(%arg35 : memref<!tpu.dma_semaphore, #tpu.memory_space<semaphore_mem>>) src(%dma_wait3A_283 : memref<1280xf32, #tpu.memory_space<hbm>>) dst(%arg24 : memref<1280xf32, #tpu.memory_space<vmem>>)
      %get3A_284 = arith.constant 0 : index
      %get3A_285 = tpu.vector_load %arg14[%get3A_284] {strides = array<i32>} : memref<80xi32, #tpu.memory_space<vmem>>, vector<16xi32>,
      %sub3A_286 = vector.broadcast %mul3A_2 : i32 to vector<16xi32>
      %sub3A_287 = arith.subi %get3A_285, %sub3A_286 : vector<16xi32>
      %ge3A_288 = arith.constant 0 : i32
      %ge3A_289 = vector.broadcast %ge3A_288 : i32 to vector<16xi32>
      %ge3A_290 = arith.cmpi sge, %sub3A_287, %ge3A_289 : vector<16xi32>
      %lt3A_291 = arith.constant 5120 : i32
      %lt3A_292 = vector.broadcast %lt3A_291 : i32 to vector<16xi32>
      %lt3A_293 = arith.cmpi slt, %sub3A_287, %lt3A_292 : vector<16xi32>
      %and3A_294 = arith.andi %ge3A_290, %lt3A_293 : vector<16xi1>
      %jit3A_295 = arith.constant 5120 : i32
      %broadcast_in_dim3A_296 = vector.broadcast %jit3A_295 : i32 to vector<16xi32>
      %select_n3A_297 = arith.select %and3A_294, %sub3A_287, %broadcast_in_dim3A_296 : vector<16xi1>, vector<16xi32>
      %swap3A_298 = arith.constant 0 : index
      %swap3A_299 = tpu.vector_load %arg16[%swap3A_298] {strides = array<i32>} : memref<80xi32, #tpu.memory_space<vmem>>, vector<16xi32>,
      tpu.vector_store %arg16[%swap3A_298], %select_n3A_297 {strides = array<i32>} : memref<80xi32, #tpu.memory_space<vmem>>, vector<16xi32>,
      %get3A_300 = arith.constant 16 : index
      %get3A_301 = tpu.vector_load %arg14[%get3A_300] {strides = array<i32>} : memref<80xi32, #tpu.memory_space<vmem>>, vector<16xi32>,
      %sub3A_302 = vector.broadcast %mul3A_2 : i32 to vector<16xi32>
      %sub3A_303 = arith.subi %get3A_301, %sub3A_302 : vector<16xi32>
      %ge3A_304 = arith.constant 0 : i32
      %ge3A_305 = vector.broadcast %ge3A_304 : i32 to vector<16xi32>
      %ge3A_306 = arith.cmpi sge, %sub3A_303, %ge3A_305 : vector<16xi32>
      %lt3A_307 = arith.constant 5120 : i32
      %lt3A_308 = vector.broadcast %lt3A_307 : i32 to vector<16xi32>
      %lt3A_309 = arith.cmpi slt, %sub3A_303, %lt3A_308 : vector<16xi32>
      %and3A_310 = arith.andi %ge3A_306, %lt3A_309 : vector<16xi1>
      %jit3A_311 = arith.constant 5120 : i32
      %broadcast_in_dim3A_312 = vector.broadcast %jit3A_311 : i32 to vector<16xi32>
      %select_n3A_313 = arith.select %and3A_310, %sub3A_303, %broadcast_in_dim3A_312 : vector<16xi1>, vector<16xi32>
      %swap3A_314 = arith.constant 16 : index
      %swap3A_315 = tpu.vector_load %arg16[%swap3A_314] {strides = array<i32>} : memref<80xi32, #tpu.memory_space<vmem>>, vector<16xi32>,
      tpu.vector_store %arg16[%swap3A_314], %select_n3A_313 {strides = array<i32>} : memref<80xi32, #tpu.memory_space<vmem>>, vector<16xi32>,
      %get3A_316 = arith.constant 32 : index
      %get3A_317 = tpu.vector_load %arg14[%get3A_316] {strides = array<i32>} : memref<80xi32, #tpu.memory_space<vmem>>, vector<16xi32>,
      %sub3A_318 = vector.broadcast %mul3A_2 : i32 to vector<16xi32>
      %sub3A_319 = arith.subi %get3A_317, %sub3A_318 : vector<16xi32>
      %ge3A_320 = arith.constant 0 : i32
      %ge3A_321 = vector.broadcast %ge3A_320 : i32 to vector<16xi32>
      %ge3A_322 = arith.cmpi sge, %sub3A_319, %ge3A_321 : vector<16xi32>
      %lt3A_323 = arith.constant 5120 : i32
      %lt3A_324 = vector.broadcast %lt3A_323 : i32 to vector<16xi32>
      %lt3A_325 = arith.cmpi slt, %sub3A_319, %lt3A_324 : vector<16xi32>
      %and3A_326 = arith.andi %ge3A_322, %lt3A_325 : vector<16xi1>
      %jit3A_327 = arith.constant 5120 : i32
      %broadcast_in_dim3A_328 = vector.broadcast %jit3A_327 : i32 to vector<16xi32>
      %select_n3A_329 = arith.select %and3A_326, %sub3A_319, %broadcast_in_dim3A_328 : vector<16xi1>, vector<16xi32>
      %swap3A_330 = arith.constant 32 : index
      %swap3A_331 = tpu.vector_load %arg16[%swap3A_330] {strides = array<i32>} : memref<80xi32, #tpu.memory_space<vmem>>, vector<16xi32>,
      tpu.vector_store %arg16[%swap3A_330], %select_n3A_329 {strides = array<i32>} : memref<80xi32, #tpu.memory_space<vmem>>, vector<16xi32>,
      %get3A_332 = arith.constant 48 : index
      %get3A_333 = tpu.vector_load %arg14[%get3A_332] {strides = array<i32>} : memref<80xi32, #tpu.memory_space<vmem>>, vector<16xi32>,
      %sub3A_334 = vector.broadcast %mul3A_2 : i32 to vector<16xi32>
      %sub3A_335 = arith.subi %get3A_333, %sub3A_334 : vector<16xi32>
      %ge3A_336 = arith.constant 0 : i32
      %ge3A_337 = vector.broadcast %ge3A_336 : i32 to vector<16xi32>
      %ge3A_338 = arith.cmpi sge, %sub3A_335, %ge3A_337 : vector<16xi32>
      %lt3A_339 = arith.constant 5120 : i32
      %lt3A_340 = vector.broadcast %lt3A_339 : i32 to vector<16xi32>
      %lt3A_341 = arith.cmpi slt, %sub3A_335, %lt3A_340 : vector<16xi32>
      %and3A_342 = arith.andi %ge3A_338, %lt3A_341 : vector<16xi1>
      %jit3A_343 = arith.constant 5120 : i32
      %broadcast_in_dim3A_344 = vector.broadcast %jit3A_343 : i32 to vector<16xi32>
      %select_n3A_345 = arith.select %and3A_342, %sub3A_335, %broadcast_in_dim3A_344 : vector<16xi1>, vector<16xi32>
      %swap3A_346 = arith.constant 48 : index
      %swap3A_347 = tpu.vector_load %arg16[%swap3A_346] {strides = array<i32>} : memref<80xi32, #tpu.memory_space<vmem>>, vector<16xi32>,
      tpu.vector_store %arg16[%swap3A_346], %select_n3A_345 {strides = array<i32>} : memref<80xi32, #tpu.memory_space<vmem>>, vector<16xi32>,
      %get3A_348 = arith.constant 64 : index
      %get3A_349 = tpu.vector_load %arg14[%get3A_348] {strides = array<i32>} : memref<80xi32, #tpu.memory_space<vmem>>, vector<16xi32>,
      %sub3A_350 = vector.broadcast %mul3A_2 : i32 to vector<16xi32>
      %sub3A_351 = arith.subi %get3A_349, %sub3A_350 : vector<16xi32>
      %ge3A_352 = arith.constant 0 : i32
      %ge3A_353 = vector.broadcast %ge3A_352 : i32 to vector<16xi32>
      %ge3A_354 = arith.cmpi sge, %sub3A_351, %ge3A_353 : vector<16xi32>
      %lt3A_355 = arith.constant 5120 : i32
      %lt3A_356 = vector.broadcast %lt3A_355 : i32 to vector<16xi32>
      %lt3A_357 = arith.cmpi slt, %sub3A_351, %lt3A_356 : vector<16xi32>
      %and3A_358 = arith.andi %ge3A_354, %lt3A_357 : vector<16xi1>
      %jit3A_359 = arith.constant 5120 : i32
      %broadcast_in_dim3A_360 = vector.broadcast %jit3A_359 : i32 to vector<16xi32>
      %select_n3A_361 = arith.select %and3A_358, %sub3A_351, %broadcast_in_dim3A_360 : vector<16xi1>, vector<16xi32>
      %swap3A_362 = arith.constant 64 : index
      %swap3A_363 = tpu.vector_load %arg16[%swap3A_362] {strides = array<i32>} : memref<80xi32, #tpu.memory_space<vmem>>, vector<16xi32>,
      tpu.vector_store %arg16[%swap3A_362], %select_n3A_361 {strides = array<i32>} : memref<80xi32, #tpu.memory_space<vmem>>, vector<16xi32>,
      %scan3A_364 = arith.constant 0 : i32
      %scan3A_365 = arith.constant 80 : i32
      %scan3A_366 = arith.addi %scan3A_364, %scan3A_365 : i32
      %scan3A_367 = arith.constant 1 : i32
      scf.for %scan3A_394 = %scan3A_364 to %scan3A_366 step %scan3A_367  : i32 {
        %mul3A_395 = arith.constant 1 : i32
        %mul3A_396 = arith.muli %scan3A_394, %mul3A_395 : i32
        %add3A_397 = arith.constant 0 : i32
        %add3A_398 = arith.addi %add3A_397, %mul3A_396 : i32
        %mul3A_399 = arith.constant 16 : i32
        %mul3A_400 = arith.muli %add3A_398, %mul3A_399 : i32
        %get3A_401 = arith.index_cast %mul3A_400 : i32 to index
        %get3A_402 = tpu.vector_load %arg24[%get3A_401] {strides = array<i32>} : memref<1280xf32, #tpu.memory_space<vmem>>, vector<16xf32>,
        %swap3A_403 = arith.index_cast %add3A_398 : i32 to index
        %swap3A_404 = arith.constant 0 : index
        %swap3A_405 = tpu.vector_load %arg22[%swap3A_403, %swap3A_404] {strides = array<i32>} : memref<80x128xf32, #tpu.memory_space<vmem>>, vector<16xf32>,
        tpu.vector_store %arg22[%swap3A_403, %swap3A_404], %get3A_402 {strides = array<i32>} : memref<80x128xf32, #tpu.memory_space<vmem>>, vector<16xf32>,
      }
      %scan3A_368 = arith.constant 80 : i32
      %dma_start3A_369 = arith.constant 0 : i32
      %dma_start3A_370 = arith.constant 0 : i32
      %dma_start3A_371 = tpu.memref_slice %arg27[%dma_start3A_369, %dma_start3A_370] : memref<5128x128xf32, #tpu.memory_space<vmem_shared>> -> memref<5128x128xf32, #tpu.memory_space<vmem_shared>>
      tpu.enqueue_indirect_dma source(%arg22 : memref<80x128xf32, #tpu.memory_space<vmem>>) target(%dma_start3A_371 : memref<5128x128xf32, #tpu.memory_space<vmem_shared>>) offsets(%arg16 : memref<80xi32, #tpu.memory_space<vmem>>) semaphore(%arg33 : memref<!tpu.dma_semaphore, #tpu.memory_space<semaphore_mem>>) {add = true}
      %mul3A_372 = arith.constant 2 : i32
      %mul3A_373 = arith.muli %mul3A_372, %add3A_165 : i32
      %add3A_374 = arith.constant 2 : i32
      %add3A_375 = arith.addi %mul3A_373, %add3A_374 : i32
      %lt3A_376 = arith.constant 250 : i32
      %lt3A_377 = arith.cmpi slt, %add3A_375, %lt3A_376 : i32
      %convert_element_type3A = arith.extui %lt3A_377 : i1 to i32
      %cond3A = arith.constant 0 : i32
      %cond3A_378 = arith.cmpi ne, %convert_element_type3A, %cond3A : i32
      scf.if %cond3A_378 {
        %mul3A_394 = arith.constant 2 : i32
        %mul3A_395 = arith.muli %mul3A_394, %add3A_165 : i32
        %add3A_396 = arith.constant 2 : i32
        %add3A_397 = arith.addi %mul3A_395, %add3A_396 : i32
        %mul3A_398 = arith.constant 20000 : i32
        %mul3A_399 = arith.muli %arg1, %mul3A_398 : i32
        %mul3A_400 = arith.constant 80 : i32
        %mul3A_401 = arith.muli %add3A_397, %mul3A_400 : i32
        %add3A_402 = arith.addi %mul3A_399, %mul3A_401 : i32
        %dma_start3A_403 = tpu.memref_slice %arg6[%add3A_402] : memref<320000xi32, #tpu.memory_space<hbm>> -> memref<80xi32, #tpu.memory_space<hbm>>
        %dma_start3A_404 = tpu.memref_slice %arg6[%add3A_402] : memref<320000xi32, #tpu.memory_space<hbm>> -> memref<80xi32, #tpu.memory_space<hbm>>
        tpu.enqueue_dma source(%dma_start3A_404 : memref<80xi32, #tpu.memory_space<hbm>>) target(%arg13 : memref<80xi32, #tpu.memory_space<vmem>>) target_semaphore(%arg28 : memref<!tpu.dma_semaphore, #tpu.memory_space<semaphore_mem>>)
        %mul3A_405 = arith.constant 20000 : i32
        %mul3A_406 = arith.muli %arg1, %mul3A_405 : i32
        %mul3A_407 = arith.constant 80 : i32
        %mul3A_408 = arith.muli %add3A_397, %mul3A_407 : i32
        %add3A_409 = arith.addi %mul3A_406, %mul3A_408 : i32
        %mul3A_410 = arith.constant 16 : i32
        %mul3A_411 = arith.muli %add3A_409, %mul3A_410 : i32
        %dma_start3A_412 = tpu.memref_slice %arg10[%mul3A_411] : memref<5120000xf32, #tpu.memory_space<hbm>> -> memref<1280xf32, #tpu.memory_space<hbm>>
        %dma_start3A_413 = tpu.memref_slice %arg10[%mul3A_411] : memref<5120000xf32, #tpu.memory_space<hbm>> -> memref<1280xf32, #tpu.memory_space<hbm>>
        tpu.enqueue_dma source(%dma_start3A_413 : memref<1280xf32, #tpu.memory_space<hbm>>) target(%arg23 : memref<1280xf32, #tpu.memory_space<vmem>>) target_semaphore(%arg34 : memref<!tpu.dma_semaphore, #tpu.memory_space<semaphore_mem>>)
      } else {
      }
      %mul3A_379 = arith.constant 2 : i32
      %mul3A_380 = arith.muli %mul3A_379, %add3A_165 : i32
      %add3A_381 = arith.constant 3 : i32
      %add3A_382 = arith.addi %mul3A_380, %add3A_381 : i32
      %lt3A_383 = arith.constant 250 : i32
      %lt3A_384 = arith.cmpi slt, %add3A_382, %lt3A_383 : i32
      %convert_element_type3A_385 = arith.extui %lt3A_384 : i1 to i32
      %cond3A_386 = arith.constant 0 : i32
      %cond3A_387 = arith.cmpi ne, %convert_element_type3A_385, %cond3A_386 : i32
      scf.if %cond3A_387 {
        %mul3A_394 = arith.constant 2 : i32
        %mul3A_395 = arith.muli %mul3A_394, %add3A_165 : i32
        %add3A_396 = arith.constant 3 : i32
        %add3A_397 = arith.addi %mul3A_395, %add3A_396 : i32
        %mul3A_398 = arith.constant 20000 : i32
        %mul3A_399 = arith.muli %arg1, %mul3A_398 : i32
        %mul3A_400 = arith.constant 80 : i32
        %mul3A_401 = arith.muli %add3A_397, %mul3A_400 : i32
        %add3A_402 = arith.addi %mul3A_399, %mul3A_401 : i32
        %dma_start3A_403 = tpu.memref_slice %arg6[%add3A_402] : memref<320000xi32, #tpu.memory_space<hbm>> -> memref<80xi32, #tpu.memory_space<hbm>>
        %dma_start3A_404 = tpu.memref_slice %arg6[%add3A_402] : memref<320000xi32, #tpu.memory_space<hbm>> -> memref<80xi32, #tpu.memory_space<hbm>>
        tpu.enqueue_dma source(%dma_start3A_404 : memref<80xi32, #tpu.memory_space<hbm>>) target(%arg14 : memref<80xi32, #tpu.memory_space<vmem>>) target_semaphore(%arg29 : memref<!tpu.dma_semaphore, #tpu.memory_space<semaphore_mem>>)
        %mul3A_405 = arith.constant 20000 : i32
        %mul3A_406 = arith.muli %arg1, %mul3A_405 : i32
        %mul3A_407 = arith.constant 80 : i32
        %mul3A_408 = arith.muli %add3A_397, %mul3A_407 : i32
        %add3A_409 = arith.addi %mul3A_406, %mul3A_408 : i32
        %mul3A_410 = arith.constant 16 : i32
        %mul3A_411 = arith.muli %add3A_409, %mul3A_410 : i32
        %dma_start3A_412 = tpu.memref_slice %arg10[%mul3A_411] : memref<5120000xf32, #tpu.memory_space<hbm>> -> memref<1280xf32, #tpu.memory_space<hbm>>
        %dma_start3A_413 = tpu.memref_slice %arg10[%mul3A_411] : memref<5120000xf32, #tpu.memory_space<hbm>> -> memref<1280xf32, #tpu.memory_space<hbm>>
        tpu.enqueue_dma source(%dma_start3A_413 : memref<1280xf32, #tpu.memory_space<hbm>>) target(%arg24 : memref<1280xf32, #tpu.memory_space<vmem>>) target_semaphore(%arg35 : memref<!tpu.dma_semaphore, #tpu.memory_space<semaphore_mem>>)
      } else {
      }
      %dma_wait3A_388 = arith.constant 0 : i32
      %dma_wait3A_389 = arith.constant 0 : i32
      %dma_wait3A_390 = tpu.memref_slice %arg27[%dma_wait3A_388, %dma_wait3A_389] : memref<5128x128xf32, #tpu.memory_space<vmem_shared>> -> memref<5128x128xf32, #tpu.memory_space<vmem_shared>>
      tpu.wait_indirect_dma semaphore(%arg32 : memref<!tpu.dma_semaphore, #tpu.memory_space<semaphore_mem>>) src(%arg21 : memref<80x128xf32, #tpu.memory_space<vmem>>) dst(%dma_wait3A_390 : memref<5128x128xf32, #tpu.memory_space<vmem_shared>>)
      %dma_wait3A_391 = arith.constant 0 : i32
      %dma_wait3A_392 = arith.constant 0 : i32
      %dma_wait3A_393 = tpu.memref_slice %arg27[%dma_wait3A_391, %dma_wait3A_392] : memref<5128x128xf32, #tpu.memory_space<vmem_shared>> -> memref<5128x128xf32, #tpu.memory_space<vmem_shared>>
      tpu.wait_indirect_dma semaphore(%arg33 : memref<!tpu.dma_semaphore, #tpu.memory_space<semaphore_mem>>) src(%arg22 : memref<80x128xf32, #tpu.memory_space<vmem>>) dst(%dma_wait3A_393 : memref<5128x128xf32, #tpu.memory_space<vmem_shared>>)
    }
    %scan3A_156 = arith.constant 125 : i32
    %barrier3A_157 = arith.constant 0 : index
    tpu.barrier barrier_id(%barrier3A_157)
    %mul3A_158 = arith.constant 5128 : i32
    %mul3A_159 = arith.muli %arg0, %mul3A_158 : i32
    %add3A_160 = arith.addi %mul3A_159, %mul3A_0 : i32
    "tpu.region"() ({
      %run_scoped3A = tpu.sem_alloc : memref<!tpu.dma_semaphore, #tpu.memory_space<semaphore_mem>>
      %dma_start3A_161 = arith.constant 0 : i32
      %dma_start3A_162 = tpu.memref_slice %arg9[%add3A_160, %dma_start3A_161] : memref<10256x128xf32, #tpu.memory_space<hbm>> -> memref<320x128xf32, #tpu.memory_space<hbm>>
      %dma_start3A_163 = arith.constant 0 : i32
      %dma_start3A_164 = tpu.memref_slice %arg27[%mul3A_0, %dma_start3A_163] : memref<5128x128xf32, #tpu.memory_space<vmem_shared>> -> memref<320x128xf32, #tpu.memory_space<vmem_shared>>
      tpu.enqueue_dma source(%dma_start3A_164 : memref<320x128xf32, #tpu.memory_space<vmem_shared>>) target(%dma_start3A_162 : memref<320x128xf32, #tpu.memory_space<hbm>>) target_semaphore(%run_scoped3A : memref<!tpu.dma_semaphore, #tpu.memory_space<semaphore_mem>>)
      %dma_wait3A_165 = arith.constant 0 : i32
      %dma_wait3A_166 = tpu.memref_slice %arg9[%add3A_160, %dma_wait3A_165] : memref<10256x128xf32, #tpu.memory_space<hbm>> -> memref<320x128xf32, #tpu.memory_space<hbm>>
      %dma_wait3A_167 = arith.constant 0 : i32
      %dma_wait3A_168 = tpu.memref_slice %arg27[%mul3A_0, %dma_wait3A_167] : memref<5128x128xf32, #tpu.memory_space<vmem_shared>> -> memref<320x128xf32, #tpu.memory_space<vmem_shared>>
      tpu.wait_dma2 semaphore(%run_scoped3A : memref<!tpu.dma_semaphore, #tpu.memory_space<semaphore_mem>>) src(%dma_wait3A_168 : memref<320x128xf32, #tpu.memory_space<vmem_shared>>) dst(%dma_wait3A_166 : memref<320x128xf32, #tpu.memory_space<hbm>>)
      tpu.yield
    }) : () -> ()
    return
  }
}

module attributes {stable_mosaic.version = 14 : i64} {
  func.func @body(%arg0: memref<10000x128xf32, #tpu.memory_space<vmem>>, %arg1: memref<128x128xf32, #tpu.memory_space<vmem>>, %arg2: memref<1x128xf32, #tpu.memory_space<vmem>>, %arg3: memref<128x128xf32, #tpu.memory_space<vmem>>, %arg4: memref<1x128xf32, #tpu.memory_space<vmem>>, %arg5: memref<10000x128xf32, #tpu.memory_space<vmem>>, %arg6: memref<10000x128xf32, #tpu.memory_space<vmem>>) attributes {dimension_semantics = [], scalar_prefetch = 0 : i64, scratch_operands = 0 : i64, tpu.core_type = #tpu.core_type<tc>} {
    %get3A = arith.constant 0 : index
    %get3A_0 = arith.constant 0 : index
    %get3A_1 = vector.load %arg0[%get3A, %get3A_0] : memref<10000x128xf32, #tpu.memory_space<vmem>>, vector<10000x128xf32>
    %get3A_2 = arith.constant 0 : index
    %get3A_3 = arith.constant 0 : index
    %get3A_4 = vector.load %arg1[%get3A_2, %get3A_3] : memref<128x128xf32, #tpu.memory_space<vmem>>, vector<128x128xf32>
    %dot_general3A = arith.constant dense<0.000000e+00> : vector<10000x128xf32>
    %dot_general3A_5 = tpu.matmul %get3A_1, %get3A_4, %dot_general3A {dimension_numbers = #tpu.dot_dimension_numbers<[1], [0], [0], [1], [0, 0, 1, 1], [], []>, transpose_lhs_hint = false} : vector<10000x128xf32>, vector<128x128xf32>, vector<10000x128xf32> -> vector<10000x128xf32>
    %get3A_6 = arith.constant 0 : index
    %get3A_7 = arith.constant 0 : index
    %get3A_8 = vector.load %arg2[%get3A_6, %get3A_7] : memref<1x128xf32, #tpu.memory_space<vmem>>, vector<1x128xf32>
    %add3A = vector.broadcast %get3A_8 : vector<1x128xf32> to vector<10000x128xf32>
    %add3A_9 = arith.addf %dot_general3A_5, %add3A : vector<10000x128xf32>
    %swap3A = arith.constant 0 : index
    %swap3A_10 = arith.constant 0 : index
    %swap3A_11 = vector.load %arg5[%swap3A, %swap3A_10] : memref<10000x128xf32, #tpu.memory_space<vmem>>, vector<10000x128xf32>
    tpu.vector_store %arg5[%swap3A, %swap3A_10], %add3A_9 {strides = array<i32>} : memref<10000x128xf32, #tpu.memory_space<vmem>>, vector<10000x128xf32>,
    %get3A_12 = arith.constant 0 : index
    %get3A_13 = arith.constant 0 : index
    %get3A_14 = vector.load %arg3[%get3A_12, %get3A_13] : memref<128x128xf32, #tpu.memory_space<vmem>>, vector<128x128xf32>
    %dot_general3A_15 = arith.constant dense<0.000000e+00> : vector<10000x128xf32>
    %dot_general3A_16 = tpu.matmul %get3A_1, %get3A_14, %dot_general3A_15 {dimension_numbers = #tpu.dot_dimension_numbers<[1], [0], [0], [1], [0, 0, 1, 1], [], []>, transpose_lhs_hint = false} : vector<10000x128xf32>, vector<128x128xf32>, vector<10000x128xf32> -> vector<10000x128xf32>
    %get3A_17 = arith.constant 0 : index
    %get3A_18 = arith.constant 0 : index
    %get3A_19 = vector.load %arg4[%get3A_17, %get3A_18] : memref<1x128xf32, #tpu.memory_space<vmem>>, vector<1x128xf32>
    %add3A_20 = vector.broadcast %get3A_19 : vector<1x128xf32> to vector<10000x128xf32>
    %add3A_21 = arith.addf %dot_general3A_16, %add3A_20 : vector<10000x128xf32>
    %swap3A_22 = arith.constant 0 : index
    %swap3A_23 = arith.constant 0 : index
    %swap3A_24 = vector.load %arg6[%swap3A_22, %swap3A_23] : memref<10000x128xf32, #tpu.memory_space<vmem>>, vector<10000x128xf32>
    tpu.vector_store %arg6[%swap3A_22, %swap3A_23], %add3A_21 {strides = array<i32>} : memref<10000x128xf32, #tpu.memory_space<vmem>>, vector<10000x128xf32>,
    return
  }
}

module attributes {stable_mosaic.version = 14 : i64} {
  func.func @body(%arg0: i32, %arg1: memref<8000x16xf32, #tpu.memory_space<vmem>>, %arg2: memref<16x128xf32, #tpu.memory_space<vmem>>, %arg3: memref<8000x128xf32, #tpu.memory_space<vmem>>) attributes {dimension_semantics = [#tpu.dimension_semantics<arbitrary>], iteration_bounds = array<i64: 40>, scalar_prefetch = 0 : i64, scratch_operands = 0 : i64, tpu.core_type = #tpu.core_type<tc>, window_params = [{transform_indices = @transform_0, window_bounds = array<i64: 8000, 16>}, {pipeline_mode = #tpu.pipeline_mode<synchronous>, transform_indices = @transform_1, window_bounds = array<i64: 16, 128>}, {transform_indices = @transform_2, window_bounds = array<i64: 8000, 128>}]} {
    %get3A = arith.constant 0 : index
    %get3A_0 = arith.constant 0 : index
    %get3A_1 = vector.load %arg1[%get3A, %get3A_0] : memref<8000x16xf32, #tpu.memory_space<vmem>>, vector<8000x16xf32>
    %get3A_2 = arith.constant 0 : index
    %get3A_3 = arith.constant 0 : index
    %get3A_4 = vector.load %arg2[%get3A_2, %get3A_3] : memref<16x128xf32, #tpu.memory_space<vmem>>, vector<16x128xf32>
    %dot_general3A = arith.constant dense<0.000000e+00> : vector<8000x128xf32>
    %dot_general3A_5 = tpu.matmul %get3A_1, %get3A_4, %dot_general3A {dimension_numbers = #tpu.dot_dimension_numbers<[1], [0], [0], [1], [0, 0, 1, 1], [], []>, transpose_lhs_hint = false} : vector<8000x16xf32>, vector<16x128xf32>, vector<8000x128xf32> -> vector<8000x128xf32>
    %swap3A = arith.constant 0 : index
    %swap3A_6 = arith.constant 0 : index
    %swap3A_7 = vector.load %arg3[%swap3A, %swap3A_6] : memref<8000x128xf32, #tpu.memory_space<vmem>>, vector<8000x128xf32>
    tpu.vector_store %arg3[%swap3A, %swap3A_6], %dot_general3A_5 {strides = array<i32>} : memref<8000x128xf32, #tpu.memory_space<vmem>>, vector<8000x128xf32>,
    return
  }
  func.func @transform_0(%arg0: i32) -> (i32, i32) {
    %c0_i32 = arith.constant 0 : i32
    %c0_i32_0 = arith.constant 0 : i32
    return %arg0, %c0_i32 : i32, i32
  }
  func.func @transform_1(%arg0: i32) -> (i32, i32) {
    %c0_i32 = arith.constant 0 : i32
    %c0_i32_0 = arith.constant 0 : i32
    %c0_i32_1 = arith.constant 0 : i32
    return %c0_i32, %c0_i32_0 : i32, i32
  }
  func.func @transform_2(%arg0: i32) -> (i32, i32) {
    %c0_i32 = arith.constant 0 : i32
    %c0_i32_0 = arith.constant 0 : i32
    return %arg0, %c0_i32 : i32, i32
  }
}

module attributes {stable_mosaic.version = 14 : i64} {
  func.func @body(%arg0: memref<10256x128xf32, #tpu.memory_space<vmem>>, %arg1: memref<10256x128xf32, #tpu.memory_space<vmem>>, %arg2: memref<1x128xf32, #tpu.memory_space<vmem>>, %arg3: memref<1x128xf32, #tpu.memory_space<vmem>>, %arg4: memref<1x128xf32, #tpu.memory_space<vmem>>, %arg5: memref<10000x128xf32, #tpu.memory_space<vmem>>) attributes {dimension_semantics = [], scalar_prefetch = 0 : i64, scratch_operands = 0 : i64, tpu.core_type = #tpu.core_type<tc>} {
    %get3A = arith.constant 0 : index
    %get3A_0 = arith.constant 0 : index
    %get3A_1 = vector.load %arg0[%get3A, %get3A_0] : memref<10256x128xf32, #tpu.memory_space<vmem>>, vector<5120x128xf32>
    %get3A_2 = arith.constant 5128 : index
    %get3A_3 = arith.constant 0 : index
    %get3A_4 = vector.load %arg0[%get3A_2, %get3A_3] : memref<10256x128xf32, #tpu.memory_space<vmem>>, vector<4880x128xf32>
    %concatenate3A = tpu.concatenate %get3A_1, %get3A_4 in 0 : vector<5120x128xf32>, vector<4880x128xf32> -> vector<10000x128xf32>
    %get3A_5 = arith.constant 0 : index
    %get3A_6 = arith.constant 0 : index
    %get3A_7 = vector.load %arg1[%get3A_5, %get3A_6] : memref<10256x128xf32, #tpu.memory_space<vmem>>, vector<5120x16xf32>
    %get3A_8 = arith.constant 5128 : index
    %get3A_9 = arith.constant 0 : index
    %get3A_10 = vector.load %arg1[%get3A_8, %get3A_9] : memref<10256x128xf32, #tpu.memory_space<vmem>>, vector<4880x16xf32>
    %concatenate3A_11 = tpu.concatenate %get3A_7, %get3A_10 in 0 : vector<5120x16xf32>, vector<4880x16xf32> -> vector<10000x16xf32>
    %iota3A = tpu.iota {dimensions = array<i32: 0>} : vector<16x128xi32>
    %iota3A_12 = tpu.iota {dimensions = array<i32: 1>} : vector<16x128xi32>
    %jit3A = arith.constant 16 : i32
    %div3A = vector.broadcast %jit3A : i32 to vector<16x128xi32>
    %div3A_13 = arith.divsi %iota3A_12, %div3A : vector<16x128xi32>
    %sign3A = arith.constant 0 : i32
    %sign3A_14 = vector.broadcast %sign3A : i32 to vector<16x128xi32>
    %sign3A_15 = arith.cmpi sgt, %iota3A_12, %sign3A_14 : vector<16x128xi32>
    %sign3A_16 = arith.extui %sign3A_15 : vector<16x128xi1> to vector<16x128xi32>
    %sign3A_17 = arith.constant 0 : i32
    %sign3A_18 = vector.broadcast %sign3A_17 : i32 to vector<16x128xi32>
    %sign3A_19 = arith.cmpi slt, %iota3A_12, %sign3A_18 : vector<16x128xi32>
    %sign3A_20 = arith.extui %sign3A_19 : vector<16x128xi1> to vector<16x128xi32>
    %sign3A_21 = arith.subi %sign3A_16, %sign3A_20 : vector<16x128xi32>
    %sign3A_22 = arith.constant 0 : i32
    %sign3A_23 = arith.cmpi sgt, %jit3A, %sign3A_22 : i32
    %sign3A_24 = arith.extui %sign3A_23 : i1 to i32
    %sign3A_25 = arith.constant 0 : i32
    %sign3A_26 = arith.cmpi slt, %jit3A, %sign3A_25 : i32
    %sign3A_27 = arith.extui %sign3A_26 : i1 to i32
    %sign3A_28 = arith.subi %sign3A_24, %sign3A_27 : i32
    %ne3A = vector.broadcast %sign3A_28 : i32 to vector<16x128xi32>
    %ne3A_29 = arith.cmpi ne, %sign3A_21, %ne3A : vector<16x128xi32>
    %rem3A = vector.broadcast %jit3A : i32 to vector<16x128xi32>
    %rem3A_30 = arith.remsi %iota3A_12, %rem3A : vector<16x128xi32>
    %ne3A_31 = arith.constant 0 : i32
    %ne3A_32 = vector.broadcast %ne3A_31 : i32 to vector<16x128xi32>
    %ne3A_33 = arith.cmpi ne, %rem3A_30, %ne3A_32 : vector<16x128xi32>
    %and3A = arith.andi %ne3A_29, %ne3A_33 : vector<16x128xi1>
    %sub3A = arith.constant 1 : i32
    %sub3A_34 = vector.broadcast %sub3A : i32 to vector<16x128xi32>
    %sub3A_35 = arith.subi %div3A_13, %sub3A_34 : vector<16x128xi32>
    %select_n3A = arith.select %and3A, %sub3A_35, %div3A_13 : vector<16x128xi1>, vector<16x128xi32>
    %eq3A = arith.cmpi eq, %iota3A, %select_n3A : vector<16x128xi32>
    %convert_element_type3A = arith.extui %eq3A : vector<16x128xi1> to vector<16x128xi32>
    %convert_element_type3A_36 = arith.sitofp %convert_element_type3A : vector<16x128xi32> to vector<16x128xf32>
    %dot_general3A = arith.constant dense<0.000000e+00> : vector<10000x128xf32>
    %dot_general3A_37 = tpu.matmul %concatenate3A_11, %convert_element_type3A_36, %dot_general3A {dimension_numbers = #tpu.dot_dimension_numbers<[1], [0], [0], [1], [0, 0, 1, 1], [], []>, transpose_lhs_hint = false} : vector<10000x16xf32>, vector<16x128xf32>, vector<10000x128xf32> -> vector<10000x128xf32>
    %add3A = arith.constant 1.000000e-16 : f32
    %add3A_38 = vector.broadcast %add3A : f32 to vector<10000x128xf32>
    %add3A_39 = arith.addf %dot_general3A_37, %add3A_38 : vector<10000x128xf32>
    %div3A_40 = arith.divf %concatenate3A, %add3A_39 : vector<10000x128xf32>
    %get3A_41 = arith.constant 0 : index
    %get3A_42 = arith.constant 0 : index
    %get3A_43 = vector.load %arg2[%get3A_41, %get3A_42] : memref<1x128xf32, #tpu.memory_space<vmem>>, vector<1x128xf32>
    %add3A_44 = vector.broadcast %get3A_43 : vector<1x128xf32> to vector<10000x128xf32>
    %add3A_45 = arith.addf %div3A_40, %add3A_44 : vector<10000x128xf32>
    %reduce_sum3A = arith.constant dense<0.000000e+00> : vector<128xf32>
    %reduce_sum3A_46 = vector.multi_reduction <add>, %add3A_45, %reduce_sum3A [0] : vector<10000x128xf32> to vector<128xf32>
    %broadcast_in_dim3A = vector.shape_cast %reduce_sum3A_46 : vector<128xf32> to vector<1x128xf32>
    %div3A_47 = arith.constant 1.000000e+04 : f32
    %div3A_48 = vector.broadcast %div3A_47 : f32 to vector<1x128xf32>
    %div3A_49 = arith.divf %broadcast_in_dim3A, %div3A_48 : vector<1x128xf32>
    %sub3A_50 = vector.broadcast %div3A_49 : vector<1x128xf32> to vector<10000x128xf32>
    %sub3A_51 = arith.subf %add3A_45, %sub3A_50 : vector<10000x128xf32>
    %sub3A_52 = vector.broadcast %div3A_49 : vector<1x128xf32> to vector<10000x128xf32>
    %sub3A_53 = arith.subf %add3A_45, %sub3A_52 : vector<10000x128xf32>
    %mul3A = arith.mulf %sub3A_51, %sub3A_53 : vector<10000x128xf32>
    %reduce_sum3A_54 = arith.constant dense<0.000000e+00> : vector<128xf32>
    %reduce_sum3A_55 = vector.multi_reduction <add>, %mul3A, %reduce_sum3A_54 [0] : vector<10000x128xf32> to vector<128xf32>
    %broadcast_in_dim3A_56 = vector.shape_cast %reduce_sum3A_55 : vector<128xf32> to vector<1x128xf32>
    %div3A_57 = arith.constant 1.000000e+04 : f32
    %div3A_58 = vector.broadcast %div3A_57 : f32 to vector<1x128xf32>
    %div3A_59 = arith.divf %broadcast_in_dim3A_56, %div3A_58 : vector<1x128xf32>
    %sub3A_60 = vector.broadcast %div3A_49 : vector<1x128xf32> to vector<10000x128xf32>
    %sub3A_61 = arith.subf %add3A_45, %sub3A_60 : vector<10000x128xf32>
    %add3A_62 = arith.constant 9.99999974E-6 : f32
    %add3A_63 = vector.broadcast %add3A_62 : f32 to vector<1x128xf32>
    %add3A_64 = arith.addf %div3A_59, %add3A_63 : vector<1x128xf32>
    %sqrt3A = math.sqrt %add3A_64 : vector<1x128xf32>
    %div3A_65 = vector.broadcast %sqrt3A : vector<1x128xf32> to vector<10000x128xf32>
    %div3A_66 = arith.divf %sub3A_61, %div3A_65 : vector<10000x128xf32>
    %get3A_67 = arith.constant 0 : index
    %get3A_68 = arith.constant 0 : index
    %get3A_69 = vector.load %arg3[%get3A_67, %get3A_68] : memref<1x128xf32, #tpu.memory_space<vmem>>, vector<1x128xf32>
    %mul3A_70 = vector.broadcast %get3A_69 : vector<1x128xf32> to vector<10000x128xf32>
    %mul3A_71 = arith.mulf %div3A_66, %mul3A_70 : vector<10000x128xf32>
    %get3A_72 = arith.constant 0 : index
    %get3A_73 = arith.constant 0 : index
    %get3A_74 = vector.load %arg4[%get3A_72, %get3A_73] : memref<1x128xf32, #tpu.memory_space<vmem>>, vector<1x128xf32>
    %add3A_75 = vector.broadcast %get3A_74 : vector<1x128xf32> to vector<10000x128xf32>
    %add3A_76 = arith.addf %mul3A_71, %add3A_75 : vector<10000x128xf32>
    %max3A = arith.constant 0.000000e+00 : f32
    %max3A_77 = vector.broadcast %max3A : f32 to vector<10000x128xf32>
    %max3A_78 = arith.maximumf %add3A_76, %max3A_77 : vector<10000x128xf32>
    %swap3A = arith.constant 0 : index
    %swap3A_79 = arith.constant 0 : index
    %swap3A_80 = vector.load %arg5[%swap3A, %swap3A_79] : memref<10000x128xf32, #tpu.memory_space<vmem>>, vector<10000x128xf32>
    tpu.vector_store %arg5[%swap3A, %swap3A_79], %max3A_78 {strides = array<i32>} : memref<10000x128xf32, #tpu.memory_space<vmem>>, vector<10000x128xf32>,
    return
  }
}

module attributes {stable_mosaic.version = 14 : i64} {
  func.func @body(%arg0: memref<10256x128xf32, #tpu.memory_space<vmem>>, %arg1: memref<10256x128xf32, #tpu.memory_space<vmem>>, %arg2: memref<1x128xf32, #tpu.memory_space<vmem>>, %arg3: memref<1x128xf32, #tpu.memory_space<vmem>>, %arg4: memref<1x128xf32, #tpu.memory_space<vmem>>, %arg5: memref<10000x128xf32, #tpu.memory_space<vmem>>, %arg6: memref<10000x128xf32, #tpu.memory_space<vmem>>) attributes {dimension_semantics = [], scalar_prefetch = 0 : i64, scratch_operands = 0 : i64, tpu.core_type = #tpu.core_type<tc>} {
    %get3A = arith.constant 0 : index
    %get3A_0 = arith.constant 0 : index
    %get3A_1 = vector.load %arg0[%get3A, %get3A_0] : memref<10256x128xf32, #tpu.memory_space<vmem>>, vector<5120x128xf32>
    %get3A_2 = arith.constant 5128 : index
    %get3A_3 = arith.constant 0 : index
    %get3A_4 = vector.load %arg0[%get3A_2, %get3A_3] : memref<10256x128xf32, #tpu.memory_space<vmem>>, vector<4880x128xf32>
    %concatenate3A = tpu.concatenate %get3A_1, %get3A_4 in 0 : vector<5120x128xf32>, vector<4880x128xf32> -> vector<10000x128xf32>
    %get3A_5 = arith.constant 0 : index
    %get3A_6 = arith.constant 0 : index
    %get3A_7 = vector.load %arg1[%get3A_5, %get3A_6] : memref<10256x128xf32, #tpu.memory_space<vmem>>, vector<5120x16xf32>
    %get3A_8 = arith.constant 5128 : index
    %get3A_9 = arith.constant 0 : index
    %get3A_10 = vector.load %arg1[%get3A_8, %get3A_9] : memref<10256x128xf32, #tpu.memory_space<vmem>>, vector<4880x16xf32>
    %concatenate3A_11 = tpu.concatenate %get3A_7, %get3A_10 in 0 : vector<5120x16xf32>, vector<4880x16xf32> -> vector<10000x16xf32>
    %iota3A = tpu.iota {dimensions = array<i32: 0>} : vector<16x128xi32>
    %iota3A_12 = tpu.iota {dimensions = array<i32: 1>} : vector<16x128xi32>
    %jit3A = arith.constant 16 : i32
    %div3A = vector.broadcast %jit3A : i32 to vector<16x128xi32>
    %div3A_13 = arith.divsi %iota3A_12, %div3A : vector<16x128xi32>
    %sign3A = arith.constant 0 : i32
    %sign3A_14 = vector.broadcast %sign3A : i32 to vector<16x128xi32>
    %sign3A_15 = arith.cmpi sgt, %iota3A_12, %sign3A_14 : vector<16x128xi32>
    %sign3A_16 = arith.extui %sign3A_15 : vector<16x128xi1> to vector<16x128xi32>
    %sign3A_17 = arith.constant 0 : i32
    %sign3A_18 = vector.broadcast %sign3A_17 : i32 to vector<16x128xi32>
    %sign3A_19 = arith.cmpi slt, %iota3A_12, %sign3A_18 : vector<16x128xi32>
    %sign3A_20 = arith.extui %sign3A_19 : vector<16x128xi1> to vector<16x128xi32>
    %sign3A_21 = arith.subi %sign3A_16, %sign3A_20 : vector<16x128xi32>
    %sign3A_22 = arith.constant 0 : i32
    %sign3A_23 = arith.cmpi sgt, %jit3A, %sign3A_22 : i32
    %sign3A_24 = arith.extui %sign3A_23 : i1 to i32
    %sign3A_25 = arith.constant 0 : i32
    %sign3A_26 = arith.cmpi slt, %jit3A, %sign3A_25 : i32
    %sign3A_27 = arith.extui %sign3A_26 : i1 to i32
    %sign3A_28 = arith.subi %sign3A_24, %sign3A_27 : i32
    %ne3A = vector.broadcast %sign3A_28 : i32 to vector<16x128xi32>
    %ne3A_29 = arith.cmpi ne, %sign3A_21, %ne3A : vector<16x128xi32>
    %rem3A = vector.broadcast %jit3A : i32 to vector<16x128xi32>
    %rem3A_30 = arith.remsi %iota3A_12, %rem3A : vector<16x128xi32>
    %ne3A_31 = arith.constant 0 : i32
    %ne3A_32 = vector.broadcast %ne3A_31 : i32 to vector<16x128xi32>
    %ne3A_33 = arith.cmpi ne, %rem3A_30, %ne3A_32 : vector<16x128xi32>
    %and3A = arith.andi %ne3A_29, %ne3A_33 : vector<16x128xi1>
    %sub3A = arith.constant 1 : i32
    %sub3A_34 = vector.broadcast %sub3A : i32 to vector<16x128xi32>
    %sub3A_35 = arith.subi %div3A_13, %sub3A_34 : vector<16x128xi32>
    %select_n3A = arith.select %and3A, %sub3A_35, %div3A_13 : vector<16x128xi1>, vector<16x128xi32>
    %eq3A = arith.cmpi eq, %iota3A, %select_n3A : vector<16x128xi32>
    %convert_element_type3A = arith.extui %eq3A : vector<16x128xi1> to vector<16x128xi32>
    %convert_element_type3A_36 = arith.sitofp %convert_element_type3A : vector<16x128xi32> to vector<16x128xf32>
    %dot_general3A = arith.constant dense<0.000000e+00> : vector<10000x128xf32>
    %dot_general3A_37 = tpu.matmul %concatenate3A_11, %convert_element_type3A_36, %dot_general3A {dimension_numbers = #tpu.dot_dimension_numbers<[1], [0], [0], [1], [0, 0, 1, 1], [], []>, transpose_lhs_hint = false} : vector<10000x16xf32>, vector<16x128xf32>, vector<10000x128xf32> -> vector<10000x128xf32>
    %add3A = arith.constant 1.000000e-16 : f32
    %add3A_38 = vector.broadcast %add3A : f32 to vector<10000x128xf32>
    %add3A_39 = arith.addf %dot_general3A_37, %add3A_38 : vector<10000x128xf32>
    %div3A_40 = arith.divf %concatenate3A, %add3A_39 : vector<10000x128xf32>
    %get3A_41 = arith.constant 0 : index
    %get3A_42 = arith.constant 0 : index
    %get3A_43 = vector.load %arg2[%get3A_41, %get3A_42] : memref<1x128xf32, #tpu.memory_space<vmem>>, vector<1x128xf32>
    %add3A_44 = vector.broadcast %get3A_43 : vector<1x128xf32> to vector<10000x128xf32>
    %add3A_45 = arith.addf %div3A_40, %add3A_44 : vector<10000x128xf32>
    %reduce_sum3A = arith.constant dense<0.000000e+00> : vector<128xf32>
    %reduce_sum3A_46 = vector.multi_reduction <add>, %add3A_45, %reduce_sum3A [0] : vector<10000x128xf32> to vector<128xf32>
    %broadcast_in_dim3A = vector.shape_cast %reduce_sum3A_46 : vector<128xf32> to vector<1x128xf32>
    %div3A_47 = arith.constant 1.000000e+04 : f32
    %div3A_48 = vector.broadcast %div3A_47 : f32 to vector<1x128xf32>
    %div3A_49 = arith.divf %broadcast_in_dim3A, %div3A_48 : vector<1x128xf32>
    %sub3A_50 = vector.broadcast %div3A_49 : vector<1x128xf32> to vector<10000x128xf32>
    %sub3A_51 = arith.subf %add3A_45, %sub3A_50 : vector<10000x128xf32>
    %sub3A_52 = vector.broadcast %div3A_49 : vector<1x128xf32> to vector<10000x128xf32>
    %sub3A_53 = arith.subf %add3A_45, %sub3A_52 : vector<10000x128xf32>
    %mul3A = arith.mulf %sub3A_51, %sub3A_53 : vector<10000x128xf32>
    %reduce_sum3A_54 = arith.constant dense<0.000000e+00> : vector<128xf32>
    %reduce_sum3A_55 = vector.multi_reduction <add>, %mul3A, %reduce_sum3A_54 [0] : vector<10000x128xf32> to vector<128xf32>
    %broadcast_in_dim3A_56 = vector.shape_cast %reduce_sum3A_55 : vector<128xf32> to vector<1x128xf32>
    %div3A_57 = arith.constant 1.000000e+04 : f32
    %div3A_58 = vector.broadcast %div3A_57 : f32 to vector<1x128xf32>
    %div3A_59 = arith.divf %broadcast_in_dim3A_56, %div3A_58 : vector<1x128xf32>
    %sub3A_60 = vector.broadcast %div3A_49 : vector<1x128xf32> to vector<10000x128xf32>
    %sub3A_61 = arith.subf %add3A_45, %sub3A_60 : vector<10000x128xf32>
    %add3A_62 = arith.constant 9.99999974E-6 : f32
    %add3A_63 = vector.broadcast %add3A_62 : f32 to vector<1x128xf32>
    %add3A_64 = arith.addf %div3A_59, %add3A_63 : vector<1x128xf32>
    %sqrt3A = math.sqrt %add3A_64 : vector<1x128xf32>
    %div3A_65 = vector.broadcast %sqrt3A : vector<1x128xf32> to vector<10000x128xf32>
    %div3A_66 = arith.divf %sub3A_61, %div3A_65 : vector<10000x128xf32>
    %get3A_67 = arith.constant 0 : index
    %get3A_68 = arith.constant 0 : index
    %get3A_69 = vector.load %arg3[%get3A_67, %get3A_68] : memref<1x128xf32, #tpu.memory_space<vmem>>, vector<1x128xf32>
    %mul3A_70 = vector.broadcast %get3A_69 : vector<1x128xf32> to vector<10000x128xf32>
    %mul3A_71 = arith.mulf %div3A_66, %mul3A_70 : vector<10000x128xf32>
    %get3A_72 = arith.constant 0 : index
    %get3A_73 = arith.constant 0 : index
    %get3A_74 = vector.load %arg4[%get3A_72, %get3A_73] : memref<1x128xf32, #tpu.memory_space<vmem>>, vector<1x128xf32>
    %add3A_75 = vector.broadcast %get3A_74 : vector<1x128xf32> to vector<10000x128xf32>
    %add3A_76 = arith.addf %mul3A_71, %add3A_75 : vector<10000x128xf32>
    %get3A_77 = arith.constant 0 : index
    %get3A_78 = arith.constant 0 : index
    %get3A_79 = vector.load %arg5[%get3A_77, %get3A_78] : memref<10000x128xf32, #tpu.memory_space<vmem>>, vector<10000x128xf32>
    %add3A_80 = arith.addf %add3A_76, %get3A_79 : vector<10000x128xf32>
    %max3A = arith.constant 0.000000e+00 : f32
    %max3A_81 = vector.broadcast %max3A : f32 to vector<10000x128xf32>
    %max3A_82 = arith.maximumf %add3A_80, %max3A_81 : vector<10000x128xf32>
    %swap3A = arith.constant 0 : index
    %swap3A_83 = arith.constant 0 : index
    %swap3A_84 = vector.load %arg6[%swap3A, %swap3A_83] : memref<10000x128xf32, #tpu.memory_space<vmem>>, vector<10000x128xf32>
    tpu.vector_store %arg6[%swap3A, %swap3A_83], %max3A_82 {strides = array<i32>} : memref<10000x128xf32, #tpu.memory_space<vmem>>, vector<10000x128xf32>,
    return
  }
}

</mosaic_0001>

<sc_bundles>
// kernel: kernel.10.cloned.1.call-start
scs
__scs_entry_jumppad:
0x0: {  	(pc) =	sbr.rel $0x88, $3  }
0x1: {  	(tag) =	ssettag $0x0;
	lr =	simm.s32 $0x1  }
0x2: {  	[smem:$0x3F8C] =	sst lr;
	_ =	strace $0xD0000000  }
0x3: {  	_ = 	snop  }
0x4: {  	_ = 	snop  }
0x5: {  	_ = 	snop  }
0x6: {  	_ = 	snop  }
0x7: {  	_ = 	snop  }
__scs_overlays_trampoline_lowered:
0x8: {  	[smem:$0x3F9B] =	sst s0  }
0x9: {  	[smem:$0x3F9C] =	sst s1  }
0xa: {  	[smem:$0x3F9D] =	sst s2  }
0xb: {  	[smem:$0x3F9E] =	sst s3  }
0xc: {  	[smem:$0x3F9F] =	sst s4  }
0xd: {  	[smem:$0x3FA0] =	sst s5  }
0xe: {  	[smem:$0x3FA1] =	sst s6  }
0xf: {  	[smem:$0x3FA2] =	sst s7  }
0x10: {  	[smem:$0x3FA3] =	sst s8  }
0x11: {  	[smem:$0x3FA4] =	sst s9;
	s0 =	simm.s32 @!p0 $0x0  }
0x12: {  	s1 =	sld [smem:$0x3F8A];
	s0 =	simm.s32 @p0 $0x1  }
0x13: {  	[smem:$0x3FA5] =	sst s0;
	s0 =	simm.s32 @!p1 $0x0  }
0x14: {  	s2 =	sld [smem:$0x3F89];
	s0 =	simm.s32 @p1 $0x1  }
0x15: {  	[smem:$0x3FA6] =	sst s0;
	s0 =	simm.s32 @!p2 $0x0  }
0x16: {  	s3 =	sld [smem:$0x3FDB];
	s0 =	simm.s32 @p2 $0x1  }
0x17: {  	s4 =	simm.s32 $0x1BF5;
	[smem:$0x3FA8] =	sst s0  }
0x18: {  	s0 =	sld [smem:$0x3F8B];
	_ =	swait.ge [sflag:s4], $0x0  }
0x19: {  	s7 =	sld [smem:$0x3F8C]  }
0x1a: {  	s8 =	sadd.s32 $0xFFFFE003, lr  }
0x1b: {  	s9 =	sadd.s32 $0xFFFFFEF7, lr;
	s5 =	simm.s32 $0xFFFFFFFF;
	p2 =	slt.u32 s8, $0xFFFFF086  }
0x1c: {  	p1 =	slt.u32 s9, $0xF7A;
	s5 =	simm.s32 @!p2 $0x0  }
0x1d: {  	s5 =	simm.s32 @p1 $0x1;
	p0 =	seq.s32 s7, s2  }
0x1e: {  	s7 =	smul.u32 @!p0 $0xF7A, s2;
	p2 =	seq.s32 @!p0 s5, $0x0  }
0x1f: {  	s9 =	smul.u32 $0xF7A, s1;
	s8 =	simm.s32 @!p0 $0x1BF5;
	p2 =	por !p2, p0  }
0x20: {  	[sflag:s8] =	ssyncset.s32 @!p0 $0xFFFFF086;
	s6 =	sadd.s32 @!p0 s3, s7;
	s7 =	simm.s32 @!p0 $0x108  }
0x21: {  	s3 =	sadd.s32 s3, s9;
	s6 =	sadd.s32 @!p0 $0x88, s6;
	s7 =	simm.s32 @p2 $0x1082  }
0x22: {  	[simem:s7], [sflag:s8] =	dma.local @!p0 [hbm:s6], $0xF7A  }
0x23: {  	s9 =	sor.u32 $0xD0000000, s2;
	s6 =	simm.s32 $0x108;
	_ =	swait.ge @!p0 [sflag:s8], $0x0  }
0x24: {  	s3 =	sadd.s32 $0x88, s3;
	s6 =	simm.s32 @!p1 $0x1082;
	[sflag:s4] =	ssyncset.s32 $0xFFFFF086  }
0x25: {  	[simem:s6], [sflag:s4] =	dma.local [hbm:s3], $0xF7A  }
0x26: {  	[smem:$0x3F8C] =	sst s1;
	(tag) =	ssettag s2;
	_ =	strace s9  }
0x27: {  	s1 =	sld [smem:$0x3F9C]  }
0x28: {  	s2 =	sld [smem:$0x3F9D]  }
0x29: {  	s4 =	sld [smem:$0x3F9F]  }
0x2a: {  	p0 =	seq.s32 s5, $0x0;
	s5 =	sld [smem:$0x3FA0]  }
0x2b: {  	s6 =	sld [smem:$0x3FA1]  }
0x2c: {  	s7 =	sld [smem:$0x3FA2]  }
0x2d: {  	s3 =	simm.s32 $0x108;
	s8 =	sld [smem:$0x3FA3]  }
0x2e: {  	s3 =	simm.s32 @!p0 $0x1082;
	s9 =	sld [smem:$0x3FA4]  }
0x2f: {  	lr =	sadd.s32 s0, s3;
	s0 =	sld [smem:$0x3F9B]  }
0x30: {  	s3 =	sld [smem:$0x3F9E]  }
0x31: {  	[smem:$0x3FA7] =	sst s10  }
0x32: {  	s10 =	sld [smem:$0x3FA5];
	_ =	sdelay $0x3  }
0x33: {  	p0 =	seq.s32 s10, $0x1;
	s10 =	sld [smem:$0x3FA7];
	_ =	sdelay $0x3  }
0x34: {  	[smem:$0x3FA7] =	sst s10  }
0x35: {  	s10 =	sld [smem:$0x3FA6];
	_ =	sdelay $0x3  }
0x36: {  	p1 =	seq.s32 s10, $0x1;
	s10 =	sld [smem:$0x3FA7];
	_ =	sdelay $0x3  }
0x37: {  	[smem:$0x3FA7] =	sst s10  }
0x38: {  	s10 =	sld [smem:$0x3FA8]  }
0x39: {  	_ = 	snop;
	(pc) =	sbr.ind lr, $3  }
0x3a: {  	_ = 	snop  }
0x3b: {  	_ = 	snop  }
0x3c: {  	p2 =	seq.s32 s10, $0x1;
	s10 =	sld [smem:$0x3FA7]  }
0x3d: {  	_ =	shalt  }
0x3e: {  	_ =	shalt  }
0x3f: {  	_ =	shalt  }
0x40: {  	_ =	shalt  }
0x41: {  	_ =	shalt  }
0x42: {  	_ =	shalt  }
0x43: {  	_ =	shalt  }
0x44: {  	_ =	shalt  }
0x45: {  	_ =	shalt  }
0x46: {  	_ =	shalt  }
0x47: {  	_ =	shalt  }
0x48: {  	_ =	shalt  }
0x49: {  	_ =	shalt  }
0x4a: {  	_ =	shalt  }
0x4b: {  	_ =	shalt  }
0x4c: {  	_ =	shalt  }
0x4d: {  	_ =	shalt  }
0x4e: {  	_ =	shalt  }
0x4f: {  	_ =	shalt  }
0x50: {  	_ =	shalt  }
0x51: {  	_ =	shalt  }
0x52: {  	_ =	shalt  }
0x53: {  	_ =	shalt  }
0x54: {  	_ =	shalt  }
0x55: {  	_ =	shalt  }
0x56: {  	_ =	shalt  }
0x57: {  	_ =	shalt  }
0x58: {  	_ =	shalt  }
0x59: {  	_ =	shalt  }
0x5a: {  	_ =	shalt  }
0x5b: {  	_ =	shalt  }
0x5c: {  	_ =	shalt  }
0x5d: {  	_ =	shalt  }
0x5e: {  	_ =	shalt  }
0x5f: {  	_ =	shalt  }
0x60: {  	_ =	shalt  }
0x61: {  	_ =	shalt  }
0x62: {  	_ =	shalt  }
0x63: {  	_ =	shalt  }
0x64: {  	_ =	shalt  }
0x65: {  	_ =	shalt  }
0x66: {  	_ =	shalt  }
0x67: {  	_ =	shalt  }
0x68: {  	_ =	shalt  }
0x69: {  	_ =	shalt  }
0x6a: {  	_ =	shalt  }
0x6b: {  	_ =	shalt  }
0x6c: {  	_ =	shalt  }
0x6d: {  	_ =	shalt  }
0x6e: {  	_ =	shalt  }
0x6f: {  	_ =	shalt  }
0x70: {  	_ =	shalt  }
0x71: {  	_ =	shalt  }
0x72: {  	_ =	shalt  }
0x73: {  	_ =	shalt  }
0x74: {  	_ =	shalt  }
0x75: {  	_ =	shalt  }
0x76: {  	_ =	shalt  }
0x77: {  	_ =	shalt  }
0x78: {  	_ =	shalt  }
0x79: {  	_ =	shalt  }
0x7a: {  	_ =	shalt  }
0x7b: {  	_ =	shalt  }
0x7c: {  	_ =	shalt  }
0x7d: {  	_ =	shalt  }
0x7e: {  	_ =	shalt  }
0x7f: {  	_ =	shalt  }
0x80: {  	_ =	shalt  }
0x81: {  	_ =	shalt  }
0x82: {  	_ =	shalt  }
0x83: {  	_ =	shalt  }
0x84: {  	_ =	shalt  }
0x85: {  	_ =	shalt  }
0x86: {  	_ =	shalt  }
0x87: {  	_ =	shalt  }
.Lfunc_end0:
.L_simem_size_0:
called_computation_lowered:
.L_overlay_start_0:
0x88: {  	s2 =	sld [smem:$0x3FD9]  }
0x89: {  	s3 =	sld [smem:$0x3FFE];
	_ =	sdelay $0x1  }
0x8a: {  	s1 =	srdreg.scid  }
0x8b: {  	s0 =	sand.u32 $0x1, s1  }
0x8c: {  	s17 =	sshll.u32 s0, $0xA;
	s2 =	sadd.s32 s3, s2  }
0x8d: {  	s2 =	sadd.s32 s2, s17  }
0x8e: {  	[smem:$0x3FB3] =	sst s2  }
0x8f: {  	_ = 	snop  }
0x90: {  	s2 =	sld [smem:$0x3FC1]  }
0x91: {  	s18 =	sld [smem:$0x3FD0];
	(tm) =	ssettm $0x1  }
0x92: {  	s4 =	sld [smem:$0x3FFB];
	_ =	sdelay $0x3  }
0x93: {  	_ =	strace s4  }
0x94: {  	s4 =	sld [smem:$0x3FFC];
	_ =	sdelay $0x3  }
0x95: {  	_ =	strace s4  }
0x96: {  	s4 =	sld [smem:$0x3FFD];
	_ =	sdelay $0x3  }
0x97: {  	_ =	strace s4  }
0x98: {  	_ =	strace $0x8FFFFFFF  }
0x99: {  	s19 =	sld [smem:$0x3FDB];
	_ =	sdelay $0x1  }
0x9a: {  	s5 =	simm.s32 $_scs_section_size  }
0x9b: {  	s6 =	simm.s32 $_size__tile_overlayer_lowered;
	s7 =	simm.s32 $_tile_overlayer_lowered  }
0x9c: {  	s22 =	simm.s32 $0x1BFF;
	s21 =	sshll.u32 s7, $0x1;
	s4 =	sadd.s32 s5, s19  }
0x9d: {  	s8 =	simm.s32 $0x0;
	s20 =	sshll.u32 s6, $0x1;
	s6 =	sadd.s32 s21, s4  }
0x9e: {  	[timem:s8], [sflag:s22] =	dma.local [hbm:s6], s20  }
0x9f: {  	_ =	swait.ge [sflag:s22], s20  }
0xa0: {  	s5 =	ssub.s32 $0x0, s20;
	[sflag:s22] =	ssyncset.done $0x0  }
0xa1: {  	[sflag:s22] =	ssyncadd.s32 s5;
	_ =	sdelay $0x1  }
0xa2: {  	s23 =	simm.s32 $0x1B8B  }
0xa3: {  	_ =	swait.ge [sflag:s23], $0x1  }
0xa4: {  	[sflag:s23] =	ssyncset.done $0x0  }
0xa5: {  	s25 =	simm.s32 $0x1B8E;
	s24 =	sld [smem:$0x3FFE];
	[sflag:s23] =	ssyncadd.s32 $0xFFFFFFFF  }
0xa6: {  	s26 =	simm.s32 $execute0_lowered;
	[smem:$0x3FD2] =	sst s25  }
0xa7: {  	s6 =	sshll.u32 s26, $0x1;
	_ =	strace $0x80000046;
	[dreg:$0x1] =	wrdreg $0xFFFFFFFF  }
0xa8: {  	s28 =	simm.s32 $_size_execute0_lowered;
	s4 =	sadd.s32 s4, s6;
	[dreg:$0x0] =	wrdreg $0x0  }
0xa9: {  	s6 =	sshll.u32 s28, $0x1;
	[dreg:$0x2] =	wrdreg s4  }
0xaa: {  	[dreg:$0x3] =	wrdreg s6  }
0xab: {  	[dreg:$0x4] =	wrdreg $0xC0  }
0xac: {  	_ =	task [dreg:s8], $0x5FFFF  }
0xad: {  	[dreg:$0x1] =	wrdreg $0xFFFFFFFF  }
0xae: {  	[dreg:$0x0] =	wrdreg $0x60  }
0xaf: {  	[dreg:$0x2] =	wrdreg s18  }
0xb0: {  	[dreg:$0x3] =	wrdreg s24  }
0xb1: {  	[dreg:$0x4] =	wrdreg s2  }
0xb2: {  	[dreg:$0x5] =	wrdreg $0x111000  }
0xb3: {  	[dreg:$0x6] =	wrdreg $0x9  }
0xb4: {  	_ =	task.clear_ibuf [dreg:s8], $0x7FFFF;
	_ =	strace $0x90000046  }
0xb5: {  	s29 =	simm.s32 $0x9;
	_ =	strace $0x80000048  }
0xb6: {  	_ =	swait.ge [sflag:s29], $0x1  }
0xb7: {  	[sflag:s29] =	ssyncadd.s32 $0xFFFFFFFF  }
0xb8: {  	_ =	strace $0x90000048  }
0xb9: {  	_ =	sfence  }
0xba: {  	s30 =	sld [smem:$0x0];
	_ =	sdelay $0x2  }
0xbb: {  	s31 =	sshll.u32 s1, $0xD;
	s1 =	sshrl.u32 s1, $0x2  }
0xbc: {  	s3 =	sand.u32 $0x4000, s31;
	s1 =	sadd.s32 s1, s30  }
0xbd: {  	s0 =	sor.u32 s3, s0;
	s1 =	sshll.u32 s1, $0x11  }
0xbe: {  	s0 =	sor.u32 s1, s0  }
0xbf: {  	s0 =	sadd.s32 $0x8F2B, s0  }
0xc0: {  	[sflag:s0] =	ssyncadd.remote.s32 $0x1  }
0xc1: {  	_ =	sfence.sel $0xFFFF  }
0xc2: {  	[dreg:$0x0] =	wrdreg $0xFFFFFFFF;
	(pc) =	sbr.abs _section_cstart, $3  }
0xc3: {  	[dreg:$0x1] =	wrdreg $0xFFFFFFFF  }
0xc4: {  	_ =	task.clear_ibuf [dreg:s8], $0x2FFFF;
	_ =	strace $0x9FFFFFFF  }
0xc5: {  	(tm) =	ssettm $0x7FFFFFFF  }
tec
execute0_lowered:
.L_overlay_start_1:
0x0: {  	(tag) =	ssettag $0x1  }
0x1: {  	s0 =	rddreg [dreg:$0x1]  }
0x2: {  	s4 =	rddreg [dreg:$0x3];
	s25 =	simm.s32 $0x0  }
0x3: {  	s1 =	srdreg.scid;
	s13 =	stileid.u32;
	s29 =	simm.s32 $0xCB00  }
0x4: {  	s30 =	simm.s32 $0x7;
	s31 =	simm.s32 $0x200;
	s2 =	smul.u32 $0x140, s13  }
0x5: {  	[smem:$0x7FF] =	sst s25;
	s6 =	sadd.s32 $0x9DC200, s0;
	s5 =	smul.u32 $0x28000, s13  }
0x6: {  	s1 =	sand.u32 $0x1, s1;
	s7 =	sadd.s32 $0x4FA200, s0;
	s10 =	smul.u32 $0x4E20, s13  }
0x7: {  	s8 =	sadd.s32 $0xE400, s0;
	s11 =	sadd.s32 $0xA03400, s0;
	s20 =	smul.u32 $0x4E200, s13  }
0x8: {  	s9 =	sadd.s32 $0x4600, s0;
	s28 =	smul.u32 $0x9C40, s13;
	_ =	strace $0x80000047  }
0x9: {  	s3 =	smul.u32 $0x1408, s1;
	s16 =	ssub.s32 $0x2, s1;
	s23 =	sadd.s32 s7, s20  }
0xa: {  	s19 =	sshrl.u32 s10, $0x3;
	s15 =	sadd.s32 $0x50, s10;
	[dreg:$0x9] =	wrdreg s23  }
0xb: {  	s12 =	sshrl.u32 s16, $0x1;
	s21 =	sadd.s32 s8, s19;
	[dreg:$0x7] =	wrdreg s15  }
0xc: {  	s18 =	sshrl.u32 s5, $0x2;
	s22 =	sadd.s32 s9, s19;
	[dreg:$0x6] =	wrdreg s21  }
0xd: {  	s17 =	ssub.s32 s16, s12;
	s16 =	sadd.s32 $0xA0, s10;
	[dreg:$0x8] =	wrdreg s22  }
0xe: {  	s14 =	sadd.s32 s18, s4;
	s24 =	sshrl.u32 s15, $0x3;
	[dreg:$0x11] =	wrdreg s16  }
0xf: {  	s2 =	sadd.s32 s2, s3;
	s26 =	sadd.s32 s8, s24;
	[dreg:$0x5] =	wrdreg s14  }
0x10: {  	s13 =	sshll.u32 s15, $0x1;
	s3 =	sadd.s32 s9, s24;
	[dreg:$0xa] =	wrdreg s26  }
0x11: {  	s1 =	smul.u32 $0x1400, s1;
	s15 =	sadd.s32 s11, s13;
	[dreg:$0xb] =	wrdreg s3  }
0x12: {  	s19 =	sadd.s32 $0xF0, s10;
	s18 =	sadd.s32 $0x2000, s14;
	[dreg:$0xe] =	wrdreg s15  }
0x13: {  	v0 =	vmov s1;
	s1 =	simm.s32 $0x0;
	s20 =	sadd.s32 $0x3000, s14;
	[dreg:$0x13] =	wrdreg s18  }
0x14: {  	s2 =	sshll.u32 s2, $0x4;
	s21 =	sadd.s32 $0x4000, s14;
	[dreg:$0x14] =	wrdreg s20  }
0x15: {  	s22 =	sadd.s32 $0x5000, s14;
	s23 =	sadd.s32 $0x6000, s14;
	[dreg:$0x15] =	wrdreg s21  }
0x16: {  	s24 =	sadd.s32 $0x7000, s14;
	s16 =	simm.s32 $0xB;
	[dreg:$0x16] =	wrdreg s22  }
0x17: {  	s13 =	simm.s32 $0x9;
	s2 =	sadd.s32 s2, s0;
	[dreg:$0x17] =	wrdreg s23  }
0x18: {  	s3 =	sadd.s32 s11, s28;
	s0 =	smax.u32 s17, $0x1;
	[dreg:$0x18] =	wrdreg s24  }
0x19: {  	s17 =	sadd.s32 $0x1000, s14;
	s26 =	sadd.s32 $0x8000, s14;
	[dreg:$0xd] =	wrdreg s3  }
0x1a: {  	s28 =	sadd.s32 $0x9000, s14;
	s21 =	simm.s32 $0x1;
	[dreg:$0x10] =	wrdreg s0  }
0x1b: {  	s22 =	simm.s32 $0x50;
	s23 =	simm.s32 $0xA300;
	[dreg:$0x12] =	wrdreg s17  }
0x1c: {  	s18 =	simm.s32 $0x2;
	s15 =	simm.s32 $0x8;
	[dreg:$0x19] =	wrdreg s26  }
0x1d: {  	v1 =	vimm.f32 $0.0e+00;
	vm0 =	vmmov $0x1;
	vm1 =	vcmask $0x320;
	s12 =	sadd.s32 $0xA9F800, s2;
	s2 =	sadd.s32 $0xAC7A00, s2;
	[dreg:$0x1a] =	wrdreg s28  }
0x1e: {  	vm2 =	vcmask $0x720;
	vm3 =	vcmask $0xB20;
	vm4 =	vcmask $0xF20;
	s3 =	simm.s32 $0x5;
	s26 =	simm.s32 $0x6;
	[dreg:$0xc] =	wrdreg s12  }
0x1f: {  	vm5 =	vcmask $0x1320;
	vm6 =	vcmask $0x1720;
	vm7 =	vcmask $0x1B20;
	[dreg:$0xf] =	wrdreg s2;
	s2 =	simm.s32 $0x4;
	s12 =	simm.s32 $0x280  }
.LBB2_1:
0x20: {  	[dreg:$0x1b] =	wrdreg s1;
	s0 =	simm.s32 $0x0;
	s1 =	simm.s32 $0x200  }
.LBB2_2:
0x21: {  	p0 =	sne.s32 s1, $0x3E00;
	[tilespmem:s0+$0x10170] =	vst v1  }
0x22: {  	[tilespmem:s0+$0x10100] =	vst v1  }
0x23: {  	[tilespmem:s0+$0x10110] =	vst v1  }
.Ltmp0:
0x24: {  	[tilespmem:s0+$0x10120] =	vst v1;
	(pc) =	sbr.rel @p0 .LBB2_2-.Ltmp0, $4  }
0x25: {  	[tilespmem:s0+$0x10130] =	vst v1  }
0x26: {  	[tilespmem:s0+$0x10140] =	vst v1  }
0x27: {  	[tilespmem:s0+$0x10150] =	vst v1  }
0x28: {  	[tilespmem:s0+$0x10160] =	vst v1;
	s0 =	sshra.s32 s1, $0x2;
	s1 =	sadd.s32 $0x200, s1  }
0x29: {  	[tilespmem:s0+$0x10170] =	vst v1  }
0x2a: {  	[tilespmem:s0+$0x10100] =	vst v1  }
0x2b: {  	[tilespmem:s0+$0x10110] =	vst v1  }
0x2c: {  	[tilespmem:s0+$0x10120] =	vst v1  }
0x2d: {  	[tilespmem:s0+$0x10130] =	vst v1  }
0x2e: {  	[tilespmem:s0+$0x10140] =	vst v1  }
0x2f: {  	[tilespmem:s0+$0x10150] =	vst v1  }
0x30: {  	[tilespmem:s0+$0x10160] =	vst v1;
	s14 =	simm.s32 $0x0;
	s28 =	rddreg [dreg:$0x2];
	s1 =	simm.s32 $0xFD00  }
0x31: {  	[tilespmem:s1], [sflag:$0xB] =	stream.linear.gather [hbm4b:s28+s14], $0x400, $0x38;
	[tilespmem:$0x1B140] =	vst v63  }
0x32: {  	_ =	swait.ge [sflag:s16], $0x400  }
0x33: {  	[sflag:s16] =	ssyncset.done $0x0  }
0x34: {  	s1 =	simm.s32 $0x10100;
	s5 =	rddreg [dreg:$0x5];
	[sflag:s16] =	ssyncadd.s32 $0xFFFFFC00  }
0x35: {  	[spmem:s5] =	stream.linear.scatter [tilespmem:s1], [sflag:$0xB], $0x1000, $0x38;
	[tilespmem:$0x1B140] =	vst v63  }
0x36: {  	_ =	swait.ge [sflag:s16], $0x1000  }
0x37: {  	[sflag:s16] =	ssyncset.done $0x0  }
0x38: {  	s17 =	rddreg [dreg:$0x12];
	[sflag:s16] =	ssyncadd.s32 $0xFFFFF000  }
0x39: {  	[spmem:s17] =	stream.linear.scatter [tilespmem:s1], [sflag:$0xB], $0x1000, $0x38;
	[tilespmem:$0x1B140] =	vst v63  }
0x3a: {  	_ =	swait.ge [sflag:s16], $0x1000  }
0x3b: {  	[sflag:s16] =	ssyncset.done $0x0  }
0x3c: {  	s20 =	rddreg [dreg:$0x13];
	[sflag:s16] =	ssyncadd.s32 $0xFFFFF000  }
0x3d: {  	[spmem:s20] =	stream.linear.scatter [tilespmem:s1], [sflag:$0xB], $0x1000, $0x38;
	[tilespmem:$0x1B140] =	vst v63  }
0x3e: {  	_ =	swait.ge [sflag:s16], $0x1000  }
0x3f: {  	[sflag:s16] =	ssyncset.done $0x0  }
0x40: {  	s24 =	rddreg [dreg:$0x14];
	[sflag:s16] =	ssyncadd.s32 $0xFFFFF000  }
0x41: {  	[spmem:s24] =	stream.linear.scatter [tilespmem:s1], [sflag:$0xB], $0x1000, $0x38;
	[tilespmem:$0x1B140] =	vst v63  }
0x42: {  	_ =	swait.ge [sflag:s16], $0x1000  }
0x43: {  	[sflag:s16] =	ssyncset.done $0x0  }
0x44: {  	s28 =	rddreg [dreg:$0x15];
	[sflag:s16] =	ssyncadd.s32 $0xFFFFF000  }
0x45: {  	[spmem:s28] =	stream.linear.scatter [tilespmem:s1], [sflag:$0xB], $0x1000, $0x38;
	[tilespmem:$0x1B140] =	vst v63  }
0x46: {  	_ =	swait.ge [sflag:s16], $0x1000  }
0x47: {  	[sflag:s16] =	ssyncset.done $0x0  }
0x48: {  	s5 =	rddreg [dreg:$0x16];
	[sflag:s16] =	ssyncadd.s32 $0xFFFFF000  }
0x49: {  	[spmem:s5] =	stream.linear.scatter [tilespmem:s1], [sflag:$0xB], $0x1000, $0x38;
	[tilespmem:$0x1B140] =	vst v63  }
0x4a: {  	_ =	swait.ge [sflag:s16], $0x1000  }
0x4b: {  	[sflag:s16] =	ssyncset.done $0x0  }
0x4c: {  	s17 =	rddreg [dreg:$0x17];
	[sflag:s16] =	ssyncadd.s32 $0xFFFFF000  }
0x4d: {  	[spmem:s17] =	stream.linear.scatter [tilespmem:s1], [sflag:$0xB], $0x1000, $0x38;
	[tilespmem:$0x1B140] =	vst v63  }
0x4e: {  	_ =	swait.ge [sflag:s16], $0x1000  }
0x4f: {  	[sflag:s16] =	ssyncset.done $0x0  }
0x50: {  	s20 =	rddreg [dreg:$0x18];
	[sflag:s16] =	ssyncadd.s32 $0xFFFFF000  }
0x51: {  	[spmem:s20] =	stream.linear.scatter [tilespmem:s1], [sflag:$0xB], $0x1000, $0x38;
	[tilespmem:$0x1B140] =	vst v63  }
0x52: {  	_ =	swait.ge [sflag:s16], $0x1000  }
0x53: {  	[sflag:s16] =	ssyncset.done $0x0  }
0x54: {  	s24 =	rddreg [dreg:$0x19];
	[sflag:s16] =	ssyncadd.s32 $0xFFFFF000  }
0x55: {  	[spmem:s24] =	stream.linear.scatter [tilespmem:s1], [sflag:$0xB], $0x1000, $0x38;
	[tilespmem:$0x1B140] =	vst v63  }
0x56: {  	_ =	swait.ge [sflag:s16], $0x1000  }
0x57: {  	[sflag:s16] =	ssyncset.done $0x0  }
0x58: {  	s28 =	rddreg [dreg:$0x1a];
	[sflag:s16] =	ssyncadd.s32 $0xFFFFF000  }
0x59: {  	[spmem:s28] =	stream.linear.scatter [tilespmem:s1], [sflag:$0xB], $0x1000, $0x38;
	[tilespmem:$0x1B140] =	vst v63  }
0x5a: {  	_ =	swait.ge [sflag:s16], $0x1000  }
0x5b: {  	[sflag:s16] =	ssyncset.done $0x0  }
0x5c: {  	[sflag:s16] =	ssyncadd.s32 $0xFFFFF000  }
0x5d: {  	[bflag:$0x0] =	sbarrier.arrive $0xFFFF  }
0x5e: {  	v2 =	vld [tilespmem:$0xFD00]  }
0x5f: {  	v3 =	vld [tilespmem:$0xFD80]  }
0x60: {  	v4 =	vld [tilespmem:$0xFE00]  }
0x61: {  	v5 =	vld [tilespmem:$0xFE80]  }
0x62: {  	v6 =	vld [tilespmem:$0xFF00]  }
0x63: {  	v7 =	vld [tilespmem:$0xFF80]  }
0x64: {  	v8 =	vld [tilespmem:$0x10000];
	s5 =	rddreg [dreg:$0x6]  }
0x65: {  	v9 =	vld [tilespmem:$0x10080];
	[tilespmem:s14], [sflag:$0x1] =	stream.linear.gather [hbm4b:s5+s14], $0x50, $0x38  }
0x66: {  	s20 =	simm.s32 $0x100;
	s17 =	rddreg [dreg:$0x8]  }
0x67: {  	[tilespmem:s20], [sflag:$0x1] =	stream.linear.gather [hbm4b:s17+s14], $0x50, $0x38;
	[tilespmem:$0x1B140] =	vst v63  }
0x68: {  	_ =	swait.ge [sflag:s21], $0x50  }
0x69: {  	[sflag:s21] =	ssyncset.done $0x0  }
0x6a: {  	[sflag:s21] =	ssyncadd.s32 $0xFFFFFFB0  }
0x6b: {  	_ =	swait.ge [sflag:s21], $0x50  }
0x6c: {  	[sflag:s21] =	ssyncset.done $0x0  }
0x6d: {  	[sflag:s21] =	ssyncadd.s32 $0xFFFFFFB0  }
0x6e: {  	s5 =	simm.s32 $0x300;
	s24 =	rddreg [dreg:$0x0]  }
0x6f: {  	[tilespmem:s5], [sflag:$0x3] =	stream.indirect.gather [hbm4b:s24+s22], $0x80, s14, s22, $0xb8;
	[tilespmem:$0x1B140] =	vst v63  }
0x70: {  	s28 =	simm.s32 $0x5300  }
0x71: {  	[tilespmem:s28], [sflag:$0x3] =	stream.indirect.gather [hbm4b:s6+s22], $0x80, s20, s22, $0xb8;
	[tilespmem:$0x1B140] =	vst v63  }
0x72: {  	s1 =	rddreg [dreg:$0x9]  }
0x73: {  	[tilespmem:s23], [sflag:$0x7] =	stream.linear.gather [hbm4b:s1+s14], $0x2800, $0x38;
	[tilespmem:$0x1B140] =	vst v63  }
0x74: {  	s17 =	simm.s32 $0x80;
	s5 =	rddreg [dreg:$0xa]  }
0x75: {  	[tilespmem:s17], [sflag:$0x2] =	stream.linear.gather [hbm4b:s5+s14], $0x50, $0x38;
	[tilespmem:$0x1B140] =	vst v63  }
0x76: {  	s24 =	simm.s32 $0x180;
	s20 =	rddreg [dreg:$0xb];
	s28 =	simm.s32 $0x3  }
0x77: {  	[tilespmem:s24], [sflag:$0x2] =	stream.linear.gather [hbm4b:s20+s14], $0x50, $0x38;
	[tilespmem:$0x1B140] =	vst v63  }
0x78: {  	_ =	swait.ge [sflag:s28], $0x2800  }
0x79: {  	[sflag:s28] =	ssyncset.done $0x0  }
0x7a: {  	[sflag:s28] =	ssyncadd.s32 $0xFFFFD800  }
0x7b: {  	_ =	swait.ge [sflag:s28], $0x2800  }
0x7c: {  	[sflag:s28] =	ssyncset.done $0x0  }
0x7d: {  	s24 =	simm.s32 $0x0;
	[sflag:s28] =	ssyncadd.s32 $0xFFFFD800  }
.LBB2_4:
0x7e: {  	p0 =	seq.s32 s24, $0x0  }
0x7f: {  	s0 =	simm.s32 @!p0 $0xA  }
0x80: {  	_ =	swait.ge @!p0 [sflag:s0], $0x500  }
0x81: {  	[sflag:s0] =	ssyncset.done @!p0 $0x0  }
0x82: {  	[sflag:s0] =	ssyncadd.s32 @!p0 $0xFFFFFB00  }
0x83: {  	_ =	swait.ge [sflag:s18], $0x50  }
0x84: {  	[sflag:s18] =	ssyncset.done $0x0  }
0x85: {  	[sflag:s18] =	ssyncadd.s32 $0xFFFFFFB0  }
0x86: {  	_ =	swait.ge [sflag:s18], $0x50  }
0x87: {  	s0 =	smul.u32 $0xA0, s24;
	[sflag:s18] =	ssyncset.done $0x0  }
0x88: {  	s1 =	simm.s32 $0x80;
	s17 =	rddreg [dreg:$0x7];
	[sflag:s18] =	ssyncadd.s32 $0xFFFFFFB0  }
0x89: {  	s5 =	simm.s32 $0x2B00;
	s17 =	sadd.s32 s0, s17;
	s20 =	rddreg [dreg:$0x0]  }
0x8a: {  	[tilespmem:s5], [sflag:$0x4] =	stream.indirect.gather [hbm4b:s20+s22], $0x80, s1, s22, $0xb8;
	[tilespmem:$0x1B140] =	vst v63  }
0x8b: {  	s14 =	simm.s32 $0x7B00;
	s5 =	simm.s32 $0x180;
	s1 =	sshll.u32 s17, $0x4  }
0x8c: {  	[tilespmem:s14], [sflag:$0x4] =	stream.indirect.gather [hbm4b:s6+s22], $0x80, s5, s22, $0xb8;
	[tilespmem:$0x1B140] =	vst v63  }
0x8d: {  	s20 =	simm.s32 $0x0;
	s1 =	sadd.s32 s7, s1  }
0x8e: {  	[tilespmem:s29], [sflag:$0x8] =	stream.linear.gather [hbm4b:s1+s20], $0x2800, $0x38;
	[tilespmem:$0x1B140] =	vst v63  }
0x8f: {  	_ =	swait.ge [sflag:s30], $0x2800  }
0x90: {  	[sflag:s30] =	ssyncset.done $0x0  }
0x91: {  	s14 =	simm.s32 $0x0;
	[sflag:s30] =	ssyncadd.s32 $0xFFFFD800  }
0x92: {  	v10 =	vld [tilespmem:s14+$0x5370]  }
0x93: {  	v11 =	vld [tilespmem:s14+$0x370]  }
0x94: {  	v12 =	vld [tilespmem:s14+$0xA370]  }
0x95: {  	v13 =	vld [tilespmem:s14+$0x5360]  }
0x96: {  	v14 =	vld [tilespmem:s14+$0x360]  }
0x97: {  	v15 =	vld [tilespmem:s14+$0xA360]  }
0x98: {  	v16 =	vld [tilespmem:s14+$0x5350]  }
0x99: {  	v17 =	vld [tilespmem:s14+$0x350]  }
0x9a: {  	v18 =	vld [tilespmem:s14+$0xA350]  }
0x9b: {  	v19 =	vld [tilespmem:s14+$0x5340]  }
0x9c: {  	v20 =	vld [tilespmem:s14+$0x340]  }
0x9d: {  	v21 =	vld [tilespmem:s14+$0xA340]  }
0x9e: {  	v22 =	vld [tilespmem:s14+$0x5330]  }
0x9f: {  	v23 =	vld [tilespmem:s14+$0x330]  }
0xa0: {  	v24 =	vld [tilespmem:s14+$0xA330]  }
0xa1: {  	v25 =	vld [tilespmem:s14+$0x5320];
	v10 =	vadd.f32 v10, v11  }
0xa2: {  	v27 =	vld [tilespmem:s14+$0x5310];
	v13 =	vadd.f32 v13, v14  }
0xa3: {  	v19 =	vadd.f32 v19, v20;
	v10 =	vadd.f32 v12, v10;
	v12 =	vld [tilespmem:s14+$0x320]  }
0xa4: {  	v13 =	vadd.f32 v15, v13;
	v15 =	vadd.f32 v16, v17;
	v16 =	vld [tilespmem:s14+$0xA320]  }
0xa5: {  	v19 =	vadd.f32 v21, v19;
	v21 =	vadd.f32 v22, v23;
	v22 =	vld [tilespmem:s14+$0x5300];
	v26 =	vmul.f32 $2.000000030e-01, v10  }
0xa6: {  	vm8 =	vge.f32 v10, $0.0e+00;
	v28 =	vmul.f32 $2.000000030e-01, v13;
	v15 =	vadd.f32 v18, v15;
	v18 =	vld [tilespmem:s14+$0x310]  }
0xa7: {  	vm9 =	vge.f32 v13, $0.0e+00;
	v29 =	vmul.f32 $2.000000030e-01, v19;
	v10 =	vsel vm8, v10, v26;
	v26 =	vld [tilespmem:s14+$0x300]  }
0xa8: {  	v30 =	vld [tilespmem:s14+$0xA310];
	v21 =	vadd.f32 v24, v21;
	vm15 =	vge.f32 v19, $0.0e+00;
	v13 =	vsel vm9, v13, v28  }
0xa9: {  	v62 =	vmul.f32 $2.000000030e-01, v15;
	vm8 =	vge.f32 v15, $0.0e+00;
	v24 =	vadd.f32 v25, v12;
	v25 =	vld [tilespmem:s14+$0xA300]  }
0xaa: {  	v19 =	vsel vm15, v19, v29;
	v63 =	vmul.f32 $2.000000030e-01, v21;
	v10 =	vmul.f32 v10, v9  }
0xab: {  	v13 =	vmul.f32 v13, v8;
	v16 =	vadd.f32 v16, v24;
	v24 =	vadd.f32 v27, v18  }
0xac: {  	v15 =	vsel vm8, v15, v62;
	vm8 =	vge.f32 v21, $0.0e+00;
	v22 =	vadd.f32 v22, v26  }
0xad: {  	v21 =	vsel vm8, v21, v63;
	v15 =	vmul.f32 v15, v7;
	(xrf2) =	vadd.scan.msk.f32 $0xffff, v10;
	v24 =	vadd.f32 v30, v24  }
0xae: {  	v10 =	vmul.f32 v19, v6;
	v19 =	vadd.f32 v25, v22;
	v22 =	vmul.f32 $2.000000030e-01, v16  }
0xaf: {  	(xrf2) =	vadd.scan.msk.f32 $0xffff, v13;
	v13 =	vmul.f32 v21, v5;
	vm8 =	vge.f32 v16, $0.0e+00;
	v21 =	vmul.f32 $2.000000030e-01, v24  }
0xb0: {  	(xrf2) =	vadd.scan.msk.f32 $0xffff, v15;
	v15 =	vsel vm8, v16, v22;
	vm8 =	vge.f32 v24, $0.0e+00;
	v16 =	vmul.f32 $2.000000030e-01, v19  }
0xb1: {  	(xrf2) =	vadd.scan.msk.f32 $0xffff, v10;
	v10 =	vmul.f32 v15, v4;
	v15 =	vsel vm8, v24, v21;
	vm8 =	vge.f32 v19, $0.0e+00  }
0xb2: {  	(xrf2) =	vadd.scan.msk.f32 $0xffff, v13;
	v13 =	vmul.f32 v15, v3;
	v15 =	vsel vm8, v19, v16  }
0xb3: {  	(xrf2) =	vadd.scan.msk.f32 $0xffff, v10;
	v10 =	vmul.f32 v15, v2  }
0xb4: {  	(xrf2) =	vadd.scan.msk.f32 $0xffff, v13  }
0xb5: {  	(xrf2) =	vadd.scan.msk.f32 $0xffff, v10;
	_ =	sdelay $0x1  }
0xb6: {  	v10, _, _ =	vpop (xrf2)  }
0xb7: {  	v10 =	vmul.f32 $1.442695020e+00, v10  }
0xb8: {  	v13, _, _ =	vpop (xrf2)  }
0xb9: {  	v15, _, _ =	vpop (xrf2);
	v13 =	vmul.f32 $1.442695020e+00, v13;
	v10 =	vbroadcast v10, $0xF  }
0xba: {  	v16, _, _ =	vpop (xrf2);
	v15 =	vmul.f32 $1.442695020e+00, v15  }
0xbb: {  	v19, _, _ =	vpop (xrf2);
	v16 =	vmul.f32 $1.442695020e+00, v16;
	v13 =	vbroadcast v13, $0xF  }
0xbc: {  	v15 =	vbroadcast v15, $0xF;
	(erf) = vpow2.f32 v10;
	v21, _, _ =	vpop (xrf2)  }
0xbd: {  	v16 =	vbroadcast v16, $0xF;
	(erf) = vpow2.f32 v13;
	v10, _, _ =	vpop (xrf2)  }
0xbe: {  	v13 =	vmul.f32 $1.442695020e+00, v19;
	(erf) = vpow2.f32 v15;
	v19, _, _ =	vpop (xrf2)  }
0xbf: {  	(erf) = vpow2.f32 v16;
	v15 =	vmul.f32 $1.442695020e+00, v19  }
0xc0: {  	v10 =	vmul.f32 $1.442695020e+00, v10;
	v13 =	vbroadcast v13, $0xF  }
0xc1: {  	v16 =	vmul.f32 $1.442695020e+00, v21;
	v15 =	vbroadcast v15, $0xF  }
0xc2: {  	v10 =	vbroadcast v10, $0xF;
	(erf) = vpow2.f32 v13  }
0xc3: {  	v13 =	vbroadcast v16, $0xF;
	(erf) = vpow2.f32 v15  }
0xc4: {  	(erf) = vpow2.f32 v10  }
0xc5: {  	(erf) = vpow2.f32 v13;
	_ =	sdelay $0x1  }
0xc6: {  	v10 =	vpop (erf)  }
0xc7: {  	v13 =	vpop (erf)  }
0xc8: {  	v11 =	vmul.f32 v10, v11;
	v15 =	vpop (erf)  }
0xc9: {  	v14 =	vmul.f32 v13, v14;
	v16 =	vpop (erf)  }
0xca: {  	v19 =	vpop (erf)  }
0xcb: {  	v21 =	vpop (erf)  }
0xcc: {  	v17 =	vmul.f32 v15, v17;
	[tilespmem:s14+$0xA370] =	vst v11;
	v22 =	vnsel vm0, $0x0, v21;
	v11 =	vpop (erf)  }
0xcd: {  	v20 =	vmul.f32 v16, v20;
	[tilespmem:s14+$0xA360] =	vst v14;
	v22 =	vsel vm1, v22, v11;
	v14 =	vpop (erf)  }
0xce: {  	[tilespmem:s14+$0xA350] =	vst v17;
	v23 =	vmul.f32 v19, v23;
	v22 =	vsel vm2, v22, v14  }
0xcf: {  	[tilespmem:s14+$0xA340] =	vst v20;
	v12 =	vmul.f32 v14, v12;
	v14 =	vsel vm3, v22, v19  }
0xd0: {  	[tilespmem:s14+$0xA330] =	vst v23;
	v11 =	vmul.f32 v11, v18;
	v14 =	vsel vm4, v14, v16  }
0xd1: {  	v16 =	vmul.f32 v21, v26;
	[tilespmem:s14+$0xA320] =	vst v12;
	v12 =	vsel vm5, v14, v15  }
0xd2: {  	[tilespmem:s14+$0xA310] =	vst v11;
	v11 =	vsel vm6, v12, v13  }
0xd3: {  	s20 =	simm.s32 $0xF300;
	[tilespmem:s14+$0xA300] =	vst v16;
	v10 =	vsel vm7, v11, v10  }
0xd4: {  	s28 =	simm.s32 $0x80;
	[tilespmem:s20+$0x0] =	vst v10  }
0xd5: {  	v13 =	vld [tilespmem:s28+$0x5370]  }
0xd6: {  	v10 =	vld [tilespmem:s28+$0x370]  }
0xd7: {  	v14 =	vld [tilespmem:s28+$0xA370]  }
0xd8: {  	v15 =	vld [tilespmem:s28+$0x5360]  }
0xd9: {  	v11 =	vld [tilespmem:s28+$0x360]  }
0xda: {  	v16 =	vld [tilespmem:s28+$0xA360]  }
0xdb: {  	v17 =	vld [tilespmem:s28+$0x5350]  }
0xdc: {  	v12 =	vld [tilespmem:s28+$0x350]  }
0xdd: {  	v18 =	vld [tilespmem:s28+$0xA350];
	v19 =	vadd.f32 v13, v10  }
0xde: {  	v20 =	vld [tilespmem:s28+$0x5340]  }
0xdf: {  	v13 =	vld [tilespmem:s28+$0x340];
	v19 =	vadd.f32 v14, v19  }
0xe0: {  	v14 =	vadd.f32 v15, v11  }
0xe1: {  	v15 =	vadd.f32 v17, v12;
	v17 =	vmul.f32 $2.000000030e-01, v19  }
0xe2: {  	v21 =	vld [tilespmem:s28+$0xA340];
	v16 =	vadd.f32 v16, v14;
	vm8 =	vge.f32 v19, $0.0e+00  }
0xe3: {  	v22 =	vld [tilespmem:s28+$0x5330];
	v24 =	vadd.f32 v18, v15;
	v15 =	vsel vm8, v19, v17  }
0xe4: {  	v14 =	vld [tilespmem:s28+$0x330];
	v17 =	vmul.f32 $2.000000030e-01, v16;
	v19 =	vadd.f32 v20, v13;
	v20 =	vmul.f32 v15, v9  }
0xe5: {  	v23 =	vld [tilespmem:s28+$0xA330];
	vm8 =	vge.f32 v16, $0.0e+00  }
0xe6: {  	v25 =	vld [tilespmem:s28+$0x5320];
	v16 =	vsel vm8, v16, v17;
	(xrf2) =	vadd.scan.msk.f32 $0xffff, v20  }
0xe7: {  	v26 =	vmul.f32 $2.000000030e-01, v24;
	v15 =	vld [tilespmem:s28+$0x320];
	v17 =	vadd.f32 v21, v19;
	v21 =	vmul.f32 v16, v8  }
0xe8: {  	v18 =	vld [tilespmem:s28+$0xA320];
	vm8 =	vge.f32 v24, $0.0e+00  }
0xe9: {  	v19 =	vld [tilespmem:s28+$0x5310];
	v24 =	vsel vm8, v24, v26;
	v22 =	vadd.f32 v22, v14;
	(xrf2) =	vadd.scan.msk.f32 $0xffff, v21  }
0xea: {  	v16 =	vld [tilespmem:s28+$0x310];
	v26 =	vmul.f32 $2.000000030e-01, v17;
	v27 =	vmul.f32 v24, v7  }
0xeb: {  	v20 =	vld [tilespmem:s28+$0xA310];
	vm8 =	vge.f32 v17, $0.0e+00;
	v22 =	vadd.f32 v23, v22  }
0xec: {  	s5 =	sshll.u32 s24, $0x1;
	s1 =	simm.s32 $0x400;
	v21 =	vld [tilespmem:s28+$0x5300];
	v23 =	vadd.f32 v25, v15;
	v24 =	vsel vm8, v17, v26;
	(xrf2) =	vadd.scan.msk.f32 $0xffff, v27  }
.LBB2_5:
0xed: {  	p0 =	sne.s32 s1, $0x9E00;
	v17 =	vld [tilespmem:s28+$0x300];
	v26 =	vmul.f32 $2.000000030e-01, v22;
	v24 =	vmul.f32 v24, v6  }
0xee: {  	vm8 =	vge.f32 v22, $0.0e+00;
	v18 =	vadd.f32 v18, v23  }
0xef: {  	v23 =	vld [tilespmem:s28+$0xA300];
	v19 =	vadd.f32 v19, v16;
	v22 =	vsel vm8, v22, v26;
	(xrf2) =	vadd.scan.msk.f32 $0xffff, v24  }
0xf0: {  	v24 =	vmul.f32 $2.000000030e-01, v18;
	v26 =	vmul.f32 v22, v5;
	v25, _, _ =	vpop (xrf2)  }
0xf1: {  	vm8 =	vge.f32 v18, $0.0e+00;
	v19 =	vadd.f32 v20, v19  }
0xf2: {  	v20 =	vadd.f32 v21, v17;
	v18 =	vsel vm8, v18, v24;
	(xrf2) =	vadd.scan.msk.f32 $0xffff, v26  }
0xf3: {  	v24 =	vmul.f32 $2.000000030e-01, v19;
	v18 =	vmul.f32 v18, v4;
	v22, _, _ =	vpop (xrf2)  }
0xf4: {  	vm8 =	vge.f32 v19, $0.0e+00;
	v20 =	vadd.f32 v23, v20  }
0xf5: {  	v19 =	vsel vm8, v19, v24;
	(xrf2) =	vadd.scan.msk.f32 $0xffff, v18  }
0xf6: {  	v18 =	vmul.f32 $2.000000030e-01, v20;
	v23 =	vmul.f32 v19, v3;
	v21, _, _ =	vpop (xrf2)  }
0xf7: {  	vm8 =	vge.f32 v20, $0.0e+00  }
0xf8: {  	v18 =	vsel vm8, v20, v18;
	(xrf2) =	vadd.scan.msk.f32 $0xffff, v23  }
0xf9: {  	v20 =	vmul.f32 v18, v2;
	v19, _, _ =	vpop (xrf2);
	_ =	sdelay $0x1  }
0xfa: {  	(xrf2) =	vadd.scan.msk.f32 $0xffff, v20  }
0xfb: {  	v18, _, _ =	vpop (xrf2);
	_ =	sdelay $0x2  }
0xfc: {  	v20 =	vmul.f32 $1.442695020e+00, v25;
	v23, _, _ =	vpop (xrf2)  }
0xfd: {  	v22 =	vmul.f32 $1.442695020e+00, v22  }
0xfe: {  	v21 =	vmul.f32 $1.442695020e+00, v21;
	v20 =	vbroadcast v20, $0xF  }
0xff: {  	v22 =	vbroadcast v22, $0xF;
	v19 =	vmul.f32 $1.442695020e+00, v19;
	v24, _, _ =	vpop (xrf2)  }
0x100: {  	v21 =	vbroadcast v21, $0xF;
	(erf) = vpow2.f32 v20  }
0x101: {  	v19 =	vbroadcast v19, $0xF;
	(erf) = vpow2.f32 v22  }
0x102: {  	v18 =	vmul.f32 $1.442695020e+00, v18;
	v20, _, _ =	vpop (xrf2);
	(erf) = vpow2.f32 v21  }
0x103: {  	v20 =	vmul.f32 $1.442695020e+00, v20;
	(erf) = vpow2.f32 v19  }
0x104: {  	v18 =	vbroadcast v18, $0xF;
	v19 =	vmul.f32 $1.442695020e+00, v24  }
0x105: {  	v21 =	vmul.f32 $1.442695020e+00, v23;
	v20 =	vbroadcast v20, $0xF  }
0x106: {  	v19 =	vbroadcast v19, $0xF;
	(erf) = vpow2.f32 v18  }
0x107: {  	v21 =	vbroadcast v21, $0xF;
	(erf) = vpow2.f32 v20  }
0x108: {  	(erf) = vpow2.f32 v19  }
0x109: {  	(erf) = vpow2.f32 v21;
	v18 =	vpop (erf)  }
0x10a: {  	v19 =	vpop (erf)  }
0x10b: {  	v20 =	vpop (erf)  }
0x10c: {  	v21 =	vpop (erf);
	_ =	sdelay $0x2  }
0x10d: {  	v25 =	vmul.f32 v18, v10;
	v22 =	vpop (erf)  }
0x10e: {  	v26 =	vmul.f32 v19, v11;
	v23 =	vpop (erf)  }
0x10f: {  	v12 =	vmul.f32 v20, v12;
	v24 =	vnsel vm0, $0x0, v23;
	[tilespmem:s28+$0xA370] =	vst v25;
	v10 =	vpop (erf)  }
0x110: {  	v13 =	vmul.f32 v21, v13;
	v24 =	vsel vm1, v24, v10;
	[tilespmem:s28+$0xA360] =	vst v26;
	v11 =	vpop (erf)  }
0x111: {  	v14 =	vmul.f32 v22, v14;
	v24 =	vsel vm2, v24, v11;
	[tilespmem:s28+$0xA350] =	vst v12  }
0x112: {  	v11 =	vmul.f32 v11, v15;
	v12 =	vsel vm3, v24, v22;
	[tilespmem:s28+$0xA340] =	vst v13  }
0x113: {  	v10 =	vmul.f32 v10, v16;
	[tilespmem:s28+$0xA330] =	vst v14;
	v12 =	vsel vm4, v12, v21  }
0x114: {  	v13 =	vmul.f32 v23, v17;
	[tilespmem:s28+$0xA320] =	vst v11;
	v11 =	vsel vm5, v12, v20  }
0x115: {  	[tilespmem:s28+$0xA310] =	vst v10;
	v10 =	vsel vm6, v11, v19  }
0x116: {  	s20 =	sadd.s32 $0x10, s20;
	[tilespmem:s28+$0xA300] =	vst v13;
	v10 =	vsel vm7, v10, v18  }
0x117: {  	s28 =	sshra.s32 s1, $0x2;
	[tilespmem:s20+$0x0] =	vst v10  }
0x118: {  	v12 =	vld [tilespmem:s28+$0x5370]  }
0x119: {  	v10 =	vld [tilespmem:s28+$0x370]  }
0x11a: {  	v13 =	vld [tilespmem:s28+$0xA370]  }
0x11b: {  	v14 =	vld [tilespmem:s28+$0x5360]  }
0x11c: {  	v11 =	vld [tilespmem:s28+$0x360]  }
0x11d: {  	v15 =	vld [tilespmem:s28+$0xA360]  }
0x11e: {  	v16 =	vld [tilespmem:s28+$0x5350];
	v17 =	vadd.f32 v12, v10  }
0x11f: {  	v12 =	vld [tilespmem:s28+$0x350]  }
0x120: {  	v18 =	vld [tilespmem:s28+$0xA350];
	v17 =	vadd.f32 v13, v17  }
0x121: {  	v19 =	vld [tilespmem:s28+$0x5340];
	v14 =	vadd.f32 v14, v11  }
0x122: {  	v13 =	vld [tilespmem:s28+$0x340];
	v20 =	vmul.f32 $2.000000030e-01, v17  }
0x123: {  	vm8 =	vge.f32 v17, $0.0e+00;
	v21 =	vld [tilespmem:s28+$0xA340];
	v15 =	vadd.f32 v15, v14  }
0x124: {  	v22 =	vld [tilespmem:s28+$0x5330];
	v16 =	vadd.f32 v16, v12;
	v17 =	vsel vm8, v17, v20  }
0x125: {  	v14 =	vld [tilespmem:s28+$0x330];
	v20 =	vmul.f32 $2.000000030e-01, v15;
	v17 =	vmul.f32 v17, v9  }
0x126: {  	vm8 =	vge.f32 v15, $0.0e+00;
	v23 =	vld [tilespmem:s28+$0xA330];
	v16 =	vadd.f32 v18, v16  }
0x127: {  	v24 =	vld [tilespmem:s28+$0x5320];
	v19 =	vadd.f32 v19, v13;
	v18 =	vsel vm8, v15, v20;
	(xrf2) =	vadd.scan.msk.f32 $0xffff, v17  }
0x128: {  	v15 =	vld [tilespmem:s28+$0x320];
	v17 =	vmul.f32 $2.000000030e-01, v16;
	v20 =	vmul.f32 v18, v8  }
.Ltmp1:
0x129: {  	vm8 =	vge.f32 v16, $0.0e+00;
	v18 =	vld [tilespmem:s28+$0xA320];
	v25 =	vadd.f32 v21, v19;
	(pc) =	sbr.rel @p0 .LBB2_5-.Ltmp1, $4  }
0x12a: {  	v19 =	vld [tilespmem:s28+$0x5310];
	v21 =	vadd.f32 v22, v14;
	v17 =	vsel vm8, v16, v17;
	(xrf2) =	vadd.scan.msk.f32 $0xffff, v20  }
0x12b: {  	v16 =	vld [tilespmem:s28+$0x310];
	v26 =	vmul.f32 $2.000000030e-01, v25;
	v17 =	vmul.f32 v17, v7  }
0x12c: {  	vm8 =	vge.f32 v25, $0.0e+00;
	v20 =	vld [tilespmem:s28+$0xA310];
	v22 =	vadd.f32 v23, v21  }
0x12d: {  	s1 =	sadd.s32 $0x200, s1;
	v21 =	vld [tilespmem:s28+$0x5300];
	v23 =	vadd.f32 v24, v15;
	v24 =	vsel vm8, v25, v26;
	(xrf2) =	vadd.scan.msk.f32 $0xffff, v17  }
0x12e: {  	v17 =	vld [tilespmem:s28+$0x300];
	_ =	sdelay $0x1  }
0x12f: {  	v25 =	vld [tilespmem:s28+$0xA300];
	_ =	sdelay $0x1  }
0x130: {  	v19 =	vadd.f32 v19, v16  }
0x131: {  	v26 =	vmul.f32 $2.000000030e-01, v22;
	v18 =	vadd.f32 v18, v23;
	v21 =	vadd.f32 v21, v17  }
0x132: {  	vm8 =	vge.f32 v22, $0.0e+00;
	v23 =	vmul.f32 v24, v6;
	v19 =	vadd.f32 v20, v19  }
0x133: {  	v20 =	vsel vm8, v22, v26;
	v22 =	vmul.f32 $2.000000030e-01, v18;
	v21 =	vadd.f32 v25, v21  }
0x134: {  	vm8 =	vge.f32 v18, $0.0e+00;
	v20 =	vmul.f32 v20, v5;
	v24 =	vmul.f32 $2.000000030e-01, v19  }
0x135: {  	v18 =	vsel vm8, v18, v22;
	vm8 =	vge.f32 v19, $0.0e+00;
	v22 =	vmul.f32 $2.000000030e-01, v21  }
0x136: {  	(xrf2) =	vadd.scan.msk.f32 $0xffff, v23;
	v18 =	vmul.f32 v18, v4;
	v19 =	vsel vm8, v19, v24;
	vm8 =	vge.f32 v21, $0.0e+00  }
0x137: {  	(xrf2) =	vadd.scan.msk.f32 $0xffff, v20;
	v19 =	vmul.f32 v19, v3;
	v20 =	vsel vm8, v21, v22  }
0x138: {  	(xrf2) =	vadd.scan.msk.f32 $0xffff, v18;
	v18 =	vmul.f32 v20, v2  }
0x139: {  	(xrf2) =	vadd.scan.msk.f32 $0xffff, v19  }
0x13a: {  	(xrf2) =	vadd.scan.msk.f32 $0xffff, v18;
	_ =	sdelay $0x1  }
0x13b: {  	v18, _, _ =	vpop (xrf2)  }
0x13c: {  	v18 =	vmul.f32 $1.442695020e+00, v18  }
0x13d: {  	v19, _, _ =	vpop (xrf2)  }
0x13e: {  	v20, _, _ =	vpop (xrf2);
	v19 =	vmul.f32 $1.442695020e+00, v19;
	v18 =	vbroadcast v18, $0xF  }
0x13f: {  	v21, _, _ =	vpop (xrf2);
	v20 =	vmul.f32 $1.442695020e+00, v20  }
0x140: {  	v22, _, _ =	vpop (xrf2);
	v21 =	vmul.f32 $1.442695020e+00, v21;
	v19 =	vbroadcast v19, $0xF  }
0x141: {  	v23, _, _ =	vpop (xrf2);
	v20 =	vbroadcast v20, $0xF;
	(erf) = vpow2.f32 v18  }
0x142: {  	v21 =	vbroadcast v21, $0xF;
	(erf) = vpow2.f32 v19;
	v18, _, _ =	vpop (xrf2)  }
0x143: {  	v19 =	vmul.f32 $1.442695020e+00, v22;
	(erf) = vpow2.f32 v20;
	v22, _, _ =	vpop (xrf2)  }
0x144: {  	(erf) = vpow2.f32 v21;
	v20 =	vmul.f32 $1.442695020e+00, v22  }
0x145: {  	v18 =	vmul.f32 $1.442695020e+00, v18;
	v19 =	vbroadcast v19, $0xF  }
0x146: {  	v21 =	vmul.f32 $1.442695020e+00, v23;
	v20 =	vbroadcast v20, $0xF  }
0x147: {  	v18 =	vbroadcast v18, $0xF;
	(erf) = vpow2.f32 v19  }
0x148: {  	v19 =	vbroadcast v21, $0xF;
	(erf) = vpow2.f32 v20  }
0x149: {  	(erf) = vpow2.f32 v18  }
0x14a: {  	(erf) = vpow2.f32 v19;
	_ =	sdelay $0x1  }
0x14b: {  	v18 =	vpop (erf)  }
0x14c: {  	v19 =	vpop (erf)  }
0x14d: {  	v10 =	vmul.f32 v18, v10;
	v20 =	vpop (erf)  }
0x14e: {  	v11 =	vmul.f32 v19, v11;
	v21 =	vpop (erf)  }
0x14f: {  	v22 =	vpop (erf)  }
0x150: {  	v23 =	vpop (erf)  }
0x151: {  	v12 =	vmul.f32 v20, v12;
	[tilespmem:s28+$0xA370] =	vst v10;
	v24 =	vnsel vm0, $0x0, v23;
	v10 =	vpop (erf)  }
0x152: {  	v13 =	vmul.f32 v21, v13;
	[tilespmem:s28+$0xA360] =	vst v11;
	v24 =	vsel vm1, v24, v10;
	v11 =	vpop (erf)  }
0x153: {  	[tilespmem:s28+$0xA350] =	vst v12;
	v14 =	vmul.f32 v22, v14;
	v24 =	vsel vm2, v24, v11  }
0x154: {  	[tilespmem:s28+$0xA340] =	vst v13;
	v11 =	vmul.f32 v11, v15;
	v12 =	vsel vm3, v24, v22  }
0x155: {  	[tilespmem:s28+$0xA330] =	vst v14;
	v10 =	vmul.f32 v10, v16;
	v12 =	vsel vm4, v12, v21  }
0x156: {  	v13 =	vmul.f32 v23, v17;
	[tilespmem:s28+$0xA320] =	vst v11;
	v11 =	vsel vm5, v12, v20  }
0x157: {  	[tilespmem:s28+$0xA310] =	vst v10;
	v10 =	vsel vm6, v11, v19  }
0x158: {  	s1 =	sadd.s32 $0x10, s20;
	[tilespmem:s28+$0xA300] =	vst v13;
	v10 =	vsel vm7, v10, v18  }
0x159: {  	[tilespmem:s1+$0x0] =	vst v10  }
0x15a: {  	v10 =	vld [tilespmem:$0x100]  }
0x15b: {  	v11 =	vld [tilespmem:$0x110]  }
0x15c: {  	v12 =	vld [tilespmem:$0x120]  }
0x15d: {  	v13 =	vld [tilespmem:$0x130]  }
0x15e: {  	v14 =	vld [tilespmem:$0x140]  }
0x15f: {  	v10 =	vsub.s32 v10, v0  }
0x160: {  	v11 =	vsub.s32 v11, v0;
	v10 =	vmin.u32 v10, $0x1400  }
0x161: {  	[tilespmem:$0x200] =	vst v10;
	v10 =	vmin.u32 v11, $0x1400;
	v11 =	vsub.s32 v12, v0  }
0x162: {  	[tilespmem:$0x210] =	vst v10;
	v10 =	vmin.u32 v11, $0x1400;
	v11 =	vsub.s32 v13, v0  }
0x163: {  	[tilespmem:$0x220] =	vst v10;
	v10 =	vmin.u32 v11, $0x1400;
	v11 =	vsub.s32 v14, v0  }
0x164: {  	s20 =	sadd.s32 s10, s0;
	[tilespmem:$0x230] =	vst v10;
	v10 =	vmin.u32 v11, $0x1400  }
0x165: {  	s5 =	sadd.s32 $0x2, s5;
	p0 =	seq.s32 s24, $0x7C;
	s1 =	sshll.u32 s20, $0x1;
	[tilespmem:$0x240] =	vst v10  }
0x166: {  	[spmem:s4] =	stream.indirect.scatter.add.f32 [tilespmem:s23], [sflag:$0x5], $0x80, s31, s22, $0xb8;
	[tilespmem:$0x1B140] =	vst v63  }
0x167: {  	s14 =	simm.s32 $0xF300;
	s5 =	smul.u32 @!p0 $0x50, s5;
	s1 =	sadd.s32 s11, s1  }
0x168: {  	[hbm4b:s1+s25] =	stream.linear.scatter [tilespmem:s14], [sflag:$0x9], $0x500, $0x38;
	[tilespmem:$0x1B140] =	vst v63  }
0x169: {  	s1 =	sadd.s32 @!p0 s10, s5  }
0x16a: {  	s5 =	sshrl.u32 @!p0 s1, $0x3  }
0x16b: {  	s28 =	simm.s32 @!p0 $0x0;
	s20 =	sadd.s32 @!p0 s8, s5  }
0x16c: {  	[tilespmem:s28], [sflag:$0x1] =	stream.linear.gather @!p0 [hbm4b:s20+s28], $0x50, $0x38;
	[tilespmem:$0x1B140] =	vst v63  }
0x16d: {  	s5 =	sadd.s32 @!p0 s9, s5;
	s20 =	simm.s32 @!p0 $0x100  }
0x16e: {  	[tilespmem:s20], [sflag:$0x1] =	stream.linear.gather @!p0 [hbm4b:s5+s28], $0x50, $0x38;
	[tilespmem:$0x1B140] =	vst v63  }
0x16f: {  	_ =	swait.ge [sflag:s2], $0x2800  }
0x170: {  	[sflag:s2] =	ssyncset.done $0x0  }
0x171: {  	[sflag:s2] =	ssyncadd.s32 $0xFFFFD800  }
0x172: {  	_ =	swait.ge [sflag:s2], $0x2800  }
0x173: {  	[sflag:s2] =	ssyncset.done $0x0  }
0x174: {  	[sflag:s2] =	ssyncadd.s32 $0xFFFFD800  }
0x175: {  	_ =	swait.ge [sflag:s3], $0x2800  }
0x176: {  	[sflag:s3] =	ssyncset.done $0x0  }
0x177: {  	[sflag:s3] =	ssyncadd.s32 $0xFFFFD800  }
0x178: {  	_ =	swait.ge [sflag:s13], $0x500  }
0x179: {  	[sflag:s13] =	ssyncset.done $0x0  }
0x17a: {  	s5 =	simm.s32 @!p0 $0x1;
	[sflag:s13] =	ssyncadd.s32 $0xFFFFFB00  }
0x17b: {  	_ =	swait.ge @!p0 [sflag:s5], $0x50  }
0x17c: {  	[sflag:s5] =	ssyncset.done @!p0 $0x0  }
0x17d: {  	[sflag:s5] =	ssyncadd.s32 @!p0 $0xFFFFFFB0  }
0x17e: {  	_ =	swait.ge @!p0 [sflag:s5], $0x50  }
0x17f: {  	[sflag:s5] =	ssyncset.done @!p0 $0x0  }
0x180: {  	[sflag:s5] =	ssyncadd.s32 @!p0 $0xFFFFFFB0  }
0x181: {  	s14 =	simm.s32 @!p0 $0x300;
	s5 =	simm.s32 @!p0 $0x50;
	s25 =	rddreg [dreg:$0x0]  }
0x182: {  	[tilespmem:s14], [sflag:$0x3] =	stream.indirect.gather @!p0 [hbm4b:s25+s5], $0x80, s28, s5, $0xb8;
	[tilespmem:$0x1B140] =	vst v63  }
0x183: {  	s1 =	sshll.u32 @!p0 s1, $0x4;
	s14 =	simm.s32 @!p0 $0x5300  }
0x184: {  	[tilespmem:s14], [sflag:$0x3] =	stream.indirect.gather @!p0 [hbm4b:s6+s5], $0x80, s20, s5, $0xb8;
	[tilespmem:$0x1B140] =	vst v63  }
0x185: {  	s1 =	sadd.s32 @!p0 s7, s1;
	s5 =	simm.s32 @!p0 $0xA300  }
0x186: {  	[tilespmem:s5], [sflag:$0x7] =	stream.linear.gather @!p0 [hbm4b:s1+s28], $0x2800, $0x38;
	[tilespmem:$0x1B140] =	vst v63  }
0x187: {  	_ =	swait.ge [sflag:s15], $0x2800  }
0x188: {  	[sflag:s15] =	ssyncset.done $0x0  }
0x189: {  	s25 =	simm.s32 $0x0;
	[sflag:s15] =	ssyncadd.s32 $0xFFFFD800  }
0x18a: {  	v10 =	vld [tilespmem:s25+$0x7B70]  }
0x18b: {  	v11 =	vld [tilespmem:s25+$0x2B70]  }
0x18c: {  	v12 =	vld [tilespmem:s25+$0xCB70]  }
0x18d: {  	v13 =	vld [tilespmem:s25+$0x7B60]  }
0x18e: {  	v14 =	vld [tilespmem:s25+$0x2B60]  }
0x18f: {  	v15 =	vld [tilespmem:s25+$0xCB60]  }
0x190: {  	v16 =	vld [tilespmem:s25+$0x7B50]  }
0x191: {  	v17 =	vld [tilespmem:s25+$0x2B50]  }
0x192: {  	v18 =	vld [tilespmem:s25+$0xCB50]  }
0x193: {  	v19 =	vld [tilespmem:s25+$0x7B40]  }
0x194: {  	v20 =	vld [tilespmem:s25+$0x2B40]  }
0x195: {  	v21 =	vld [tilespmem:s25+$0xCB40]  }
0x196: {  	v22 =	vld [tilespmem:s25+$0x7B30]  }
0x197: {  	v23 =	vld [tilespmem:s25+$0x2B30]  }
0x198: {  	v24 =	vld [tilespmem:s25+$0xCB30]  }
0x199: {  	v25 =	vld [tilespmem:s25+$0x7B20];
	v10 =	vadd.f32 v10, v11  }
0x19a: {  	v27 =	vld [tilespmem:s25+$0x7B10];
	v13 =	vadd.f32 v13, v14  }
0x19b: {  	v19 =	vadd.f32 v19, v20;
	v10 =	vadd.f32 v12, v10;
	v12 =	vld [tilespmem:s25+$0x2B20]  }
0x19c: {  	v13 =	vadd.f32 v15, v13;
	v15 =	vadd.f32 v16, v17;
	v16 =	vld [tilespmem:s25+$0xCB20]  }
0x19d: {  	v19 =	vadd.f32 v21, v19;
	v21 =	vadd.f32 v22, v23;
	v22 =	vld [tilespmem:s25+$0x7B00];
	v26 =	vmul.f32 $2.000000030e-01, v10  }
0x19e: {  	vm8 =	vge.f32 v10, $0.0e+00;
	v28 =	vmul.f32 $2.000000030e-01, v13;
	v15 =	vadd.f32 v18, v15;
	v18 =	vld [tilespmem:s25+$0x2B10]  }
0x19f: {  	vm9 =	vge.f32 v13, $0.0e+00;
	v29 =	vmul.f32 $2.000000030e-01, v19;
	v10 =	vsel vm8, v10, v26;
	v26 =	vld [tilespmem:s25+$0x2B00]  }
0x1a0: {  	v30 =	vld [tilespmem:s25+$0xCB10];
	v21 =	vadd.f32 v24, v21;
	vm15 =	vge.f32 v19, $0.0e+00;
	v13 =	vsel vm9, v13, v28  }
0x1a1: {  	v62 =	vmul.f32 $2.000000030e-01, v15;
	vm8 =	vge.f32 v15, $0.0e+00;
	v24 =	vadd.f32 v25, v12;
	v25 =	vld [tilespmem:s25+$0xCB00]  }
0x1a2: {  	v19 =	vsel vm15, v19, v29;
	v63 =	vmul.f32 $2.000000030e-01, v21;
	v10 =	vmul.f32 v10, v9  }
0x1a3: {  	v13 =	vmul.f32 v13, v8;
	v16 =	vadd.f32 v16, v24;
	v24 =	vadd.f32 v27, v18  }
0x1a4: {  	v15 =	vsel vm8, v15, v62;
	vm8 =	vge.f32 v21, $0.0e+00;
	v22 =	vadd.f32 v22, v26  }
0x1a5: {  	v21 =	vsel vm8, v21, v63;
	v15 =	vmul.f32 v15, v7;
	(xrf2) =	vadd.scan.msk.f32 $0xffff, v10;
	v24 =	vadd.f32 v30, v24  }
0x1a6: {  	v10 =	vmul.f32 v19, v6;
	v19 =	vadd.f32 v25, v22;
	v22 =	vmul.f32 $2.000000030e-01, v16  }
0x1a7: {  	(xrf2) =	vadd.scan.msk.f32 $0xffff, v13;
	v13 =	vmul.f32 v21, v5;
	vm8 =	vge.f32 v16, $0.0e+00;
	v21 =	vmul.f32 $2.000000030e-01, v24  }
0x1a8: {  	(xrf2) =	vadd.scan.msk.f32 $0xffff, v15;
	v15 =	vsel vm8, v16, v22;
	vm8 =	vge.f32 v24, $0.0e+00;
	v16 =	vmul.f32 $2.000000030e-01, v19  }
0x1a9: {  	(xrf2) =	vadd.scan.msk.f32 $0xffff, v10;
	v10 =	vmul.f32 v15, v4;
	v15 =	vsel vm8, v24, v21;
	vm8 =	vge.f32 v19, $0.0e+00  }
0x1aa: {  	(xrf2) =	vadd.scan.msk.f32 $0xffff, v13;
	v13 =	vmul.f32 v15, v3;
	v15 =	vsel vm8, v19, v16  }
0x1ab: {  	(xrf2) =	vadd.scan.msk.f32 $0xffff, v10;
	v10 =	vmul.f32 v15, v2  }
0x1ac: {  	(xrf2) =	vadd.scan.msk.f32 $0xffff, v13  }
0x1ad: {  	(xrf2) =	vadd.scan.msk.f32 $0xffff, v10;
	_ =	sdelay $0x1  }
0x1ae: {  	v10, _, _ =	vpop (xrf2)  }
0x1af: {  	v10 =	vmul.f32 $1.442695020e+00, v10  }
0x1b0: {  	v13, _, _ =	vpop (xrf2)  }
0x1b1: {  	v15, _, _ =	vpop (xrf2);
	v13 =	vmul.f32 $1.442695020e+00, v13;
	v10 =	vbroadcast v10, $0xF  }
0x1b2: {  	v16, _, _ =	vpop (xrf2);
	v15 =	vmul.f32 $1.442695020e+00, v15  }
0x1b3: {  	v19, _, _ =	vpop (xrf2);
	v16 =	vmul.f32 $1.442695020e+00, v16;
	v13 =	vbroadcast v13, $0xF  }
0x1b4: {  	v15 =	vbroadcast v15, $0xF;
	(erf) = vpow2.f32 v10;
	v21, _, _ =	vpop (xrf2)  }
0x1b5: {  	v16 =	vbroadcast v16, $0xF;
	(erf) = vpow2.f32 v13;
	v10, _, _ =	vpop (xrf2)  }
0x1b6: {  	v13 =	vmul.f32 $1.442695020e+00, v19;
	(erf) = vpow2.f32 v15;
	v19, _, _ =	vpop (xrf2)  }
0x1b7: {  	(erf) = vpow2.f32 v16;
	v15 =	vmul.f32 $1.442695020e+00, v19  }
0x1b8: {  	v10 =	vmul.f32 $1.442695020e+00, v10;
	v13 =	vbroadcast v13, $0xF  }
0x1b9: {  	v16 =	vmul.f32 $1.442695020e+00, v21;
	v15 =	vbroadcast v15, $0xF  }
0x1ba: {  	v10 =	vbroadcast v10, $0xF;
	(erf) = vpow2.f32 v13  }
0x1bb: {  	v13 =	vbroadcast v16, $0xF;
	(erf) = vpow2.f32 v15  }
0x1bc: {  	(erf) = vpow2.f32 v10  }
0x1bd: {  	(erf) = vpow2.f32 v13;
	_ =	sdelay $0x1  }
0x1be: {  	v10 =	vpop (erf)  }
0x1bf: {  	v13 =	vpop (erf)  }
0x1c0: {  	v11 =	vmul.f32 v10, v11;
	v15 =	vpop (erf)  }
0x1c1: {  	v14 =	vmul.f32 v13, v14;
	v16 =	vpop (erf)  }
0x1c2: {  	v19 =	vpop (erf)  }
0x1c3: {  	v21 =	vpop (erf)  }
0x1c4: {  	v17 =	vmul.f32 v15, v17;
	[tilespmem:s25+$0xCB70] =	vst v11;
	v22 =	vnsel vm0, $0x0, v21;
	v11 =	vpop (erf)  }
0x1c5: {  	v20 =	vmul.f32 v16, v20;
	[tilespmem:s25+$0xCB60] =	vst v14;
	v22 =	vsel vm1, v22, v11;
	v14 =	vpop (erf)  }
0x1c6: {  	[tilespmem:s25+$0xCB50] =	vst v17;
	v23 =	vmul.f32 v19, v23;
	v22 =	vsel vm2, v22, v14  }
0x1c7: {  	[tilespmem:s25+$0xCB40] =	vst v20;
	v12 =	vmul.f32 v14, v12;
	v14 =	vsel vm3, v22, v19  }
0x1c8: {  	[tilespmem:s25+$0xCB30] =	vst v23;
	v11 =	vmul.f32 v11, v18;
	v14 =	vsel vm4, v14, v16  }
0x1c9: {  	v16 =	vmul.f32 v21, v26;
	[tilespmem:s25+$0xCB20] =	vst v12;
	v12 =	vsel vm5, v14, v15  }
0x1ca: {  	[tilespmem:s25+$0xCB10] =	vst v11;
	v11 =	vsel vm6, v12, v13  }
0x1cb: {  	s20 =	simm.s32 $0xF800;
	[tilespmem:s25+$0xCB00] =	vst v16;
	v10 =	vsel vm7, v11, v10  }
0x1cc: {  	s28 =	simm.s32 $0x80;
	[tilespmem:s20+$0x0] =	vst v10  }
0x1cd: {  	v13 =	vld [tilespmem:s28+$0x7B70]  }
0x1ce: {  	v10 =	vld [tilespmem:s28+$0x2B70]  }
0x1cf: {  	v14 =	vld [tilespmem:s28+$0xCB70]  }
0x1d0: {  	v15 =	vld [tilespmem:s28+$0x7B60]  }
0x1d1: {  	v11 =	vld [tilespmem:s28+$0x2B60]  }
0x1d2: {  	v16 =	vld [tilespmem:s28+$0xCB60]  }
0x1d3: {  	v17 =	vld [tilespmem:s28+$0x7B50]  }
0x1d4: {  	v12 =	vld [tilespmem:s28+$0x2B50]  }
0x1d5: {  	v18 =	vld [tilespmem:s28+$0xCB50];
	v19 =	vadd.f32 v13, v10  }
0x1d6: {  	v20 =	vld [tilespmem:s28+$0x7B40]  }
0x1d7: {  	v13 =	vld [tilespmem:s28+$0x2B40];
	v19 =	vadd.f32 v14, v19  }
0x1d8: {  	v14 =	vadd.f32 v15, v11  }
0x1d9: {  	v15 =	vadd.f32 v17, v12;
	v17 =	vmul.f32 $2.000000030e-01, v19  }
0x1da: {  	v21 =	vld [tilespmem:s28+$0xCB40];
	v16 =	vadd.f32 v16, v14;
	vm8 =	vge.f32 v19, $0.0e+00  }
0x1db: {  	v22 =	vld [tilespmem:s28+$0x7B30];
	v24 =	vadd.f32 v18, v15;
	v15 =	vsel vm8, v19, v17  }
0x1dc: {  	v14 =	vld [tilespmem:s28+$0x2B30];
	v17 =	vmul.f32 $2.000000030e-01, v16;
	v19 =	vadd.f32 v20, v13;
	v20 =	vmul.f32 v15, v9  }
0x1dd: {  	v23 =	vld [tilespmem:s28+$0xCB30];
	vm8 =	vge.f32 v16, $0.0e+00  }
0x1de: {  	v25 =	vld [tilespmem:s28+$0x7B20];
	v16 =	vsel vm8, v16, v17;
	(xrf2) =	vadd.scan.msk.f32 $0xffff, v20  }
0x1df: {  	v26 =	vmul.f32 $2.000000030e-01, v24;
	v15 =	vld [tilespmem:s28+$0x2B20];
	v17 =	vadd.f32 v21, v19;
	v21 =	vmul.f32 v16, v8  }
0x1e0: {  	v18 =	vld [tilespmem:s28+$0xCB20];
	vm8 =	vge.f32 v24, $0.0e+00  }
0x1e1: {  	v19 =	vld [tilespmem:s28+$0x7B10];
	v24 =	vsel vm8, v24, v26;
	v22 =	vadd.f32 v22, v14;
	(xrf2) =	vadd.scan.msk.f32 $0xffff, v21  }
0x1e2: {  	v16 =	vld [tilespmem:s28+$0x2B10];
	v26 =	vmul.f32 $2.000000030e-01, v17;
	v27 =	vmul.f32 v24, v7  }
0x1e3: {  	v20 =	vld [tilespmem:s28+$0xCB10];
	vm8 =	vge.f32 v17, $0.0e+00;
	v22 =	vadd.f32 v23, v22  }
0x1e4: {  	s1 =	simm.s32 $0x400;
	v21 =	vld [tilespmem:s28+$0x7B00];
	v23 =	vadd.f32 v25, v15;
	v24 =	vsel vm8, v17, v26;
	(xrf2) =	vadd.scan.msk.f32 $0xffff, v27  }
.LBB2_7:
0x1e5: {  	p1 =	sne.s32 s1, $0x9E00;
	v17 =	vld [tilespmem:s28+$0x2B00];
	v26 =	vmul.f32 $2.000000030e-01, v22;
	v24 =	vmul.f32 v24, v6  }
0x1e6: {  	vm8 =	vge.f32 v22, $0.0e+00;
	v18 =	vadd.f32 v18, v23  }
0x1e7: {  	v23 =	vld [tilespmem:s28+$0xCB00];
	v19 =	vadd.f32 v19, v16;
	v22 =	vsel vm8, v22, v26;
	(xrf2) =	vadd.scan.msk.f32 $0xffff, v24  }
0x1e8: {  	v24 =	vmul.f32 $2.000000030e-01, v18;
	v26 =	vmul.f32 v22, v5;
	v25, _, _ =	vpop (xrf2)  }
0x1e9: {  	vm8 =	vge.f32 v18, $0.0e+00;
	v19 =	vadd.f32 v20, v19  }
0x1ea: {  	v20 =	vadd.f32 v21, v17;
	v18 =	vsel vm8, v18, v24;
	(xrf2) =	vadd.scan.msk.f32 $0xffff, v26  }
0x1eb: {  	v24 =	vmul.f32 $2.000000030e-01, v19;
	v18 =	vmul.f32 v18, v4;
	v22, _, _ =	vpop (xrf2)  }
0x1ec: {  	vm8 =	vge.f32 v19, $0.0e+00;
	v20 =	vadd.f32 v23, v20  }
0x1ed: {  	v19 =	vsel vm8, v19, v24;
	(xrf2) =	vadd.scan.msk.f32 $0xffff, v18  }
0x1ee: {  	v18 =	vmul.f32 $2.000000030e-01, v20;
	v23 =	vmul.f32 v19, v3;
	v21, _, _ =	vpop (xrf2)  }
0x1ef: {  	vm8 =	vge.f32 v20, $0.0e+00  }
0x1f0: {  	v18 =	vsel vm8, v20, v18;
	(xrf2) =	vadd.scan.msk.f32 $0xffff, v23  }
0x1f1: {  	v20 =	vmul.f32 v18, v2;
	v19, _, _ =	vpop (xrf2);
	_ =	sdelay $0x1  }
0x1f2: {  	(xrf2) =	vadd.scan.msk.f32 $0xffff, v20  }
0x1f3: {  	v18, _, _ =	vpop (xrf2);
	_ =	sdelay $0x2  }
0x1f4: {  	v20 =	vmul.f32 $1.442695020e+00, v25;
	v23, _, _ =	vpop (xrf2)  }
0x1f5: {  	v22 =	vmul.f32 $1.442695020e+00, v22  }
0x1f6: {  	v21 =	vmul.f32 $1.442695020e+00, v21;
	v20 =	vbroadcast v20, $0xF  }
0x1f7: {  	v22 =	vbroadcast v22, $0xF;
	v19 =	vmul.f32 $1.442695020e+00, v19;
	v24, _, _ =	vpop (xrf2)  }
0x1f8: {  	v21 =	vbroadcast v21, $0xF;
	(erf) = vpow2.f32 v20  }
0x1f9: {  	v19 =	vbroadcast v19, $0xF;
	(erf) = vpow2.f32 v22  }
0x1fa: {  	v18 =	vmul.f32 $1.442695020e+00, v18;
	v20, _, _ =	vpop (xrf2);
	(erf) = vpow2.f32 v21  }
0x1fb: {  	v20 =	vmul.f32 $1.442695020e+00, v20;
	(erf) = vpow2.f32 v19  }
0x1fc: {  	v18 =	vbroadcast v18, $0xF;
	v19 =	vmul.f32 $1.442695020e+00, v24  }
0x1fd: {  	v21 =	vmul.f32 $1.442695020e+00, v23;
	v20 =	vbroadcast v20, $0xF  }
0x1fe: {  	v19 =	vbroadcast v19, $0xF;
	(erf) = vpow2.f32 v18  }
0x1ff: {  	v21 =	vbroadcast v21, $0xF;
	(erf) = vpow2.f32 v20  }
0x200: {  	(erf) = vpow2.f32 v19  }
0x201: {  	(erf) = vpow2.f32 v21;
	v18 =	vpop (erf)  }
0x202: {  	v19 =	vpop (erf)  }
0x203: {  	v20 =	vpop (erf)  }
0x204: {  	v21 =	vpop (erf);
	_ =	sdelay $0x2  }
0x205: {  	v25 =	vmul.f32 v18, v10;
	v22 =	vpop (erf)  }
0x206: {  	v26 =	vmul.f32 v19, v11;
	v23 =	vpop (erf)  }
0x207: {  	v12 =	vmul.f32 v20, v12;
	v24 =	vnsel vm0, $0x0, v23;
	[tilespmem:s28+$0xCB70] =	vst v25;
	v10 =	vpop (erf)  }
0x208: {  	v13 =	vmul.f32 v21, v13;
	v24 =	vsel vm1, v24, v10;
	[tilespmem:s28+$0xCB60] =	vst v26;
	v11 =	vpop (erf)  }
0x209: {  	v14 =	vmul.f32 v22, v14;
	v24 =	vsel vm2, v24, v11;
	[tilespmem:s28+$0xCB50] =	vst v12  }
0x20a: {  	v11 =	vmul.f32 v11, v15;
	v12 =	vsel vm3, v24, v22;
	[tilespmem:s28+$0xCB40] =	vst v13  }
0x20b: {  	v10 =	vmul.f32 v10, v16;
	[tilespmem:s28+$0xCB30] =	vst v14;
	v12 =	vsel vm4, v12, v21  }
0x20c: {  	v13 =	vmul.f32 v23, v17;
	[tilespmem:s28+$0xCB20] =	vst v11;
	v11 =	vsel vm5, v12, v20  }
0x20d: {  	[tilespmem:s28+$0xCB10] =	vst v10;
	v10 =	vsel vm6, v11, v19  }
0x20e: {  	s20 =	sadd.s32 $0x10, s20;
	[tilespmem:s28+$0xCB00] =	vst v13;
	v10 =	vsel vm7, v10, v18  }
0x20f: {  	s28 =	sshra.s32 s1, $0x2;
	[tilespmem:s20+$0x0] =	vst v10  }
0x210: {  	v12 =	vld [tilespmem:s28+$0x7B70]  }
0x211: {  	v10 =	vld [tilespmem:s28+$0x2B70]  }
0x212: {  	v13 =	vld [tilespmem:s28+$0xCB70]  }
0x213: {  	v14 =	vld [tilespmem:s28+$0x7B60]  }
0x214: {  	v11 =	vld [tilespmem:s28+$0x2B60]  }
0x215: {  	v15 =	vld [tilespmem:s28+$0xCB60]  }
0x216: {  	v16 =	vld [tilespmem:s28+$0x7B50];
	v17 =	vadd.f32 v12, v10  }
0x217: {  	v12 =	vld [tilespmem:s28+$0x2B50]  }
0x218: {  	v18 =	vld [tilespmem:s28+$0xCB50];
	v17 =	vadd.f32 v13, v17  }
0x219: {  	v19 =	vld [tilespmem:s28+$0x7B40];
	v14 =	vadd.f32 v14, v11  }
0x21a: {  	v13 =	vld [tilespmem:s28+$0x2B40];
	v20 =	vmul.f32 $2.000000030e-01, v17  }
0x21b: {  	vm8 =	vge.f32 v17, $0.0e+00;
	v21 =	vld [tilespmem:s28+$0xCB40];
	v15 =	vadd.f32 v15, v14  }
0x21c: {  	v22 =	vld [tilespmem:s28+$0x7B30];
	v16 =	vadd.f32 v16, v12;
	v17 =	vsel vm8, v17, v20  }
0x21d: {  	v14 =	vld [tilespmem:s28+$0x2B30];
	v20 =	vmul.f32 $2.000000030e-01, v15;
	v17 =	vmul.f32 v17, v9  }
0x21e: {  	vm8 =	vge.f32 v15, $0.0e+00;
	v23 =	vld [tilespmem:s28+$0xCB30];
	v16 =	vadd.f32 v18, v16  }
0x21f: {  	v24 =	vld [tilespmem:s28+$0x7B20];
	v19 =	vadd.f32 v19, v13;
	v18 =	vsel vm8, v15, v20;
	(xrf2) =	vadd.scan.msk.f32 $0xffff, v17  }
0x220: {  	v15 =	vld [tilespmem:s28+$0x2B20];
	v17 =	vmul.f32 $2.000000030e-01, v16;
	v20 =	vmul.f32 v18, v8  }
.Ltmp2:
0x221: {  	vm8 =	vge.f32 v16, $0.0e+00;
	v18 =	vld [tilespmem:s28+$0xCB20];
	v25 =	vadd.f32 v21, v19;
	(pc) =	sbr.rel @p1 .LBB2_7-.Ltmp2, $4  }
0x222: {  	v19 =	vld [tilespmem:s28+$0x7B10];
	v21 =	vadd.f32 v22, v14;
	v17 =	vsel vm8, v16, v17;
	(xrf2) =	vadd.scan.msk.f32 $0xffff, v20  }
0x223: {  	v16 =	vld [tilespmem:s28+$0x2B10];
	v26 =	vmul.f32 $2.000000030e-01, v25;
	v17 =	vmul.f32 v17, v7  }
0x224: {  	vm8 =	vge.f32 v25, $0.0e+00;
	v20 =	vld [tilespmem:s28+$0xCB10];
	v22 =	vadd.f32 v23, v21  }
0x225: {  	s1 =	sadd.s32 $0x200, s1;
	v21 =	vld [tilespmem:s28+$0x7B00];
	v23 =	vadd.f32 v24, v15;
	v24 =	vsel vm8, v25, v26;
	(xrf2) =	vadd.scan.msk.f32 $0xffff, v17  }
0x226: {  	v17 =	vld [tilespmem:s28+$0x2B00];
	_ =	sdelay $0x1  }
0x227: {  	v25 =	vld [tilespmem:s28+$0xCB00];
	_ =	sdelay $0x1  }
0x228: {  	v19 =	vadd.f32 v19, v16  }
0x229: {  	v35 =	vmul.f32 $2.000000030e-01, v22;
	v18 =	vadd.f32 v18, v23;
	v21 =	vadd.f32 v21, v17  }
0x22a: {  	v24 =	vmul.f32 v24, v6;
	vm8 =	vge.f32 v22, $0.0e+00;
	v19 =	vadd.f32 v20, v19  }
0x22b: {  	v36 =	vsel vm8, v22, v35;
	v37 =	vmul.f32 $2.000000030e-01, v18;
	v21 =	vadd.f32 v25, v21  }
0x22c: {  	vm8 =	vge.f32 v18, $0.0e+00;
	v20 =	vmul.f32 v36, v5;
	v38 =	vmul.f32 $2.000000030e-01, v19  }
0x22d: {  	v18 =	vsel vm8, v18, v37;
	vm8 =	vge.f32 v19, $0.0e+00;
	v39 =	vmul.f32 $2.000000030e-01, v21  }
0x22e: {  	(xrf2) =	vadd.scan.msk.f32 $0xffff, v24;
	v18 =	vmul.f32 v18, v4;
	v19 =	vsel vm8, v19, v38;
	vm8 =	vge.f32 v21, $0.0e+00  }
0x22f: {  	(xrf2) =	vadd.scan.msk.f32 $0xffff, v20;
	v19 =	vmul.f32 v19, v3;
	v40 =	vsel vm8, v21, v39  }
0x230: {  	(xrf2) =	vadd.scan.msk.f32 $0xffff, v18;
	v41 =	vmul.f32 v40, v2  }
0x231: {  	(xrf2) =	vadd.scan.msk.f32 $0xffff, v19  }
0x232: {  	(xrf2) =	vadd.scan.msk.f32 $0xffff, v41;
	_ =	sdelay $0x2  }
0x233: {  	v42, _, _ =	vpop (xrf2)  }
0x234: {  	v43, _, _ =	vpop (xrf2);
	v18 =	vmul.f32 $1.442695020e+00, v42  }
0x235: {  	v44, _, _ =	vpop (xrf2);
	v19 =	vmul.f32 $1.442695020e+00, v43  }
0x236: {  	v20 =	vmul.f32 $1.442695020e+00, v44;
	v18 =	vbroadcast v18, $0xF;
	v45, _, _ =	vpop (xrf2)  }
0x237: {  	v21 =	vmul.f32 $1.442695020e+00, v45;
	v19 =	vbroadcast v19, $0xF;
	v46, _, _ =	vpop (xrf2)  }
0x238: {  	v20 =	vbroadcast v20, $0xF;
	(erf) = vpow2.f32 v18;
	v47, _, _ =	vpop (xrf2)  }
0x239: {  	v21 =	vbroadcast v21, $0xF;
	(erf) = vpow2.f32 v19;
	v48, _, _ =	vpop (xrf2)  }
0x23a: {  	(erf) = vpow2.f32 v20;
	v49 =	vmul.f32 $1.442695020e+00, v46;
	v50, _, _ =	vpop (xrf2)  }
0x23b: {  	(erf) = vpow2.f32 v21;
	v51 =	vmul.f32 $1.442695020e+00, v50  }
0x23c: {  	v19 =	vbroadcast v49, $0xF;
	v18 =	vmul.f32 $1.442695020e+00, v48  }
0x23d: {  	v52 =	vmul.f32 $1.442695020e+00, v47;
	v20 =	vbroadcast v51, $0xF  }
0x23e: {  	(erf) = vpow2.f32 v19;
	v18 =	vbroadcast v18, $0xF  }
0x23f: {  	v53 =	vbroadcast v52, $0xF;
	(erf) = vpow2.f32 v20  }
0x240: {  	(erf) = vpow2.f32 v18  }
0x241: {  	(erf) = vpow2.f32 v53;
	_ =	sdelay $0x1  }
0x242: {  	v54 =	vpop (erf)  }
0x243: {  	v55 =	vpop (erf)  }
0x244: {  	v10 =	vmul.f32 v54, v10;
	v56 =	vpop (erf)  }
0x245: {  	v11 =	vmul.f32 v55, v11;
	v57 =	vpop (erf)  }
0x246: {  	v58 =	vpop (erf)  }
0x247: {  	v59 =	vpop (erf)  }
0x248: {  	[tilespmem:s28+$0xCB70] =	vst v10;
	v12 =	vmul.f32 v56, v12;
	v60 =	vnsel vm0, $0x0, v59;
	v10 =	vpop (erf)  }
0x249: {  	v13 =	vmul.f32 v57, v13;
	[tilespmem:s28+$0xCB60] =	vst v11;
	v24 =	vsel vm1, v60, v10;
	v11 =	vpop (erf)  }
0x24a: {  	[tilespmem:s28+$0xCB50] =	vst v12;
	v14 =	vmul.f32 v58, v14;
	v24 =	vsel vm2, v24, v11  }
0x24b: {  	[tilespmem:s28+$0xCB40] =	vst v13;
	v11 =	vmul.f32 v11, v15;
	v61 =	vsel vm3, v24, v58  }
0x24c: {  	[tilespmem:s28+$0xCB30] =	vst v14;
	v10 =	vmul.f32 v10, v16;
	v12 =	vsel vm4, v61, v57  }
0x24d: {  	v62 =	vmul.f32 v59, v17;
	[tilespmem:s28+$0xCB20] =	vst v11;
	v11 =	vsel vm5, v12, v56  }
0x24e: {  	[tilespmem:s28+$0xCB10] =	vst v10;
	v10 =	vsel vm6, v11, v55  }
0x24f: {  	s1 =	sadd.s32 $0x10, s20;
	[tilespmem:s28+$0xCB00] =	vst v62;
	v10 =	vsel vm7, v10, v54  }
0x250: {  	[tilespmem:s1+$0x0] =	vst v10  }
0x251: {  	v10 =	vld [tilespmem:$0x180]  }
0x252: {  	v11 =	vld [tilespmem:$0x190]  }
0x253: {  	v63 =	vld [tilespmem:$0x1A0]  }
0x254: {  	v13 =	vld [tilespmem:$0x1B0]  }
0x255: {  	v14 =	vld [tilespmem:$0x1C0]  }
0x256: {  	v10 =	vsub.s32 v10, v0  }
0x257: {  	v11 =	vsub.s32 v11, v0;
	v10 =	vmin.u32 v10, $0x1400  }
0x258: {  	[tilespmem:$0x280] =	vst v10;
	v10 =	vmin.u32 v11, $0x1400;
	v11 =	vsub.s32 v63, v0  }
0x259: {  	[tilespmem:$0x290] =	vst v10;
	v10 =	vmin.u32 v11, $0x1400;
	v11 =	vsub.s32 v13, v0  }
0x25a: {  	[tilespmem:$0x2A0] =	vst v10;
	v10 =	vmin.u32 v11, $0x1400;
	v11 =	vsub.s32 v14, v0  }
0x25b: {  	[tilespmem:$0x2B0] =	vst v10;
	v10 =	vmin.u32 v11, $0x1400  }
0x25c: {  	s25 =	simm.s32 $0x0;
	s0 =	sadd.s32 @!p0 s0, s19;
	s28 =	sshll.u32 s17, $0x1;
	[tilespmem:$0x2C0] =	vst v10  }
0x25d: {  	[spmem:s4] =	stream.indirect.scatter.add.f32 [tilespmem:s29], [sflag:$0x6], $0x80, s12, s22, $0xb8;
	[tilespmem:$0x1B140] =	vst v63  }
0x25e: {  	s5 =	simm.s32 $0xF800;
	s0 =	sshrl.u32 @!p0 s0, $0x3;
	s1 =	sadd.s32 s11, s28  }
0x25f: {  	[hbm4b:s1+s25] =	stream.linear.scatter [tilespmem:s5], [sflag:$0xA], $0x500, $0x38;
	[tilespmem:$0x1B140] =	vst v63  }
0x260: {  	s14 =	simm.s32 @!p0 $0x80;
	s1 =	sadd.s32 @!p0 s8, s0;
	s5 =	simm.s32 @!p0 $0x0  }
0x261: {  	[tilespmem:s14], [sflag:$0x2] =	stream.linear.gather @!p0 [hbm4b:s1+s5], $0x50, $0x38;
	[tilespmem:$0x1B140] =	vst v63  }
0x262: {  	s0 =	sadd.s32 @!p0 s9, s0;
	s1 =	simm.s32 @!p0 $0x180  }
0x263: {  	[tilespmem:s1], [sflag:$0x2] =	stream.linear.gather @!p0 [hbm4b:s0+s5], $0x50, $0x38;
	[tilespmem:$0x1B140] =	vst v63  }
0x264: {  	s0 =	simm.s32 @!p0 $0x3  }
0x265: {  	_ =	swait.ge @!p0 [sflag:s0], $0x2800  }
0x266: {  	[sflag:s0] =	ssyncset.done @!p0 $0x0  }
0x267: {  	[sflag:s0] =	ssyncadd.s32 @!p0 $0xFFFFD800  }
0x268: {  	_ =	swait.ge @!p0 [sflag:s0], $0x2800  }
0x269: {  	s24 =	sadd.s32 $0x1, s24;
	[sflag:s0] =	ssyncset.done @!p0 $0x0  }
0x26a: {  	[sflag:s0] =	ssyncadd.s32 @!p0 $0xFFFFD800;
	p0 =	sne.s32 s24, $0x7D  }
.Ltmp3:
0x26b: {  	_ = 	snop;
	(pc) =	sbr.rel @p0 .LBB2_4-.Ltmp3, $4  }
0x26c: {  	_ = 	snop  }
0x26d: {  	_ =	swait.ge [sflag:s26], $0x2800  }
0x26e: {  	[sflag:s26] =	ssyncset.done $0x0  }
0x26f: {  	[sflag:s26] =	ssyncadd.s32 $0xFFFFD800  }
0x270: {  	s0 =	simm.s32 $0xA  }
0x271: {  	_ =	swait.ge [sflag:s0], $0x500  }
0x272: {  	[sflag:s0] =	ssyncset.done $0x0  }
0x273: {  	[sflag:s0] =	ssyncadd.s32 $0xFFFFFB00  }
0x274: {  	s24 =	stileid.u32;
	[bflag:$0x0] =	sbarrier.arrive $0xFFFF  }
0x275: {  	s0 =	sshll.u32 s24, $0x6;
	s1 =	rddreg [dreg:$0x5]  }
0x276: {  	s0 =	sor.u32 $0x1C0B, s0;
	s14 =	rddreg [dreg:$0xc];
	s5 =	sshrl.u32 s1, $0x3  }
0x277: {  	[hbm:s14], [sflag:s0] =	dma.local [spmem:s5], $0x1400  }
0x278: {  	_ =	swait.ge [sflag:s16], $0x1400  }
0x279: {  	[sflag:s16] =	ssyncset.done $0x0  }
0x27a: {  	s14 =	simm.s32 $0x10100;
	[sflag:s16] =	ssyncadd.s32 $0xFFFFEC00  }
0x27b: {  	[spmem:s1] =	stream.linear.scatter [tilespmem:s14], [sflag:$0xB], $0x1000, $0x38;
	[tilespmem:$0x1B140] =	vst v63  }
0x27c: {  	_ =	swait.ge [sflag:s16], $0x1000  }
0x27d: {  	[sflag:s16] =	ssyncset.done $0x0  }
0x27e: {  	s28 =	rddreg [dreg:$0x12];
	[sflag:s16] =	ssyncadd.s32 $0xFFFFF000  }
0x27f: {  	[spmem:s28] =	stream.linear.scatter [tilespmem:s14], [sflag:$0xB], $0x1000, $0x38;
	[tilespmem:$0x1B140] =	vst v63  }
0x280: {  	_ =	swait.ge [sflag:s16], $0x1000  }
0x281: {  	[sflag:s16] =	ssyncset.done $0x0  }
0x282: {  	s17 =	rddreg [dreg:$0x13];
	[sflag:s16] =	ssyncadd.s32 $0xFFFFF000  }
0x283: {  	[spmem:s17] =	stream.linear.scatter [tilespmem:s14], [sflag:$0xB], $0x1000, $0x38;
	[tilespmem:$0x1B140] =	vst v63  }
0x284: {  	_ =	swait.ge [sflag:s16], $0x1000  }
0x285: {  	[sflag:s16] =	ssyncset.done $0x0  }
0x286: {  	s20 =	rddreg [dreg:$0x14];
	[sflag:s16] =	ssyncadd.s32 $0xFFFFF000  }
0x287: {  	[spmem:s20] =	stream.linear.scatter [tilespmem:s14], [sflag:$0xB], $0x1000, $0x38;
	[tilespmem:$0x1B140] =	vst v63  }
0x288: {  	_ =	swait.ge [sflag:s16], $0x1000  }
0x289: {  	[sflag:s16] =	ssyncset.done $0x0  }
0x28a: {  	s24 =	rddreg [dreg:$0x15];
	[sflag:s16] =	ssyncadd.s32 $0xFFFFF000  }
0x28b: {  	[spmem:s24] =	stream.linear.scatter [tilespmem:s14], [sflag:$0xB], $0x1000, $0x38;
	[tilespmem:$0x1B140] =	vst v63  }
0x28c: {  	_ =	swait.ge [sflag:s16], $0x1000  }
0x28d: {  	[sflag:s16] =	ssyncset.done $0x0  }
0x28e: {  	s28 =	rddreg [dreg:$0x16];
	[sflag:s16] =	ssyncadd.s32 $0xFFFFF000  }
0x28f: {  	[spmem:s28] =	stream.linear.scatter [tilespmem:s14], [sflag:$0xB], $0x1000, $0x38;
	[tilespmem:$0x1B140] =	vst v63  }
0x290: {  	_ =	swait.ge [sflag:s16], $0x1000  }
0x291: {  	[sflag:s16] =	ssyncset.done $0x0  }
0x292: {  	s17 =	rddreg [dreg:$0x17];
	[sflag:s16] =	ssyncadd.s32 $0xFFFFF000  }
0x293: {  	[spmem:s17] =	stream.linear.scatter [tilespmem:s14], [sflag:$0xB], $0x1000, $0x38;
	[tilespmem:$0x1B140] =	vst v63  }
0x294: {  	_ =	swait.ge [sflag:s16], $0x1000  }
0x295: {  	[sflag:s16] =	ssyncset.done $0x0  }
0x296: {  	s20 =	rddreg [dreg:$0x18];
	[sflag:s16] =	ssyncadd.s32 $0xFFFFF000  }
0x297: {  	[spmem:s20] =	stream.linear.scatter [tilespmem:s14], [sflag:$0xB], $0x1000, $0x38;
	[tilespmem:$0x1B140] =	vst v63  }
0x298: {  	_ =	swait.ge [sflag:s16], $0x1000  }
0x299: {  	[sflag:s16] =	ssyncset.done $0x0  }
0x29a: {  	s24 =	rddreg [dreg:$0x19];
	[sflag:s16] =	ssyncadd.s32 $0xFFFFF000  }
0x29b: {  	[spmem:s24] =	stream.linear.scatter [tilespmem:s14], [sflag:$0xB], $0x1000, $0x38;
	[tilespmem:$0x1B140] =	vst v63  }
0x29c: {  	_ =	swait.ge [sflag:s16], $0x1000  }
0x29d: {  	[sflag:s16] =	ssyncset.done $0x0  }
0x29e: {  	s28 =	rddreg [dreg:$0x1a];
	[sflag:s16] =	ssyncadd.s32 $0xFFFFF000  }
0x29f: {  	[spmem:s28] =	stream.linear.scatter [tilespmem:s14], [sflag:$0xB], $0x1000, $0x38;
	[tilespmem:$0x1B140] =	vst v63  }
0x2a0: {  	_ =	swait.ge [sflag:s16], $0x1000  }
0x2a1: {  	[sflag:s16] =	ssyncset.done $0x0  }
0x2a2: {  	[sflag:s16] =	ssyncadd.s32 $0xFFFFF000  }
0x2a3: {  	s1 =	simm.s32 $0x0;
	s17 =	simm.s32 $0x200;
	[bflag:$0x0] =	sbarrier.arrive $0xFFFF  }
.LBB2_10:
0x2a4: {  	p0 =	sne.s32 s17, $0x9E00;
	[tilespmem:s1+$0xCB70] =	vst v1  }
0x2a5: {  	[tilespmem:s1+$0xA310] =	vst v1  }
0x2a6: {  	[tilespmem:s1+$0xA320] =	vst v1  }
0x2a7: {  	[tilespmem:s1+$0xA330] =	vst v1  }
0x2a8: {  	[tilespmem:s1+$0xA340] =	vst v1  }
0x2a9: {  	[tilespmem:s1+$0xA350] =	vst v1  }
0x2aa: {  	[tilespmem:s1+$0xA360] =	vst v1  }
0x2ab: {  	[tilespmem:s1+$0xA370] =	vst v1  }
0x2ac: {  	[tilespmem:s1+$0xCB10] =	vst v1  }
.Ltmp4:
0x2ad: {  	[tilespmem:s1+$0xCB20] =	vst v1;
	(pc) =	sbr.rel @p0 .LBB2_10-.Ltmp4, $4  }
0x2ae: {  	[tilespmem:s1+$0xCB30] =	vst v1  }
0x2af: {  	[tilespmem:s1+$0xCB40] =	vst v1  }
0x2b0: {  	[tilespmem:s1+$0xCB50] =	vst v1  }
0x2b1: {  	[tilespmem:s1+$0xCB60] =	vst v1;
	s1 =	sshra.s32 s17, $0x2;
	s17 =	sadd.s32 $0x200, s17  }
0x2b2: {  	[tilespmem:s1+$0xCB70] =	vst v1  }
0x2b3: {  	[tilespmem:s1+$0xA310] =	vst v1  }
0x2b4: {  	[tilespmem:s1+$0xA320] =	vst v1  }
0x2b5: {  	[tilespmem:s1+$0xA330] =	vst v1  }
0x2b6: {  	[tilespmem:s1+$0xA340] =	vst v1  }
0x2b7: {  	[tilespmem:s1+$0xA350] =	vst v1  }
0x2b8: {  	[tilespmem:s1+$0xA360] =	vst v1  }
0x2b9: {  	[tilespmem:s1+$0xA370] =	vst v1  }
0x2ba: {  	[tilespmem:s1+$0xCB10] =	vst v1  }
0x2bb: {  	[tilespmem:s1+$0xCB20] =	vst v1  }
0x2bc: {  	[tilespmem:s1+$0xCB30] =	vst v1  }
0x2bd: {  	[tilespmem:s1+$0xCB40] =	vst v1  }
0x2be: {  	[tilespmem:s1+$0xCB50] =	vst v1  }
0x2bf: {  	[tilespmem:s1+$0xCB60] =	vst v1;
	s1 =	simm.s32 $0x0;
	s14 =	rddreg [dreg:$0x8];
	s17 =	simm.s32 $0x100  }
0x2c0: {  	[tilespmem:s17], [sflag:$0x1] =	stream.linear.gather [hbm4b:s14+s1], $0x50, $0x38;
	[tilespmem:$0x1B140] =	vst v63  }
0x2c1: {  	s24 =	rddreg [dreg:$0xd];
	s28 =	simm.s32 $0xF300  }
0x2c2: {  	[tilespmem:s28], [sflag:$0x7] =	stream.linear.gather [hbm4b:s24+s1], $0x500, $0x38;
	[tilespmem:$0x1B140] =	vst v63  }
0x2c3: {  	s20 =	simm.s32 $0x180;
	s17 =	rddreg [dreg:$0xb]  }
0x2c4: {  	[tilespmem:s20], [sflag:$0x2] =	stream.linear.gather [hbm4b:s17+s1], $0x50, $0x38;
	[tilespmem:$0x1B140] =	vst v63  }
0x2c5: {  	s24 =	rddreg [dreg:$0xe];
	s28 =	simm.s32 $0xF800  }
0x2c6: {  	[tilespmem:s28], [sflag:$0x8] =	stream.linear.gather [hbm4b:s24+s1], $0x500, $0x38;
	[tilespmem:$0x1B140] =	vst v63  }
.LBB2_12:
0x2c7: {  	_ =	swait.ge [sflag:s21], $0x50  }
0x2c8: {  	[sflag:s21] =	ssyncset.done $0x0  }
0x2c9: {  	[sflag:s21] =	ssyncadd.s32 $0xFFFFFFB0  }
0x2ca: {  	_ =	swait.ge [sflag:s30], $0x500  }
0x2cb: {  	[sflag:s30] =	ssyncset.done $0x0  }
0x2cc: {  	[sflag:s30] =	ssyncadd.s32 $0xFFFFFB00  }
0x2cd: {  	v2 =	vld [tilespmem:$0x100]  }
0x2ce: {  	v3 =	vld [tilespmem:$0x110]  }
0x2cf: {  	v4 =	vld [tilespmem:$0x120]  }
0x2d0: {  	v5 =	vld [tilespmem:$0x130]  }
0x2d1: {  	v6 =	vld [tilespmem:$0x140]  }
0x2d2: {  	v2 =	vsub.s32 v2, v0  }
0x2d3: {  	v3 =	vsub.s32 v3, v0;
	v2 =	vmin.u32 v2, $0x1400  }
0x2d4: {  	[tilespmem:$0x200] =	vst v2;
	v2 =	vmin.u32 v3, $0x1400;
	v3 =	vsub.s32 v4, v0  }
0x2d5: {  	[tilespmem:$0x210] =	vst v2;
	v2 =	vmin.u32 v3, $0x1400;
	v3 =	vsub.s32 v5, v0  }
0x2d6: {  	[tilespmem:$0x220] =	vst v2;
	v2 =	vmin.u32 v3, $0x1400;
	v3 =	vsub.s32 v6, v0  }
0x2d7: {  	[tilespmem:$0x230] =	vst v2;
	v2 =	vmin.u32 v3, $0x1400  }
0x2d8: {  	s14 =	simm.s32 $0x0;
	[tilespmem:$0x240] =	vst v2  }
0x2d9: {  	v2 =	vld [tilespmem:s14+$0xF300];
	_ =	sdelay $0x3  }
0x2da: {  	s17 =	simm.s32 $0xA300;
	s20 =	simm.s32 $0x40  }
.LBB2_13:
0x2db: {  	s14 =	sshra.s32 s20, $0x2;
	p0 =	sne.s32 s20, $0x13C0;
	s20 =	sadd.s32 $0x40, s20;
	[tilespmem:s17+$0x0] =	vst v2  }
.Ltmp5:
0x2dc: {  	v2 =	vld [tilespmem:s14+$0xF300];
	(pc) =	sbr.rel @p0 .LBB2_13-.Ltmp5, $2  }
0x2dd: {  	_ =	sdelay $0x2  }
0x2de: {  	s17 =	sadd.s32 $0x80, s17  }
0x2df: {  	[tilespmem:s17+$0x0] =	vst v2  }
0x2e0: {  	[spmem:s4] =	stream.indirect.scatter.add.f32 [tilespmem:s23], [sflag:$0x5], $0x80, s31, s22, $0xb8;
	[tilespmem:$0x1B140] =	vst v63  }
0x2e1: {  	_ =	swait.ge [sflag:s18], $0x50  }
0x2e2: {  	[sflag:s18] =	ssyncset.done $0x0  }
0x2e3: {  	[sflag:s18] =	ssyncadd.s32 $0xFFFFFFB0  }
0x2e4: {  	_ =	swait.ge [sflag:s15], $0x500  }
0x2e5: {  	[sflag:s15] =	ssyncset.done $0x0  }
0x2e6: {  	[sflag:s15] =	ssyncadd.s32 $0xFFFFFB00  }
0x2e7: {  	v2 =	vld [tilespmem:$0x180]  }
0x2e8: {  	v3 =	vld [tilespmem:$0x190]  }
0x2e9: {  	v4 =	vld [tilespmem:$0x1A0]  }
0x2ea: {  	v5 =	vld [tilespmem:$0x1B0]  }
0x2eb: {  	v6 =	vld [tilespmem:$0x1C0]  }
0x2ec: {  	v2 =	vsub.s32 v2, v0  }
0x2ed: {  	v3 =	vsub.s32 v3, v0;
	v2 =	vmin.u32 v2, $0x1400  }
0x2ee: {  	[tilespmem:$0x280] =	vst v2;
	v2 =	vmin.u32 v3, $0x1400;
	v3 =	vsub.s32 v4, v0  }
0x2ef: {  	[tilespmem:$0x290] =	vst v2;
	v2 =	vmin.u32 v3, $0x1400;
	v3 =	vsub.s32 v5, v0  }
0x2f0: {  	[tilespmem:$0x2A0] =	vst v2;
	v2 =	vmin.u32 v3, $0x1400;
	v3 =	vsub.s32 v6, v0  }
0x2f1: {  	[tilespmem:$0x2B0] =	vst v2;
	v2 =	vmin.u32 v3, $0x1400  }
0x2f2: {  	s14 =	simm.s32 $0x0;
	[tilespmem:$0x2C0] =	vst v2  }
0x2f3: {  	v2 =	vld [tilespmem:s14+$0xF800];
	_ =	sdelay $0x3  }
0x2f4: {  	s17 =	simm.s32 $0xCB00;
	s20 =	simm.s32 $0x40  }
.LBB2_15:
0x2f5: {  	s14 =	sshra.s32 s20, $0x2;
	p0 =	sne.s32 s20, $0x13C0;
	s20 =	sadd.s32 $0x40, s20;
	[tilespmem:s17+$0x0] =	vst v2  }
.Ltmp6:
0x2f6: {  	v2 =	vld [tilespmem:s14+$0xF800];
	(pc) =	sbr.rel @p0 .LBB2_15-.Ltmp6, $2  }
0x2f7: {  	_ =	sdelay $0x2  }
0x2f8: {  	s17 =	sadd.s32 $0x80, s17  }
0x2f9: {  	p0 =	seq.s32 s1, $0x7C  }
0x2fa: {  	[tilespmem:s17+$0x0] =	vst v2;
	s17 =	rddreg [dreg:$0x11];
	s14 =	smul.u32 @!p0 $0xA0, s1  }
0x2fb: {  	[spmem:s4] =	stream.indirect.scatter.add.f32 [tilespmem:s29], [sflag:$0x6], $0x80, s12, s22, $0xb8;
	[tilespmem:$0x1B140] =	vst v63  }
0x2fc: {  	s17 =	sadd.s32 @!p0 s14, s17  }
0x2fd: {  	s24 =	simm.s32 @!p0 $0x0;
	s20 =	sshrl.u32 @!p0 s17, $0x3  }
0x2fe: {  	s28 =	simm.s32 @!p0 $0x100;
	s17 =	sshll.u32 @!p0 s17, $0x1;
	s20 =	sadd.s32 @!p0 s9, s20  }
0x2ff: {  	[tilespmem:s28], [sflag:$0x1] =	stream.linear.gather @!p0 [hbm4b:s20+s24], $0x50, $0x38;
	[tilespmem:$0x1B140] =	vst v63  }
0x300: {  	s14 =	sadd.s32 @!p0 s14, s19;
	s17 =	sadd.s32 @!p0 s11, s17;
	s20 =	simm.s32 @!p0 $0xF300  }
0x301: {  	[tilespmem:s20], [sflag:$0x7] =	stream.linear.gather @!p0 [hbm4b:s17+s24], $0x500, $0x38;
	[tilespmem:$0x1B140] =	vst v63  }
0x302: {  	s17 =	sshrl.u32 @!p0 s14, $0x3  }
0x303: {  	s20 =	simm.s32 @!p0 $0x180;
	s14 =	sshll.u32 @!p0 s14, $0x1;
	s17 =	sadd.s32 @!p0 s9, s17  }
0x304: {  	[tilespmem:s20], [sflag:$0x2] =	stream.linear.gather @!p0 [hbm4b:s17+s24], $0x50, $0x38;
	[tilespmem:$0x1B140] =	vst v63  }
0x305: {  	s1 =	sadd.s32 $0x1, s1;
	s14 =	sadd.s32 @!p0 s11, s14;
	s17 =	simm.s32 @!p0 $0xF800  }
0x306: {  	[tilespmem:s17], [sflag:$0x8] =	stream.linear.gather @!p0 [hbm4b:s14+s24], $0x500, $0x38;
	[tilespmem:$0x1B140] =	vst v63  }
0x307: {  	p0 =	sne.s32 s1, $0x7D;
	_ =	swait.ge [sflag:s3], $0x2800  }
.Ltmp7:
0x308: {  	[sflag:s3] =	ssyncset.done $0x0;
	(pc) =	sbr.rel @p0 .LBB2_12-.Ltmp7, $4  }
0x309: {  	[sflag:s3] =	ssyncadd.s32 $0xFFFFD800  }
0x30a: {  	_ =	swait.ge [sflag:s26], $0x2800  }
0x30b: {  	[sflag:s26] =	ssyncset.done $0x0  }
0x30c: {  	[sflag:s26] =	ssyncadd.s32 $0xFFFFD800  }
0x30d: {  	[bflag:$0x0] =	sbarrier.arrive $0xFFFF  }
0x30e: {  	s1 =	rddreg [dreg:$0xf]  }
0x30f: {  	[hbm:s1], [sflag:s0] =	dma.local [spmem:s5], $0x1400  }
0x310: {  	_ =	swait.ge [sflag:s16], $0x1400  }
0x311: {  	s24 =	rddreg [dreg:$0x1b]  }
0x312: {  	s28 =	rddreg [dreg:$0x10];
	s1 =	sadd.s32 $0x1, s24  }
0x313: {  	p0 =	sne.s32 s1, s28  }
.Ltmp8:
0x314: {  	_ = 	snop;
	(pc) =	sbr.rel @p0 .LBB2_1-.Ltmp8, $3  }
0x315: {  	_ =	sdelay $0x1  }
0x316: {  	[sflag:s16] =	ssyncset.done $0x0  }
0x317: {  	[sflag:s16] =	ssyncadd.s32 $0xFFFFEC00  }
0x318: {  	_ =	sfence.sel $0x180000  }
0x319: {  	[bflag:$0x0] =	sbarrier.arrive $0xFFFF  }
0x31a: {  	_ =	strace $0x90000047  }
0x31b: {  	s0 =	stileid.u32;
	[bflag:$0x2] =	sbarrier.arrive $0xFFFF  }
0x31c: {  	p0 =	sne.s32 s0, $0x0;
	s0 =	rddreg [dreg:$0x4]  }
0x31d: {  	s0 =	sadd.s32 @!p0 $0x100000, s0  }
0x31e: {  	[sflag:s0] =	ssyncadd.tile.s32 @!p0 $0x1;
	_ =	shalt  }
.Lfunc_end2:
_tile_overlayer_lowered:
.L_overlay_start_2:
0x31f: {  	(tag) =	ssettag $0x2  }
0x320: {  	s0 =	rddreg [dreg:$0x0];
	s2 =	stileid.u32  }
0x321: {  	s1 =	rddreg [dreg:$0x1];
	p0 =	sne.s32 s2, $0x0  }
0x322: {  	s3 =	rddreg [dreg:$0x2];
	[bflag:$0x3] =	sbarrier.arrive $0xFFFF;
	s2 =	simm.s32 @!p0 $0x1C0B  }
0x323: {  	[timem:s3], [sflag:s2] =	dma.local @!p0 [hbm:s0], s1  }
0x324: {  	s0 =	simm.s32 @!p0 $0xB  }
0x325: {  	_ =	swait.ge @!p0 [sflag:s0], s1  }
0x326: {  	s1 =	ssub.s32 @!p0 $0x0, s1;
	[sflag:s0] =	ssyncset.done @!p0 $0x0  }
0x327: {  	[sflag:s0] =	ssyncadd.s32 @!p0 s1  }
0x328: {  	[bflag:$0x3] =	sbarrier.arrive $0xFFFF  }
0x329: {  	_ =	shalt  }

// kernel: kernel.13.cloned.1.call-start
scs
__scs_entry_jumppad:
0x0: {  	(pc) =	sbr.rel $0x88, $3  }
0x1: {  	(tag) =	ssettag $0x0;
	lr =	simm.s32 $0x1  }
0x2: {  	[smem:$0x3F8C] =	sst lr;
	_ =	strace $0xD0000000  }
0x3: {  	_ = 	snop  }
0x4: {  	_ = 	snop  }
0x5: {  	_ = 	snop  }
0x6: {  	_ = 	snop  }
0x7: {  	_ = 	snop  }
__scs_overlays_trampoline_lowered:
0x8: {  	[smem:$0x3F9B] =	sst s0  }
0x9: {  	[smem:$0x3F9C] =	sst s1  }
0xa: {  	[smem:$0x3F9D] =	sst s2  }
0xb: {  	[smem:$0x3F9E] =	sst s3  }
0xc: {  	[smem:$0x3F9F] =	sst s4  }
0xd: {  	[smem:$0x3FA0] =	sst s5  }
0xe: {  	[smem:$0x3FA1] =	sst s6  }
0xf: {  	[smem:$0x3FA2] =	sst s7  }
0x10: {  	[smem:$0x3FA3] =	sst s8  }
0x11: {  	[smem:$0x3FA4] =	sst s9;
	s0 =	simm.s32 @!p0 $0x0  }
0x12: {  	s1 =	sld [smem:$0x3F8A];
	s0 =	simm.s32 @p0 $0x1  }
0x13: {  	[smem:$0x3FA5] =	sst s0;
	s0 =	simm.s32 @!p1 $0x0  }
0x14: {  	s2 =	sld [smem:$0x3F89];
	s0 =	simm.s32 @p1 $0x1  }
0x15: {  	[smem:$0x3FA6] =	sst s0;
	s0 =	simm.s32 @!p2 $0x0  }
0x16: {  	s3 =	sld [smem:$0x3FDB];
	s0 =	simm.s32 @p2 $0x1  }
0x17: {  	s4 =	simm.s32 $0x1BF5;
	[smem:$0x3FA8] =	sst s0  }
0x18: {  	s0 =	sld [smem:$0x3F8B];
	_ =	swait.ge [sflag:s4], $0x0  }
0x19: {  	s7 =	sld [smem:$0x3F8C]  }
0x1a: {  	s8 =	sadd.s32 $0xFFFFE003, lr  }
0x1b: {  	s9 =	sadd.s32 $0xFFFFFEF7, lr;
	s5 =	simm.s32 $0xFFFFFFFF;
	p2 =	slt.u32 s8, $0xFFFFF086  }
0x1c: {  	p1 =	slt.u32 s9, $0xF7A;
	s5 =	simm.s32 @!p2 $0x0  }
0x1d: {  	s5 =	simm.s32 @p1 $0x1;
	p0 =	seq.s32 s7, s2  }
0x1e: {  	s7 =	smul.u32 @!p0 $0xF7A, s2;
	p2 =	seq.s32 @!p0 s5, $0x0  }
0x1f: {  	s9 =	smul.u32 $0xF7A, s1;
	s8 =	simm.s32 @!p0 $0x1BF5;
	p2 =	por !p2, p0  }
0x20: {  	[sflag:s8] =	ssyncset.s32 @!p0 $0xFFFFF086;
	s6 =	sadd.s32 @!p0 s3, s7;
	s7 =	simm.s32 @!p0 $0x108  }
0x21: {  	s3 =	sadd.s32 s3, s9;
	s6 =	sadd.s32 @!p0 $0x88, s6;
	s7 =	simm.s32 @p2 $0x1082  }
0x22: {  	[simem:s7], [sflag:s8] =	dma.local @!p0 [hbm:s6], $0xF7A  }
0x23: {  	s9 =	sor.u32 $0xD0000000, s2;
	s6 =	simm.s32 $0x108;
	_ =	swait.ge @!p0 [sflag:s8], $0x0  }
0x24: {  	s3 =	sadd.s32 $0x88, s3;
	s6 =	simm.s32 @!p1 $0x1082;
	[sflag:s4] =	ssyncset.s32 $0xFFFFF086  }
0x25: {  	[simem:s6], [sflag:s4] =	dma.local [hbm:s3], $0xF7A  }
0x26: {  	[smem:$0x3F8C] =	sst s1;
	(tag) =	ssettag s2;
	_ =	strace s9  }
0x27: {  	s1 =	sld [smem:$0x3F9C]  }
0x28: {  	s2 =	sld [smem:$0x3F9D]  }
0x29: {  	s4 =	sld [smem:$0x3F9F]  }
0x2a: {  	p0 =	seq.s32 s5, $0x0;
	s5 =	sld [smem:$0x3FA0]  }
0x2b: {  	s6 =	sld [smem:$0x3FA1]  }
0x2c: {  	s7 =	sld [smem:$0x3FA2]  }
0x2d: {  	s3 =	simm.s32 $0x108;
	s8 =	sld [smem:$0x3FA3]  }
0x2e: {  	s3 =	simm.s32 @!p0 $0x1082;
	s9 =	sld [smem:$0x3FA4]  }
0x2f: {  	lr =	sadd.s32 s0, s3;
	s0 =	sld [smem:$0x3F9B]  }
0x30: {  	s3 =	sld [smem:$0x3F9E]  }
0x31: {  	[smem:$0x3FA7] =	sst s10  }
0x32: {  	s10 =	sld [smem:$0x3FA5];
	_ =	sdelay $0x3  }
0x33: {  	p0 =	seq.s32 s10, $0x1;
	s10 =	sld [smem:$0x3FA7];
	_ =	sdelay $0x3  }
0x34: {  	[smem:$0x3FA7] =	sst s10  }
0x35: {  	s10 =	sld [smem:$0x3FA6];
	_ =	sdelay $0x3  }
0x36: {  	p1 =	seq.s32 s10, $0x1;
	s10 =	sld [smem:$0x3FA7];
	_ =	sdelay $0x3  }
0x37: {  	[smem:$0x3FA7] =	sst s10  }
0x38: {  	s10 =	sld [smem:$0x3FA8]  }
0x39: {  	_ = 	snop;
	(pc) =	sbr.ind lr, $3  }
0x3a: {  	_ = 	snop  }
0x3b: {  	_ = 	snop  }
0x3c: {  	p2 =	seq.s32 s10, $0x1;
	s10 =	sld [smem:$0x3FA7]  }
0x3d: {  	_ =	shalt  }
0x3e: {  	_ =	shalt  }
0x3f: {  	_ =	shalt  }
0x40: {  	_ =	shalt  }
0x41: {  	_ =	shalt  }
0x42: {  	_ =	shalt  }
0x43: {  	_ =	shalt  }
0x44: {  	_ =	shalt  }
0x45: {  	_ =	shalt  }
0x46: {  	_ =	shalt  }
0x47: {  	_ =	shalt  }
0x48: {  	_ =	shalt  }
0x49: {  	_ =	shalt  }
0x4a: {  	_ =	shalt  }
0x4b: {  	_ =	shalt  }
0x4c: {  	_ =	shalt  }
0x4d: {  	_ =	shalt  }
0x4e: {  	_ =	shalt  }
0x4f: {  	_ =	shalt  }
0x50: {  	_ =	shalt  }
0x51: {  	_ =	shalt  }
0x52: {  	_ =	shalt  }
0x53: {  	_ =	shalt  }
0x54: {  	_ =	shalt  }
0x55: {  	_ =	shalt  }
0x56: {  	_ =	shalt  }
0x57: {  	_ =	shalt  }
0x58: {  	_ =	shalt  }
0x59: {  	_ =	shalt  }
0x5a: {  	_ =	shalt  }
0x5b: {  	_ =	shalt  }
0x5c: {  	_ =	shalt  }
0x5d: {  	_ =	shalt  }
0x5e: {  	_ =	shalt  }
0x5f: {  	_ =	shalt  }
0x60: {  	_ =	shalt  }
0x61: {  	_ =	shalt  }
0x62: {  	_ =	shalt  }
0x63: {  	_ =	shalt  }
0x64: {  	_ =	shalt  }
0x65: {  	_ =	shalt  }
0x66: {  	_ =	shalt  }
0x67: {  	_ =	shalt  }
0x68: {  	_ =	shalt  }
0x69: {  	_ =	shalt  }
0x6a: {  	_ =	shalt  }
0x6b: {  	_ =	shalt  }
0x6c: {  	_ =	shalt  }
0x6d: {  	_ =	shalt  }
0x6e: {  	_ =	shalt  }
0x6f: {  	_ =	shalt  }
0x70: {  	_ =	shalt  }
0x71: {  	_ =	shalt  }
0x72: {  	_ =	shalt  }
0x73: {  	_ =	shalt  }
0x74: {  	_ =	shalt  }
0x75: {  	_ =	shalt  }
0x76: {  	_ =	shalt  }
0x77: {  	_ =	shalt  }
0x78: {  	_ =	shalt  }
0x79: {  	_ =	shalt  }
0x7a: {  	_ =	shalt  }
0x7b: {  	_ =	shalt  }
0x7c: {  	_ =	shalt  }
0x7d: {  	_ =	shalt  }
0x7e: {  	_ =	shalt  }
0x7f: {  	_ =	shalt  }
0x80: {  	_ =	shalt  }
0x81: {  	_ =	shalt  }
0x82: {  	_ =	shalt  }
0x83: {  	_ =	shalt  }
0x84: {  	_ =	shalt  }
0x85: {  	_ =	shalt  }
0x86: {  	_ =	shalt  }
0x87: {  	_ =	shalt  }
.Lfunc_end0:
.L_simem_size_0:
called_computation.1_lowered:
.L_overlay_start_0:
0x88: {  	s2 =	sld [smem:$0x3FD9]  }
0x89: {  	s3 =	sld [smem:$0x3FFE];
	_ =	sdelay $0x1  }
0x8a: {  	s1 =	srdreg.scid  }
0x8b: {  	s0 =	sand.u32 $0x1, s1  }
0x8c: {  	s17 =	sshll.u32 s0, $0xA;
	s2 =	sadd.s32 s3, s2  }
0x8d: {  	s2 =	sadd.s32 s2, s17  }
0x8e: {  	[smem:$0x3FB3] =	sst s2  }
0x8f: {  	_ = 	snop  }
0x90: {  	s2 =	sld [smem:$0x3FB8]  }
0x91: {  	s18 =	sld [smem:$0x3FD0];
	(tm) =	ssettm $0x1  }
0x92: {  	s4 =	sld [smem:$0x3FFB];
	_ =	sdelay $0x3  }
0x93: {  	_ =	strace s4  }
0x94: {  	s4 =	sld [smem:$0x3FFC];
	_ =	sdelay $0x3  }
0x95: {  	_ =	strace s4  }
0x96: {  	s4 =	sld [smem:$0x3FFD];
	_ =	sdelay $0x3  }
0x97: {  	_ =	strace s4  }
0x98: {  	_ =	strace $0x8FFFFFFF  }
0x99: {  	s19 =	sld [smem:$0x3FDB];
	_ =	sdelay $0x1  }
0x9a: {  	s5 =	simm.s32 $_scs_section_size  }
0x9b: {  	s6 =	simm.s32 $_size__tile_overlayer_lowered;
	s7 =	simm.s32 $_tile_overlayer_lowered  }
0x9c: {  	s22 =	simm.s32 $0x1BFF;
	s21 =	sshll.u32 s7, $0x1;
	s4 =	sadd.s32 s5, s19  }
0x9d: {  	s8 =	simm.s32 $0x0;
	s20 =	sshll.u32 s6, $0x1;
	s6 =	sadd.s32 s21, s4  }
0x9e: {  	[timem:s8], [sflag:s22] =	dma.local [hbm:s6], s20  }
0x9f: {  	_ =	swait.ge [sflag:s22], s20  }
0xa0: {  	s5 =	ssub.s32 $0x0, s20;
	[sflag:s22] =	ssyncset.done $0x0  }
0xa1: {  	[sflag:s22] =	ssyncadd.s32 s5;
	_ =	sdelay $0x1  }
0xa2: {  	s23 =	simm.s32 $0x1B8B  }
0xa3: {  	_ =	swait.ge [sflag:s23], $0x1  }
0xa4: {  	[sflag:s23] =	ssyncset.done $0x0  }
0xa5: {  	s25 =	simm.s32 $0x1B8E;
	s24 =	sld [smem:$0x3FFE];
	[sflag:s23] =	ssyncadd.s32 $0xFFFFFFFF  }
0xa6: {  	s26 =	simm.s32 $execute0_lowered;
	[smem:$0x3FD2] =	sst s25  }
0xa7: {  	s6 =	sshll.u32 s26, $0x1;
	_ =	strace $0x80000049;
	[dreg:$0x1] =	wrdreg $0xFFFFFFFF  }
0xa8: {  	s28 =	simm.s32 $_size_execute0_lowered;
	s4 =	sadd.s32 s4, s6;
	[dreg:$0x0] =	wrdreg $0x0  }
0xa9: {  	s6 =	sshll.u32 s28, $0x1;
	[dreg:$0x2] =	wrdreg s4  }
0xaa: {  	[dreg:$0x3] =	wrdreg s6  }
0xab: {  	[dreg:$0x4] =	wrdreg $0xC0  }
0xac: {  	_ =	task [dreg:s8], $0x5FFFF  }
0xad: {  	[dreg:$0x1] =	wrdreg $0xFFFFFFFF  }
0xae: {  	[dreg:$0x0] =	wrdreg $0x60  }
0xaf: {  	[dreg:$0x2] =	wrdreg s18  }
0xb0: {  	[dreg:$0x3] =	wrdreg s24  }
0xb1: {  	[dreg:$0x4] =	wrdreg s2  }
0xb2: {  	[dreg:$0x5] =	wrdreg $0x111000  }
0xb3: {  	[dreg:$0x6] =	wrdreg $0x9  }
0xb4: {  	_ =	task.clear_ibuf [dreg:s8], $0x7FFFF;
	_ =	strace $0x90000049  }
0xb5: {  	s29 =	simm.s32 $0x9;
	_ =	strace $0x8000004B  }
0xb6: {  	_ =	swait.ge [sflag:s29], $0x1  }
0xb7: {  	[sflag:s29] =	ssyncadd.s32 $0xFFFFFFFF  }
0xb8: {  	_ =	strace $0x9000004B  }
0xb9: {  	_ =	sfence  }
0xba: {  	s30 =	sld [smem:$0x0];
	_ =	sdelay $0x2  }
0xbb: {  	s31 =	sshll.u32 s1, $0xD;
	s1 =	sshrl.u32 s1, $0x2  }
0xbc: {  	s3 =	sand.u32 $0x4000, s31;
	s1 =	sadd.s32 s1, s30  }
0xbd: {  	s0 =	sor.u32 s3, s0;
	s1 =	sshll.u32 s1, $0x11  }
0xbe: {  	s0 =	sor.u32 s1, s0  }
0xbf: {  	s0 =	sadd.s32 $0x8F2B, s0  }
0xc0: {  	[sflag:s0] =	ssyncadd.remote.s32 $0x1  }
0xc1: {  	_ =	sfence.sel $0xFFFF  }
0xc2: {  	[dreg:$0x0] =	wrdreg $0xFFFFFFFF;
	(pc) =	sbr.abs _section_cstart, $3  }
0xc3: {  	[dreg:$0x1] =	wrdreg $0xFFFFFFFF  }
0xc4: {  	_ =	task.clear_ibuf [dreg:s8], $0x2FFFF;
	_ =	strace $0x9FFFFFFF  }
0xc5: {  	(tm) =	ssettm $0x7FFFFFFF  }
tec
execute0_lowered:
.L_overlay_start_1:
0x0: {  	(tag) =	ssettag $0x1  }
0x1: {  	s0 =	rddreg [dreg:$0x1]  }
0x2: {  	s4 =	rddreg [dreg:$0x3];
	s25 =	simm.s32 $0x0  }
0x3: {  	s1 =	srdreg.scid;
	s13 =	stileid.u32;
	s29 =	simm.s32 $0xCB00  }
0x4: {  	s30 =	simm.s32 $0x7;
	s31 =	simm.s32 $0x200;
	s2 =	smul.u32 $0x140, s13  }
0x5: {  	[smem:$0x7FF] =	sst s25;
	s1 =	sand.u32 $0x1, s1;
	s5 =	smul.u32 $0x28000, s13  }
0x6: {  	s6 =	sadd.s32 $0x18200, s0;
	s7 =	sadd.s32 $0xAEFC00, s0;
	s10 =	smul.u32 $0x4E20, s13  }
0x7: {  	s8 =	sadd.s32 $0xE400, s0;
	s9 =	sadd.s32 $0x4600, s0;
	s20 =	smul.u32 $0x4E200, s13  }
0x8: {  	s11 =	sadd.s32 $0x3F400, s0;
	s28 =	smul.u32 $0x9C40, s13;
	_ =	strace $0x8000004A  }
0x9: {  	s3 =	smul.u32 $0x1408, s1;
	s16 =	ssub.s32 $0x2, s1;
	s23 =	sadd.s32 s7, s20  }
0xa: {  	s19 =	sshrl.u32 s10, $0x3;
	s15 =	sadd.s32 $0x50, s10;
	[dreg:$0x9] =	wrdreg s23  }
0xb: {  	s12 =	sshrl.u32 s16, $0x1;
	s21 =	sadd.s32 s8, s19;
	[dreg:$0x7] =	wrdreg s15  }
0xc: {  	s18 =	sshrl.u32 s5, $0x2;
	s22 =	sadd.s32 s9, s19;
	[dreg:$0x6] =	wrdreg s21  }
0xd: {  	s17 =	ssub.s32 s16, s12;
	s16 =	sadd.s32 $0xA0, s10;
	[dreg:$0x8] =	wrdreg s22  }
0xe: {  	s14 =	sadd.s32 s18, s4;
	s24 =	sshrl.u32 s15, $0x3;
	[dreg:$0x11] =	wrdreg s16  }
0xf: {  	s2 =	sadd.s32 s2, s3;
	s26 =	sadd.s32 s8, s24;
	[dreg:$0x5] =	wrdreg s14  }
0x10: {  	s13 =	sshll.u32 s15, $0x1;
	s3 =	sadd.s32 s9, s24;
	[dreg:$0xa] =	wrdreg s26  }
0x11: {  	s1 =	smul.u32 $0x1400, s1;
	s15 =	sadd.s32 s11, s13;
	[dreg:$0xb] =	wrdreg s3  }
0x12: {  	s19 =	sadd.s32 $0xF0, s10;
	s18 =	sadd.s32 $0x2000, s14;
	[dreg:$0xe] =	wrdreg s15  }
0x13: {  	v0 =	vmov s1;
	s1 =	simm.s32 $0x0;
	s20 =	sadd.s32 $0x3000, s14;
	[dreg:$0x13] =	wrdreg s18  }
0x14: {  	s2 =	sshll.u32 s2, $0x4;
	s21 =	sadd.s32 $0x4000, s14;
	[dreg:$0x14] =	wrdreg s20  }
0x15: {  	s22 =	sadd.s32 $0x5000, s14;
	s23 =	sadd.s32 $0x6000, s14;
	[dreg:$0x15] =	wrdreg s21  }
0x16: {  	s24 =	sadd.s32 $0x7000, s14;
	s16 =	simm.s32 $0xB;
	[dreg:$0x16] =	wrdreg s22  }
0x17: {  	s13 =	simm.s32 $0x9;
	s2 =	sadd.s32 s2, s0;
	[dreg:$0x17] =	wrdreg s23  }
0x18: {  	s3 =	sadd.s32 s11, s28;
	s0 =	smax.u32 s17, $0x1;
	[dreg:$0x18] =	wrdreg s24  }
0x19: {  	s17 =	sadd.s32 $0x1000, s14;
	s26 =	sadd.s32 $0x8000, s14;
	[dreg:$0xd] =	wrdreg s3  }
0x1a: {  	s28 =	sadd.s32 $0x9000, s14;
	s21 =	simm.s32 $0x1;
	[dreg:$0x10] =	wrdreg s0  }
0x1b: {  	s22 =	simm.s32 $0x50;
	s23 =	simm.s32 $0xA300;
	[dreg:$0x12] =	wrdreg s17  }
0x1c: {  	s18 =	simm.s32 $0x2;
	s15 =	simm.s32 $0x8;
	[dreg:$0x19] =	wrdreg s26  }
0x1d: {  	v1 =	vimm.f32 $0.0e+00;
	vm0 =	vmmov $0x1;
	vm1 =	vcmask $0x320;
	s12 =	sadd.s32 $0xDB800, s2;
	s2 =	sadd.s32 $0x103A00, s2;
	[dreg:$0x1a] =	wrdreg s28  }
0x1e: {  	vm2 =	vcmask $0x720;
	vm3 =	vcmask $0xB20;
	vm4 =	vcmask $0xF20;
	s3 =	simm.s32 $0x5;
	s26 =	simm.s32 $0x6;
	[dreg:$0xc] =	wrdreg s12  }
0x1f: {  	vm5 =	vcmask $0x1320;
	vm6 =	vcmask $0x1720;
	vm7 =	vcmask $0x1B20;
	[dreg:$0xf] =	wrdreg s2;
	s2 =	simm.s32 $0x4;
	s12 =	simm.s32 $0x280  }
.LBB2_1:
0x20: {  	[dreg:$0x1b] =	wrdreg s1;
	s0 =	simm.s32 $0x0;
	s1 =	simm.s32 $0x200  }
.LBB2_2:
0x21: {  	p0 =	sne.s32 s1, $0x3E00;
	[tilespmem:s0+$0x10170] =	vst v1  }
0x22: {  	[tilespmem:s0+$0x10100] =	vst v1  }
0x23: {  	[tilespmem:s0+$0x10110] =	vst v1  }
.Ltmp0:
0x24: {  	[tilespmem:s0+$0x10120] =	vst v1;
	(pc) =	sbr.rel @p0 .LBB2_2-.Ltmp0, $4  }
0x25: {  	[tilespmem:s0+$0x10130] =	vst v1  }
0x26: {  	[tilespmem:s0+$0x10140] =	vst v1  }
0x27: {  	[tilespmem:s0+$0x10150] =	vst v1  }
0x28: {  	[tilespmem:s0+$0x10160] =	vst v1;
	s0 =	sshra.s32 s1, $0x2;
	s1 =	sadd.s32 $0x200, s1  }
0x29: {  	[tilespmem:s0+$0x10170] =	vst v1  }
0x2a: {  	[tilespmem:s0+$0x10100] =	vst v1  }
0x2b: {  	[tilespmem:s0+$0x10110] =	vst v1  }
0x2c: {  	[tilespmem:s0+$0x10120] =	vst v1  }
0x2d: {  	[tilespmem:s0+$0x10130] =	vst v1  }
0x2e: {  	[tilespmem:s0+$0x10140] =	vst v1  }
0x2f: {  	[tilespmem:s0+$0x10150] =	vst v1  }
0x30: {  	[tilespmem:s0+$0x10160] =	vst v1;
	s14 =	simm.s32 $0x0;
	s28 =	rddreg [dreg:$0x2];
	s1 =	simm.s32 $0xFD00  }
0x31: {  	[tilespmem:s1], [sflag:$0xB] =	stream.linear.gather [hbm4b:s28+s14], $0x400, $0x38;
	[tilespmem:$0x1B140] =	vst v63  }
0x32: {  	_ =	swait.ge [sflag:s16], $0x400  }
0x33: {  	[sflag:s16] =	ssyncset.done $0x0  }
0x34: {  	s1 =	simm.s32 $0x10100;
	s5 =	rddreg [dreg:$0x5];
	[sflag:s16] =	ssyncadd.s32 $0xFFFFFC00  }
0x35: {  	[spmem:s5] =	stream.linear.scatter [tilespmem:s1], [sflag:$0xB], $0x1000, $0x38;
	[tilespmem:$0x1B140] =	vst v63  }
0x36: {  	_ =	swait.ge [sflag:s16], $0x1000  }
0x37: {  	[sflag:s16] =	ssyncset.done $0x0  }
0x38: {  	s17 =	rddreg [dreg:$0x12];
	[sflag:s16] =	ssyncadd.s32 $0xFFFFF000  }
0x39: {  	[spmem:s17] =	stream.linear.scatter [tilespmem:s1], [sflag:$0xB], $0x1000, $0x38;
	[tilespmem:$0x1B140] =	vst v63  }
0x3a: {  	_ =	swait.ge [sflag:s16], $0x1000  }
0x3b: {  	[sflag:s16] =	ssyncset.done $0x0  }
0x3c: {  	s20 =	rddreg [dreg:$0x13];
	[sflag:s16] =	ssyncadd.s32 $0xFFFFF000  }
0x3d: {  	[spmem:s20] =	stream.linear.scatter [tilespmem:s1], [sflag:$0xB], $0x1000, $0x38;
	[tilespmem:$0x1B140] =	vst v63  }
0x3e: {  	_ =	swait.ge [sflag:s16], $0x1000  }
0x3f: {  	[sflag:s16] =	ssyncset.done $0x0  }
0x40: {  	s24 =	rddreg [dreg:$0x14];
	[sflag:s16] =	ssyncadd.s32 $0xFFFFF000  }
0x41: {  	[spmem:s24] =	stream.linear.scatter [tilespmem:s1], [sflag:$0xB], $0x1000, $0x38;
	[tilespmem:$0x1B140] =	vst v63  }
0x42: {  	_ =	swait.ge [sflag:s16], $0x1000  }
0x43: {  	[sflag:s16] =	ssyncset.done $0x0  }
0x44: {  	s28 =	rddreg [dreg:$0x15];
	[sflag:s16] =	ssyncadd.s32 $0xFFFFF000  }
0x45: {  	[spmem:s28] =	stream.linear.scatter [tilespmem:s1], [sflag:$0xB], $0x1000, $0x38;
	[tilespmem:$0x1B140] =	vst v63  }
0x46: {  	_ =	swait.ge [sflag:s16], $0x1000  }
0x47: {  	[sflag:s16] =	ssyncset.done $0x0  }
0x48: {  	s5 =	rddreg [dreg:$0x16];
	[sflag:s16] =	ssyncadd.s32 $0xFFFFF000  }
0x49: {  	[spmem:s5] =	stream.linear.scatter [tilespmem:s1], [sflag:$0xB], $0x1000, $0x38;
	[tilespmem:$0x1B140] =	vst v63  }
0x4a: {  	_ =	swait.ge [sflag:s16], $0x1000  }
0x4b: {  	[sflag:s16] =	ssyncset.done $0x0  }
0x4c: {  	s17 =	rddreg [dreg:$0x17];
	[sflag:s16] =	ssyncadd.s32 $0xFFFFF000  }
0x4d: {  	[spmem:s17] =	stream.linear.scatter [tilespmem:s1], [sflag:$0xB], $0x1000, $0x38;
	[tilespmem:$0x1B140] =	vst v63  }
0x4e: {  	_ =	swait.ge [sflag:s16], $0x1000  }
0x4f: {  	[sflag:s16] =	ssyncset.done $0x0  }
0x50: {  	s20 =	rddreg [dreg:$0x18];
	[sflag:s16] =	ssyncadd.s32 $0xFFFFF000  }
0x51: {  	[spmem:s20] =	stream.linear.scatter [tilespmem:s1], [sflag:$0xB], $0x1000, $0x38;
	[tilespmem:$0x1B140] =	vst v63  }
0x52: {  	_ =	swait.ge [sflag:s16], $0x1000  }
0x53: {  	[sflag:s16] =	ssyncset.done $0x0  }
0x54: {  	s24 =	rddreg [dreg:$0x19];
	[sflag:s16] =	ssyncadd.s32 $0xFFFFF000  }
0x55: {  	[spmem:s24] =	stream.linear.scatter [tilespmem:s1], [sflag:$0xB], $0x1000, $0x38;
	[tilespmem:$0x1B140] =	vst v63  }
0x56: {  	_ =	swait.ge [sflag:s16], $0x1000  }
0x57: {  	[sflag:s16] =	ssyncset.done $0x0  }
0x58: {  	s28 =	rddreg [dreg:$0x1a];
	[sflag:s16] =	ssyncadd.s32 $0xFFFFF000  }
0x59: {  	[spmem:s28] =	stream.linear.scatter [tilespmem:s1], [sflag:$0xB], $0x1000, $0x38;
	[tilespmem:$0x1B140] =	vst v63  }
0x5a: {  	_ =	swait.ge [sflag:s16], $0x1000  }
0x5b: {  	[sflag:s16] =	ssyncset.done $0x0  }
0x5c: {  	[sflag:s16] =	ssyncadd.s32 $0xFFFFF000  }
0x5d: {  	[bflag:$0x0] =	sbarrier.arrive $0xFFFF  }
0x5e: {  	v2 =	vld [tilespmem:$0xFD00]  }
0x5f: {  	v3 =	vld [tilespmem:$0xFD80]  }
0x60: {  	v4 =	vld [tilespmem:$0xFE00]  }
0x61: {  	v5 =	vld [tilespmem:$0xFE80]  }
0x62: {  	v6 =	vld [tilespmem:$0xFF00]  }
0x63: {  	v7 =	vld [tilespmem:$0xFF80]  }
0x64: {  	v8 =	vld [tilespmem:$0x10000];
	s5 =	rddreg [dreg:$0x6]  }
0x65: {  	v9 =	vld [tilespmem:$0x10080];
	[tilespmem:s14], [sflag:$0x1] =	stream.linear.gather [hbm4b:s5+s14], $0x50, $0x38  }
0x66: {  	s20 =	simm.s32 $0x100;
	s17 =	rddreg [dreg:$0x8]  }
0x67: {  	[tilespmem:s20], [sflag:$0x1] =	stream.linear.gather [hbm4b:s17+s14], $0x50, $0x38;
	[tilespmem:$0x1B140] =	vst v63  }
0x68: {  	_ =	swait.ge [sflag:s21], $0x50  }
0x69: {  	[sflag:s21] =	ssyncset.done $0x0  }
0x6a: {  	[sflag:s21] =	ssyncadd.s32 $0xFFFFFFB0  }
0x6b: {  	_ =	swait.ge [sflag:s21], $0x50  }
0x6c: {  	[sflag:s21] =	ssyncset.done $0x0  }
0x6d: {  	[sflag:s21] =	ssyncadd.s32 $0xFFFFFFB0  }
0x6e: {  	s5 =	simm.s32 $0x300;
	s24 =	rddreg [dreg:$0x0]  }
0x6f: {  	[tilespmem:s5], [sflag:$0x3] =	stream.indirect.gather [hbm4b:s24+s22], $0x80, s14, s22, $0xb8;
	[tilespmem:$0x1B140] =	vst v63  }
0x70: {  	s28 =	simm.s32 $0x5300  }
0x71: {  	[tilespmem:s28], [sflag:$0x3] =	stream.indirect.gather [hbm4b:s6+s22], $0x80, s20, s22, $0xb8;
	[tilespmem:$0x1B140] =	vst v63  }
0x72: {  	s1 =	rddreg [dreg:$0x9]  }
0x73: {  	[tilespmem:s23], [sflag:$0x7] =	stream.linear.gather [hbm4b:s1+s14], $0x2800, $0x38;
	[tilespmem:$0x1B140] =	vst v63  }
0x74: {  	s17 =	simm.s32 $0x80;
	s5 =	rddreg [dreg:$0xa]  }
0x75: {  	[tilespmem:s17], [sflag:$0x2] =	stream.linear.gather [hbm4b:s5+s14], $0x50, $0x38;
	[tilespmem:$0x1B140] =	vst v63  }
0x76: {  	s24 =	simm.s32 $0x180;
	s20 =	rddreg [dreg:$0xb];
	s28 =	simm.s32 $0x3  }
0x77: {  	[tilespmem:s24], [sflag:$0x2] =	stream.linear.gather [hbm4b:s20+s14], $0x50, $0x38;
	[tilespmem:$0x1B140] =	vst v63  }
0x78: {  	_ =	swait.ge [sflag:s28], $0x2800  }
0x79: {  	[sflag:s28] =	ssyncset.done $0x0  }
0x7a: {  	[sflag:s28] =	ssyncadd.s32 $0xFFFFD800  }
0x7b: {  	_ =	swait.ge [sflag:s28], $0x2800  }
0x7c: {  	[sflag:s28] =	ssyncset.done $0x0  }
0x7d: {  	s24 =	simm.s32 $0x0;
	[sflag:s28] =	ssyncadd.s32 $0xFFFFD800  }
.LBB2_4:
0x7e: {  	p0 =	seq.s32 s24, $0x0  }
0x7f: {  	s0 =	simm.s32 @!p0 $0xA  }
0x80: {  	_ =	swait.ge @!p0 [sflag:s0], $0x500  }
0x81: {  	[sflag:s0] =	ssyncset.done @!p0 $0x0  }
0x82: {  	[sflag:s0] =	ssyncadd.s32 @!p0 $0xFFFFFB00  }
0x83: {  	_ =	swait.ge [sflag:s18], $0x50  }
0x84: {  	[sflag:s18] =	ssyncset.done $0x0  }
0x85: {  	[sflag:s18] =	ssyncadd.s32 $0xFFFFFFB0  }
0x86: {  	_ =	swait.ge [sflag:s18], $0x50  }
0x87: {  	s0 =	smul.u32 $0xA0, s24;
	[sflag:s18] =	ssyncset.done $0x0  }
0x88: {  	s1 =	simm.s32 $0x80;
	s17 =	rddreg [dreg:$0x7];
	[sflag:s18] =	ssyncadd.s32 $0xFFFFFFB0  }
0x89: {  	s5 =	simm.s32 $0x2B00;
	s17 =	sadd.s32 s0, s17;
	s20 =	rddreg [dreg:$0x0]  }
0x8a: {  	[tilespmem:s5], [sflag:$0x4] =	stream.indirect.gather [hbm4b:s20+s22], $0x80, s1, s22, $0xb8;
	[tilespmem:$0x1B140] =	vst v63  }
0x8b: {  	s14 =	simm.s32 $0x7B00;
	s5 =	simm.s32 $0x180;
	s1 =	sshll.u32 s17, $0x4  }
0x8c: {  	[tilespmem:s14], [sflag:$0x4] =	stream.indirect.gather [hbm4b:s6+s22], $0x80, s5, s22, $0xb8;
	[tilespmem:$0x1B140] =	vst v63  }
0x8d: {  	s20 =	simm.s32 $0x0;
	s1 =	sadd.s32 s7, s1  }
0x8e: {  	[tilespmem:s29], [sflag:$0x8] =	stream.linear.gather [hbm4b:s1+s20], $0x2800, $0x38;
	[tilespmem:$0x1B140] =	vst v63  }
0x8f: {  	_ =	swait.ge [sflag:s30], $0x2800  }
0x90: {  	[sflag:s30] =	ssyncset.done $0x0  }
0x91: {  	s14 =	simm.s32 $0x0;
	[sflag:s30] =	ssyncadd.s32 $0xFFFFD800  }
0x92: {  	v10 =	vld [tilespmem:s14+$0x5370]  }
0x93: {  	v11 =	vld [tilespmem:s14+$0x370]  }
0x94: {  	v12 =	vld [tilespmem:s14+$0xA370]  }
0x95: {  	v13 =	vld [tilespmem:s14+$0x5360]  }
0x96: {  	v14 =	vld [tilespmem:s14+$0x360]  }
0x97: {  	v15 =	vld [tilespmem:s14+$0xA360]  }
0x98: {  	v16 =	vld [tilespmem:s14+$0x5350]  }
0x99: {  	v17 =	vld [tilespmem:s14+$0x350]  }
0x9a: {  	v18 =	vld [tilespmem:s14+$0xA350]  }
0x9b: {  	v19 =	vld [tilespmem:s14+$0x5340]  }
0x9c: {  	v20 =	vld [tilespmem:s14+$0x340]  }
0x9d: {  	v21 =	vld [tilespmem:s14+$0xA340]  }
0x9e: {  	v22 =	vld [tilespmem:s14+$0x5330]  }
0x9f: {  	v23 =	vld [tilespmem:s14+$0x330]  }
0xa0: {  	v24 =	vld [tilespmem:s14+$0xA330]  }
0xa1: {  	v25 =	vld [tilespmem:s14+$0x5320];
	v10 =	vadd.f32 v10, v11  }
0xa2: {  	v27 =	vld [tilespmem:s14+$0x5310];
	v13 =	vadd.f32 v13, v14  }
0xa3: {  	v19 =	vadd.f32 v19, v20;
	v10 =	vadd.f32 v12, v10;
	v12 =	vld [tilespmem:s14+$0x320]  }
0xa4: {  	v13 =	vadd.f32 v15, v13;
	v15 =	vadd.f32 v16, v17;
	v16 =	vld [tilespmem:s14+$0xA320]  }
0xa5: {  	v19 =	vadd.f32 v21, v19;
	v21 =	vadd.f32 v22, v23;
	v22 =	vld [tilespmem:s14+$0x5300];
	v26 =	vmul.f32 $2.000000030e-01, v10  }
0xa6: {  	vm8 =	vge.f32 v10, $0.0e+00;
	v28 =	vmul.f32 $2.000000030e-01, v13;
	v15 =	vadd.f32 v18, v15;
	v18 =	vld [tilespmem:s14+$0x310]  }
0xa7: {  	vm9 =	vge.f32 v13, $0.0e+00;
	v29 =	vmul.f32 $2.000000030e-01, v19;
	v10 =	vsel vm8, v10, v26;
	v26 =	vld [tilespmem:s14+$0x300]  }
0xa8: {  	v30 =	vld [tilespmem:s14+$0xA310];
	v21 =	vadd.f32 v24, v21;
	vm15 =	vge.f32 v19, $0.0e+00;
	v13 =	vsel vm9, v13, v28  }
0xa9: {  	v62 =	vmul.f32 $2.000000030e-01, v15;
	vm8 =	vge.f32 v15, $0.0e+00;
	v24 =	vadd.f32 v25, v12;
	v25 =	vld [tilespmem:s14+$0xA300]  }
0xaa: {  	v19 =	vsel vm15, v19, v29;
	v63 =	vmul.f32 $2.000000030e-01, v21;
	v10 =	vmul.f32 v10, v9  }
0xab: {  	v13 =	vmul.f32 v13, v8;
	v16 =	vadd.f32 v16, v24;
	v24 =	vadd.f32 v27, v18  }
0xac: {  	v15 =	vsel vm8, v15, v62;
	vm8 =	vge.f32 v21, $0.0e+00;
	v22 =	vadd.f32 v22, v26  }
0xad: {  	v21 =	vsel vm8, v21, v63;
	v15 =	vmul.f32 v15, v7;
	(xrf2) =	vadd.scan.msk.f32 $0xffff, v10;
	v24 =	vadd.f32 v30, v24  }
0xae: {  	v10 =	vmul.f32 v19, v6;
	v19 =	vadd.f32 v25, v22;
	v22 =	vmul.f32 $2.000000030e-01, v16  }
0xaf: {  	(xrf2) =	vadd.scan.msk.f32 $0xffff, v13;
	v13 =	vmul.f32 v21, v5;
	vm8 =	vge.f32 v16, $0.0e+00;
	v21 =	vmul.f32 $2.000000030e-01, v24  }
0xb0: {  	(xrf2) =	vadd.scan.msk.f32 $0xffff, v15;
	v15 =	vsel vm8, v16, v22;
	vm8 =	vge.f32 v24, $0.0e+00;
	v16 =	vmul.f32 $2.000000030e-01, v19  }
0xb1: {  	(xrf2) =	vadd.scan.msk.f32 $0xffff, v10;
	v10 =	vmul.f32 v15, v4;
	v15 =	vsel vm8, v24, v21;
	vm8 =	vge.f32 v19, $0.0e+00  }
0xb2: {  	(xrf2) =	vadd.scan.msk.f32 $0xffff, v13;
	v13 =	vmul.f32 v15, v3;
	v15 =	vsel vm8, v19, v16  }
0xb3: {  	(xrf2) =	vadd.scan.msk.f32 $0xffff, v10;
	v10 =	vmul.f32 v15, v2  }
0xb4: {  	(xrf2) =	vadd.scan.msk.f32 $0xffff, v13  }
0xb5: {  	(xrf2) =	vadd.scan.msk.f32 $0xffff, v10;
	_ =	sdelay $0x1  }
0xb6: {  	v10, _, _ =	vpop (xrf2)  }
0xb7: {  	v10 =	vmul.f32 $1.442695020e+00, v10  }
0xb8: {  	v13, _, _ =	vpop (xrf2)  }
0xb9: {  	v15, _, _ =	vpop (xrf2);
	v13 =	vmul.f32 $1.442695020e+00, v13;
	v10 =	vbroadcast v10, $0xF  }
0xba: {  	v16, _, _ =	vpop (xrf2);
	v15 =	vmul.f32 $1.442695020e+00, v15  }
0xbb: {  	v19, _, _ =	vpop (xrf2);
	v16 =	vmul.f32 $1.442695020e+00, v16;
	v13 =	vbroadcast v13, $0xF  }
0xbc: {  	v15 =	vbroadcast v15, $0xF;
	(erf) = vpow2.f32 v10;
	v21, _, _ =	vpop (xrf2)  }
0xbd: {  	v16 =	vbroadcast v16, $0xF;
	(erf) = vpow2.f32 v13;
	v10, _, _ =	vpop (xrf2)  }
0xbe: {  	v13 =	vmul.f32 $1.442695020e+00, v19;
	(erf) = vpow2.f32 v15;
	v19, _, _ =	vpop (xrf2)  }
0xbf: {  	(erf) = vpow2.f32 v16;
	v15 =	vmul.f32 $1.442695020e+00, v19  }
0xc0: {  	v10 =	vmul.f32 $1.442695020e+00, v10;
	v13 =	vbroadcast v13, $0xF  }
0xc1: {  	v16 =	vmul.f32 $1.442695020e+00, v21;
	v15 =	vbroadcast v15, $0xF  }
0xc2: {  	v10 =	vbroadcast v10, $0xF;
	(erf) = vpow2.f32 v13  }
0xc3: {  	v13 =	vbroadcast v16, $0xF;
	(erf) = vpow2.f32 v15  }
0xc4: {  	(erf) = vpow2.f32 v10  }
0xc5: {  	(erf) = vpow2.f32 v13;
	_ =	sdelay $0x1  }
0xc6: {  	v10 =	vpop (erf)  }
0xc7: {  	v13 =	vpop (erf)  }
0xc8: {  	v11 =	vmul.f32 v10, v11;
	v15 =	vpop (erf)  }
0xc9: {  	v14 =	vmul.f32 v13, v14;
	v16 =	vpop (erf)  }
0xca: {  	v19 =	vpop (erf)  }
0xcb: {  	v21 =	vpop (erf)  }
0xcc: {  	v17 =	vmul.f32 v15, v17;
	[tilespmem:s14+$0xA370] =	vst v11;
	v22 =	vnsel vm0, $0x0, v21;
	v11 =	vpop (erf)  }
0xcd: {  	v20 =	vmul.f32 v16, v20;
	[tilespmem:s14+$0xA360] =	vst v14;
	v22 =	vsel vm1, v22, v11;
	v14 =	vpop (erf)  }
0xce: {  	[tilespmem:s14+$0xA350] =	vst v17;
	v23 =	vmul.f32 v19, v23;
	v22 =	vsel vm2, v22, v14  }
0xcf: {  	[tilespmem:s14+$0xA340] =	vst v20;
	v12 =	vmul.f32 v14, v12;
	v14 =	vsel vm3, v22, v19  }
0xd0: {  	[tilespmem:s14+$0xA330] =	vst v23;
	v11 =	vmul.f32 v11, v18;
	v14 =	vsel vm4, v14, v16  }
0xd1: {  	v16 =	vmul.f32 v21, v26;
	[tilespmem:s14+$0xA320] =	vst v12;
	v12 =	vsel vm5, v14, v15  }
0xd2: {  	[tilespmem:s14+$0xA310] =	vst v11;
	v11 =	vsel vm6, v12, v13  }
0xd3: {  	s20 =	simm.s32 $0xF300;
	[tilespmem:s14+$0xA300] =	vst v16;
	v10 =	vsel vm7, v11, v10  }
0xd4: {  	s28 =	simm.s32 $0x80;
	[tilespmem:s20+$0x0] =	vst v10  }
0xd5: {  	v13 =	vld [tilespmem:s28+$0x5370]  }
0xd6: {  	v10 =	vld [tilespmem:s28+$0x370]  }
0xd7: {  	v14 =	vld [tilespmem:s28+$0xA370]  }
0xd8: {  	v15 =	vld [tilespmem:s28+$0x5360]  }
0xd9: {  	v11 =	vld [tilespmem:s28+$0x360]  }
0xda: {  	v16 =	vld [tilespmem:s28+$0xA360]  }
0xdb: {  	v17 =	vld [tilespmem:s28+$0x5350]  }
0xdc: {  	v12 =	vld [tilespmem:s28+$0x350]  }
0xdd: {  	v18 =	vld [tilespmem:s28+$0xA350];
	v19 =	vadd.f32 v13, v10  }
0xde: {  	v20 =	vld [tilespmem:s28+$0x5340]  }
0xdf: {  	v13 =	vld [tilespmem:s28+$0x340];
	v19 =	vadd.f32 v14, v19  }
0xe0: {  	v14 =	vadd.f32 v15, v11  }
0xe1: {  	v15 =	vadd.f32 v17, v12;
	v17 =	vmul.f32 $2.000000030e-01, v19  }
0xe2: {  	v21 =	vld [tilespmem:s28+$0xA340];
	v16 =	vadd.f32 v16, v14;
	vm8 =	vge.f32 v19, $0.0e+00  }
0xe3: {  	v22 =	vld [tilespmem:s28+$0x5330];
	v24 =	vadd.f32 v18, v15;
	v15 =	vsel vm8, v19, v17  }
0xe4: {  	v14 =	vld [tilespmem:s28+$0x330];
	v17 =	vmul.f32 $2.000000030e-01, v16;
	v19 =	vadd.f32 v20, v13;
	v20 =	vmul.f32 v15, v9  }
0xe5: {  	v23 =	vld [tilespmem:s28+$0xA330];
	vm8 =	vge.f32 v16, $0.0e+00  }
0xe6: {  	v25 =	vld [tilespmem:s28+$0x5320];
	v16 =	vsel vm8, v16, v17;
	(xrf2) =	vadd.scan.msk.f32 $0xffff, v20  }
0xe7: {  	v26 =	vmul.f32 $2.000000030e-01, v24;
	v15 =	vld [tilespmem:s28+$0x320];
	v17 =	vadd.f32 v21, v19;
	v21 =	vmul.f32 v16, v8  }
0xe8: {  	v18 =	vld [tilespmem:s28+$0xA320];
	vm8 =	vge.f32 v24, $0.0e+00  }
0xe9: {  	v19 =	vld [tilespmem:s28+$0x5310];
	v24 =	vsel vm8, v24, v26;
	v22 =	vadd.f32 v22, v14;
	(xrf2) =	vadd.scan.msk.f32 $0xffff, v21  }
0xea: {  	v16 =	vld [tilespmem:s28+$0x310];
	v26 =	vmul.f32 $2.000000030e-01, v17;
	v27 =	vmul.f32 v24, v7  }
0xeb: {  	v20 =	vld [tilespmem:s28+$0xA310];
	vm8 =	vge.f32 v17, $0.0e+00;
	v22 =	vadd.f32 v23, v22  }
0xec: {  	s5 =	sshll.u32 s24, $0x1;
	s1 =	simm.s32 $0x400;
	v21 =	vld [tilespmem:s28+$0x5300];
	v23 =	vadd.f32 v25, v15;
	v24 =	vsel vm8, v17, v26;
	(xrf2) =	vadd.scan.msk.f32 $0xffff, v27  }
.LBB2_5:
0xed: {  	p0 =	sne.s32 s1, $0x9E00;
	v17 =	vld [tilespmem:s28+$0x300];
	v26 =	vmul.f32 $2.000000030e-01, v22;
	v24 =	vmul.f32 v24, v6  }
0xee: {  	vm8 =	vge.f32 v22, $0.0e+00;
	v18 =	vadd.f32 v18, v23  }
0xef: {  	v23 =	vld [tilespmem:s28+$0xA300];
	v19 =	vadd.f32 v19, v16;
	v22 =	vsel vm8, v22, v26;
	(xrf2) =	vadd.scan.msk.f32 $0xffff, v24  }
0xf0: {  	v24 =	vmul.f32 $2.000000030e-01, v18;
	v26 =	vmul.f32 v22, v5;
	v25, _, _ =	vpop (xrf2)  }
0xf1: {  	vm8 =	vge.f32 v18, $0.0e+00;
	v19 =	vadd.f32 v20, v19  }
0xf2: {  	v20 =	vadd.f32 v21, v17;
	v18 =	vsel vm8, v18, v24;
	(xrf2) =	vadd.scan.msk.f32 $0xffff, v26  }
0xf3: {  	v24 =	vmul.f32 $2.000000030e-01, v19;
	v18 =	vmul.f32 v18, v4;
	v22, _, _ =	vpop (xrf2)  }
0xf4: {  	vm8 =	vge.f32 v19, $0.0e+00;
	v20 =	vadd.f32 v23, v20  }
0xf5: {  	v19 =	vsel vm8, v19, v24;
	(xrf2) =	vadd.scan.msk.f32 $0xffff, v18  }
0xf6: {  	v18 =	vmul.f32 $2.000000030e-01, v20;
	v23 =	vmul.f32 v19, v3;
	v21, _, _ =	vpop (xrf2)  }
0xf7: {  	vm8 =	vge.f32 v20, $0.0e+00  }
0xf8: {  	v18 =	vsel vm8, v20, v18;
	(xrf2) =	vadd.scan.msk.f32 $0xffff, v23  }
0xf9: {  	v20 =	vmul.f32 v18, v2;
	v19, _, _ =	vpop (xrf2);
	_ =	sdelay $0x1  }
0xfa: {  	(xrf2) =	vadd.scan.msk.f32 $0xffff, v20  }
0xfb: {  	v18, _, _ =	vpop (xrf2);
	_ =	sdelay $0x2  }
0xfc: {  	v20 =	vmul.f32 $1.442695020e+00, v25;
	v23, _, _ =	vpop (xrf2)  }
0xfd: {  	v22 =	vmul.f32 $1.442695020e+00, v22  }
0xfe: {  	v21 =	vmul.f32 $1.442695020e+00, v21;
	v20 =	vbroadcast v20, $0xF  }
0xff: {  	v22 =	vbroadcast v22, $0xF;
	v19 =	vmul.f32 $1.442695020e+00, v19;
	v24, _, _ =	vpop (xrf2)  }
0x100: {  	v21 =	vbroadcast v21, $0xF;
	(erf) = vpow2.f32 v20  }
0x101: {  	v19 =	vbroadcast v19, $0xF;
	(erf) = vpow2.f32 v22  }
0x102: {  	v18 =	vmul.f32 $1.442695020e+00, v18;
	v20, _, _ =	vpop (xrf2);
	(erf) = vpow2.f32 v21  }
0x103: {  	v20 =	vmul.f32 $1.442695020e+00, v20;
	(erf) = vpow2.f32 v19  }
0x104: {  	v18 =	vbroadcast v18, $0xF;
	v19 =	vmul.f32 $1.442695020e+00, v24  }
0x105: {  	v21 =	vmul.f32 $1.442695020e+00, v23;
	v20 =	vbroadcast v20, $0xF  }
0x106: {  	v19 =	vbroadcast v19, $0xF;
	(erf) = vpow2.f32 v18  }
0x107: {  	v21 =	vbroadcast v21, $0xF;
	(erf) = vpow2.f32 v20  }
0x108: {  	(erf) = vpow2.f32 v19  }
0x109: {  	(erf) = vpow2.f32 v21;
	v18 =	vpop (erf)  }
0x10a: {  	v19 =	vpop (erf)  }
0x10b: {  	v20 =	vpop (erf)  }
0x10c: {  	v21 =	vpop (erf);
	_ =	sdelay $0x2  }
0x10d: {  	v25 =	vmul.f32 v18, v10;
	v22 =	vpop (erf)  }
0x10e: {  	v26 =	vmul.f32 v19, v11;
	v23 =	vpop (erf)  }
0x10f: {  	v12 =	vmul.f32 v20, v12;
	v24 =	vnsel vm0, $0x0, v23;
	[tilespmem:s28+$0xA370] =	vst v25;
	v10 =	vpop (erf)  }
0x110: {  	v13 =	vmul.f32 v21, v13;
	v24 =	vsel vm1, v24, v10;
	[tilespmem:s28+$0xA360] =	vst v26;
	v11 =	vpop (erf)  }
0x111: {  	v14 =	vmul.f32 v22, v14;
	v24 =	vsel vm2, v24, v11;
	[tilespmem:s28+$0xA350] =	vst v12  }
0x112: {  	v11 =	vmul.f32 v11, v15;
	v12 =	vsel vm3, v24, v22;
	[tilespmem:s28+$0xA340] =	vst v13  }
0x113: {  	v10 =	vmul.f32 v10, v16;
	[tilespmem:s28+$0xA330] =	vst v14;
	v12 =	vsel vm4, v12, v21  }
0x114: {  	v13 =	vmul.f32 v23, v17;
	[tilespmem:s28+$0xA320] =	vst v11;
	v11 =	vsel vm5, v12, v20  }
0x115: {  	[tilespmem:s28+$0xA310] =	vst v10;
	v10 =	vsel vm6, v11, v19  }
0x116: {  	s20 =	sadd.s32 $0x10, s20;
	[tilespmem:s28+$0xA300] =	vst v13;
	v10 =	vsel vm7, v10, v18  }
0x117: {  	s28 =	sshra.s32 s1, $0x2;
	[tilespmem:s20+$0x0] =	vst v10  }
0x118: {  	v12 =	vld [tilespmem:s28+$0x5370]  }
0x119: {  	v10 =	vld [tilespmem:s28+$0x370]  }
0x11a: {  	v13 =	vld [tilespmem:s28+$0xA370]  }
0x11b: {  	v14 =	vld [tilespmem:s28+$0x5360]  }
0x11c: {  	v11 =	vld [tilespmem:s28+$0x360]  }
0x11d: {  	v15 =	vld [tilespmem:s28+$0xA360]  }
0x11e: {  	v16 =	vld [tilespmem:s28+$0x5350];
	v17 =	vadd.f32 v12, v10  }
0x11f: {  	v12 =	vld [tilespmem:s28+$0x350]  }
0x120: {  	v18 =	vld [tilespmem:s28+$0xA350];
	v17 =	vadd.f32 v13, v17  }
0x121: {  	v19 =	vld [tilespmem:s28+$0x5340];
	v14 =	vadd.f32 v14, v11  }
0x122: {  	v13 =	vld [tilespmem:s28+$0x340];
	v20 =	vmul.f32 $2.000000030e-01, v17  }
0x123: {  	vm8 =	vge.f32 v17, $0.0e+00;
	v21 =	vld [tilespmem:s28+$0xA340];
	v15 =	vadd.f32 v15, v14  }
0x124: {  	v22 =	vld [tilespmem:s28+$0x5330];
	v16 =	vadd.f32 v16, v12;
	v17 =	vsel vm8, v17, v20  }
0x125: {  	v14 =	vld [tilespmem:s28+$0x330];
	v20 =	vmul.f32 $2.000000030e-01, v15;
	v17 =	vmul.f32 v17, v9  }
0x126: {  	vm8 =	vge.f32 v15, $0.0e+00;
	v23 =	vld [tilespmem:s28+$0xA330];
	v16 =	vadd.f32 v18, v16  }
0x127: {  	v24 =	vld [tilespmem:s28+$0x5320];
	v19 =	vadd.f32 v19, v13;
	v18 =	vsel vm8, v15, v20;
	(xrf2) =	vadd.scan.msk.f32 $0xffff, v17  }
0x128: {  	v15 =	vld [tilespmem:s28+$0x320];
	v17 =	vmul.f32 $2.000000030e-01, v16;
	v20 =	vmul.f32 v18, v8  }
.Ltmp1:
0x129: {  	vm8 =	vge.f32 v16, $0.0e+00;
	v18 =	vld [tilespmem:s28+$0xA320];
	v25 =	vadd.f32 v21, v19;
	(pc) =	sbr.rel @p0 .LBB2_5-.Ltmp1, $4  }
0x12a: {  	v19 =	vld [tilespmem:s28+$0x5310];
	v21 =	vadd.f32 v22, v14;
	v17 =	vsel vm8, v16, v17;
	(xrf2) =	vadd.scan.msk.f32 $0xffff, v20  }
0x12b: {  	v16 =	vld [tilespmem:s28+$0x310];
	v26 =	vmul.f32 $2.000000030e-01, v25;
	v17 =	vmul.f32 v17, v7  }
0x12c: {  	vm8 =	vge.f32 v25, $0.0e+00;
	v20 =	vld [tilespmem:s28+$0xA310];
	v22 =	vadd.f32 v23, v21  }
0x12d: {  	s1 =	sadd.s32 $0x200, s1;
	v21 =	vld [tilespmem:s28+$0x5300];
	v23 =	vadd.f32 v24, v15;
	v24 =	vsel vm8, v25, v26;
	(xrf2) =	vadd.scan.msk.f32 $0xffff, v17  }
0x12e: {  	v17 =	vld [tilespmem:s28+$0x300];
	_ =	sdelay $0x1  }
0x12f: {  	v25 =	vld [tilespmem:s28+$0xA300];
	_ =	sdelay $0x1  }
0x130: {  	v19 =	vadd.f32 v19, v16  }
0x131: {  	v26 =	vmul.f32 $2.000000030e-01, v22;
	v18 =	vadd.f32 v18, v23;
	v21 =	vadd.f32 v21, v17  }
0x132: {  	vm8 =	vge.f32 v22, $0.0e+00;
	v23 =	vmul.f32 v24, v6;
	v19 =	vadd.f32 v20, v19  }
0x133: {  	v20 =	vsel vm8, v22, v26;
	v22 =	vmul.f32 $2.000000030e-01, v18;
	v21 =	vadd.f32 v25, v21  }
0x134: {  	vm8 =	vge.f32 v18, $0.0e+00;
	v20 =	vmul.f32 v20, v5;
	v24 =	vmul.f32 $2.000000030e-01, v19  }
0x135: {  	v18 =	vsel vm8, v18, v22;
	vm8 =	vge.f32 v19, $0.0e+00;
	v22 =	vmul.f32 $2.000000030e-01, v21  }
0x136: {  	(xrf2) =	vadd.scan.msk.f32 $0xffff, v23;
	v18 =	vmul.f32 v18, v4;
	v19 =	vsel vm8, v19, v24;
	vm8 =	vge.f32 v21, $0.0e+00  }
0x137: {  	(xrf2) =	vadd.scan.msk.f32 $0xffff, v20;
	v19 =	vmul.f32 v19, v3;
	v20 =	vsel vm8, v21, v22  }
0x138: {  	(xrf2) =	vadd.scan.msk.f32 $0xffff, v18;
	v18 =	vmul.f32 v20, v2  }
0x139: {  	(xrf2) =	vadd.scan.msk.f32 $0xffff, v19  }
0x13a: {  	(xrf2) =	vadd.scan.msk.f32 $0xffff, v18;
	_ =	sdelay $0x1  }
0x13b: {  	v18, _, _ =	vpop (xrf2)  }
0x13c: {  	v18 =	vmul.f32 $1.442695020e+00, v18  }
0x13d: {  	v19, _, _ =	vpop (xrf2)  }
0x13e: {  	v20, _, _ =	vpop (xrf2);
	v19 =	vmul.f32 $1.442695020e+00, v19;
	v18 =	vbroadcast v18, $0xF  }
0x13f: {  	v21, _, _ =	vpop (xrf2);
	v20 =	vmul.f32 $1.442695020e+00, v20  }
0x140: {  	v22, _, _ =	vpop (xrf2);
	v21 =	vmul.f32 $1.442695020e+00, v21;
	v19 =	vbroadcast v19, $0xF  }
0x141: {  	v23, _, _ =	vpop (xrf2);
	v20 =	vbroadcast v20, $0xF;
	(erf) = vpow2.f32 v18  }
0x142: {  	v21 =	vbroadcast v21, $0xF;
	(erf) = vpow2.f32 v19;
	v18, _, _ =	vpop (xrf2)  }
0x143: {  	v19 =	vmul.f32 $1.442695020e+00, v22;
	(erf) = vpow2.f32 v20;
	v22, _, _ =	vpop (xrf2)  }
0x144: {  	(erf) = vpow2.f32 v21;
	v20 =	vmul.f32 $1.442695020e+00, v22  }
0x145: {  	v18 =	vmul.f32 $1.442695020e+00, v18;
	v19 =	vbroadcast v19, $0xF  }
0x146: {  	v21 =	vmul.f32 $1.442695020e+00, v23;
	v20 =	vbroadcast v20, $0xF  }
0x147: {  	v18 =	vbroadcast v18, $0xF;
	(erf) = vpow2.f32 v19  }
0x148: {  	v19 =	vbroadcast v21, $0xF;
	(erf) = vpow2.f32 v20  }
0x149: {  	(erf) = vpow2.f32 v18  }
0x14a: {  	(erf) = vpow2.f32 v19;
	_ =	sdelay $0x1  }
0x14b: {  	v18 =	vpop (erf)  }
0x14c: {  	v19 =	vpop (erf)  }
0x14d: {  	v10 =	vmul.f32 v18, v10;
	v20 =	vpop (erf)  }
0x14e: {  	v11 =	vmul.f32 v19, v11;
	v21 =	vpop (erf)  }
0x14f: {  	v22 =	vpop (erf)  }
0x150: {  	v23 =	vpop (erf)  }
0x151: {  	v12 =	vmul.f32 v20, v12;
	[tilespmem:s28+$0xA370] =	vst v10;
	v24 =	vnsel vm0, $0x0, v23;
	v10 =	vpop (erf)  }
0x152: {  	v13 =	vmul.f32 v21, v13;
	[tilespmem:s28+$0xA360] =	vst v11;
	v24 =	vsel vm1, v24, v10;
	v11 =	vpop (erf)  }
0x153: {  	[tilespmem:s28+$0xA350] =	vst v12;
	v14 =	vmul.f32 v22, v14;
	v24 =	vsel vm2, v24, v11  }
0x154: {  	[tilespmem:s28+$0xA340] =	vst v13;
	v11 =	vmul.f32 v11, v15;
	v12 =	vsel vm3, v24, v22  }
0x155: {  	[tilespmem:s28+$0xA330] =	vst v14;
	v10 =	vmul.f32 v10, v16;
	v12 =	vsel vm4, v12, v21  }
0x156: {  	v13 =	vmul.f32 v23, v17;
	[tilespmem:s28+$0xA320] =	vst v11;
	v11 =	vsel vm5, v12, v20  }
0x157: {  	[tilespmem:s28+$0xA310] =	vst v10;
	v10 =	vsel vm6, v11, v19  }
0x158: {  	s1 =	sadd.s32 $0x10, s20;
	[tilespmem:s28+$0xA300] =	vst v13;
	v10 =	vsel vm7, v10, v18  }
0x159: {  	[tilespmem:s1+$0x0] =	vst v10  }
0x15a: {  	v10 =	vld [tilespmem:$0x100]  }
0x15b: {  	v11 =	vld [tilespmem:$0x110]  }
0x15c: {  	v12 =	vld [tilespmem:$0x120]  }
0x15d: {  	v13 =	vld [tilespmem:$0x130]  }
0x15e: {  	v14 =	vld [tilespmem:$0x140]  }
0x15f: {  	v10 =	vsub.s32 v10, v0  }
0x160: {  	v11 =	vsub.s32 v11, v0;
	v10 =	vmin.u32 v10, $0x1400  }
0x161: {  	[tilespmem:$0x200] =	vst v10;
	v10 =	vmin.u32 v11, $0x1400;
	v11 =	vsub.s32 v12, v0  }
0x162: {  	[tilespmem:$0x210] =	vst v10;
	v10 =	vmin.u32 v11, $0x1400;
	v11 =	vsub.s32 v13, v0  }
0x163: {  	[tilespmem:$0x220] =	vst v10;
	v10 =	vmin.u32 v11, $0x1400;
	v11 =	vsub.s32 v14, v0  }
0x164: {  	s20 =	sadd.s32 s10, s0;
	[tilespmem:$0x230] =	vst v10;
	v10 =	vmin.u32 v11, $0x1400  }
0x165: {  	s5 =	sadd.s32 $0x2, s5;
	p0 =	seq.s32 s24, $0x7C;
	s1 =	sshll.u32 s20, $0x1;
	[tilespmem:$0x240] =	vst v10  }
0x166: {  	[spmem:s4] =	stream.indirect.scatter.add.f32 [tilespmem:s23], [sflag:$0x5], $0x80, s31, s22, $0xb8;
	[tilespmem:$0x1B140] =	vst v63  }
0x167: {  	s14 =	simm.s32 $0xF300;
	s5 =	smul.u32 @!p0 $0x50, s5;
	s1 =	sadd.s32 s11, s1  }
0x168: {  	[hbm4b:s1+s25] =	stream.linear.scatter [tilespmem:s14], [sflag:$0x9], $0x500, $0x38;
	[tilespmem:$0x1B140] =	vst v63  }
0x169: {  	s1 =	sadd.s32 @!p0 s10, s5  }
0x16a: {  	s5 =	sshrl.u32 @!p0 s1, $0x3  }
0x16b: {  	s28 =	simm.s32 @!p0 $0x0;
	s20 =	sadd.s32 @!p0 s8, s5  }
0x16c: {  	[tilespmem:s28], [sflag:$0x1] =	stream.linear.gather @!p0 [hbm4b:s20+s28], $0x50, $0x38;
	[tilespmem:$0x1B140] =	vst v63  }
0x16d: {  	s5 =	sadd.s32 @!p0 s9, s5;
	s20 =	simm.s32 @!p0 $0x100  }
0x16e: {  	[tilespmem:s20], [sflag:$0x1] =	stream.linear.gather @!p0 [hbm4b:s5+s28], $0x50, $0x38;
	[tilespmem:$0x1B140] =	vst v63  }
0x16f: {  	_ =	swait.ge [sflag:s2], $0x2800  }
0x170: {  	[sflag:s2] =	ssyncset.done $0x0  }
0x171: {  	[sflag:s2] =	ssyncadd.s32 $0xFFFFD800  }
0x172: {  	_ =	swait.ge [sflag:s2], $0x2800  }
0x173: {  	[sflag:s2] =	ssyncset.done $0x0  }
0x174: {  	[sflag:s2] =	ssyncadd.s32 $0xFFFFD800  }
0x175: {  	_ =	swait.ge [sflag:s3], $0x2800  }
0x176: {  	[sflag:s3] =	ssyncset.done $0x0  }
0x177: {  	[sflag:s3] =	ssyncadd.s32 $0xFFFFD800  }
0x178: {  	_ =	swait.ge [sflag:s13], $0x500  }
0x179: {  	[sflag:s13] =	ssyncset.done $0x0  }
0x17a: {  	s5 =	simm.s32 @!p0 $0x1;
	[sflag:s13] =	ssyncadd.s32 $0xFFFFFB00  }
0x17b: {  	_ =	swait.ge @!p0 [sflag:s5], $0x50  }
0x17c: {  	[sflag:s5] =	ssyncset.done @!p0 $0x0  }
0x17d: {  	[sflag:s5] =	ssyncadd.s32 @!p0 $0xFFFFFFB0  }
0x17e: {  	_ =	swait.ge @!p0 [sflag:s5], $0x50  }
0x17f: {  	[sflag:s5] =	ssyncset.done @!p0 $0x0  }
0x180: {  	[sflag:s5] =	ssyncadd.s32 @!p0 $0xFFFFFFB0  }
0x181: {  	s14 =	simm.s32 @!p0 $0x300;
	s5 =	simm.s32 @!p0 $0x50;
	s25 =	rddreg [dreg:$0x0]  }
0x182: {  	[tilespmem:s14], [sflag:$0x3] =	stream.indirect.gather @!p0 [hbm4b:s25+s5], $0x80, s28, s5, $0xb8;
	[tilespmem:$0x1B140] =	vst v63  }
0x183: {  	s1 =	sshll.u32 @!p0 s1, $0x4;
	s14 =	simm.s32 @!p0 $0x5300  }
0x184: {  	[tilespmem:s14], [sflag:$0x3] =	stream.indirect.gather @!p0 [hbm4b:s6+s5], $0x80, s20, s5, $0xb8;
	[tilespmem:$0x1B140] =	vst v63  }
0x185: {  	s1 =	sadd.s32 @!p0 s7, s1;
	s5 =	simm.s32 @!p0 $0xA300  }
0x186: {  	[tilespmem:s5], [sflag:$0x7] =	stream.linear.gather @!p0 [hbm4b:s1+s28], $0x2800, $0x38;
	[tilespmem:$0x1B140] =	vst v63  }
0x187: {  	_ =	swait.ge [sflag:s15], $0x2800  }
0x188: {  	[sflag:s15] =	ssyncset.done $0x0  }
0x189: {  	s25 =	simm.s32 $0x0;
	[sflag:s15] =	ssyncadd.s32 $0xFFFFD800  }
0x18a: {  	v10 =	vld [tilespmem:s25+$0x7B70]  }
0x18b: {  	v11 =	vld [tilespmem:s25+$0x2B70]  }
0x18c: {  	v12 =	vld [tilespmem:s25+$0xCB70]  }
0x18d: {  	v13 =	vld [tilespmem:s25+$0x7B60]  }
0x18e: {  	v14 =	vld [tilespmem:s25+$0x2B60]  }
0x18f: {  	v15 =	vld [tilespmem:s25+$0xCB60]  }
0x190: {  	v16 =	vld [tilespmem:s25+$0x7B50]  }
0x191: {  	v17 =	vld [tilespmem:s25+$0x2B50]  }
0x192: {  	v18 =	vld [tilespmem:s25+$0xCB50]  }
0x193: {  	v19 =	vld [tilespmem:s25+$0x7B40]  }
0x194: {  	v20 =	vld [tilespmem:s25+$0x2B40]  }
0x195: {  	v21 =	vld [tilespmem:s25+$0xCB40]  }
0x196: {  	v22 =	vld [tilespmem:s25+$0x7B30]  }
0x197: {  	v23 =	vld [tilespmem:s25+$0x2B30]  }
0x198: {  	v24 =	vld [tilespmem:s25+$0xCB30]  }
0x199: {  	v25 =	vld [tilespmem:s25+$0x7B20];
	v10 =	vadd.f32 v10, v11  }
0x19a: {  	v27 =	vld [tilespmem:s25+$0x7B10];
	v13 =	vadd.f32 v13, v14  }
0x19b: {  	v19 =	vadd.f32 v19, v20;
	v10 =	vadd.f32 v12, v10;
	v12 =	vld [tilespmem:s25+$0x2B20]  }
0x19c: {  	v13 =	vadd.f32 v15, v13;
	v15 =	vadd.f32 v16, v17;
	v16 =	vld [tilespmem:s25+$0xCB20]  }
0x19d: {  	v19 =	vadd.f32 v21, v19;
	v21 =	vadd.f32 v22, v23;
	v22 =	vld [tilespmem:s25+$0x7B00];
	v26 =	vmul.f32 $2.000000030e-01, v10  }
0x19e: {  	vm8 =	vge.f32 v10, $0.0e+00;
	v28 =	vmul.f32 $2.000000030e-01, v13;
	v15 =	vadd.f32 v18, v15;
	v18 =	vld [tilespmem:s25+$0x2B10]  }
0x19f: {  	vm9 =	vge.f32 v13, $0.0e+00;
	v29 =	vmul.f32 $2.000000030e-01, v19;
	v10 =	vsel vm8, v10, v26;
	v26 =	vld [tilespmem:s25+$0x2B00]  }
0x1a0: {  	v30 =	vld [tilespmem:s25+$0xCB10];
	v21 =	vadd.f32 v24, v21;
	vm15 =	vge.f32 v19, $0.0e+00;
	v13 =	vsel vm9, v13, v28  }
0x1a1: {  	v62 =	vmul.f32 $2.000000030e-01, v15;
	vm8 =	vge.f32 v15, $0.0e+00;
	v24 =	vadd.f32 v25, v12;
	v25 =	vld [tilespmem:s25+$0xCB00]  }
0x1a2: {  	v19 =	vsel vm15, v19, v29;
	v63 =	vmul.f32 $2.000000030e-01, v21;
	v10 =	vmul.f32 v10, v9  }
0x1a3: {  	v13 =	vmul.f32 v13, v8;
	v16 =	vadd.f32 v16, v24;
	v24 =	vadd.f32 v27, v18  }
0x1a4: {  	v15 =	vsel vm8, v15, v62;
	vm8 =	vge.f32 v21, $0.0e+00;
	v22 =	vadd.f32 v22, v26  }
0x1a5: {  	v21 =	vsel vm8, v21, v63;
	v15 =	vmul.f32 v15, v7;
	(xrf2) =	vadd.scan.msk.f32 $0xffff, v10;
	v24 =	vadd.f32 v30, v24  }
0x1a6: {  	v10 =	vmul.f32 v19, v6;
	v19 =	vadd.f32 v25, v22;
	v22 =	vmul.f32 $2.000000030e-01, v16  }
0x1a7: {  	(xrf2) =	vadd.scan.msk.f32 $0xffff, v13;
	v13 =	vmul.f32 v21, v5;
	vm8 =	vge.f32 v16, $0.0e+00;
	v21 =	vmul.f32 $2.000000030e-01, v24  }
0x1a8: {  	(xrf2) =	vadd.scan.msk.f32 $0xffff, v15;
	v15 =	vsel vm8, v16, v22;
	vm8 =	vge.f32 v24, $0.0e+00;
	v16 =	vmul.f32 $2.000000030e-01, v19  }
0x1a9: {  	(xrf2) =	vadd.scan.msk.f32 $0xffff, v10;
	v10 =	vmul.f32 v15, v4;
	v15 =	vsel vm8, v24, v21;
	vm8 =	vge.f32 v19, $0.0e+00  }
0x1aa: {  	(xrf2) =	vadd.scan.msk.f32 $0xffff, v13;
	v13 =	vmul.f32 v15, v3;
	v15 =	vsel vm8, v19, v16  }
0x1ab: {  	(xrf2) =	vadd.scan.msk.f32 $0xffff, v10;
	v10 =	vmul.f32 v15, v2  }
0x1ac: {  	(xrf2) =	vadd.scan.msk.f32 $0xffff, v13  }
0x1ad: {  	(xrf2) =	vadd.scan.msk.f32 $0xffff, v10;
	_ =	sdelay $0x1  }
0x1ae: {  	v10, _, _ =	vpop (xrf2)  }
0x1af: {  	v10 =	vmul.f32 $1.442695020e+00, v10  }
0x1b0: {  	v13, _, _ =	vpop (xrf2)  }
0x1b1: {  	v15, _, _ =	vpop (xrf2);
	v13 =	vmul.f32 $1.442695020e+00, v13;
	v10 =	vbroadcast v10, $0xF  }
0x1b2: {  	v16, _, _ =	vpop (xrf2);
	v15 =	vmul.f32 $1.442695020e+00, v15  }
0x1b3: {  	v19, _, _ =	vpop (xrf2);
	v16 =	vmul.f32 $1.442695020e+00, v16;
	v13 =	vbroadcast v13, $0xF  }
0x1b4: {  	v15 =	vbroadcast v15, $0xF;
	(erf) = vpow2.f32 v10;
	v21, _, _ =	vpop (xrf2)  }
0x1b5: {  	v16 =	vbroadcast v16, $0xF;
	(erf) = vpow2.f32 v13;
	v10, _, _ =	vpop (xrf2)  }
0x1b6: {  	v13 =	vmul.f32 $1.442695020e+00, v19;
	(erf) = vpow2.f32 v15;
	v19, _, _ =	vpop (xrf2)  }
0x1b7: {  	(erf) = vpow2.f32 v16;
	v15 =	vmul.f32 $1.442695020e+00, v19  }
0x1b8: {  	v10 =	vmul.f32 $1.442695020e+00, v10;
	v13 =	vbroadcast v13, $0xF  }
0x1b9: {  	v16 =	vmul.f32 $1.442695020e+00, v21;
	v15 =	vbroadcast v15, $0xF  }
0x1ba: {  	v10 =	vbroadcast v10, $0xF;
	(erf) = vpow2.f32 v13  }
0x1bb: {  	v13 =	vbroadcast v16, $0xF;
	(erf) = vpow2.f32 v15  }
0x1bc: {  	(erf) = vpow2.f32 v10  }
0x1bd: {  	(erf) = vpow2.f32 v13;
	_ =	sdelay $0x1  }
0x1be: {  	v10 =	vpop (erf)  }
0x1bf: {  	v13 =	vpop (erf)  }
0x1c0: {  	v11 =	vmul.f32 v10, v11;
	v15 =	vpop (erf)  }
0x1c1: {  	v14 =	vmul.f32 v13, v14;
	v16 =	vpop (erf)  }
0x1c2: {  	v19 =	vpop (erf)  }
0x1c3: {  	v21 =	vpop (erf)  }
0x1c4: {  	v17 =	vmul.f32 v15, v17;
	[tilespmem:s25+$0xCB70] =	vst v11;
	v22 =	vnsel vm0, $0x0, v21;
	v11 =	vpop (erf)  }
0x1c5: {  	v20 =	vmul.f32 v16, v20;
	[tilespmem:s25+$0xCB60] =	vst v14;
	v22 =	vsel vm1, v22, v11;
	v14 =	vpop (erf)  }
0x1c6: {  	[tilespmem:s25+$0xCB50] =	vst v17;
	v23 =	vmul.f32 v19, v23;
	v22 =	vsel vm2, v22, v14  }
0x1c7: {  	[tilespmem:s25+$0xCB40] =	vst v20;
	v12 =	vmul.f32 v14, v12;
	v14 =	vsel vm3, v22, v19  }
0x1c8: {  	[tilespmem:s25+$0xCB30] =	vst v23;
	v11 =	vmul.f32 v11, v18;
	v14 =	vsel vm4, v14, v16  }
0x1c9: {  	v16 =	vmul.f32 v21, v26;
	[tilespmem:s25+$0xCB20] =	vst v12;
	v12 =	vsel vm5, v14, v15  }
0x1ca: {  	[tilespmem:s25+$0xCB10] =	vst v11;
	v11 =	vsel vm6, v12, v13  }
0x1cb: {  	s20 =	simm.s32 $0xF800;
	[tilespmem:s25+$0xCB00] =	vst v16;
	v10 =	vsel vm7, v11, v10  }
0x1cc: {  	s28 =	simm.s32 $0x80;
	[tilespmem:s20+$0x0] =	vst v10  }
0x1cd: {  	v13 =	vld [tilespmem:s28+$0x7B70]  }
0x1ce: {  	v10 =	vld [tilespmem:s28+$0x2B70]  }
0x1cf: {  	v14 =	vld [tilespmem:s28+$0xCB70]  }
0x1d0: {  	v15 =	vld [tilespmem:s28+$0x7B60]  }
0x1d1: {  	v11 =	vld [tilespmem:s28+$0x2B60]  }
0x1d2: {  	v16 =	vld [tilespmem:s28+$0xCB60]  }
0x1d3: {  	v17 =	vld [tilespmem:s28+$0x7B50]  }
0x1d4: {  	v12 =	vld [tilespmem:s28+$0x2B50]  }
0x1d5: {  	v18 =	vld [tilespmem:s28+$0xCB50];
	v19 =	vadd.f32 v13, v10  }
0x1d6: {  	v20 =	vld [tilespmem:s28+$0x7B40]  }
0x1d7: {  	v13 =	vld [tilespmem:s28+$0x2B40];
	v19 =	vadd.f32 v14, v19  }
0x1d8: {  	v14 =	vadd.f32 v15, v11  }
0x1d9: {  	v15 =	vadd.f32 v17, v12;
	v17 =	vmul.f32 $2.000000030e-01, v19  }
0x1da: {  	v21 =	vld [tilespmem:s28+$0xCB40];
	v16 =	vadd.f32 v16, v14;
	vm8 =	vge.f32 v19, $0.0e+00  }
0x1db: {  	v22 =	vld [tilespmem:s28+$0x7B30];
	v24 =	vadd.f32 v18, v15;
	v15 =	vsel vm8, v19, v17  }
0x1dc: {  	v14 =	vld [tilespmem:s28+$0x2B30];
	v17 =	vmul.f32 $2.000000030e-01, v16;
	v19 =	vadd.f32 v20, v13;
	v20 =	vmul.f32 v15, v9  }
0x1dd: {  	v23 =	vld [tilespmem:s28+$0xCB30];
	vm8 =	vge.f32 v16, $0.0e+00  }
0x1de: {  	v25 =	vld [tilespmem:s28+$0x7B20];
	v16 =	vsel vm8, v16, v17;
	(xrf2) =	vadd.scan.msk.f32 $0xffff, v20  }
0x1df: {  	v26 =	vmul.f32 $2.000000030e-01, v24;
	v15 =	vld [tilespmem:s28+$0x2B20];
	v17 =	vadd.f32 v21, v19;
	v21 =	vmul.f32 v16, v8  }
0x1e0: {  	v18 =	vld [tilespmem:s28+$0xCB20];
	vm8 =	vge.f32 v24, $0.0e+00  }
0x1e1: {  	v19 =	vld [tilespmem:s28+$0x7B10];
	v24 =	vsel vm8, v24, v26;
	v22 =	vadd.f32 v22, v14;
	(xrf2) =	vadd.scan.msk.f32 $0xffff, v21  }
0x1e2: {  	v16 =	vld [tilespmem:s28+$0x2B10];
	v26 =	vmul.f32 $2.000000030e-01, v17;
	v27 =	vmul.f32 v24, v7  }
0x1e3: {  	v20 =	vld [tilespmem:s28+$0xCB10];
	vm8 =	vge.f32 v17, $0.0e+00;
	v22 =	vadd.f32 v23, v22  }
0x1e4: {  	s1 =	simm.s32 $0x400;
	v21 =	vld [tilespmem:s28+$0x7B00];
	v23 =	vadd.f32 v25, v15;
	v24 =	vsel vm8, v17, v26;
	(xrf2) =	vadd.scan.msk.f32 $0xffff, v27  }
.LBB2_7:
0x1e5: {  	p1 =	sne.s32 s1, $0x9E00;
	v17 =	vld [tilespmem:s28+$0x2B00];
	v26 =	vmul.f32 $2.000000030e-01, v22;
	v24 =	vmul.f32 v24, v6  }
0x1e6: {  	vm8 =	vge.f32 v22, $0.0e+00;
	v18 =	vadd.f32 v18, v23  }
0x1e7: {  	v23 =	vld [tilespmem:s28+$0xCB00];
	v19 =	vadd.f32 v19, v16;
	v22 =	vsel vm8, v22, v26;
	(xrf2) =	vadd.scan.msk.f32 $0xffff, v24  }
0x1e8: {  	v24 =	vmul.f32 $2.000000030e-01, v18;
	v26 =	vmul.f32 v22, v5;
	v25, _, _ =	vpop (xrf2)  }
0x1e9: {  	vm8 =	vge.f32 v18, $0.0e+00;
	v19 =	vadd.f32 v20, v19  }
0x1ea: {  	v20 =	vadd.f32 v21, v17;
	v18 =	vsel vm8, v18, v24;
	(xrf2) =	vadd.scan.msk.f32 $0xffff, v26  }
0x1eb: {  	v24 =	vmul.f32 $2.000000030e-01, v19;
	v18 =	vmul.f32 v18, v4;
	v22, _, _ =	vpop (xrf2)  }
0x1ec: {  	vm8 =	vge.f32 v19, $0.0e+00;
	v20 =	vadd.f32 v23, v20  }
0x1ed: {  	v19 =	vsel vm8, v19, v24;
	(xrf2) =	vadd.scan.msk.f32 $0xffff, v18  }
0x1ee: {  	v18 =	vmul.f32 $2.000000030e-01, v20;
	v23 =	vmul.f32 v19, v3;
	v21, _, _ =	vpop (xrf2)  }
0x1ef: {  	vm8 =	vge.f32 v20, $0.0e+00  }
0x1f0: {  	v18 =	vsel vm8, v20, v18;
	(xrf2) =	vadd.scan.msk.f32 $0xffff, v23  }
0x1f1: {  	v20 =	vmul.f32 v18, v2;
	v19, _, _ =	vpop (xrf2);
	_ =	sdelay $0x1  }
0x1f2: {  	(xrf2) =	vadd.scan.msk.f32 $0xffff, v20  }
0x1f3: {  	v18, _, _ =	vpop (xrf2);
	_ =	sdelay $0x2  }
0x1f4: {  	v20 =	vmul.f32 $1.442695020e+00, v25;
	v23, _, _ =	vpop (xrf2)  }
0x1f5: {  	v22 =	vmul.f32 $1.442695020e+00, v22  }
0x1f6: {  	v21 =	vmul.f32 $1.442695020e+00, v21;
	v20 =	vbroadcast v20, $0xF  }
0x1f7: {  	v22 =	vbroadcast v22, $0xF;
	v19 =	vmul.f32 $1.442695020e+00, v19;
	v24, _, _ =	vpop (xrf2)  }
0x1f8: {  	v21 =	vbroadcast v21, $0xF;
	(erf) = vpow2.f32 v20  }
0x1f9: {  	v19 =	vbroadcast v19, $0xF;
	(erf) = vpow2.f32 v22  }
0x1fa: {  	v18 =	vmul.f32 $1.442695020e+00, v18;
	v20, _, _ =	vpop (xrf2);
	(erf) = vpow2.f32 v21  }
0x1fb: {  	v20 =	vmul.f32 $1.442695020e+00, v20;
	(erf) = vpow2.f32 v19  }
0x1fc: {  	v18 =	vbroadcast v18, $0xF;
	v19 =	vmul.f32 $1.442695020e+00, v24  }
0x1fd: {  	v21 =	vmul.f32 $1.442695020e+00, v23;
	v20 =	vbroadcast v20, $0xF  }
0x1fe: {  	v19 =	vbroadcast v19, $0xF;
	(erf) = vpow2.f32 v18  }
0x1ff: {  	v21 =	vbroadcast v21, $0xF;
	(erf) = vpow2.f32 v20  }
0x200: {  	(erf) = vpow2.f32 v19  }
0x201: {  	(erf) = vpow2.f32 v21;
	v18 =	vpop (erf)  }
0x202: {  	v19 =	vpop (erf)  }
0x203: {  	v20 =	vpop (erf)  }
0x204: {  	v21 =	vpop (erf);
	_ =	sdelay $0x2  }
0x205: {  	v25 =	vmul.f32 v18, v10;
	v22 =	vpop (erf)  }
0x206: {  	v26 =	vmul.f32 v19, v11;
	v23 =	vpop (erf)  }
0x207: {  	v12 =	vmul.f32 v20, v12;
	v24 =	vnsel vm0, $0x0, v23;
	[tilespmem:s28+$0xCB70] =	vst v25;
	v10 =	vpop (erf)  }
0x208: {  	v13 =	vmul.f32 v21, v13;
	v24 =	vsel vm1, v24, v10;
	[tilespmem:s28+$0xCB60] =	vst v26;
	v11 =	vpop (erf)  }
0x209: {  	v14 =	vmul.f32 v22, v14;
	v24 =	vsel vm2, v24, v11;
	[tilespmem:s28+$0xCB50] =	vst v12  }
0x20a: {  	v11 =	vmul.f32 v11, v15;
	v12 =	vsel vm3, v24, v22;
	[tilespmem:s28+$0xCB40] =	vst v13  }
0x20b: {  	v10 =	vmul.f32 v10, v16;
	[tilespmem:s28+$0xCB30] =	vst v14;
	v12 =	vsel vm4, v12, v21  }
0x20c: {  	v13 =	vmul.f32 v23, v17;
	[tilespmem:s28+$0xCB20] =	vst v11;
	v11 =	vsel vm5, v12, v20  }
0x20d: {  	[tilespmem:s28+$0xCB10] =	vst v10;
	v10 =	vsel vm6, v11, v19  }
0x20e: {  	s20 =	sadd.s32 $0x10, s20;
	[tilespmem:s28+$0xCB00] =	vst v13;
	v10 =	vsel vm7, v10, v18  }
0x20f: {  	s28 =	sshra.s32 s1, $0x2;
	[tilespmem:s20+$0x0] =	vst v10  }
0x210: {  	v12 =	vld [tilespmem:s28+$0x7B70]  }
0x211: {  	v10 =	vld [tilespmem:s28+$0x2B70]  }
0x212: {  	v13 =	vld [tilespmem:s28+$0xCB70]  }
0x213: {  	v14 =	vld [tilespmem:s28+$0x7B60]  }
0x214: {  	v11 =	vld [tilespmem:s28+$0x2B60]  }
0x215: {  	v15 =	vld [tilespmem:s28+$0xCB60]  }
0x216: {  	v16 =	vld [tilespmem:s28+$0x7B50];
	v17 =	vadd.f32 v12, v10  }
0x217: {  	v12 =	vld [tilespmem:s28+$0x2B50]  }
0x218: {  	v18 =	vld [tilespmem:s28+$0xCB50];
	v17 =	vadd.f32 v13, v17  }
0x219: {  	v19 =	vld [tilespmem:s28+$0x7B40];
	v14 =	vadd.f32 v14, v11  }
0x21a: {  	v13 =	vld [tilespmem:s28+$0x2B40];
	v20 =	vmul.f32 $2.000000030e-01, v17  }
0x21b: {  	vm8 =	vge.f32 v17, $0.0e+00;
	v21 =	vld [tilespmem:s28+$0xCB40];
	v15 =	vadd.f32 v15, v14  }
0x21c: {  	v22 =	vld [tilespmem:s28+$0x7B30];
	v16 =	vadd.f32 v16, v12;
	v17 =	vsel vm8, v17, v20  }
0x21d: {  	v14 =	vld [tilespmem:s28+$0x2B30];
	v20 =	vmul.f32 $2.000000030e-01, v15;
	v17 =	vmul.f32 v17, v9  }
0x21e: {  	vm8 =	vge.f32 v15, $0.0e+00;
	v23 =	vld [tilespmem:s28+$0xCB30];
	v16 =	vadd.f32 v18, v16  }
0x21f: {  	v24 =	vld [tilespmem:s28+$0x7B20];
	v19 =	vadd.f32 v19, v13;
	v18 =	vsel vm8, v15, v20;
	(xrf2) =	vadd.scan.msk.f32 $0xffff, v17  }
0x220: {  	v15 =	vld [tilespmem:s28+$0x2B20];
	v17 =	vmul.f32 $2.000000030e-01, v16;
	v20 =	vmul.f32 v18, v8  }
.Ltmp2:
0x221: {  	vm8 =	vge.f32 v16, $0.0e+00;
	v18 =	vld [tilespmem:s28+$0xCB20];
	v25 =	vadd.f32 v21, v19;
	(pc) =	sbr.rel @p1 .LBB2_7-.Ltmp2, $4  }
0x222: {  	v19 =	vld [tilespmem:s28+$0x7B10];
	v21 =	vadd.f32 v22, v14;
	v17 =	vsel vm8, v16, v17;
	(xrf2) =	vadd.scan.msk.f32 $0xffff, v20  }
0x223: {  	v16 =	vld [tilespmem:s28+$0x2B10];
	v26 =	vmul.f32 $2.000000030e-01, v25;
	v17 =	vmul.f32 v17, v7  }
0x224: {  	vm8 =	vge.f32 v25, $0.0e+00;
	v20 =	vld [tilespmem:s28+$0xCB10];
	v22 =	vadd.f32 v23, v21  }
0x225: {  	s1 =	sadd.s32 $0x200, s1;
	v21 =	vld [tilespmem:s28+$0x7B00];
	v23 =	vadd.f32 v24, v15;
	v24 =	vsel vm8, v25, v26;
	(xrf2) =	vadd.scan.msk.f32 $0xffff, v17  }
0x226: {  	v17 =	vld [tilespmem:s28+$0x2B00];
	_ =	sdelay $0x1  }
0x227: {  	v25 =	vld [tilespmem:s28+$0xCB00];
	_ =	sdelay $0x1  }
0x228: {  	v19 =	vadd.f32 v19, v16  }
0x229: {  	v35 =	vmul.f32 $2.000000030e-01, v22;
	v18 =	vadd.f32 v18, v23;
	v21 =	vadd.f32 v21, v17  }
0x22a: {  	v24 =	vmul.f32 v24, v6;
	vm8 =	vge.f32 v22, $0.0e+00;
	v19 =	vadd.f32 v20, v19  }
0x22b: {  	v36 =	vsel vm8, v22, v35;
	v37 =	vmul.f32 $2.000000030e-01, v18;
	v21 =	vadd.f32 v25, v21  }
0x22c: {  	vm8 =	vge.f32 v18, $0.0e+00;
	v20 =	vmul.f32 v36, v5;
	v38 =	vmul.f32 $2.000000030e-01, v19  }
0x22d: {  	v18 =	vsel vm8, v18, v37;
	vm8 =	vge.f32 v19, $0.0e+00;
	v39 =	vmul.f32 $2.000000030e-01, v21  }
0x22e: {  	(xrf2) =	vadd.scan.msk.f32 $0xffff, v24;
	v18 =	vmul.f32 v18, v4;
	v19 =	vsel vm8, v19, v38;
	vm8 =	vge.f32 v21, $0.0e+00  }
0x22f: {  	(xrf2) =	vadd.scan.msk.f32 $0xffff, v20;
	v19 =	vmul.f32 v19, v3;
	v40 =	vsel vm8, v21, v39  }
0x230: {  	(xrf2) =	vadd.scan.msk.f32 $0xffff, v18;
	v41 =	vmul.f32 v40, v2  }
0x231: {  	(xrf2) =	vadd.scan.msk.f32 $0xffff, v19  }
0x232: {  	(xrf2) =	vadd.scan.msk.f32 $0xffff, v41;
	_ =	sdelay $0x2  }
0x233: {  	v42, _, _ =	vpop (xrf2)  }
0x234: {  	v43, _, _ =	vpop (xrf2);
	v18 =	vmul.f32 $1.442695020e+00, v42  }
0x235: {  	v44, _, _ =	vpop (xrf2);
	v19 =	vmul.f32 $1.442695020e+00, v43  }
0x236: {  	v20 =	vmul.f32 $1.442695020e+00, v44;
	v18 =	vbroadcast v18, $0xF;
	v45, _, _ =	vpop (xrf2)  }
0x237: {  	v21 =	vmul.f32 $1.442695020e+00, v45;
	v19 =	vbroadcast v19, $0xF;
	v46, _, _ =	vpop (xrf2)  }
0x238: {  	v20 =	vbroadcast v20, $0xF;
	(erf) = vpow2.f32 v18;
	v47, _, _ =	vpop (xrf2)  }
0x239: {  	v21 =	vbroadcast v21, $0xF;
	(erf) = vpow2.f32 v19;
	v48, _, _ =	vpop (xrf2)  }
0x23a: {  	(erf) = vpow2.f32 v20;
	v49 =	vmul.f32 $1.442695020e+00, v46;
	v50, _, _ =	vpop (xrf2)  }
0x23b: {  	(erf) = vpow2.f32 v21;
	v51 =	vmul.f32 $1.442695020e+00, v50  }
0x23c: {  	v19 =	vbroadcast v49, $0xF;
	v18 =	vmul.f32 $1.442695020e+00, v48  }
0x23d: {  	v52 =	vmul.f32 $1.442695020e+00, v47;
	v20 =	vbroadcast v51, $0xF  }
0x23e: {  	(erf) = vpow2.f32 v19;
	v18 =	vbroadcast v18, $0xF  }
0x23f: {  	v53 =	vbroadcast v52, $0xF;
	(erf) = vpow2.f32 v20  }
0x240: {  	(erf) = vpow2.f32 v18  }
0x241: {  	(erf) = vpow2.f32 v53;
	_ =	sdelay $0x1  }
0x242: {  	v54 =	vpop (erf)  }
0x243: {  	v55 =	vpop (erf)  }
0x244: {  	v10 =	vmul.f32 v54, v10;
	v56 =	vpop (erf)  }
0x245: {  	v11 =	vmul.f32 v55, v11;
	v57 =	vpop (erf)  }
0x246: {  	v58 =	vpop (erf)  }
0x247: {  	v59 =	vpop (erf)  }
0x248: {  	[tilespmem:s28+$0xCB70] =	vst v10;
	v12 =	vmul.f32 v56, v12;
	v60 =	vnsel vm0, $0x0, v59;
	v10 =	vpop (erf)  }
0x249: {  	v13 =	vmul.f32 v57, v13;
	[tilespmem:s28+$0xCB60] =	vst v11;
	v24 =	vsel vm1, v60, v10;
	v11 =	vpop (erf)  }
0x24a: {  	[tilespmem:s28+$0xCB50] =	vst v12;
	v14 =	vmul.f32 v58, v14;
	v24 =	vsel vm2, v24, v11  }
0x24b: {  	[tilespmem:s28+$0xCB40] =	vst v13;
	v11 =	vmul.f32 v11, v15;
	v61 =	vsel vm3, v24, v58  }
0x24c: {  	[tilespmem:s28+$0xCB30] =	vst v14;
	v10 =	vmul.f32 v10, v16;
	v12 =	vsel vm4, v61, v57  }
0x24d: {  	v62 =	vmul.f32 v59, v17;
	[tilespmem:s28+$0xCB20] =	vst v11;
	v11 =	vsel vm5, v12, v56  }
0x24e: {  	[tilespmem:s28+$0xCB10] =	vst v10;
	v10 =	vsel vm6, v11, v55  }
0x24f: {  	s1 =	sadd.s32 $0x10, s20;
	[tilespmem:s28+$0xCB00] =	vst v62;
	v10 =	vsel vm7, v10, v54  }
0x250: {  	[tilespmem:s1+$0x0] =	vst v10  }
0x251: {  	v10 =	vld [tilespmem:$0x180]  }
0x252: {  	v11 =	vld [tilespmem:$0x190]  }
0x253: {  	v63 =	vld [tilespmem:$0x1A0]  }
0x254: {  	v13 =	vld [tilespmem:$0x1B0]  }
0x255: {  	v14 =	vld [tilespmem:$0x1C0]  }
0x256: {  	v10 =	vsub.s32 v10, v0  }
0x257: {  	v11 =	vsub.s32 v11, v0;
	v10 =	vmin.u32 v10, $0x1400  }
0x258: {  	[tilespmem:$0x280] =	vst v10;
	v10 =	vmin.u32 v11, $0x1400;
	v11 =	vsub.s32 v63, v0  }
0x259: {  	[tilespmem:$0x290] =	vst v10;
	v10 =	vmin.u32 v11, $0x1400;
	v11 =	vsub.s32 v13, v0  }
0x25a: {  	[tilespmem:$0x2A0] =	vst v10;
	v10 =	vmin.u32 v11, $0x1400;
	v11 =	vsub.s32 v14, v0  }
0x25b: {  	[tilespmem:$0x2B0] =	vst v10;
	v10 =	vmin.u32 v11, $0x1400  }
0x25c: {  	s25 =	simm.s32 $0x0;
	s0 =	sadd.s32 @!p0 s0, s19;
	s28 =	sshll.u32 s17, $0x1;
	[tilespmem:$0x2C0] =	vst v10  }
0x25d: {  	[spmem:s4] =	stream.indirect.scatter.add.f32 [tilespmem:s29], [sflag:$0x6], $0x80, s12, s22, $0xb8;
	[tilespmem:$0x1B140] =	vst v63  }
0x25e: {  	s5 =	simm.s32 $0xF800;
	s0 =	sshrl.u32 @!p0 s0, $0x3;
	s1 =	sadd.s32 s11, s28  }
0x25f: {  	[hbm4b:s1+s25] =	stream.linear.scatter [tilespmem:s5], [sflag:$0xA], $0x500, $0x38;
	[tilespmem:$0x1B140] =	vst v63  }
0x260: {  	s14 =	simm.s32 @!p0 $0x80;
	s1 =	sadd.s32 @!p0 s8, s0;
	s5 =	simm.s32 @!p0 $0x0  }
0x261: {  	[tilespmem:s14], [sflag:$0x2] =	stream.linear.gather @!p0 [hbm4b:s1+s5], $0x50, $0x38;
	[tilespmem:$0x1B140] =	vst v63  }
0x262: {  	s0 =	sadd.s32 @!p0 s9, s0;
	s1 =	simm.s32 @!p0 $0x180  }
0x263: {  	[tilespmem:s1], [sflag:$0x2] =	stream.linear.gather @!p0 [hbm4b:s0+s5], $0x50, $0x38;
	[tilespmem:$0x1B140] =	vst v63  }
0x264: {  	s0 =	simm.s32 @!p0 $0x3  }
0x265: {  	_ =	swait.ge @!p0 [sflag:s0], $0x2800  }
0x266: {  	[sflag:s0] =	ssyncset.done @!p0 $0x0  }
0x267: {  	[sflag:s0] =	ssyncadd.s32 @!p0 $0xFFFFD800  }
0x268: {  	_ =	swait.ge @!p0 [sflag:s0], $0x2800  }
0x269: {  	s24 =	sadd.s32 $0x1, s24;
	[sflag:s0] =	ssyncset.done @!p0 $0x0  }
0x26a: {  	[sflag:s0] =	ssyncadd.s32 @!p0 $0xFFFFD800;
	p0 =	sne.s32 s24, $0x7D  }
.Ltmp3:
0x26b: {  	_ = 	snop;
	(pc) =	sbr.rel @p0 .LBB2_4-.Ltmp3, $4  }
0x26c: {  	_ = 	snop  }
0x26d: {  	_ =	swait.ge [sflag:s26], $0x2800  }
0x26e: {  	[sflag:s26] =	ssyncset.done $0x0  }
0x26f: {  	[sflag:s26] =	ssyncadd.s32 $0xFFFFD800  }
0x270: {  	s0 =	simm.s32 $0xA  }
0x271: {  	_ =	swait.ge [sflag:s0], $0x500  }
0x272: {  	[sflag:s0] =	ssyncset.done $0x0  }
0x273: {  	[sflag:s0] =	ssyncadd.s32 $0xFFFFFB00  }
0x274: {  	s24 =	stileid.u32;
	[bflag:$0x0] =	sbarrier.arrive $0xFFFF  }
0x275: {  	s0 =	sshll.u32 s24, $0x6;
	s1 =	rddreg [dreg:$0x5]  }
0x276: {  	s0 =	sor.u32 $0x1C0B, s0;
	s14 =	rddreg [dreg:$0xc];
	s5 =	sshrl.u32 s1, $0x3  }
0x277: {  	[hbm:s14], [sflag:s0] =	dma.local [spmem:s5], $0x1400  }
0x278: {  	_ =	swait.ge [sflag:s16], $0x1400  }
0x279: {  	[sflag:s16] =	ssyncset.done $0x0  }
0x27a: {  	s14 =	simm.s32 $0x10100;
	[sflag:s16] =	ssyncadd.s32 $0xFFFFEC00  }
0x27b: {  	[spmem:s1] =	stream.linear.scatter [tilespmem:s14], [sflag:$0xB], $0x1000, $0x38;
	[tilespmem:$0x1B140] =	vst v63  }
0x27c: {  	_ =	swait.ge [sflag:s16], $0x1000  }
0x27d: {  	[sflag:s16] =	ssyncset.done $0x0  }
0x27e: {  	s28 =	rddreg [dreg:$0x12];
	[sflag:s16] =	ssyncadd.s32 $0xFFFFF000  }
0x27f: {  	[spmem:s28] =	stream.linear.scatter [tilespmem:s14], [sflag:$0xB], $0x1000, $0x38;
	[tilespmem:$0x1B140] =	vst v63  }
0x280: {  	_ =	swait.ge [sflag:s16], $0x1000  }
0x281: {  	[sflag:s16] =	ssyncset.done $0x0  }
0x282: {  	s17 =	rddreg [dreg:$0x13];
	[sflag:s16] =	ssyncadd.s32 $0xFFFFF000  }
0x283: {  	[spmem:s17] =	stream.linear.scatter [tilespmem:s14], [sflag:$0xB], $0x1000, $0x38;
	[tilespmem:$0x1B140] =	vst v63  }
0x284: {  	_ =	swait.ge [sflag:s16], $0x1000  }
0x285: {  	[sflag:s16] =	ssyncset.done $0x0  }
0x286: {  	s20 =	rddreg [dreg:$0x14];
	[sflag:s16] =	ssyncadd.s32 $0xFFFFF000  }
0x287: {  	[spmem:s20] =	stream.linear.scatter [tilespmem:s14], [sflag:$0xB], $0x1000, $0x38;
	[tilespmem:$0x1B140] =	vst v63  }
0x288: {  	_ =	swait.ge [sflag:s16], $0x1000  }
0x289: {  	[sflag:s16] =	ssyncset.done $0x0  }
0x28a: {  	s24 =	rddreg [dreg:$0x15];
	[sflag:s16] =	ssyncadd.s32 $0xFFFFF000  }
0x28b: {  	[spmem:s24] =	stream.linear.scatter [tilespmem:s14], [sflag:$0xB], $0x1000, $0x38;
	[tilespmem:$0x1B140] =	vst v63  }
0x28c: {  	_ =	swait.ge [sflag:s16], $0x1000  }
0x28d: {  	[sflag:s16] =	ssyncset.done $0x0  }
0x28e: {  	s28 =	rddreg [dreg:$0x16];
	[sflag:s16] =	ssyncadd.s32 $0xFFFFF000  }
0x28f: {  	[spmem:s28] =	stream.linear.scatter [tilespmem:s14], [sflag:$0xB], $0x1000, $0x38;
	[tilespmem:$0x1B140] =	vst v63  }
0x290: {  	_ =	swait.ge [sflag:s16], $0x1000  }
0x291: {  	[sflag:s16] =	ssyncset.done $0x0  }
0x292: {  	s17 =	rddreg [dreg:$0x17];
	[sflag:s16] =	ssyncadd.s32 $0xFFFFF000  }
0x293: {  	[spmem:s17] =	stream.linear.scatter [tilespmem:s14], [sflag:$0xB], $0x1000, $0x38;
	[tilespmem:$0x1B140] =	vst v63  }
0x294: {  	_ =	swait.ge [sflag:s16], $0x1000  }
0x295: {  	[sflag:s16] =	ssyncset.done $0x0  }
0x296: {  	s20 =	rddreg [dreg:$0x18];
	[sflag:s16] =	ssyncadd.s32 $0xFFFFF000  }
0x297: {  	[spmem:s20] =	stream.linear.scatter [tilespmem:s14], [sflag:$0xB], $0x1000, $0x38;
	[tilespmem:$0x1B140] =	vst v63  }
0x298: {  	_ =	swait.ge [sflag:s16], $0x1000  }
0x299: {  	[sflag:s16] =	ssyncset.done $0x0  }
0x29a: {  	s24 =	rddreg [dreg:$0x19];
	[sflag:s16] =	ssyncadd.s32 $0xFFFFF000  }
0x29b: {  	[spmem:s24] =	stream.linear.scatter [tilespmem:s14], [sflag:$0xB], $0x1000, $0x38;
	[tilespmem:$0x1B140] =	vst v63  }
0x29c: {  	_ =	swait.ge [sflag:s16], $0x1000  }
0x29d: {  	[sflag:s16] =	ssyncset.done $0x0  }
0x29e: {  	s28 =	rddreg [dreg:$0x1a];
	[sflag:s16] =	ssyncadd.s32 $0xFFFFF000  }
0x29f: {  	[spmem:s28] =	stream.linear.scatter [tilespmem:s14], [sflag:$0xB], $0x1000, $0x38;
	[tilespmem:$0x1B140] =	vst v63  }
0x2a0: {  	_ =	swait.ge [sflag:s16], $0x1000  }
0x2a1: {  	[sflag:s16] =	ssyncset.done $0x0  }
0x2a2: {  	[sflag:s16] =	ssyncadd.s32 $0xFFFFF000  }
0x2a3: {  	s1 =	simm.s32 $0x0;
	s17 =	simm.s32 $0x200;
	[bflag:$0x0] =	sbarrier.arrive $0xFFFF  }
.LBB2_10:
0x2a4: {  	p0 =	sne.s32 s17, $0x9E00;
	[tilespmem:s1+$0xCB70] =	vst v1  }
0x2a5: {  	[tilespmem:s1+$0xA310] =	vst v1  }
0x2a6: {  	[tilespmem:s1+$0xA320] =	vst v1  }
0x2a7: {  	[tilespmem:s1+$0xA330] =	vst v1  }
0x2a8: {  	[tilespmem:s1+$0xA340] =	vst v1  }
0x2a9: {  	[tilespmem:s1+$0xA350] =	vst v1  }
0x2aa: {  	[tilespmem:s1+$0xA360] =	vst v1  }
0x2ab: {  	[tilespmem:s1+$0xA370] =	vst v1  }
0x2ac: {  	[tilespmem:s1+$0xCB10] =	vst v1  }
.Ltmp4:
0x2ad: {  	[tilespmem:s1+$0xCB20] =	vst v1;
	(pc) =	sbr.rel @p0 .LBB2_10-.Ltmp4, $4  }
0x2ae: {  	[tilespmem:s1+$0xCB30] =	vst v1  }
0x2af: {  	[tilespmem:s1+$0xCB40] =	vst v1  }
0x2b0: {  	[tilespmem:s1+$0xCB50] =	vst v1  }
0x2b1: {  	[tilespmem:s1+$0xCB60] =	vst v1;
	s1 =	sshra.s32 s17, $0x2;
	s17 =	sadd.s32 $0x200, s17  }
0x2b2: {  	[tilespmem:s1+$0xCB70] =	vst v1  }
0x2b3: {  	[tilespmem:s1+$0xA310] =	vst v1  }
0x2b4: {  	[tilespmem:s1+$0xA320] =	vst v1  }
0x2b5: {  	[tilespmem:s1+$0xA330] =	vst v1  }
0x2b6: {  	[tilespmem:s1+$0xA340] =	vst v1  }
0x2b7: {  	[tilespmem:s1+$0xA350] =	vst v1  }
0x2b8: {  	[tilespmem:s1+$0xA360] =	vst v1  }
0x2b9: {  	[tilespmem:s1+$0xA370] =	vst v1  }
0x2ba: {  	[tilespmem:s1+$0xCB10] =	vst v1  }
0x2bb: {  	[tilespmem:s1+$0xCB20] =	vst v1  }
0x2bc: {  	[tilespmem:s1+$0xCB30] =	vst v1  }
0x2bd: {  	[tilespmem:s1+$0xCB40] =	vst v1  }
0x2be: {  	[tilespmem:s1+$0xCB50] =	vst v1  }
0x2bf: {  	[tilespmem:s1+$0xCB60] =	vst v1;
	s1 =	simm.s32 $0x0;
	s14 =	rddreg [dreg:$0x8];
	s17 =	simm.s32 $0x100  }
0x2c0: {  	[tilespmem:s17], [sflag:$0x1] =	stream.linear.gather [hbm4b:s14+s1], $0x50, $0x38;
	[tilespmem:$0x1B140] =	vst v63  }
0x2c1: {  	s24 =	rddreg [dreg:$0xd];
	s28 =	simm.s32 $0xF300  }
0x2c2: {  	[tilespmem:s28], [sflag:$0x7] =	stream.linear.gather [hbm4b:s24+s1], $0x500, $0x38;
	[tilespmem:$0x1B140] =	vst v63  }
0x2c3: {  	s20 =	simm.s32 $0x180;
	s17 =	rddreg [dreg:$0xb]  }
0x2c4: {  	[tilespmem:s20], [sflag:$0x2] =	stream.linear.gather [hbm4b:s17+s1], $0x50, $0x38;
	[tilespmem:$0x1B140] =	vst v63  }
0x2c5: {  	s24 =	rddreg [dreg:$0xe];
	s28 =	simm.s32 $0xF800  }
0x2c6: {  	[tilespmem:s28], [sflag:$0x8] =	stream.linear.gather [hbm4b:s24+s1], $0x500, $0x38;
	[tilespmem:$0x1B140] =	vst v63  }
.LBB2_12:
0x2c7: {  	_ =	swait.ge [sflag:s21], $0x50  }
0x2c8: {  	[sflag:s21] =	ssyncset.done $0x0  }
0x2c9: {  	[sflag:s21] =	ssyncadd.s32 $0xFFFFFFB0  }
0x2ca: {  	_ =	swait.ge [sflag:s30], $0x500  }
0x2cb: {  	[sflag:s30] =	ssyncset.done $0x0  }
0x2cc: {  	[sflag:s30] =	ssyncadd.s32 $0xFFFFFB00  }
0x2cd: {  	v2 =	vld [tilespmem:$0x100]  }
0x2ce: {  	v3 =	vld [tilespmem:$0x110]  }
0x2cf: {  	v4 =	vld [tilespmem:$0x120]  }
0x2d0: {  	v5 =	vld [tilespmem:$0x130]  }
0x2d1: {  	v6 =	vld [tilespmem:$0x140]  }
0x2d2: {  	v2 =	vsub.s32 v2, v0  }
0x2d3: {  	v3 =	vsub.s32 v3, v0;
	v2 =	vmin.u32 v2, $0x1400  }
0x2d4: {  	[tilespmem:$0x200] =	vst v2;
	v2 =	vmin.u32 v3, $0x1400;
	v3 =	vsub.s32 v4, v0  }
0x2d5: {  	[tilespmem:$0x210] =	vst v2;
	v2 =	vmin.u32 v3, $0x1400;
	v3 =	vsub.s32 v5, v0  }
0x2d6: {  	[tilespmem:$0x220] =	vst v2;
	v2 =	vmin.u32 v3, $0x1400;
	v3 =	vsub.s32 v6, v0  }
0x2d7: {  	[tilespmem:$0x230] =	vst v2;
	v2 =	vmin.u32 v3, $0x1400  }
0x2d8: {  	s14 =	simm.s32 $0x0;
	[tilespmem:$0x240] =	vst v2  }
0x2d9: {  	v2 =	vld [tilespmem:s14+$0xF300];
	_ =	sdelay $0x3  }
0x2da: {  	s17 =	simm.s32 $0xA300;
	s20 =	simm.s32 $0x40  }
.LBB2_13:
0x2db: {  	s14 =	sshra.s32 s20, $0x2;
	p0 =	sne.s32 s20, $0x13C0;
	s20 =	sadd.s32 $0x40, s20;
	[tilespmem:s17+$0x0] =	vst v2  }
.Ltmp5:
0x2dc: {  	v2 =	vld [tilespmem:s14+$0xF300];
	(pc) =	sbr.rel @p0 .LBB2_13-.Ltmp5, $2  }
0x2dd: {  	_ =	sdelay $0x2  }
0x2de: {  	s17 =	sadd.s32 $0x80, s17  }
0x2df: {  	[tilespmem:s17+$0x0] =	vst v2  }
0x2e0: {  	[spmem:s4] =	stream.indirect.scatter.add.f32 [tilespmem:s23], [sflag:$0x5], $0x80, s31, s22, $0xb8;
	[tilespmem:$0x1B140] =	vst v63  }
0x2e1: {  	_ =	swait.ge [sflag:s18], $0x50  }
0x2e2: {  	[sflag:s18] =	ssyncset.done $0x0  }
0x2e3: {  	[sflag:s18] =	ssyncadd.s32 $0xFFFFFFB0  }
0x2e4: {  	_ =	swait.ge [sflag:s15], $0x500  }
0x2e5: {  	[sflag:s15] =	ssyncset.done $0x0  }
0x2e6: {  	[sflag:s15] =	ssyncadd.s32 $0xFFFFFB00  }
0x2e7: {  	v2 =	vld [tilespmem:$0x180]  }
0x2e8: {  	v3 =	vld [tilespmem:$0x190]  }
0x2e9: {  	v4 =	vld [tilespmem:$0x1A0]  }
0x2ea: {  	v5 =	vld [tilespmem:$0x1B0]  }
0x2eb: {  	v6 =	vld [tilespmem:$0x1C0]  }
0x2ec: {  	v2 =	vsub.s32 v2, v0  }
0x2ed: {  	v3 =	vsub.s32 v3, v0;
	v2 =	vmin.u32 v2, $0x1400  }
0x2ee: {  	[tilespmem:$0x280] =	vst v2;
	v2 =	vmin.u32 v3, $0x1400;
	v3 =	vsub.s32 v4, v0  }
0x2ef: {  	[tilespmem:$0x290] =	vst v2;
	v2 =	vmin.u32 v3, $0x1400;
	v3 =	vsub.s32 v5, v0  }
0x2f0: {  	[tilespmem:$0x2A0] =	vst v2;
	v2 =	vmin.u32 v3, $0x1400;
	v3 =	vsub.s32 v6, v0  }
0x2f1: {  	[tilespmem:$0x2B0] =	vst v2;
	v2 =	vmin.u32 v3, $0x1400  }
0x2f2: {  	s14 =	simm.s32 $0x0;
	[tilespmem:$0x2C0] =	vst v2  }
0x2f3: {  	v2 =	vld [tilespmem:s14+$0xF800];
	_ =	sdelay $0x3  }
0x2f4: {  	s17 =	simm.s32 $0xCB00;
	s20 =	simm.s32 $0x40  }
.LBB2_15:
0x2f5: {  	s14 =	sshra.s32 s20, $0x2;
	p0 =	sne.s32 s20, $0x13C0;
	s20 =	sadd.s32 $0x40, s20;
	[tilespmem:s17+$0x0] =	vst v2  }
.Ltmp6:
0x2f6: {  	v2 =	vld [tilespmem:s14+$0xF800];
	(pc) =	sbr.rel @p0 .LBB2_15-.Ltmp6, $2  }
0x2f7: {  	_ =	sdelay $0x2  }
0x2f8: {  	s17 =	sadd.s32 $0x80, s17  }
0x2f9: {  	p0 =	seq.s32 s1, $0x7C  }
0x2fa: {  	[tilespmem:s17+$0x0] =	vst v2;
	s17 =	rddreg [dreg:$0x11];
	s14 =	smul.u32 @!p0 $0xA0, s1  }
0x2fb: {  	[spmem:s4] =	stream.indirect.scatter.add.f32 [tilespmem:s29], [sflag:$0x6], $0x80, s12, s22, $0xb8;
	[tilespmem:$0x1B140] =	vst v63  }
0x2fc: {  	s17 =	sadd.s32 @!p0 s14, s17  }
0x2fd: {  	s24 =	simm.s32 @!p0 $0x0;
	s20 =	sshrl.u32 @!p0 s17, $0x3  }
0x2fe: {  	s28 =	simm.s32 @!p0 $0x100;
	s17 =	sshll.u32 @!p0 s17, $0x1;
	s20 =	sadd.s32 @!p0 s9, s20  }
0x2ff: {  	[tilespmem:s28], [sflag:$0x1] =	stream.linear.gather @!p0 [hbm4b:s20+s24], $0x50, $0x38;
	[tilespmem:$0x1B140] =	vst v63  }
0x300: {  	s14 =	sadd.s32 @!p0 s14, s19;
	s17 =	sadd.s32 @!p0 s11, s17;
	s20 =	simm.s32 @!p0 $0xF300  }
0x301: {  	[tilespmem:s20], [sflag:$0x7] =	stream.linear.gather @!p0 [hbm4b:s17+s24], $0x500, $0x38;
	[tilespmem:$0x1B140] =	vst v63  }
0x302: {  	s17 =	sshrl.u32 @!p0 s14, $0x3  }
0x303: {  	s20 =	simm.s32 @!p0 $0x180;
	s14 =	sshll.u32 @!p0 s14, $0x1;
	s17 =	sadd.s32 @!p0 s9, s17  }
0x304: {  	[tilespmem:s20], [sflag:$0x2] =	stream.linear.gather @!p0 [hbm4b:s17+s24], $0x50, $0x38;
	[tilespmem:$0x1B140] =	vst v63  }
0x305: {  	s1 =	sadd.s32 $0x1, s1;
	s14 =	sadd.s32 @!p0 s11, s14;
	s17 =	simm.s32 @!p0 $0xF800  }
0x306: {  	[tilespmem:s17], [sflag:$0x8] =	stream.linear.gather @!p0 [hbm4b:s14+s24], $0x500, $0x38;
	[tilespmem:$0x1B140] =	vst v63  }
0x307: {  	p0 =	sne.s32 s1, $0x7D;
	_ =	swait.ge [sflag:s3], $0x2800  }
.Ltmp7:
0x308: {  	[sflag:s3] =	ssyncset.done $0x0;
	(pc) =	sbr.rel @p0 .LBB2_12-.Ltmp7, $4  }
0x309: {  	[sflag:s3] =	ssyncadd.s32 $0xFFFFD800  }
0x30a: {  	_ =	swait.ge [sflag:s26], $0x2800  }
0x30b: {  	[sflag:s26] =	ssyncset.done $0x0  }
0x30c: {  	[sflag:s26] =	ssyncadd.s32 $0xFFFFD800  }
0x30d: {  	[bflag:$0x0] =	sbarrier.arrive $0xFFFF  }
0x30e: {  	s1 =	rddreg [dreg:$0xf]  }
0x30f: {  	[hbm:s1], [sflag:s0] =	dma.local [spmem:s5], $0x1400  }
0x310: {  	_ =	swait.ge [sflag:s16], $0x1400  }
0x311: {  	s24 =	rddreg [dreg:$0x1b]  }
0x312: {  	s28 =	rddreg [dreg:$0x10];
	s1 =	sadd.s32 $0x1, s24  }
0x313: {  	p0 =	sne.s32 s1, s28  }
.Ltmp8:
0x314: {  	_ = 	snop;
	(pc) =	sbr.rel @p0 .LBB2_1-.Ltmp8, $3  }
0x315: {  	_ =	sdelay $0x1  }
0x316: {  	[sflag:s16] =	ssyncset.done $0x0  }
0x317: {  	[sflag:s16] =	ssyncadd.s32 $0xFFFFEC00  }
0x318: {  	_ =	sfence.sel $0x180000  }
0x319: {  	[bflag:$0x0] =	sbarrier.arrive $0xFFFF  }
0x31a: {  	_ =	strace $0x9000004A  }
0x31b: {  	s0 =	stileid.u32;
	[bflag:$0x2] =	sbarrier.arrive $0xFFFF  }
0x31c: {  	p0 =	sne.s32 s0, $0x0;
	s0 =	rddreg [dreg:$0x4]  }
0x31d: {  	s0 =	sadd.s32 @!p0 $0x100000, s0  }
0x31e: {  	[sflag:s0] =	ssyncadd.tile.s32 @!p0 $0x1;
	_ =	shalt  }
.Lfunc_end2:
_tile_overlayer_lowered:
.L_overlay_start_2:
0x31f: {  	(tag) =	ssettag $0x2  }
0x320: {  	s0 =	rddreg [dreg:$0x0];
	s2 =	stileid.u32  }
0x321: {  	s1 =	rddreg [dreg:$0x1];
	p0 =	sne.s32 s2, $0x0  }
0x322: {  	s3 =	rddreg [dreg:$0x2];
	[bflag:$0x3] =	sbarrier.arrive $0xFFFF;
	s2 =	simm.s32 @!p0 $0x1C0B  }
0x323: {  	[timem:s3], [sflag:s2] =	dma.local @!p0 [hbm:s0], s1  }
0x324: {  	s0 =	simm.s32 @!p0 $0xB  }
0x325: {  	_ =	swait.ge @!p0 [sflag:s0], s1  }
0x326: {  	s1 =	ssub.s32 @!p0 $0x0, s1;
	[sflag:s0] =	ssyncset.done @!p0 $0x0  }
0x327: {  	[sflag:s0] =	ssyncadd.s32 @!p0 s1  }
0x328: {  	[bflag:$0x3] =	sbarrier.arrive $0xFFFF  }
0x329: {  	_ =	shalt  }

</sc_bundles>
